<compile_context>
chip_gen: v7x
topology: tpu7x:2x2x1
jax: 0.10.2.dev20260603
libtpu: 0.0.44.dev20260713+nightly
codegen_flags: <defaults>
</compile_context>

<pallas_src>
import functools

import jax
import jax.numpy as jnp
from jax import lax
from jax.experimental import pallas as pl
from jax.experimental.pallas import tpu as pltpu
from jax.experimental.pallas import tpu_sc as plsc

N = 10000
E = 320000
D = 128
NG = 16
NC = 2
NS = 16
NW = NC * NS
CHUNK = 80
E_PER_W = E // NW
ITERS = E_PER_W // CHUNK
ACC_ROWS = 10240
ROWS_PER_SUB = ACC_ROWS // NS
NSTAGE = ROWS_PER_SUB // CHUNK
BN_SCALE = float(1.0 / (1.0 + 1e-3) ** 0.5)


def _mesh():
  return plsc.VectorSubcoreMesh(core_axis_name="c", subcore_axis_name="s",
                                num_cores=NC, num_subcores=NS)


NBUF = 3
GROUPS = ITERS // NBUF
LOOP_CHUNKS = (GROUPS - 1) * NBUF


def _sc_agg_body(x_hbm, src_hbm, dst_hbm, zrow_hbm, agg_hbm, src_v,
                 dst0, dst1, dst2, rows0, rows1, rows2, agg_sp,
                 sg0, sg1, sg2, sd0, sd1, sd2):
  c = lax.axis_index("c")
  s = lax.axis_index("s")
  w = s * NC + c
  row0 = pl.multiple_of(s * ROWS_PER_SUB, 8)
  out0 = pl.multiple_of(c * ACC_ROWS + row0, 8)
  edge0 = w * E_PER_W
  bufs = [(rows0, sg0, dst0, sd0), (rows1, sg1, dst1, sd1),
          (rows2, sg2, dst2, sd2)]

  pltpu.sync_copy(zrow_hbm, rows0)
  for k in range(NSTAGE):
    pltpu.sync_copy(rows0, agg_sp.at[pl.ds(row0 + k * CHUNK, CHUNK)])
  pltpu.sync_copy(src_hbm.at[pl.ds(edge0, E_PER_W)], src_v)
  plsc.subcore_barrier()

  def _gather(t, rows, sem, dst, dsem):
    pltpu.async_copy(dst_hbm.at[pl.ds(edge0 + t * CHUNK, CHUNK)], dst, dsem)
    idx = src_v.at[pl.ds(t * CHUNK, CHUNK)]
    pltpu.async_copy(x_hbm.at[idx], rows, sem)

  def _scatter(t, rows, sem, dst, dsem):
    pltpu.make_async_copy(x_hbm.at[src_v.at[pl.ds(0, CHUNK)]], rows,
                          sem).wait()
    pltpu.make_async_copy(dst_hbm.at[pl.ds(0, CHUNK)], dst, dsem).wait()
    pltpu.sync_copy(rows, agg_sp.at[dst], add=True)

  for i in range(NBUF):
    _gather(i, *bufs[i])

  @pl.loop(0, LOOP_CHUNKS - NBUF + 1, step=NBUF)
  def _edge_loop(t):
    for i in range(NBUF):
      _scatter(t + i, *bufs[i])
      _gather(t + NBUF + i, *bufs[i])

  for ci in range(LOOP_CHUNKS, ITERS):
    _scatter(ci, *bufs[ci % NBUF])
    if ci + NBUF <= ITERS - 1:
      _gather(ci + NBUF, *bufs[ci % NBUF])

  plsc.subcore_barrier()
  for k in range(NSTAGE):
    pltpu.sync_copy(agg_sp.at[pl.ds(row0 + k * CHUNK, CHUNK)], rows0)
    pltpu.sync_copy(rows0, agg_hbm.at[pl.ds(out0 + k * CHUNK, CHUNK)])


def _sc_aggregate(x, src, dst):
  zrow = jnp.zeros((CHUNK, D), jnp.float32)
  out_type = jax.ShapeDtypeStruct((NC * ACC_ROWS, D), jnp.float32)
  scratch = (
      [pltpu.VMEM((E_PER_W,), jnp.int32)]
      + [pltpu.VMEM((CHUNK,), jnp.int32)] * NBUF
      + [pltpu.VMEM((CHUNK, D), jnp.float32)] * NBUF
      + [pltpu.VMEM_SHARED((ACC_ROWS, D), jnp.float32)]
      + [pltpu.SemaphoreType.DMA] * (2 * NBUF)
  )
  fn = pl.kernel(_sc_agg_body, out_type=out_type, mesh=_mesh(),
                 scratch_types=scratch, name="sc_agg")
  agg = fn(x, src, dst, zrow)
  return agg.reshape(NC, ACC_ROWS, D)


def _sc_degree_body(dst_hbm, zrow_hbm, ones_hbm, deg_hbm,
                    dst_a, dst_b, ones_v, stage_v, deg_sp, sem_da, sem_db):
  c = lax.axis_index("c")
  s = lax.axis_index("s")
  w = s * NC + c
  row0 = pl.multiple_of(s * ROWS_PER_SUB, 8)
  out0 = pl.multiple_of(c * ACC_ROWS + row0, 8)
  edge0 = w * E_PER_W

  pltpu.sync_copy(zrow_hbm, stage_v)
  for k in range(NSTAGE):
    pltpu.sync_copy(stage_v, deg_sp.at[pl.ds(row0 + k * CHUNK, CHUNK)])
  pltpu.sync_copy(ones_hbm, ones_v)
  plsc.subcore_barrier()

  def _load(t, dst, dsem):
    pltpu.async_copy(dst_hbm.at[pl.ds(edge0 + t * CHUNK, CHUNK)], dst, dsem)

  def _scatter(dst, dsem):
    pltpu.make_async_copy(dst_hbm.at[pl.ds(0, CHUNK)], dst, dsem).wait()
    pltpu.sync_copy(ones_v, deg_sp.at[dst], add=True)

  _load(0, dst_a, sem_da)

  @pl.loop(0, ITERS - 1, step=2)
  def _edge_loop(t):
    _load(t + 1, dst_b, sem_db)
    _scatter(dst_a, sem_da)
    _load(t + 2, dst_a, sem_da)
    _scatter(dst_b, sem_db)

  _scatter(dst_a, sem_da)

  plsc.subcore_barrier()
  for k in range(NSTAGE):
    pltpu.sync_copy(deg_sp.at[pl.ds(row0 + k * CHUNK, CHUNK)], stage_v)
    pltpu.sync_copy(stage_v, deg_hbm.at[pl.ds(out0 + k * CHUNK, CHUNK)])


def _sc_degree(dst):
  zrow = jnp.zeros((CHUNK, D), jnp.float32)
  ones = jnp.ones((CHUNK, D), jnp.float32)
  out_type = jax.ShapeDtypeStruct((NC * ACC_ROWS, D), jnp.float32)
  scratch = [
      pltpu.VMEM((CHUNK,), jnp.int32),
      pltpu.VMEM((CHUNK,), jnp.int32),
      pltpu.VMEM((CHUNK, D), jnp.float32),
      pltpu.VMEM((CHUNK, D), jnp.float32),
      pltpu.VMEM_SHARED((ACC_ROWS, D), jnp.float32),
      pltpu.SemaphoreType.DMA,
      pltpu.SemaphoreType.DMA,
  ]
  fn = pl.kernel(_sc_degree_body, out_type=out_type, mesh=_mesh(),
                 scratch_types=scratch, name="sc_degree")
  deg = fn(dst, zrow, ones)
  return deg.reshape(NC, ACC_ROWS, D)


def _tc_layer_first_body(x_ref, aa_ref, ab_ref, da_ref, db_ref, w_ref,
                         b_ref, g_ref, be_ref, h_ref, r_ref):
  deg = da_ref[0, :, 0:1] + db_ref[0, :, 0:1]
  recip = 1.0 / jnp.maximum(deg, 1.0)
  r_ref[...] = recip
  _tc_layer_core(x_ref, aa_ref, ab_ref, recip, w_ref, b_ref, g_ref, be_ref,
                 h_ref)


def _tc_layer_next_body(x_ref, aa_ref, ab_ref, r_ref, w_ref, b_ref, g_ref,
                        be_ref, h_ref):
  _tc_layer_core(x_ref, aa_ref, ab_ref, r_ref[...], w_ref, b_ref, g_ref,
                 be_ref, h_ref)


def _tc_layer_core(x_ref, aa_ref, ab_ref, recip, w_ref, b_ref, g_ref,
                   be_ref, h_ref):
  agg = (aa_ref[0] + ab_ref[0]) * recip
  hin = jnp.concatenate([x_ref[...], agg], axis=1)
  h = jnp.dot(hin, w_ref[...], preferred_element_type=jnp.float32)
  h = h + b_ref[...]
  ss = jnp.sum(h * h, axis=1, keepdims=True)
  h = h / jnp.maximum(jnp.sqrt(ss), 1e-12)
  h = jnp.maximum(h, 0.0)
  h_ref[...] = h * (g_ref[...] * BN_SCALE) + be_ref[...]


def _tc_layer(x, agg, deg_or_recip, W, b, g, be, first):
  BLK = 1000
  grid = (N // BLK,)
  in_specs = [
      pl.BlockSpec((BLK, D), lambda i: (i, 0)),
      pl.BlockSpec((1, BLK, D), lambda i: (0, i, 0)),
      pl.BlockSpec((1, BLK, D), lambda i: (1, i, 0)),
  ]
  if first:
    in_specs += [
        pl.BlockSpec((1, BLK, D), lambda i: (0, i, 0)),
        pl.BlockSpec((1, BLK, D), lambda i: (1, i, 0)),
    ]
    deg_args = (deg_or_recip, deg_or_recip)
    out_shape = [jax.ShapeDtypeStruct((N, D), jnp.float32),
                 jax.ShapeDtypeStruct((N, 1), jnp.float32)]
    out_specs = [pl.BlockSpec((BLK, D), lambda i: (i, 0)),
                 pl.BlockSpec((BLK, 1), lambda i: (i, 0))]
    body = _tc_layer_first_body
  else:
    in_specs += [pl.BlockSpec((BLK, 1), lambda i: (i, 0))]
    deg_args = (deg_or_recip,)
    out_shape = jax.ShapeDtypeStruct((N, D), jnp.float32)
    out_specs = pl.BlockSpec((BLK, D), lambda i: (i, 0))
    body = _tc_layer_next_body
  in_specs += [
      pl.BlockSpec((2 * D, D), lambda i: (0, 0)),
      pl.BlockSpec((D,), lambda i: (0,)),
      pl.BlockSpec((D,), lambda i: (0,)),
      pl.BlockSpec((D,), lambda i: (0,)),
  ]
  out = pl.pallas_call(
      body, grid=grid, in_specs=in_specs, out_specs=out_specs,
      out_shape=out_shape, name="tc_layer")(
          x, agg, agg, *deg_args, W, b, g, be)
  if first:
    return out[0], out[1]
  return out, None


def _tc_head_body(h_ref, gi_ref, wd1_ref, bd1_ref, wd2_ref, bd2_ref,
                  wo_ref, bo_ref, out_ref):
  gi = gi_ref[...]
  onehot = (gi == lax.broadcasted_iota(jnp.int32, (N, NG), 1))
  onehot = onehot.astype(jnp.float32)
  pooled = lax.dot_general(onehot, h_ref[...], (((0,), (0,)), ((), ())),
                           preferred_element_type=jnp.float32)
  counts = lax.dot_general(onehot, jnp.ones((N, 1), jnp.float32),
                           (((0,), (0,)), ((), ())),
                           preferred_element_type=jnp.float32)
  pooled = pooled / jnp.maximum(counts, 1.0)
  z = jnp.dot(pooled, wd1_ref[...], preferred_element_type=jnp.float32)
  z = jnp.maximum(z + bd1_ref[...], 0.0)
  z = jnp.dot(z, wd2_ref[...], preferred_element_type=jnp.float32)
  z = jnp.maximum(z + bd2_ref[...], 0.0)
  logits = jnp.dot(z, wo_ref[...], preferred_element_type=jnp.float32)
  logits = logits + bo_ref[...]
  m = jnp.max(logits, axis=1, keepdims=True)
  e = jnp.exp(logits - m)
  out_ref[...] = e / jnp.sum(e, axis=1, keepdims=True)


def _tc_head(h3, gi, Wd1, bd1, Wd2, bd2, Wo, bo):
  return pl.pallas_call(
      _tc_head_body,
      out_shape=jax.ShapeDtypeStruct((NG, NG), jnp.float32),
      name="tc_head")(h3, gi, Wd1, bd1, Wd2, bd2, Wo, bo)


def kernel(x, edge_index, graph_idx, W1, b1, g1, be1, W2, b2, g2, be2,
           W3, b3, g3, be3, Wd1, bd1, Wd2, bd2, Wo, bo):
  src = edge_index[0].astype(jnp.int32)
  dst = edge_index[1].astype(jnp.int32)
  gi = graph_idx.astype(jnp.int32).reshape(N, 1)

  deg = _sc_degree(dst)
  agg1 = _sc_aggregate(x, src, dst)
  h1, recip = _tc_layer(x, agg1, deg, W1, b1, g1, be1, first=True)
  agg2 = _sc_aggregate(h1, src, dst)
  h2, _ = _tc_layer(h1, agg2, recip, W2, b2, g2, be2, first=False)
  agg3 = _sc_aggregate(h2, src, dst)
  h3, _ = _tc_layer(h2, agg3, recip, W3, b3, g3, be3, first=False)
  return _tc_head(h3, gi, Wd1, bd1, Wd2, bd2, Wo, bo)

# --- scband reference (transcript-rebuilt; emitter-appended) ---
"""Pipeline reference for scband-graph-sage-multi-class-48086453846344 (READ-ONLY COPY).

The authoritative reference and input builder live on the scoring server;
editing this copy changes nothing except your own understanding.
"""

import jax, jax.numpy as jnp
import numpy as np

N_NODES = 10000
N_EDGES = 320000
D_FEAT = 128
HIDDEN = 128
DENSE1 = 256
DENSE2 = 128
N_CLASSES = 16
N_GRAPHS = 16
BN_EPS = 1e-3


def setup_inputs(seed: int = 0) -> dict:
    key = jax.random.key(seed)
    ks = [jax.random.fold_in(key, i) for i in range(32)]
    inp = {}
    inp['x'] = jax.random.normal(ks[0], (N_NODES, D_FEAT), dtype=jnp.float32)
    inp['edge_index'] = jax.random.randint(ks[1], (2, N_EDGES), 0, N_NODES, dtype=jnp.int64)
    inp['graph_idx'] = jnp.sort(jax.random.randint(ks[2], (N_NODES,), 0, N_GRAPHS, dtype=jnp.int64))
    def glorot(k, shape):
        lim = np.sqrt(6.0 / (shape[0] + shape[1]))
        return jax.random.uniform(k, shape, dtype=jnp.float32, minval=-lim, maxval=lim)
    # GraphSageConv kernels act on concat([x, agg]) -> 2*in_dim
    inp['W1'] = glorot(ks[3], (2 * D_FEAT, HIDDEN))
    inp['b1'] = jnp.zeros((HIDDEN,), dtype=jnp.float32)
    inp['g1'] = jnp.ones((HIDDEN,), dtype=jnp.float32)
    inp['be1'] = jnp.zeros((HIDDEN,), dtype=jnp.float32)
    inp['W2'] = glorot(ks[4], (2 * HIDDEN, HIDDEN))
    inp['b2'] = jnp.zeros((HIDDEN,), dtype=jnp.float32)
    inp['g2'] = jnp.ones((HIDDEN,), dtype=jnp.float32)
    inp['be2'] = jnp.zeros((HIDDEN,), dtype=jnp.float32)
    inp['W3'] = glorot(ks[5], (2 * HIDDEN, HIDDEN))
    inp['b3'] = jnp.zeros((HIDDEN,), dtype=jnp.float32)
    inp['g3'] = jnp.ones((HIDDEN,), dtype=jnp.float32)
    inp['be3'] = jnp.zeros((HIDDEN,), dtype=jnp.float32)
    inp['Wd1'] = glorot(ks[6], (HIDDEN, DENSE1))
    inp['bd1'] = jnp.zeros((DENSE1,), dtype=jnp.float32)
    inp['Wd2'] = glorot(ks[7], (DENSE1, DENSE2))
    inp['bd2'] = jnp.zeros((DENSE2,), dtype=jnp.float32)
    inp['Wo'] = glorot(ks[8], (DENSE2, N_CLASSES))
    inp['bo'] = jnp.zeros((N_CLASSES,), dtype=jnp.float32)
    return inp


def _sage_conv(x, src, dst, W, b):
    msgs = x[src]
    agg = jax.ops.segment_sum(msgs, dst, num_segments=N_NODES)
    deg = jax.ops.segment_sum(jnp.ones_like(dst, dtype=x.dtype), dst, num_segments=N_NODES)
    agg = agg / jnp.maximum(deg, 1.0)[:, None]
    h = jnp.concatenate([x, agg], axis=-1) @ W + b
    # spektral GraphSageConv applies L2 normalization before activation
    h = h / jnp.maximum(jnp.linalg.norm(h, axis=-1, keepdims=True), 1e-12)
    return jax.nn.relu(h)


def _bn_inference(x, gamma, beta):
    # fresh BatchNormalization, training=False: moving_mean=0, moving_var=1
    return gamma * x / jnp.sqrt(1.0 + BN_EPS) + beta


def reference(x, edge_index, graph_idx, W1, b1, g1, be1, W2, b2, g2, be2, W3, b3, g3, be3, Wd1, bd1, Wd2, bd2, Wo, bo):
    src = edge_index[0]
    dst = edge_index[1]
    h = _sage_conv(x, src, dst, W1, b1)
    h = _bn_inference(h, g1, be1)
    # dropout is identity at training=False
    h = _sage_conv(h, src, dst, W2, b2)
    h = _bn_inference(h, g2, be2)
    h = _sage_conv(h, src, dst, W3, b3)
    h = _bn_inference(h, g3, be3)
    # GlobalAvgPool over disjoint graphs indexed by graph_idx
    counts = jax.ops.segment_sum(jnp.ones((h.shape[0],), dtype=h.dtype), graph_idx, num_segments=N_GRAPHS)
    pooled = jax.ops.segment_sum(h, graph_idx, num_segments=N_GRAPHS) / jnp.maximum(counts, 1.0)[:, None]
    z = jax.nn.relu(pooled @ Wd1 + bd1)
    z = jax.nn.relu(z @ Wd2 + bd2)
    out = jax.nn.softmax(z @ Wo + bo, axis=-1)
    return out

if __name__ == "__main__":
    import jax
    _d = setup_inputs()
    print(jax.jit(kernel)(*tuple(_d.values())))

</pallas_src>

<mosaic_0001>
#map = affine_map<(d0, d1) -> (0, 0)>
#map1 = affine_map<(d0, d1) -> (0)>
module attributes {stable_mosaic.version = 14 : i64} {
  func.func @sc_agg(%arg0: i32, %arg1: i32, %arg2: memref<10000x128xf32, #tpu.memory_space<hbm>>, %arg3: memref<320000xi32, #tpu.memory_space<hbm>>, %arg4: memref<320000xi32, #tpu.memory_space<hbm>>, %arg5: memref<80x128xf32, #tpu.memory_space<hbm>>, %arg6: memref<20480x128xf32, #tpu.memory_space<hbm>>, %arg7: memref<10000xi32, #tpu.memory_space<vmem>>, %arg8: memref<80xi32, #tpu.memory_space<vmem>>, %arg9: memref<80xi32, #tpu.memory_space<vmem>>, %arg10: memref<80xi32, #tpu.memory_space<vmem>>, %arg11: memref<80x128xf32, #tpu.memory_space<vmem>>, %arg12: memref<80x128xf32, #tpu.memory_space<vmem>>, %arg13: memref<80x128xf32, #tpu.memory_space<vmem>>, %arg14: memref<10240x128xf32, #tpu.memory_space<vmem_shared>>, %arg15: memref<!tpu.dma_semaphore, #tpu.memory_space<semaphore_mem>>, %arg16: memref<!tpu.dma_semaphore, #tpu.memory_space<semaphore_mem>>, %arg17: memref<!tpu.dma_semaphore, #tpu.memory_space<semaphore_mem>>, %arg18: memref<!tpu.dma_semaphore, #tpu.memory_space<semaphore_mem>>, %arg19: memref<!tpu.dma_semaphore, #tpu.memory_space<semaphore_mem>>, %arg20: memref<!tpu.dma_semaphore, #tpu.memory_space<semaphore_mem>>) attributes {dimension_semantics = [#tpu.dimension_semantics<core_parallel>, #tpu.dimension_semantics<subcore_parallel>], iteration_bounds = array<i64: 2, 16>, scalar_prefetch = 0 : i64, scratch_operands = 14 : i64, tpu.core_type = #tpu.core_type<sc_vector_subcore>, window_params = [{transform_indices = #map}, {transform_indices = #map1}, {transform_indices = #map1}, {transform_indices = #map}, {transform_indices = #map}]} {
    %mul3A = arith.constant 2 : i32
    %mul3A_0 = arith.muli %arg1, %mul3A : i32
    %add3A = arith.addi %mul3A_0, %arg0 : i32
    %mul3A_1 = arith.constant 640 : i32
    %mul3A_2 = arith.muli %arg1, %mul3A_1 : i32
    %multiple_of3A = tpu.assume_multiple %mul3A_2, 8 : i32
    %mul3A_3 = arith.constant 10240 : i32
    %mul3A_4 = arith.muli %arg0, %mul3A_3 : i32
    %add3A_5 = arith.addi %mul3A_4, %multiple_of3A : i32
    %multiple_of3A_6 = tpu.assume_multiple %add3A_5, 8 : i32
    %mul3A_7 = arith.constant 10000 : i32
    %mul3A_8 = arith.muli %add3A, %mul3A_7 : i32
    "tpu.region"() ({
      %run_scoped3A = tpu.sem_alloc : memref<!tpu.dma_semaphore, #tpu.memory_space<semaphore_mem>>
      tpu.enqueue_dma source(%arg5 : memref<80x128xf32, #tpu.memory_space<hbm>>) target(%arg11 : memref<80x128xf32, #tpu.memory_space<vmem>>) target_semaphore(%run_scoped3A : memref<!tpu.dma_semaphore, #tpu.memory_space<semaphore_mem>>)
      tpu.wait_dma2 semaphore(%run_scoped3A : memref<!tpu.dma_semaphore, #tpu.memory_space<semaphore_mem>>) src(%arg5 : memref<80x128xf32, #tpu.memory_space<hbm>>) dst(%arg11 : memref<80x128xf32, #tpu.memory_space<vmem>>)
      tpu.yield
    }) : () -> ()
    %add3A_9 = arith.constant 0 : i32
    %add3A_10 = arith.addi %multiple_of3A, %add3A_9 : i32
    "tpu.region"() ({
      %run_scoped3A = tpu.sem_alloc : memref<!tpu.dma_semaphore, #tpu.memory_space<semaphore_mem>>
      %dma_start3A_150 = arith.constant 0 : i32
      %dma_start3A_151 = tpu.memref_slice %arg14[%add3A_10, %dma_start3A_150] : memref<10240x128xf32, #tpu.memory_space<vmem_shared>> -> memref<80x128xf32, #tpu.memory_space<vmem_shared>>
      %dma_start3A_152 = arith.constant 0 : i32
      %dma_start3A_153 = tpu.memref_slice %arg14[%add3A_10, %dma_start3A_152] : memref<10240x128xf32, #tpu.memory_space<vmem_shared>> -> memref<80x128xf32, #tpu.memory_space<vmem_shared>>
      tpu.enqueue_dma source(%arg11 : memref<80x128xf32, #tpu.memory_space<vmem>>) target(%dma_start3A_153 : memref<80x128xf32, #tpu.memory_space<vmem_shared>>) target_semaphore(%run_scoped3A : memref<!tpu.dma_semaphore, #tpu.memory_space<semaphore_mem>>)
      %dma_wait3A_154 = arith.constant 0 : i32
      %dma_wait3A_155 = tpu.memref_slice %arg14[%add3A_10, %dma_wait3A_154] : memref<10240x128xf32, #tpu.memory_space<vmem_shared>> -> memref<80x128xf32, #tpu.memory_space<vmem_shared>>
      %dma_wait3A_156 = arith.constant 0 : i32
      %dma_wait3A_157 = tpu.memref_slice %arg14[%add3A_10, %dma_wait3A_156] : memref<10240x128xf32, #tpu.memory_space<vmem_shared>> -> memref<80x128xf32, #tpu.memory_space<vmem_shared>>
      tpu.wait_dma2 semaphore(%run_scoped3A : memref<!tpu.dma_semaphore, #tpu.memory_space<semaphore_mem>>) src(%arg11 : memref<80x128xf32, #tpu.memory_space<vmem>>) dst(%dma_wait3A_157 : memref<80x128xf32, #tpu.memory_space<vmem_shared>>)
      tpu.yield
    }) : () -> ()
    %add3A_11 = arith.constant 80 : i32
    %add3A_12 = arith.addi %multiple_of3A, %add3A_11 : i32
    "tpu.region"() ({
      %run_scoped3A = tpu.sem_alloc : memref<!tpu.dma_semaphore, #tpu.memory_space<semaphore_mem>>
      %dma_start3A_150 = arith.constant 0 : i32
      %dma_start3A_151 = tpu.memref_slice %arg14[%add3A_12, %dma_start3A_150] : memref<10240x128xf32, #tpu.memory_space<vmem_shared>> -> memref<80x128xf32, #tpu.memory_space<vmem_shared>>
      %dma_start3A_152 = arith.constant 0 : i32
      %dma_start3A_153 = tpu.memref_slice %arg14[%add3A_12, %dma_start3A_152] : memref<10240x128xf32, #tpu.memory_space<vmem_shared>> -> memref<80x128xf32, #tpu.memory_space<vmem_shared>>
      tpu.enqueue_dma source(%arg11 : memref<80x128xf32, #tpu.memory_space<vmem>>) target(%dma_start3A_153 : memref<80x128xf32, #tpu.memory_space<vmem_shared>>) target_semaphore(%run_scoped3A : memref<!tpu.dma_semaphore, #tpu.memory_space<semaphore_mem>>)
      %dma_wait3A_154 = arith.constant 0 : i32
      %dma_wait3A_155 = tpu.memref_slice %arg14[%add3A_12, %dma_wait3A_154] : memref<10240x128xf32, #tpu.memory_space<vmem_shared>> -> memref<80x128xf32, #tpu.memory_space<vmem_shared>>
      %dma_wait3A_156 = arith.constant 0 : i32
      %dma_wait3A_157 = tpu.memref_slice %arg14[%add3A_12, %dma_wait3A_156] : memref<10240x128xf32, #tpu.memory_space<vmem_shared>> -> memref<80x128xf32, #tpu.memory_space<vmem_shared>>
      tpu.wait_dma2 semaphore(%run_scoped3A : memref<!tpu.dma_semaphore, #tpu.memory_space<semaphore_mem>>) src(%arg11 : memref<80x128xf32, #tpu.memory_space<vmem>>) dst(%dma_wait3A_157 : memref<80x128xf32, #tpu.memory_space<vmem_shared>>)
      tpu.yield
    }) : () -> ()
    %add3A_13 = arith.constant 160 : i32
    %add3A_14 = arith.addi %multiple_of3A, %add3A_13 : i32
    "tpu.region"() ({
      %run_scoped3A = tpu.sem_alloc : memref<!tpu.dma_semaphore, #tpu.memory_space<semaphore_mem>>
      %dma_start3A_150 = arith.constant 0 : i32
      %dma_start3A_151 = tpu.memref_slice %arg14[%add3A_14, %dma_start3A_150] : memref<10240x128xf32, #tpu.memory_space<vmem_shared>> -> memref<80x128xf32, #tpu.memory_space<vmem_shared>>
      %dma_start3A_152 = arith.constant 0 : i32
      %dma_start3A_153 = tpu.memref_slice %arg14[%add3A_14, %dma_start3A_152] : memref<10240x128xf32, #tpu.memory_space<vmem_shared>> -> memref<80x128xf32, #tpu.memory_space<vmem_shared>>
      tpu.enqueue_dma source(%arg11 : memref<80x128xf32, #tpu.memory_space<vmem>>) target(%dma_start3A_153 : memref<80x128xf32, #tpu.memory_space<vmem_shared>>) target_semaphore(%run_scoped3A : memref<!tpu.dma_semaphore, #tpu.memory_space<semaphore_mem>>)
      %dma_wait3A_154 = arith.constant 0 : i32
      %dma_wait3A_155 = tpu.memref_slice %arg14[%add3A_14, %dma_wait3A_154] : memref<10240x128xf32, #tpu.memory_space<vmem_shared>> -> memref<80x128xf32, #tpu.memory_space<vmem_shared>>
      %dma_wait3A_156 = arith.constant 0 : i32
      %dma_wait3A_157 = tpu.memref_slice %arg14[%add3A_14, %dma_wait3A_156] : memref<10240x128xf32, #tpu.memory_space<vmem_shared>> -> memref<80x128xf32, #tpu.memory_space<vmem_shared>>
      tpu.wait_dma2 semaphore(%run_scoped3A : memref<!tpu.dma_semaphore, #tpu.memory_space<semaphore_mem>>) src(%arg11 : memref<80x128xf32, #tpu.memory_space<vmem>>) dst(%dma_wait3A_157 : memref<80x128xf32, #tpu.memory_space<vmem_shared>>)
      tpu.yield
    }) : () -> ()
    %add3A_15 = arith.constant 240 : i32
    %add3A_16 = arith.addi %multiple_of3A, %add3A_15 : i32
    "tpu.region"() ({
      %run_scoped3A = tpu.sem_alloc : memref<!tpu.dma_semaphore, #tpu.memory_space<semaphore_mem>>
      %dma_start3A_150 = arith.constant 0 : i32
      %dma_start3A_151 = tpu.memref_slice %arg14[%add3A_16, %dma_start3A_150] : memref<10240x128xf32, #tpu.memory_space<vmem_shared>> -> memref<80x128xf32, #tpu.memory_space<vmem_shared>>
      %dma_start3A_152 = arith.constant 0 : i32
      %dma_start3A_153 = tpu.memref_slice %arg14[%add3A_16, %dma_start3A_152] : memref<10240x128xf32, #tpu.memory_space<vmem_shared>> -> memref<80x128xf32, #tpu.memory_space<vmem_shared>>
      tpu.enqueue_dma source(%arg11 : memref<80x128xf32, #tpu.memory_space<vmem>>) target(%dma_start3A_153 : memref<80x128xf32, #tpu.memory_space<vmem_shared>>) target_semaphore(%run_scoped3A : memref<!tpu.dma_semaphore, #tpu.memory_space<semaphore_mem>>)
      %dma_wait3A_154 = arith.constant 0 : i32
      %dma_wait3A_155 = tpu.memref_slice %arg14[%add3A_16, %dma_wait3A_154] : memref<10240x128xf32, #tpu.memory_space<vmem_shared>> -> memref<80x128xf32, #tpu.memory_space<vmem_shared>>
      %dma_wait3A_156 = arith.constant 0 : i32
      %dma_wait3A_157 = tpu.memref_slice %arg14[%add3A_16, %dma_wait3A_156] : memref<10240x128xf32, #tpu.memory_space<vmem_shared>> -> memref<80x128xf32, #tpu.memory_space<vmem_shared>>
      tpu.wait_dma2 semaphore(%run_scoped3A : memref<!tpu.dma_semaphore, #tpu.memory_space<semaphore_mem>>) src(%arg11 : memref<80x128xf32, #tpu.memory_space<vmem>>) dst(%dma_wait3A_157 : memref<80x128xf32, #tpu.memory_space<vmem_shared>>)
      tpu.yield
    }) : () -> ()
    %add3A_17 = arith.constant 320 : i32
    %add3A_18 = arith.addi %multiple_of3A, %add3A_17 : i32
    "tpu.region"() ({
      %run_scoped3A = tpu.sem_alloc : memref<!tpu.dma_semaphore, #tpu.memory_space<semaphore_mem>>
      %dma_start3A_150 = arith.constant 0 : i32
      %dma_start3A_151 = tpu.memref_slice %arg14[%add3A_18, %dma_start3A_150] : memref<10240x128xf32, #tpu.memory_space<vmem_shared>> -> memref<80x128xf32, #tpu.memory_space<vmem_shared>>
      %dma_start3A_152 = arith.constant 0 : i32
      %dma_start3A_153 = tpu.memref_slice %arg14[%add3A_18, %dma_start3A_152] : memref<10240x128xf32, #tpu.memory_space<vmem_shared>> -> memref<80x128xf32, #tpu.memory_space<vmem_shared>>
      tpu.enqueue_dma source(%arg11 : memref<80x128xf32, #tpu.memory_space<vmem>>) target(%dma_start3A_153 : memref<80x128xf32, #tpu.memory_space<vmem_shared>>) target_semaphore(%run_scoped3A : memref<!tpu.dma_semaphore, #tpu.memory_space<semaphore_mem>>)
      %dma_wait3A_154 = arith.constant 0 : i32
      %dma_wait3A_155 = tpu.memref_slice %arg14[%add3A_18, %dma_wait3A_154] : memref<10240x128xf32, #tpu.memory_space<vmem_shared>> -> memref<80x128xf32, #tpu.memory_space<vmem_shared>>
      %dma_wait3A_156 = arith.constant 0 : i32
      %dma_wait3A_157 = tpu.memref_slice %arg14[%add3A_18, %dma_wait3A_156] : memref<10240x128xf32, #tpu.memory_space<vmem_shared>> -> memref<80x128xf32, #tpu.memory_space<vmem_shared>>
      tpu.wait_dma2 semaphore(%run_scoped3A : memref<!tpu.dma_semaphore, #tpu.memory_space<semaphore_mem>>) src(%arg11 : memref<80x128xf32, #tpu.memory_space<vmem>>) dst(%dma_wait3A_157 : memref<80x128xf32, #tpu.memory_space<vmem_shared>>)
      tpu.yield
    }) : () -> ()
    %add3A_19 = arith.constant 400 : i32
    %add3A_20 = arith.addi %multiple_of3A, %add3A_19 : i32
    "tpu.region"() ({
      %run_scoped3A = tpu.sem_alloc : memref<!tpu.dma_semaphore, #tpu.memory_space<semaphore_mem>>
      %dma_start3A_150 = arith.constant 0 : i32
      %dma_start3A_151 = tpu.memref_slice %arg14[%add3A_20, %dma_start3A_150] : memref<10240x128xf32, #tpu.memory_space<vmem_shared>> -> memref<80x128xf32, #tpu.memory_space<vmem_shared>>
      %dma_start3A_152 = arith.constant 0 : i32
      %dma_start3A_153 = tpu.memref_slice %arg14[%add3A_20, %dma_start3A_152] : memref<10240x128xf32, #tpu.memory_space<vmem_shared>> -> memref<80x128xf32, #tpu.memory_space<vmem_shared>>
      tpu.enqueue_dma source(%arg11 : memref<80x128xf32, #tpu.memory_space<vmem>>) target(%dma_start3A_153 : memref<80x128xf32, #tpu.memory_space<vmem_shared>>) target_semaphore(%run_scoped3A : memref<!tpu.dma_semaphore, #tpu.memory_space<semaphore_mem>>)
      %dma_wait3A_154 = arith.constant 0 : i32
      %dma_wait3A_155 = tpu.memref_slice %arg14[%add3A_20, %dma_wait3A_154] : memref<10240x128xf32, #tpu.memory_space<vmem_shared>> -> memref<80x128xf32, #tpu.memory_space<vmem_shared>>
      %dma_wait3A_156 = arith.constant 0 : i32
      %dma_wait3A_157 = tpu.memref_slice %arg14[%add3A_20, %dma_wait3A_156] : memref<10240x128xf32, #tpu.memory_space<vmem_shared>> -> memref<80x128xf32, #tpu.memory_space<vmem_shared>>
      tpu.wait_dma2 semaphore(%run_scoped3A : memref<!tpu.dma_semaphore, #tpu.memory_space<semaphore_mem>>) src(%arg11 : memref<80x128xf32, #tpu.memory_space<vmem>>) dst(%dma_wait3A_157 : memref<80x128xf32, #tpu.memory_space<vmem_shared>>)
      tpu.yield
    }) : () -> ()
    %add3A_21 = arith.constant 480 : i32
    %add3A_22 = arith.addi %multiple_of3A, %add3A_21 : i32
    "tpu.region"() ({
      %run_scoped3A = tpu.sem_alloc : memref<!tpu.dma_semaphore, #tpu.memory_space<semaphore_mem>>
      %dma_start3A_150 = arith.constant 0 : i32
      %dma_start3A_151 = tpu.memref_slice %arg14[%add3A_22, %dma_start3A_150] : memref<10240x128xf32, #tpu.memory_space<vmem_shared>> -> memref<80x128xf32, #tpu.memory_space<vmem_shared>>
      %dma_start3A_152 = arith.constant 0 : i32
      %dma_start3A_153 = tpu.memref_slice %arg14[%add3A_22, %dma_start3A_152] : memref<10240x128xf32, #tpu.memory_space<vmem_shared>> -> memref<80x128xf32, #tpu.memory_space<vmem_shared>>
      tpu.enqueue_dma source(%arg11 : memref<80x128xf32, #tpu.memory_space<vmem>>) target(%dma_start3A_153 : memref<80x128xf32, #tpu.memory_space<vmem_shared>>) target_semaphore(%run_scoped3A : memref<!tpu.dma_semaphore, #tpu.memory_space<semaphore_mem>>)
      %dma_wait3A_154 = arith.constant 0 : i32
      %dma_wait3A_155 = tpu.memref_slice %arg14[%add3A_22, %dma_wait3A_154] : memref<10240x128xf32, #tpu.memory_space<vmem_shared>> -> memref<80x128xf32, #tpu.memory_space<vmem_shared>>
      %dma_wait3A_156 = arith.constant 0 : i32
      %dma_wait3A_157 = tpu.memref_slice %arg14[%add3A_22, %dma_wait3A_156] : memref<10240x128xf32, #tpu.memory_space<vmem_shared>> -> memref<80x128xf32, #tpu.memory_space<vmem_shared>>
      tpu.wait_dma2 semaphore(%run_scoped3A : memref<!tpu.dma_semaphore, #tpu.memory_space<semaphore_mem>>) src(%arg11 : memref<80x128xf32, #tpu.memory_space<vmem>>) dst(%dma_wait3A_157 : memref<80x128xf32, #tpu.memory_space<vmem_shared>>)
      tpu.yield
    }) : () -> ()
    %add3A_23 = arith.constant 560 : i32
    %add3A_24 = arith.addi %multiple_of3A, %add3A_23 : i32
    "tpu.region"() ({
      %run_scoped3A = tpu.sem_alloc : memref<!tpu.dma_semaphore, #tpu.memory_space<semaphore_mem>>
      %dma_start3A_150 = arith.constant 0 : i32
      %dma_start3A_151 = tpu.memref_slice %arg14[%add3A_24, %dma_start3A_150] : memref<10240x128xf32, #tpu.memory_space<vmem_shared>> -> memref<80x128xf32, #tpu.memory_space<vmem_shared>>
      %dma_start3A_152 = arith.constant 0 : i32
      %dma_start3A_153 = tpu.memref_slice %arg14[%add3A_24, %dma_start3A_152] : memref<10240x128xf32, #tpu.memory_space<vmem_shared>> -> memref<80x128xf32, #tpu.memory_space<vmem_shared>>
      tpu.enqueue_dma source(%arg11 : memref<80x128xf32, #tpu.memory_space<vmem>>) target(%dma_start3A_153 : memref<80x128xf32, #tpu.memory_space<vmem_shared>>) target_semaphore(%run_scoped3A : memref<!tpu.dma_semaphore, #tpu.memory_space<semaphore_mem>>)
      %dma_wait3A_154 = arith.constant 0 : i32
      %dma_wait3A_155 = tpu.memref_slice %arg14[%add3A_24, %dma_wait3A_154] : memref<10240x128xf32, #tpu.memory_space<vmem_shared>> -> memref<80x128xf32, #tpu.memory_space<vmem_shared>>
      %dma_wait3A_156 = arith.constant 0 : i32
      %dma_wait3A_157 = tpu.memref_slice %arg14[%add3A_24, %dma_wait3A_156] : memref<10240x128xf32, #tpu.memory_space<vmem_shared>> -> memref<80x128xf32, #tpu.memory_space<vmem_shared>>
      tpu.wait_dma2 semaphore(%run_scoped3A : memref<!tpu.dma_semaphore, #tpu.memory_space<semaphore_mem>>) src(%arg11 : memref<80x128xf32, #tpu.memory_space<vmem>>) dst(%dma_wait3A_157 : memref<80x128xf32, #tpu.memory_space<vmem_shared>>)
      tpu.yield
    }) : () -> ()
    "tpu.region"() ({
      %run_scoped3A = tpu.sem_alloc : memref<!tpu.dma_semaphore, #tpu.memory_space<semaphore_mem>>
      %dma_start3A_150 = tpu.memref_slice %arg3[%mul3A_8] : memref<320000xi32, #tpu.memory_space<hbm>> -> memref<10000xi32, #tpu.memory_space<hbm>>
      %dma_start3A_151 = tpu.memref_slice %arg3[%mul3A_8] : memref<320000xi32, #tpu.memory_space<hbm>> -> memref<10000xi32, #tpu.memory_space<hbm>>
      tpu.enqueue_dma source(%dma_start3A_151 : memref<10000xi32, #tpu.memory_space<hbm>>) target(%arg7 : memref<10000xi32, #tpu.memory_space<vmem>>) target_semaphore(%run_scoped3A : memref<!tpu.dma_semaphore, #tpu.memory_space<semaphore_mem>>)
      %dma_wait3A_152 = tpu.memref_slice %arg3[%mul3A_8] : memref<320000xi32, #tpu.memory_space<hbm>> -> memref<10000xi32, #tpu.memory_space<hbm>>
      %dma_wait3A_153 = tpu.memref_slice %arg3[%mul3A_8] : memref<320000xi32, #tpu.memory_space<hbm>> -> memref<10000xi32, #tpu.memory_space<hbm>>
      tpu.wait_dma2 semaphore(%run_scoped3A : memref<!tpu.dma_semaphore, #tpu.memory_space<semaphore_mem>>) src(%dma_wait3A_153 : memref<10000xi32, #tpu.memory_space<hbm>>) dst(%arg7 : memref<10000xi32, #tpu.memory_space<vmem>>)
      tpu.yield
    }) : () -> ()
    %barrier3A = arith.constant 0 : index
    tpu.barrier barrier_id(%barrier3A)
    %add3A_25 = arith.constant 0 : i32
    %add3A_26 = arith.addi %mul3A_8, %add3A_25 : i32
    %dma_start3A = tpu.memref_slice %arg4[%add3A_26] : memref<320000xi32, #tpu.memory_space<hbm>> -> memref<80xi32, #tpu.memory_space<hbm>>
    %dma_start3A_27 = tpu.memref_slice %arg4[%add3A_26] : memref<320000xi32, #tpu.memory_space<hbm>> -> memref<80xi32, #tpu.memory_space<hbm>>
    tpu.enqueue_dma source(%dma_start3A_27 : memref<80xi32, #tpu.memory_space<hbm>>) target(%arg8 : memref<80xi32, #tpu.memory_space<vmem>>) target_semaphore(%arg18 : memref<!tpu.dma_semaphore, #tpu.memory_space<semaphore_mem>>)
    %dma_start3A_28 = arith.constant 0 : i32
    %dma_start3A_29 = tpu.memref_slice %arg7[%dma_start3A_28] : memref<10000xi32, #tpu.memory_space<vmem>> -> memref<80xi32, #tpu.memory_space<vmem>>
    %dma_start3A_30 = arith.constant 0 : i32
    %dma_start3A_31 = arith.constant 0 : i32
    %dma_start3A_32 = tpu.memref_slice %arg2[%dma_start3A_30, %dma_start3A_31] : memref<10000x128xf32, #tpu.memory_space<hbm>> -> memref<10000x128xf32, #tpu.memory_space<hbm>>
    tpu.enqueue_indirect_dma source(%dma_start3A_32 : memref<10000x128xf32, #tpu.memory_space<hbm>>) target(%arg11 : memref<80x128xf32, #tpu.memory_space<vmem>>) offsets(%dma_start3A_29 : memref<80xi32, #tpu.memory_space<vmem>>) semaphore(%arg15 : memref<!tpu.dma_semaphore, #tpu.memory_space<semaphore_mem>>)
    %add3A_33 = arith.constant 80 : i32
    %add3A_34 = arith.addi %mul3A_8, %add3A_33 : i32
    %dma_start3A_35 = tpu.memref_slice %arg4[%add3A_34] : memref<320000xi32, #tpu.memory_space<hbm>> -> memref<80xi32, #tpu.memory_space<hbm>>
    %dma_start3A_36 = tpu.memref_slice %arg4[%add3A_34] : memref<320000xi32, #tpu.memory_space<hbm>> -> memref<80xi32, #tpu.memory_space<hbm>>
    tpu.enqueue_dma source(%dma_start3A_36 : memref<80xi32, #tpu.memory_space<hbm>>) target(%arg9 : memref<80xi32, #tpu.memory_space<vmem>>) target_semaphore(%arg19 : memref<!tpu.dma_semaphore, #tpu.memory_space<semaphore_mem>>)
    %dma_start3A_37 = arith.constant 80 : i32
    %dma_start3A_38 = tpu.memref_slice %arg7[%dma_start3A_37] : memref<10000xi32, #tpu.memory_space<vmem>> -> memref<80xi32, #tpu.memory_space<vmem>>
    %dma_start3A_39 = arith.constant 0 : i32
    %dma_start3A_40 = arith.constant 0 : i32
    %dma_start3A_41 = tpu.memref_slice %arg2[%dma_start3A_39, %dma_start3A_40] : memref<10000x128xf32, #tpu.memory_space<hbm>> -> memref<10000x128xf32, #tpu.memory_space<hbm>>
    tpu.enqueue_indirect_dma source(%dma_start3A_41 : memref<10000x128xf32, #tpu.memory_space<hbm>>) target(%arg12 : memref<80x128xf32, #tpu.memory_space<vmem>>) offsets(%dma_start3A_38 : memref<80xi32, #tpu.memory_space<vmem>>) semaphore(%arg16 : memref<!tpu.dma_semaphore, #tpu.memory_space<semaphore_mem>>)
    %add3A_42 = arith.constant 160 : i32
    %add3A_43 = arith.addi %mul3A_8, %add3A_42 : i32
    %dma_start3A_44 = tpu.memref_slice %arg4[%add3A_43] : memref<320000xi32, #tpu.memory_space<hbm>> -> memref<80xi32, #tpu.memory_space<hbm>>
    %dma_start3A_45 = tpu.memref_slice %arg4[%add3A_43] : memref<320000xi32, #tpu.memory_space<hbm>> -> memref<80xi32, #tpu.memory_space<hbm>>
    tpu.enqueue_dma source(%dma_start3A_45 : memref<80xi32, #tpu.memory_space<hbm>>) target(%arg10 : memref<80xi32, #tpu.memory_space<vmem>>) target_semaphore(%arg20 : memref<!tpu.dma_semaphore, #tpu.memory_space<semaphore_mem>>)
    %dma_start3A_46 = arith.constant 160 : i32
    %dma_start3A_47 = tpu.memref_slice %arg7[%dma_start3A_46] : memref<10000xi32, #tpu.memory_space<vmem>> -> memref<80xi32, #tpu.memory_space<vmem>>
    %dma_start3A_48 = arith.constant 0 : i32
    %dma_start3A_49 = arith.constant 0 : i32
    %dma_start3A_50 = tpu.memref_slice %arg2[%dma_start3A_48, %dma_start3A_49] : memref<10000x128xf32, #tpu.memory_space<hbm>> -> memref<10000x128xf32, #tpu.memory_space<hbm>>
    tpu.enqueue_indirect_dma source(%dma_start3A_50 : memref<10000x128xf32, #tpu.memory_space<hbm>>) target(%arg13 : memref<80x128xf32, #tpu.memory_space<vmem>>) offsets(%dma_start3A_47 : memref<80xi32, #tpu.memory_space<vmem>>) semaphore(%arg17 : memref<!tpu.dma_semaphore, #tpu.memory_space<semaphore_mem>>)
    %scan3A = arith.constant 0 : i32
    %scan3A_51 = arith.constant 40 : i32
    %scan3A_52 = arith.addi %scan3A, %scan3A_51 : i32
    %scan3A_53 = arith.constant 1 : i32
    scf.for %scan3A_150 = %scan3A to %scan3A_52 step %scan3A_53  : i32 {
      %mul3A_151 = arith.constant 3 : i32
      %mul3A_152 = arith.muli %scan3A_150, %mul3A_151 : i32
      %add3A_153 = arith.constant 0 : i32
      %add3A_154 = arith.addi %add3A_153, %mul3A_152 : i32
      %add3A_155 = arith.constant 0 : i32
      %add3A_156 = arith.addi %add3A_154, %add3A_155 : i32
      %dma_wait3A_157 = arith.constant 0 : i32
      %dma_wait3A_158 = tpu.memref_slice %arg7[%dma_wait3A_157] : memref<10000xi32, #tpu.memory_space<vmem>> -> memref<80xi32, #tpu.memory_space<vmem>>
      %dma_wait3A_159 = arith.constant 0 : i32
      %dma_wait3A_160 = arith.constant 0 : i32
      %dma_wait3A_161 = tpu.memref_slice %arg2[%dma_wait3A_159, %dma_wait3A_160] : memref<10000x128xf32, #tpu.memory_space<hbm>> -> memref<10000x128xf32, #tpu.memory_space<hbm>>
      tpu.wait_indirect_dma semaphore(%arg15 : memref<!tpu.dma_semaphore, #tpu.memory_space<semaphore_mem>>) src(%dma_wait3A_161 : memref<10000x128xf32, #tpu.memory_space<hbm>>) dst(%arg11 : memref<80x128xf32, #tpu.memory_space<vmem>>)
      %dma_wait3A_162 = arith.constant 0 : i32
      %dma_wait3A_163 = tpu.memref_slice %arg4[%dma_wait3A_162] : memref<320000xi32, #tpu.memory_space<hbm>> -> memref<80xi32, #tpu.memory_space<hbm>>
      %dma_wait3A_164 = arith.constant 0 : i32
      %dma_wait3A_165 = tpu.memref_slice %arg4[%dma_wait3A_164] : memref<320000xi32, #tpu.memory_space<hbm>> -> memref<80xi32, #tpu.memory_space<hbm>>
      tpu.wait_dma2 semaphore(%arg18 : memref<!tpu.dma_semaphore, #tpu.memory_space<semaphore_mem>>) src(%dma_wait3A_165 : memref<80xi32, #tpu.memory_space<hbm>>) dst(%arg8 : memref<80xi32, #tpu.memory_space<vmem>>)
      "tpu.region"() ({
        %run_scoped3A = tpu.sem_alloc : memref<!tpu.dma_semaphore, #tpu.memory_space<semaphore_mem>>
        %dma_start3A_233 = arith.constant 0 : i32
        %dma_start3A_234 = arith.constant 0 : i32
        %dma_start3A_235 = tpu.memref_slice %arg14[%dma_start3A_233, %dma_start3A_234] : memref<10240x128xf32, #tpu.memory_space<vmem_shared>> -> memref<10240x128xf32, #tpu.memory_space<vmem_shared>>
        tpu.enqueue_indirect_dma source(%arg11 : memref<80x128xf32, #tpu.memory_space<vmem>>) target(%dma_start3A_235 : memref<10240x128xf32, #tpu.memory_space<vmem_shared>>) offsets(%arg8 : memref<80xi32, #tpu.memory_space<vmem>>) semaphore(%run_scoped3A : memref<!tpu.dma_semaphore, #tpu.memory_space<semaphore_mem>>) {add = true}
        %dma_wait3A_236 = arith.constant 0 : i32
        %dma_wait3A_237 = arith.constant 0 : i32
        %dma_wait3A_238 = tpu.memref_slice %arg14[%dma_wait3A_236, %dma_wait3A_237] : memref<10240x128xf32, #tpu.memory_space<vmem_shared>> -> memref<10240x128xf32, #tpu.memory_space<vmem_shared>>
        tpu.wait_indirect_dma semaphore(%run_scoped3A : memref<!tpu.dma_semaphore, #tpu.memory_space<semaphore_mem>>) src(%arg11 : memref<80x128xf32, #tpu.memory_space<vmem>>) dst(%dma_wait3A_238 : memref<10240x128xf32, #tpu.memory_space<vmem_shared>>)
        tpu.yield
      }) : () -> ()
      %add3A_166 = arith.constant 3 : i32
      %add3A_167 = arith.addi %add3A_154, %add3A_166 : i32
      %add3A_168 = arith.constant 0 : i32
      %add3A_169 = arith.addi %add3A_167, %add3A_168 : i32
      %mul3A_170 = arith.constant 80 : i32
      %mul3A_171 = arith.muli %add3A_169, %mul3A_170 : i32
      %add3A_172 = arith.addi %mul3A_8, %mul3A_171 : i32
      %dma_start3A_173 = tpu.memref_slice %arg4[%add3A_172] : memref<320000xi32, #tpu.memory_space<hbm>> -> memref<80xi32, #tpu.memory_space<hbm>>
      %dma_start3A_174 = tpu.memref_slice %arg4[%add3A_172] : memref<320000xi32, #tpu.memory_space<hbm>> -> memref<80xi32, #tpu.memory_space<hbm>>
      tpu.enqueue_dma source(%dma_start3A_174 : memref<80xi32, #tpu.memory_space<hbm>>) target(%arg8 : memref<80xi32, #tpu.memory_space<vmem>>) target_semaphore(%arg18 : memref<!tpu.dma_semaphore, #tpu.memory_space<semaphore_mem>>)
      %mul3A_175 = arith.constant 80 : i32
      %mul3A_176 = arith.muli %add3A_169, %mul3A_175 : i32
      %dma_start3A_177 = tpu.memref_slice %arg7[%mul3A_176] : memref<10000xi32, #tpu.memory_space<vmem>> -> memref<80xi32, #tpu.memory_space<vmem>>
      %dma_start3A_178 = arith.constant 0 : i32
      %dma_start3A_179 = arith.constant 0 : i32
      %dma_start3A_180 = tpu.memref_slice %arg2[%dma_start3A_178, %dma_start3A_179] : memref<10000x128xf32, #tpu.memory_space<hbm>> -> memref<10000x128xf32, #tpu.memory_space<hbm>>
      tpu.enqueue_indirect_dma source(%dma_start3A_180 : memref<10000x128xf32, #tpu.memory_space<hbm>>) target(%arg11 : memref<80x128xf32, #tpu.memory_space<vmem>>) offsets(%dma_start3A_177 : memref<80xi32, #tpu.memory_space<vmem>>) semaphore(%arg15 : memref<!tpu.dma_semaphore, #tpu.memory_space<semaphore_mem>>)
      %add3A_181 = arith.constant 1 : i32
      %add3A_182 = arith.addi %add3A_154, %add3A_181 : i32
      %dma_wait3A_183 = arith.constant 0 : i32
      %dma_wait3A_184 = tpu.memref_slice %arg7[%dma_wait3A_183] : memref<10000xi32, #tpu.memory_space<vmem>> -> memref<80xi32, #tpu.memory_space<vmem>>
      %dma_wait3A_185 = arith.constant 0 : i32
      %dma_wait3A_186 = arith.constant 0 : i32
      %dma_wait3A_187 = tpu.memref_slice %arg2[%dma_wait3A_185, %dma_wait3A_186] : memref<10000x128xf32, #tpu.memory_space<hbm>> -> memref<10000x128xf32, #tpu.memory_space<hbm>>
      tpu.wait_indirect_dma semaphore(%arg16 : memref<!tpu.dma_semaphore, #tpu.memory_space<semaphore_mem>>) src(%dma_wait3A_187 : memref<10000x128xf32, #tpu.memory_space<hbm>>) dst(%arg12 : memref<80x128xf32, #tpu.memory_space<vmem>>)
      %dma_wait3A_188 = arith.constant 0 : i32
      %dma_wait3A_189 = tpu.memref_slice %arg4[%dma_wait3A_188] : memref<320000xi32, #tpu.memory_space<hbm>> -> memref<80xi32, #tpu.memory_space<hbm>>
      %dma_wait3A_190 = arith.constant 0 : i32
      %dma_wait3A_191 = tpu.memref_slice %arg4[%dma_wait3A_190] : memref<320000xi32, #tpu.memory_space<hbm>> -> memref<80xi32, #tpu.memory_space<hbm>>
      tpu.wait_dma2 semaphore(%arg19 : memref<!tpu.dma_semaphore, #tpu.memory_space<semaphore_mem>>) src(%dma_wait3A_191 : memref<80xi32, #tpu.memory_space<hbm>>) dst(%arg9 : memref<80xi32, #tpu.memory_space<vmem>>)
      "tpu.region"() ({
        %run_scoped3A = tpu.sem_alloc : memref<!tpu.dma_semaphore, #tpu.memory_space<semaphore_mem>>
        %dma_start3A_233 = arith.constant 0 : i32
        %dma_start3A_234 = arith.constant 0 : i32
        %dma_start3A_235 = tpu.memref_slice %arg14[%dma_start3A_233, %dma_start3A_234] : memref<10240x128xf32, #tpu.memory_space<vmem_shared>> -> memref<10240x128xf32, #tpu.memory_space<vmem_shared>>
        tpu.enqueue_indirect_dma source(%arg12 : memref<80x128xf32, #tpu.memory_space<vmem>>) target(%dma_start3A_235 : memref<10240x128xf32, #tpu.memory_space<vmem_shared>>) offsets(%arg9 : memref<80xi32, #tpu.memory_space<vmem>>) semaphore(%run_scoped3A : memref<!tpu.dma_semaphore, #tpu.memory_space<semaphore_mem>>) {add = true}
        %dma_wait3A_236 = arith.constant 0 : i32
        %dma_wait3A_237 = arith.constant 0 : i32
        %dma_wait3A_238 = tpu.memref_slice %arg14[%dma_wait3A_236, %dma_wait3A_237] : memref<10240x128xf32, #tpu.memory_space<vmem_shared>> -> memref<10240x128xf32, #tpu.memory_space<vmem_shared>>
        tpu.wait_indirect_dma semaphore(%run_scoped3A : memref<!tpu.dma_semaphore, #tpu.memory_space<semaphore_mem>>) src(%arg12 : memref<80x128xf32, #tpu.memory_space<vmem>>) dst(%dma_wait3A_238 : memref<10240x128xf32, #tpu.memory_space<vmem_shared>>)
        tpu.yield
      }) : () -> ()
      %add3A_192 = arith.constant 3 : i32
      %add3A_193 = arith.addi %add3A_154, %add3A_192 : i32
      %add3A_194 = arith.constant 1 : i32
      %add3A_195 = arith.addi %add3A_193, %add3A_194 : i32
      %mul3A_196 = arith.constant 80 : i32
      %mul3A_197 = arith.muli %add3A_195, %mul3A_196 : i32
      %add3A_198 = arith.addi %mul3A_8, %mul3A_197 : i32
      %dma_start3A_199 = tpu.memref_slice %arg4[%add3A_198] : memref<320000xi32, #tpu.memory_space<hbm>> -> memref<80xi32, #tpu.memory_space<hbm>>
      %dma_start3A_200 = tpu.memref_slice %arg4[%add3A_198] : memref<320000xi32, #tpu.memory_space<hbm>> -> memref<80xi32, #tpu.memory_space<hbm>>
      tpu.enqueue_dma source(%dma_start3A_200 : memref<80xi32, #tpu.memory_space<hbm>>) target(%arg9 : memref<80xi32, #tpu.memory_space<vmem>>) target_semaphore(%arg19 : memref<!tpu.dma_semaphore, #tpu.memory_space<semaphore_mem>>)
      %mul3A_201 = arith.constant 80 : i32
      %mul3A_202 = arith.muli %add3A_195, %mul3A_201 : i32
      %dma_start3A_203 = tpu.memref_slice %arg7[%mul3A_202] : memref<10000xi32, #tpu.memory_space<vmem>> -> memref<80xi32, #tpu.memory_space<vmem>>
      %dma_start3A_204 = arith.constant 0 : i32
      %dma_start3A_205 = arith.constant 0 : i32
      %dma_start3A_206 = tpu.memref_slice %arg2[%dma_start3A_204, %dma_start3A_205] : memref<10000x128xf32, #tpu.memory_space<hbm>> -> memref<10000x128xf32, #tpu.memory_space<hbm>>
      tpu.enqueue_indirect_dma source(%dma_start3A_206 : memref<10000x128xf32, #tpu.memory_space<hbm>>) target(%arg12 : memref<80x128xf32, #tpu.memory_space<vmem>>) offsets(%dma_start3A_203 : memref<80xi32, #tpu.memory_space<vmem>>) semaphore(%arg16 : memref<!tpu.dma_semaphore, #tpu.memory_space<semaphore_mem>>)
      %add3A_207 = arith.constant 2 : i32
      %add3A_208 = arith.addi %add3A_154, %add3A_207 : i32
      %dma_wait3A_209 = arith.constant 0 : i32
      %dma_wait3A_210 = tpu.memref_slice %arg7[%dma_wait3A_209] : memref<10000xi32, #tpu.memory_space<vmem>> -> memref<80xi32, #tpu.memory_space<vmem>>
      %dma_wait3A_211 = arith.constant 0 : i32
      %dma_wait3A_212 = arith.constant 0 : i32
      %dma_wait3A_213 = tpu.memref_slice %arg2[%dma_wait3A_211, %dma_wait3A_212] : memref<10000x128xf32, #tpu.memory_space<hbm>> -> memref<10000x128xf32, #tpu.memory_space<hbm>>
      tpu.wait_indirect_dma semaphore(%arg17 : memref<!tpu.dma_semaphore, #tpu.memory_space<semaphore_mem>>) src(%dma_wait3A_213 : memref<10000x128xf32, #tpu.memory_space<hbm>>) dst(%arg13 : memref<80x128xf32, #tpu.memory_space<vmem>>)
      %dma_wait3A_214 = arith.constant 0 : i32
      %dma_wait3A_215 = tpu.memref_slice %arg4[%dma_wait3A_214] : memref<320000xi32, #tpu.memory_space<hbm>> -> memref<80xi32, #tpu.memory_space<hbm>>
      %dma_wait3A_216 = arith.constant 0 : i32
      %dma_wait3A_217 = tpu.memref_slice %arg4[%dma_wait3A_216] : memref<320000xi32, #tpu.memory_space<hbm>> -> memref<80xi32, #tpu.memory_space<hbm>>
      tpu.wait_dma2 semaphore(%arg20 : memref<!tpu.dma_semaphore, #tpu.memory_space<semaphore_mem>>) src(%dma_wait3A_217 : memref<80xi32, #tpu.memory_space<hbm>>) dst(%arg10 : memref<80xi32, #tpu.memory_space<vmem>>)
      "tpu.region"() ({
        %run_scoped3A = tpu.sem_alloc : memref<!tpu.dma_semaphore, #tpu.memory_space<semaphore_mem>>
        %dma_start3A_233 = arith.constant 0 : i32
        %dma_start3A_234 = arith.constant 0 : i32
        %dma_start3A_235 = tpu.memref_slice %arg14[%dma_start3A_233, %dma_start3A_234] : memref<10240x128xf32, #tpu.memory_space<vmem_shared>> -> memref<10240x128xf32, #tpu.memory_space<vmem_shared>>
        tpu.enqueue_indirect_dma source(%arg13 : memref<80x128xf32, #tpu.memory_space<vmem>>) target(%dma_start3A_235 : memref<10240x128xf32, #tpu.memory_space<vmem_shared>>) offsets(%arg10 : memref<80xi32, #tpu.memory_space<vmem>>) semaphore(%run_scoped3A : memref<!tpu.dma_semaphore, #tpu.memory_space<semaphore_mem>>) {add = true}
        %dma_wait3A_236 = arith.constant 0 : i32
        %dma_wait3A_237 = arith.constant 0 : i32
        %dma_wait3A_238 = tpu.memref_slice %arg14[%dma_wait3A_236, %dma_wait3A_237] : memref<10240x128xf32, #tpu.memory_space<vmem_shared>> -> memref<10240x128xf32, #tpu.memory_space<vmem_shared>>
        tpu.wait_indirect_dma semaphore(%run_scoped3A : memref<!tpu.dma_semaphore, #tpu.memory_space<semaphore_mem>>) src(%arg13 : memref<80x128xf32, #tpu.memory_space<vmem>>) dst(%dma_wait3A_238 : memref<10240x128xf32, #tpu.memory_space<vmem_shared>>)
        tpu.yield
      }) : () -> ()
      %add3A_218 = arith.constant 3 : i32
      %add3A_219 = arith.addi %add3A_154, %add3A_218 : i32
      %add3A_220 = arith.constant 2 : i32
      %add3A_221 = arith.addi %add3A_219, %add3A_220 : i32
      %mul3A_222 = arith.constant 80 : i32
      %mul3A_223 = arith.muli %add3A_221, %mul3A_222 : i32
      %add3A_224 = arith.addi %mul3A_8, %mul3A_223 : i32
      %dma_start3A_225 = tpu.memref_slice %arg4[%add3A_224] : memref<320000xi32, #tpu.memory_space<hbm>> -> memref<80xi32, #tpu.memory_space<hbm>>
      %dma_start3A_226 = tpu.memref_slice %arg4[%add3A_224] : memref<320000xi32, #tpu.memory_space<hbm>> -> memref<80xi32, #tpu.memory_space<hbm>>
      tpu.enqueue_dma source(%dma_start3A_226 : memref<80xi32, #tpu.memory_space<hbm>>) target(%arg10 : memref<80xi32, #tpu.memory_space<vmem>>) target_semaphore(%arg20 : memref<!tpu.dma_semaphore, #tpu.memory_space<semaphore_mem>>)
      %mul3A_227 = arith.constant 80 : i32
      %mul3A_228 = arith.muli %add3A_221, %mul3A_227 : i32
      %dma_start3A_229 = tpu.memref_slice %arg7[%mul3A_228] : memref<10000xi32, #tpu.memory_space<vmem>> -> memref<80xi32, #tpu.memory_space<vmem>>
      %dma_start3A_230 = arith.constant 0 : i32
      %dma_start3A_231 = arith.constant 0 : i32
      %dma_start3A_232 = tpu.memref_slice %arg2[%dma_start3A_230, %dma_start3A_231] : memref<10000x128xf32, #tpu.memory_space<hbm>> -> memref<10000x128xf32, #tpu.memory_space<hbm>>
      tpu.enqueue_indirect_dma source(%dma_start3A_232 : memref<10000x128xf32, #tpu.memory_space<hbm>>) target(%arg13 : memref<80x128xf32, #tpu.memory_space<vmem>>) offsets(%dma_start3A_229 : memref<80xi32, #tpu.memory_space<vmem>>) semaphore(%arg17 : memref<!tpu.dma_semaphore, #tpu.memory_space<semaphore_mem>>)
    }
    %scan3A_54 = arith.constant 40 : i32
    %dma_wait3A = arith.constant 0 : i32
    %dma_wait3A_55 = tpu.memref_slice %arg7[%dma_wait3A] : memref<10000xi32, #tpu.memory_space<vmem>> -> memref<80xi32, #tpu.memory_space<vmem>>
    %dma_wait3A_56 = arith.constant 0 : i32
    %dma_wait3A_57 = arith.constant 0 : i32
    %dma_wait3A_58 = tpu.memref_slice %arg2[%dma_wait3A_56, %dma_wait3A_57] : memref<10000x128xf32, #tpu.memory_space<hbm>> -> memref<10000x128xf32, #tpu.memory_space<hbm>>
    tpu.wait_indirect_dma semaphore(%arg15 : memref<!tpu.dma_semaphore, #tpu.memory_space<semaphore_mem>>) src(%dma_wait3A_58 : memref<10000x128xf32, #tpu.memory_space<hbm>>) dst(%arg11 : memref<80x128xf32, #tpu.memory_space<vmem>>)
    %dma_wait3A_59 = arith.constant 0 : i32
    %dma_wait3A_60 = tpu.memref_slice %arg4[%dma_wait3A_59] : memref<320000xi32, #tpu.memory_space<hbm>> -> memref<80xi32, #tpu.memory_space<hbm>>
    %dma_wait3A_61 = arith.constant 0 : i32
    %dma_wait3A_62 = tpu.memref_slice %arg4[%dma_wait3A_61] : memref<320000xi32, #tpu.memory_space<hbm>> -> memref<80xi32, #tpu.memory_space<hbm>>
    tpu.wait_dma2 semaphore(%arg18 : memref<!tpu.dma_semaphore, #tpu.memory_space<semaphore_mem>>) src(%dma_wait3A_62 : memref<80xi32, #tpu.memory_space<hbm>>) dst(%arg8 : memref<80xi32, #tpu.memory_space<vmem>>)
    "tpu.region"() ({
      %run_scoped3A = tpu.sem_alloc : memref<!tpu.dma_semaphore, #tpu.memory_space<semaphore_mem>>
      %dma_start3A_150 = arith.constant 0 : i32
      %dma_start3A_151 = arith.constant 0 : i32
      %dma_start3A_152 = tpu.memref_slice %arg14[%dma_start3A_150, %dma_start3A_151] : memref<10240x128xf32, #tpu.memory_space<vmem_shared>> -> memref<10240x128xf32, #tpu.memory_space<vmem_shared>>
      tpu.enqueue_indirect_dma source(%arg11 : memref<80x128xf32, #tpu.memory_space<vmem>>) target(%dma_start3A_152 : memref<10240x128xf32, #tpu.memory_space<vmem_shared>>) offsets(%arg8 : memref<80xi32, #tpu.memory_space<vmem>>) semaphore(%run_scoped3A : memref<!tpu.dma_semaphore, #tpu.memory_space<semaphore_mem>>) {add = true}
      %dma_wait3A_153 = arith.constant 0 : i32
      %dma_wait3A_154 = arith.constant 0 : i32
      %dma_wait3A_155 = tpu.memref_slice %arg14[%dma_wait3A_153, %dma_wait3A_154] : memref<10240x128xf32, #tpu.memory_space<vmem_shared>> -> memref<10240x128xf32, #tpu.memory_space<vmem_shared>>
      tpu.wait_indirect_dma semaphore(%run_scoped3A : memref<!tpu.dma_semaphore, #tpu.memory_space<semaphore_mem>>) src(%arg11 : memref<80x128xf32, #tpu.memory_space<vmem>>) dst(%dma_wait3A_155 : memref<10240x128xf32, #tpu.memory_space<vmem_shared>>)
      tpu.yield
    }) : () -> ()
    %add3A_63 = arith.constant 9840 : i32
    %add3A_64 = arith.addi %mul3A_8, %add3A_63 : i32
    %dma_start3A_65 = tpu.memref_slice %arg4[%add3A_64] : memref<320000xi32, #tpu.memory_space<hbm>> -> memref<80xi32, #tpu.memory_space<hbm>>
    %dma_start3A_66 = tpu.memref_slice %arg4[%add3A_64] : memref<320000xi32, #tpu.memory_space<hbm>> -> memref<80xi32, #tpu.memory_space<hbm>>
    tpu.enqueue_dma source(%dma_start3A_66 : memref<80xi32, #tpu.memory_space<hbm>>) target(%arg8 : memref<80xi32, #tpu.memory_space<vmem>>) target_semaphore(%arg18 : memref<!tpu.dma_semaphore, #tpu.memory_space<semaphore_mem>>)
    %dma_start3A_67 = arith.constant 9840 : i32
    %dma_start3A_68 = tpu.memref_slice %arg7[%dma_start3A_67] : memref<10000xi32, #tpu.memory_space<vmem>> -> memref<80xi32, #tpu.memory_space<vmem>>
    %dma_start3A_69 = arith.constant 0 : i32
    %dma_start3A_70 = arith.constant 0 : i32
    %dma_start3A_71 = tpu.memref_slice %arg2[%dma_start3A_69, %dma_start3A_70] : memref<10000x128xf32, #tpu.memory_space<hbm>> -> memref<10000x128xf32, #tpu.memory_space<hbm>>
    tpu.enqueue_indirect_dma source(%dma_start3A_71 : memref<10000x128xf32, #tpu.memory_space<hbm>>) target(%arg11 : memref<80x128xf32, #tpu.memory_space<vmem>>) offsets(%dma_start3A_68 : memref<80xi32, #tpu.memory_space<vmem>>) semaphore(%arg15 : memref<!tpu.dma_semaphore, #tpu.memory_space<semaphore_mem>>)
    %dma_wait3A_72 = arith.constant 0 : i32
    %dma_wait3A_73 = tpu.memref_slice %arg7[%dma_wait3A_72] : memref<10000xi32, #tpu.memory_space<vmem>> -> memref<80xi32, #tpu.memory_space<vmem>>
    %dma_wait3A_74 = arith.constant 0 : i32
    %dma_wait3A_75 = arith.constant 0 : i32
    %dma_wait3A_76 = tpu.memref_slice %arg2[%dma_wait3A_74, %dma_wait3A_75] : memref<10000x128xf32, #tpu.memory_space<hbm>> -> memref<10000x128xf32, #tpu.memory_space<hbm>>
    tpu.wait_indirect_dma semaphore(%arg16 : memref<!tpu.dma_semaphore, #tpu.memory_space<semaphore_mem>>) src(%dma_wait3A_76 : memref<10000x128xf32, #tpu.memory_space<hbm>>) dst(%arg12 : memref<80x128xf32, #tpu.memory_space<vmem>>)
    %dma_wait3A_77 = arith.constant 0 : i32
    %dma_wait3A_78 = tpu.memref_slice %arg4[%dma_wait3A_77] : memref<320000xi32, #tpu.memory_space<hbm>> -> memref<80xi32, #tpu.memory_space<hbm>>
    %dma_wait3A_79 = arith.constant 0 : i32
    %dma_wait3A_80 = tpu.memref_slice %arg4[%dma_wait3A_79] : memref<320000xi32, #tpu.memory_space<hbm>> -> memref<80xi32, #tpu.memory_space<hbm>>
    tpu.wait_dma2 semaphore(%arg19 : memref<!tpu.dma_semaphore, #tpu.memory_space<semaphore_mem>>) src(%dma_wait3A_80 : memref<80xi32, #tpu.memory_space<hbm>>) dst(%arg9 : memref<80xi32, #tpu.memory_space<vmem>>)
    "tpu.region"() ({
      %run_scoped3A = tpu.sem_alloc : memref<!tpu.dma_semaphore, #tpu.memory_space<semaphore_mem>>
      %dma_start3A_150 = arith.constant 0 : i32
      %dma_start3A_151 = arith.constant 0 : i32
      %dma_start3A_152 = tpu.memref_slice %arg14[%dma_start3A_150, %dma_start3A_151] : memref<10240x128xf32, #tpu.memory_space<vmem_shared>> -> memref<10240x128xf32, #tpu.memory_space<vmem_shared>>
      tpu.enqueue_indirect_dma source(%arg12 : memref<80x128xf32, #tpu.memory_space<vmem>>) target(%dma_start3A_152 : memref<10240x128xf32, #tpu.memory_space<vmem_shared>>) offsets(%arg9 : memref<80xi32, #tpu.memory_space<vmem>>) semaphore(%run_scoped3A : memref<!tpu.dma_semaphore, #tpu.memory_space<semaphore_mem>>) {add = true}
      %dma_wait3A_153 = arith.constant 0 : i32
      %dma_wait3A_154 = arith.constant 0 : i32
      %dma_wait3A_155 = tpu.memref_slice %arg14[%dma_wait3A_153, %dma_wait3A_154] : memref<10240x128xf32, #tpu.memory_space<vmem_shared>> -> memref<10240x128xf32, #tpu.memory_space<vmem_shared>>
      tpu.wait_indirect_dma semaphore(%run_scoped3A : memref<!tpu.dma_semaphore, #tpu.memory_space<semaphore_mem>>) src(%arg12 : memref<80x128xf32, #tpu.memory_space<vmem>>) dst(%dma_wait3A_155 : memref<10240x128xf32, #tpu.memory_space<vmem_shared>>)
      tpu.yield
    }) : () -> ()
    %add3A_81 = arith.constant 9920 : i32
    %add3A_82 = arith.addi %mul3A_8, %add3A_81 : i32
    %dma_start3A_83 = tpu.memref_slice %arg4[%add3A_82] : memref<320000xi32, #tpu.memory_space<hbm>> -> memref<80xi32, #tpu.memory_space<hbm>>
    %dma_start3A_84 = tpu.memref_slice %arg4[%add3A_82] : memref<320000xi32, #tpu.memory_space<hbm>> -> memref<80xi32, #tpu.memory_space<hbm>>
    tpu.enqueue_dma source(%dma_start3A_84 : memref<80xi32, #tpu.memory_space<hbm>>) target(%arg9 : memref<80xi32, #tpu.memory_space<vmem>>) target_semaphore(%arg19 : memref<!tpu.dma_semaphore, #tpu.memory_space<semaphore_mem>>)
    %dma_start3A_85 = arith.constant 9920 : i32
    %dma_start3A_86 = tpu.memref_slice %arg7[%dma_start3A_85] : memref<10000xi32, #tpu.memory_space<vmem>> -> memref<80xi32, #tpu.memory_space<vmem>>
    %dma_start3A_87 = arith.constant 0 : i32
    %dma_start3A_88 = arith.constant 0 : i32
    %dma_start3A_89 = tpu.memref_slice %arg2[%dma_start3A_87, %dma_start3A_88] : memref<10000x128xf32, #tpu.memory_space<hbm>> -> memref<10000x128xf32, #tpu.memory_space<hbm>>
    tpu.enqueue_indirect_dma source(%dma_start3A_89 : memref<10000x128xf32, #tpu.memory_space<hbm>>) target(%arg12 : memref<80x128xf32, #tpu.memory_space<vmem>>) offsets(%dma_start3A_86 : memref<80xi32, #tpu.memory_space<vmem>>) semaphore(%arg16 : memref<!tpu.dma_semaphore, #tpu.memory_space<semaphore_mem>>)
    %dma_wait3A_90 = arith.constant 0 : i32
    %dma_wait3A_91 = tpu.memref_slice %arg7[%dma_wait3A_90] : memref<10000xi32, #tpu.memory_space<vmem>> -> memref<80xi32, #tpu.memory_space<vmem>>
    %dma_wait3A_92 = arith.constant 0 : i32
    %dma_wait3A_93 = arith.constant 0 : i32
    %dma_wait3A_94 = tpu.memref_slice %arg2[%dma_wait3A_92, %dma_wait3A_93] : memref<10000x128xf32, #tpu.memory_space<hbm>> -> memref<10000x128xf32, #tpu.memory_space<hbm>>
    tpu.wait_indirect_dma semaphore(%arg17 : memref<!tpu.dma_semaphore, #tpu.memory_space<semaphore_mem>>) src(%dma_wait3A_94 : memref<10000x128xf32, #tpu.memory_space<hbm>>) dst(%arg13 : memref<80x128xf32, #tpu.memory_space<vmem>>)
    %dma_wait3A_95 = arith.constant 0 : i32
    %dma_wait3A_96 = tpu.memref_slice %arg4[%dma_wait3A_95] : memref<320000xi32, #tpu.memory_space<hbm>> -> memref<80xi32, #tpu.memory_space<hbm>>
    %dma_wait3A_97 = arith.constant 0 : i32
    %dma_wait3A_98 = tpu.memref_slice %arg4[%dma_wait3A_97] : memref<320000xi32, #tpu.memory_space<hbm>> -> memref<80xi32, #tpu.memory_space<hbm>>
    tpu.wait_dma2 semaphore(%arg20 : memref<!tpu.dma_semaphore, #tpu.memory_space<semaphore_mem>>) src(%dma_wait3A_98 : memref<80xi32, #tpu.memory_space<hbm>>) dst(%arg10 : memref<80xi32, #tpu.memory_space<vmem>>)
    "tpu.region"() ({
      %run_scoped3A = tpu.sem_alloc : memref<!tpu.dma_semaphore, #tpu.memory_space<semaphore_mem>>
      %dma_start3A_150 = arith.constant 0 : i32
      %dma_start3A_151 = arith.constant 0 : i32
      %dma_start3A_152 = tpu.memref_slice %arg14[%dma_start3A_150, %dma_start3A_151] : memref<10240x128xf32, #tpu.memory_space<vmem_shared>> -> memref<10240x128xf32, #tpu.memory_space<vmem_shared>>
      tpu.enqueue_indirect_dma source(%arg13 : memref<80x128xf32, #tpu.memory_space<vmem>>) target(%dma_start3A_152 : memref<10240x128xf32, #tpu.memory_space<vmem_shared>>) offsets(%arg10 : memref<80xi32, #tpu.memory_space<vmem>>) semaphore(%run_scoped3A : memref<!tpu.dma_semaphore, #tpu.memory_space<semaphore_mem>>) {add = true}
      %dma_wait3A_153 = arith.constant 0 : i32
      %dma_wait3A_154 = arith.constant 0 : i32
      %dma_wait3A_155 = tpu.memref_slice %arg14[%dma_wait3A_153, %dma_wait3A_154] : memref<10240x128xf32, #tpu.memory_space<vmem_shared>> -> memref<10240x128xf32, #tpu.memory_space<vmem_shared>>
      tpu.wait_indirect_dma semaphore(%run_scoped3A : memref<!tpu.dma_semaphore, #tpu.memory_space<semaphore_mem>>) src(%arg13 : memref<80x128xf32, #tpu.memory_space<vmem>>) dst(%dma_wait3A_155 : memref<10240x128xf32, #tpu.memory_space<vmem_shared>>)
      tpu.yield
    }) : () -> ()
    %dma_wait3A_99 = arith.constant 0 : i32
    %dma_wait3A_100 = tpu.memref_slice %arg7[%dma_wait3A_99] : memref<10000xi32, #tpu.memory_space<vmem>> -> memref<80xi32, #tpu.memory_space<vmem>>
    %dma_wait3A_101 = arith.constant 0 : i32
    %dma_wait3A_102 = arith.constant 0 : i32
    %dma_wait3A_103 = tpu.memref_slice %arg2[%dma_wait3A_101, %dma_wait3A_102] : memref<10000x128xf32, #tpu.memory_space<hbm>> -> memref<10000x128xf32, #tpu.memory_space<hbm>>
    tpu.wait_indirect_dma semaphore(%arg15 : memref<!tpu.dma_semaphore, #tpu.memory_space<semaphore_mem>>) src(%dma_wait3A_103 : memref<10000x128xf32, #tpu.memory_space<hbm>>) dst(%arg11 : memref<80x128xf32, #tpu.memory_space<vmem>>)
    %dma_wait3A_104 = arith.constant 0 : i32
    %dma_wait3A_105 = tpu.memref_slice %arg4[%dma_wait3A_104] : memref<320000xi32, #tpu.memory_space<hbm>> -> memref<80xi32, #tpu.memory_space<hbm>>
    %dma_wait3A_106 = arith.constant 0 : i32
    %dma_wait3A_107 = tpu.memref_slice %arg4[%dma_wait3A_106] : memref<320000xi32, #tpu.memory_space<hbm>> -> memref<80xi32, #tpu.memory_space<hbm>>
    tpu.wait_dma2 semaphore(%arg18 : memref<!tpu.dma_semaphore, #tpu.memory_space<semaphore_mem>>) src(%dma_wait3A_107 : memref<80xi32, #tpu.memory_space<hbm>>) dst(%arg8 : memref<80xi32, #tpu.memory_space<vmem>>)
    "tpu.region"() ({
      %run_scoped3A = tpu.sem_alloc : memref<!tpu.dma_semaphore, #tpu.memory_space<semaphore_mem>>
      %dma_start3A_150 = arith.constant 0 : i32
      %dma_start3A_151 = arith.constant 0 : i32
      %dma_start3A_152 = tpu.memref_slice %arg14[%dma_start3A_150, %dma_start3A_151] : memref<10240x128xf32, #tpu.memory_space<vmem_shared>> -> memref<10240x128xf32, #tpu.memory_space<vmem_shared>>
      tpu.enqueue_indirect_dma source(%arg11 : memref<80x128xf32, #tpu.memory_space<vmem>>) target(%dma_start3A_152 : memref<10240x128xf32, #tpu.memory_space<vmem_shared>>) offsets(%arg8 : memref<80xi32, #tpu.memory_space<vmem>>) semaphore(%run_scoped3A : memref<!tpu.dma_semaphore, #tpu.memory_space<semaphore_mem>>) {add = true}
      %dma_wait3A_153 = arith.constant 0 : i32
      %dma_wait3A_154 = arith.constant 0 : i32
      %dma_wait3A_155 = tpu.memref_slice %arg14[%dma_wait3A_153, %dma_wait3A_154] : memref<10240x128xf32, #tpu.memory_space<vmem_shared>> -> memref<10240x128xf32, #tpu.memory_space<vmem_shared>>
      tpu.wait_indirect_dma semaphore(%run_scoped3A : memref<!tpu.dma_semaphore, #tpu.memory_space<semaphore_mem>>) src(%arg11 : memref<80x128xf32, #tpu.memory_space<vmem>>) dst(%dma_wait3A_155 : memref<10240x128xf32, #tpu.memory_space<vmem_shared>>)
      tpu.yield
    }) : () -> ()
    %dma_wait3A_108 = arith.constant 0 : i32
    %dma_wait3A_109 = tpu.memref_slice %arg7[%dma_wait3A_108] : memref<10000xi32, #tpu.memory_space<vmem>> -> memref<80xi32, #tpu.memory_space<vmem>>
    %dma_wait3A_110 = arith.constant 0 : i32
    %dma_wait3A_111 = arith.constant 0 : i32
    %dma_wait3A_112 = tpu.memref_slice %arg2[%dma_wait3A_110, %dma_wait3A_111] : memref<10000x128xf32, #tpu.memory_space<hbm>> -> memref<10000x128xf32, #tpu.memory_space<hbm>>
    tpu.wait_indirect_dma semaphore(%arg16 : memref<!tpu.dma_semaphore, #tpu.memory_space<semaphore_mem>>) src(%dma_wait3A_112 : memref<10000x128xf32, #tpu.memory_space<hbm>>) dst(%arg12 : memref<80x128xf32, #tpu.memory_space<vmem>>)
    %dma_wait3A_113 = arith.constant 0 : i32
    %dma_wait3A_114 = tpu.memref_slice %arg4[%dma_wait3A_113] : memref<320000xi32, #tpu.memory_space<hbm>> -> memref<80xi32, #tpu.memory_space<hbm>>
    %dma_wait3A_115 = arith.constant 0 : i32
    %dma_wait3A_116 = tpu.memref_slice %arg4[%dma_wait3A_115] : memref<320000xi32, #tpu.memory_space<hbm>> -> memref<80xi32, #tpu.memory_space<hbm>>
    tpu.wait_dma2 semaphore(%arg19 : memref<!tpu.dma_semaphore, #tpu.memory_space<semaphore_mem>>) src(%dma_wait3A_116 : memref<80xi32, #tpu.memory_space<hbm>>) dst(%arg9 : memref<80xi32, #tpu.memory_space<vmem>>)
    "tpu.region"() ({
      %run_scoped3A = tpu.sem_alloc : memref<!tpu.dma_semaphore, #tpu.memory_space<semaphore_mem>>
      %dma_start3A_150 = arith.constant 0 : i32
      %dma_start3A_151 = arith.constant 0 : i32
      %dma_start3A_152 = tpu.memref_slice %arg14[%dma_start3A_150, %dma_start3A_151] : memref<10240x128xf32, #tpu.memory_space<vmem_shared>> -> memref<10240x128xf32, #tpu.memory_space<vmem_shared>>
      tpu.enqueue_indirect_dma source(%arg12 : memref<80x128xf32, #tpu.memory_space<vmem>>) target(%dma_start3A_152 : memref<10240x128xf32, #tpu.memory_space<vmem_shared>>) offsets(%arg9 : memref<80xi32, #tpu.memory_space<vmem>>) semaphore(%run_scoped3A : memref<!tpu.dma_semaphore, #tpu.memory_space<semaphore_mem>>) {add = true}
      %dma_wait3A_153 = arith.constant 0 : i32
      %dma_wait3A_154 = arith.constant 0 : i32
      %dma_wait3A_155 = tpu.memref_slice %arg14[%dma_wait3A_153, %dma_wait3A_154] : memref<10240x128xf32, #tpu.memory_space<vmem_shared>> -> memref<10240x128xf32, #tpu.memory_space<vmem_shared>>
      tpu.wait_indirect_dma semaphore(%run_scoped3A : memref<!tpu.dma_semaphore, #tpu.memory_space<semaphore_mem>>) src(%arg12 : memref<80x128xf32, #tpu.memory_space<vmem>>) dst(%dma_wait3A_155 : memref<10240x128xf32, #tpu.memory_space<vmem_shared>>)
      tpu.yield
    }) : () -> ()
    %barrier3A_117 = arith.constant 0 : index
    tpu.barrier barrier_id(%barrier3A_117)
    %add3A_118 = arith.constant 0 : i32
    %add3A_119 = arith.addi %multiple_of3A, %add3A_118 : i32
    "tpu.region"() ({
      %run_scoped3A = tpu.sem_alloc : memref<!tpu.dma_semaphore, #tpu.memory_space<semaphore_mem>>
      %dma_start3A_150 = arith.constant 0 : i32
      %dma_start3A_151 = tpu.memref_slice %arg14[%add3A_119, %dma_start3A_150] : memref<10240x128xf32, #tpu.memory_space<vmem_shared>> -> memref<80x128xf32, #tpu.memory_space<vmem_shared>>
      %dma_start3A_152 = arith.constant 0 : i32
      %dma_start3A_153 = tpu.memref_slice %arg14[%add3A_119, %dma_start3A_152] : memref<10240x128xf32, #tpu.memory_space<vmem_shared>> -> memref<80x128xf32, #tpu.memory_space<vmem_shared>>
      tpu.enqueue_dma source(%dma_start3A_153 : memref<80x128xf32, #tpu.memory_space<vmem_shared>>) target(%arg11 : memref<80x128xf32, #tpu.memory_space<vmem>>) target_semaphore(%run_scoped3A : memref<!tpu.dma_semaphore, #tpu.memory_space<semaphore_mem>>)
      %dma_wait3A_154 = arith.constant 0 : i32
      %dma_wait3A_155 = tpu.memref_slice %arg14[%add3A_119, %dma_wait3A_154] : memref<10240x128xf32, #tpu.memory_space<vmem_shared>> -> memref<80x128xf32, #tpu.memory_space<vmem_shared>>
      %dma_wait3A_156 = arith.constant 0 : i32
      %dma_wait3A_157 = tpu.memref_slice %arg14[%add3A_119, %dma_wait3A_156] : memref<10240x128xf32, #tpu.memory_space<vmem_shared>> -> memref<80x128xf32, #tpu.memory_space<vmem_shared>>
      tpu.wait_dma2 semaphore(%run_scoped3A : memref<!tpu.dma_semaphore, #tpu.memory_space<semaphore_mem>>) src(%dma_wait3A_157 : memref<80x128xf32, #tpu.memory_space<vmem_shared>>) dst(%arg11 : memref<80x128xf32, #tpu.memory_space<vmem>>)
      tpu.yield
    }) : () -> ()
    %add3A_120 = arith.constant 0 : i32
    %add3A_121 = arith.addi %multiple_of3A_6, %add3A_120 : i32
    "tpu.region"() ({
      %run_scoped3A = tpu.sem_alloc : memref<!tpu.dma_semaphore, #tpu.memory_space<semaphore_mem>>
      %dma_start3A_150 = arith.constant 0 : i32
      %dma_start3A_151 = tpu.memref_slice %arg6[%add3A_121, %dma_start3A_150] : memref<20480x128xf32, #tpu.memory_space<hbm>> -> memref<80x128xf32, #tpu.memory_space<hbm>>
      %dma_start3A_152 = arith.constant 0 : i32
      %dma_start3A_153 = tpu.memref_slice %arg6[%add3A_121, %dma_start3A_152] : memref<20480x128xf32, #tpu.memory_space<hbm>> -> memref<80x128xf32, #tpu.memory_space<hbm>>
      tpu.enqueue_dma source(%arg11 : memref<80x128xf32, #tpu.memory_space<vmem>>) target(%dma_start3A_153 : memref<80x128xf32, #tpu.memory_space<hbm>>) target_semaphore(%run_scoped3A : memref<!tpu.dma_semaphore, #tpu.memory_space<semaphore_mem>>)
      %dma_wait3A_154 = arith.constant 0 : i32
      %dma_wait3A_155 = tpu.memref_slice %arg6[%add3A_121, %dma_wait3A_154] : memref<20480x128xf32, #tpu.memory_space<hbm>> -> memref<80x128xf32, #tpu.memory_space<hbm>>
      %dma_wait3A_156 = arith.constant 0 : i32
      %dma_wait3A_157 = tpu.memref_slice %arg6[%add3A_121, %dma_wait3A_156] : memref<20480x128xf32, #tpu.memory_space<hbm>> -> memref<80x128xf32, #tpu.memory_space<hbm>>
      tpu.wait_dma2 semaphore(%run_scoped3A : memref<!tpu.dma_semaphore, #tpu.memory_space<semaphore_mem>>) src(%arg11 : memref<80x128xf32, #tpu.memory_space<vmem>>) dst(%dma_wait3A_157 : memref<80x128xf32, #tpu.memory_space<hbm>>)
      tpu.yield
    }) : () -> ()
    %add3A_122 = arith.constant 80 : i32
    %add3A_123 = arith.addi %multiple_of3A, %add3A_122 : i32
    "tpu.region"() ({
      %run_scoped3A = tpu.sem_alloc : memref<!tpu.dma_semaphore, #tpu.memory_space<semaphore_mem>>
      %dma_start3A_150 = arith.constant 0 : i32
      %dma_start3A_151 = tpu.memref_slice %arg14[%add3A_123, %dma_start3A_150] : memref<10240x128xf32, #tpu.memory_space<vmem_shared>> -> memref<80x128xf32, #tpu.memory_space<vmem_shared>>
      %dma_start3A_152 = arith.constant 0 : i32
      %dma_start3A_153 = tpu.memref_slice %arg14[%add3A_123, %dma_start3A_152] : memref<10240x128xf32, #tpu.memory_space<vmem_shared>> -> memref<80x128xf32, #tpu.memory_space<vmem_shared>>
      tpu.enqueue_dma source(%dma_start3A_153 : memref<80x128xf32, #tpu.memory_space<vmem_shared>>) target(%arg11 : memref<80x128xf32, #tpu.memory_space<vmem>>) target_semaphore(%run_scoped3A : memref<!tpu.dma_semaphore, #tpu.memory_space<semaphore_mem>>)
      %dma_wait3A_154 = arith.constant 0 : i32
      %dma_wait3A_155 = tpu.memref_slice %arg14[%add3A_123, %dma_wait3A_154] : memref<10240x128xf32, #tpu.memory_space<vmem_shared>> -> memref<80x128xf32, #tpu.memory_space<vmem_shared>>
      %dma_wait3A_156 = arith.constant 0 : i32
      %dma_wait3A_157 = tpu.memref_slice %arg14[%add3A_123, %dma_wait3A_156] : memref<10240x128xf32, #tpu.memory_space<vmem_shared>> -> memref<80x128xf32, #tpu.memory_space<vmem_shared>>
      tpu.wait_dma2 semaphore(%run_scoped3A : memref<!tpu.dma_semaphore, #tpu.memory_space<semaphore_mem>>) src(%dma_wait3A_157 : memref<80x128xf32, #tpu.memory_space<vmem_shared>>) dst(%arg11 : memref<80x128xf32, #tpu.memory_space<vmem>>)
      tpu.yield
    }) : () -> ()
    %add3A_124 = arith.constant 80 : i32
    %add3A_125 = arith.addi %multiple_of3A_6, %add3A_124 : i32
    "tpu.region"() ({
      %run_scoped3A = tpu.sem_alloc : memref<!tpu.dma_semaphore, #tpu.memory_space<semaphore_mem>>
      %dma_start3A_150 = arith.constant 0 : i32
      %dma_start3A_151 = tpu.memref_slice %arg6[%add3A_125, %dma_start3A_150] : memref<20480x128xf32, #tpu.memory_space<hbm>> -> memref<80x128xf32, #tpu.memory_space<hbm>>
      %dma_start3A_152 = arith.constant 0 : i32
      %dma_start3A_153 = tpu.memref_slice %arg6[%add3A_125, %dma_start3A_152] : memref<20480x128xf32, #tpu.memory_space<hbm>> -> memref<80x128xf32, #tpu.memory_space<hbm>>
      tpu.enqueue_dma source(%arg11 : memref<80x128xf32, #tpu.memory_space<vmem>>) target(%dma_start3A_153 : memref<80x128xf32, #tpu.memory_space<hbm>>) target_semaphore(%run_scoped3A : memref<!tpu.dma_semaphore, #tpu.memory_space<semaphore_mem>>)
      %dma_wait3A_154 = arith.constant 0 : i32
      %dma_wait3A_155 = tpu.memref_slice %arg6[%add3A_125, %dma_wait3A_154] : memref<20480x128xf32, #tpu.memory_space<hbm>> -> memref<80x128xf32, #tpu.memory_space<hbm>>
      %dma_wait3A_156 = arith.constant 0 : i32
      %dma_wait3A_157 = tpu.memref_slice %arg6[%add3A_125, %dma_wait3A_156] : memref<20480x128xf32, #tpu.memory_space<hbm>> -> memref<80x128xf32, #tpu.memory_space<hbm>>
      tpu.wait_dma2 semaphore(%run_scoped3A : memref<!tpu.dma_semaphore, #tpu.memory_space<semaphore_mem>>) src(%arg11 : memref<80x128xf32, #tpu.memory_space<vmem>>) dst(%dma_wait3A_157 : memref<80x128xf32, #tpu.memory_space<hbm>>)
      tpu.yield
    }) : () -> ()
    %add3A_126 = arith.constant 160 : i32
    %add3A_127 = arith.addi %multiple_of3A, %add3A_126 : i32
    "tpu.region"() ({
      %run_scoped3A = tpu.sem_alloc : memref<!tpu.dma_semaphore, #tpu.memory_space<semaphore_mem>>
      %dma_start3A_150 = arith.constant 0 : i32
      %dma_start3A_151 = tpu.memref_slice %arg14[%add3A_127, %dma_start3A_150] : memref<10240x128xf32, #tpu.memory_space<vmem_shared>> -> memref<80x128xf32, #tpu.memory_space<vmem_shared>>
      %dma_start3A_152 = arith.constant 0 : i32
      %dma_start3A_153 = tpu.memref_slice %arg14[%add3A_127, %dma_start3A_152] : memref<10240x128xf32, #tpu.memory_space<vmem_shared>> -> memref<80x128xf32, #tpu.memory_space<vmem_shared>>
      tpu.enqueue_dma source(%dma_start3A_153 : memref<80x128xf32, #tpu.memory_space<vmem_shared>>) target(%arg11 : memref<80x128xf32, #tpu.memory_space<vmem>>) target_semaphore(%run_scoped3A : memref<!tpu.dma_semaphore, #tpu.memory_space<semaphore_mem>>)
      %dma_wait3A_154 = arith.constant 0 : i32
      %dma_wait3A_155 = tpu.memref_slice %arg14[%add3A_127, %dma_wait3A_154] : memref<10240x128xf32, #tpu.memory_space<vmem_shared>> -> memref<80x128xf32, #tpu.memory_space<vmem_shared>>
      %dma_wait3A_156 = arith.constant 0 : i32
      %dma_wait3A_157 = tpu.memref_slice %arg14[%add3A_127, %dma_wait3A_156] : memref<10240x128xf32, #tpu.memory_space<vmem_shared>> -> memref<80x128xf32, #tpu.memory_space<vmem_shared>>
      tpu.wait_dma2 semaphore(%run_scoped3A : memref<!tpu.dma_semaphore, #tpu.memory_space<semaphore_mem>>) src(%dma_wait3A_157 : memref<80x128xf32, #tpu.memory_space<vmem_shared>>) dst(%arg11 : memref<80x128xf32, #tpu.memory_space<vmem>>)
      tpu.yield
    }) : () -> ()
    %add3A_128 = arith.constant 160 : i32
    %add3A_129 = arith.addi %multiple_of3A_6, %add3A_128 : i32
    "tpu.region"() ({
      %run_scoped3A = tpu.sem_alloc : memref<!tpu.dma_semaphore, #tpu.memory_space<semaphore_mem>>
      %dma_start3A_150 = arith.constant 0 : i32
      %dma_start3A_151 = tpu.memref_slice %arg6[%add3A_129, %dma_start3A_150] : memref<20480x128xf32, #tpu.memory_space<hbm>> -> memref<80x128xf32, #tpu.memory_space<hbm>>
      %dma_start3A_152 = arith.constant 0 : i32
      %dma_start3A_153 = tpu.memref_slice %arg6[%add3A_129, %dma_start3A_152] : memref<20480x128xf32, #tpu.memory_space<hbm>> -> memref<80x128xf32, #tpu.memory_space<hbm>>
      tpu.enqueue_dma source(%arg11 : memref<80x128xf32, #tpu.memory_space<vmem>>) target(%dma_start3A_153 : memref<80x128xf32, #tpu.memory_space<hbm>>) target_semaphore(%run_scoped3A : memref<!tpu.dma_semaphore, #tpu.memory_space<semaphore_mem>>)
      %dma_wait3A_154 = arith.constant 0 : i32
      %dma_wait3A_155 = tpu.memref_slice %arg6[%add3A_129, %dma_wait3A_154] : memref<20480x128xf32, #tpu.memory_space<hbm>> -> memref<80x128xf32, #tpu.memory_space<hbm>>
      %dma_wait3A_156 = arith.constant 0 : i32
      %dma_wait3A_157 = tpu.memref_slice %arg6[%add3A_129, %dma_wait3A_156] : memref<20480x128xf32, #tpu.memory_space<hbm>> -> memref<80x128xf32, #tpu.memory_space<hbm>>
      tpu.wait_dma2 semaphore(%run_scoped3A : memref<!tpu.dma_semaphore, #tpu.memory_space<semaphore_mem>>) src(%arg11 : memref<80x128xf32, #tpu.memory_space<vmem>>) dst(%dma_wait3A_157 : memref<80x128xf32, #tpu.memory_space<hbm>>)
      tpu.yield
    }) : () -> ()
    %add3A_130 = arith.constant 240 : i32
    %add3A_131 = arith.addi %multiple_of3A, %add3A_130 : i32
    "tpu.region"() ({
      %run_scoped3A = tpu.sem_alloc : memref<!tpu.dma_semaphore, #tpu.memory_space<semaphore_mem>>
      %dma_start3A_150 = arith.constant 0 : i32
      %dma_start3A_151 = tpu.memref_slice %arg14[%add3A_131, %dma_start3A_150] : memref<10240x128xf32, #tpu.memory_space<vmem_shared>> -> memref<80x128xf32, #tpu.memory_space<vmem_shared>>
      %dma_start3A_152 = arith.constant 0 : i32
      %dma_start3A_153 = tpu.memref_slice %arg14[%add3A_131, %dma_start3A_152] : memref<10240x128xf32, #tpu.memory_space<vmem_shared>> -> memref<80x128xf32, #tpu.memory_space<vmem_shared>>
      tpu.enqueue_dma source(%dma_start3A_153 : memref<80x128xf32, #tpu.memory_space<vmem_shared>>) target(%arg11 : memref<80x128xf32, #tpu.memory_space<vmem>>) target_semaphore(%run_scoped3A : memref<!tpu.dma_semaphore, #tpu.memory_space<semaphore_mem>>)
      %dma_wait3A_154 = arith.constant 0 : i32
      %dma_wait3A_155 = tpu.memref_slice %arg14[%add3A_131, %dma_wait3A_154] : memref<10240x128xf32, #tpu.memory_space<vmem_shared>> -> memref<80x128xf32, #tpu.memory_space<vmem_shared>>
      %dma_wait3A_156 = arith.constant 0 : i32
      %dma_wait3A_157 = tpu.memref_slice %arg14[%add3A_131, %dma_wait3A_156] : memref<10240x128xf32, #tpu.memory_space<vmem_shared>> -> memref<80x128xf32, #tpu.memory_space<vmem_shared>>
      tpu.wait_dma2 semaphore(%run_scoped3A : memref<!tpu.dma_semaphore, #tpu.memory_space<semaphore_mem>>) src(%dma_wait3A_157 : memref<80x128xf32, #tpu.memory_space<vmem_shared>>) dst(%arg11 : memref<80x128xf32, #tpu.memory_space<vmem>>)
      tpu.yield
    }) : () -> ()
    %add3A_132 = arith.constant 240 : i32
    %add3A_133 = arith.addi %multiple_of3A_6, %add3A_132 : i32
    "tpu.region"() ({
      %run_scoped3A = tpu.sem_alloc : memref<!tpu.dma_semaphore, #tpu.memory_space<semaphore_mem>>
      %dma_start3A_150 = arith.constant 0 : i32
      %dma_start3A_151 = tpu.memref_slice %arg6[%add3A_133, %dma_start3A_150] : memref<20480x128xf32, #tpu.memory_space<hbm>> -> memref<80x128xf32, #tpu.memory_space<hbm>>
      %dma_start3A_152 = arith.constant 0 : i32
      %dma_start3A_153 = tpu.memref_slice %arg6[%add3A_133, %dma_start3A_152] : memref<20480x128xf32, #tpu.memory_space<hbm>> -> memref<80x128xf32, #tpu.memory_space<hbm>>
      tpu.enqueue_dma source(%arg11 : memref<80x128xf32, #tpu.memory_space<vmem>>) target(%dma_start3A_153 : memref<80x128xf32, #tpu.memory_space<hbm>>) target_semaphore(%run_scoped3A : memref<!tpu.dma_semaphore, #tpu.memory_space<semaphore_mem>>)
      %dma_wait3A_154 = arith.constant 0 : i32
      %dma_wait3A_155 = tpu.memref_slice %arg6[%add3A_133, %dma_wait3A_154] : memref<20480x128xf32, #tpu.memory_space<hbm>> -> memref<80x128xf32, #tpu.memory_space<hbm>>
      %dma_wait3A_156 = arith.constant 0 : i32
      %dma_wait3A_157 = tpu.memref_slice %arg6[%add3A_133, %dma_wait3A_156] : memref<20480x128xf32, #tpu.memory_space<hbm>> -> memref<80x128xf32, #tpu.memory_space<hbm>>
      tpu.wait_dma2 semaphore(%run_scoped3A : memref<!tpu.dma_semaphore, #tpu.memory_space<semaphore_mem>>) src(%arg11 : memref<80x128xf32, #tpu.memory_space<vmem>>) dst(%dma_wait3A_157 : memref<80x128xf32, #tpu.memory_space<hbm>>)
      tpu.yield
    }) : () -> ()
    %add3A_134 = arith.constant 320 : i32
    %add3A_135 = arith.addi %multiple_of3A, %add3A_134 : i32
    "tpu.region"() ({
      %run_scoped3A = tpu.sem_alloc : memref<!tpu.dma_semaphore, #tpu.memory_space<semaphore_mem>>
      %dma_start3A_150 = arith.constant 0 : i32
      %dma_start3A_151 = tpu.memref_slice %arg14[%add3A_135, %dma_start3A_150] : memref<10240x128xf32, #tpu.memory_space<vmem_shared>> -> memref<80x128xf32, #tpu.memory_space<vmem_shared>>
      %dma_start3A_152 = arith.constant 0 : i32
      %dma_start3A_153 = tpu.memref_slice %arg14[%add3A_135, %dma_start3A_152] : memref<10240x128xf32, #tpu.memory_space<vmem_shared>> -> memref<80x128xf32, #tpu.memory_space<vmem_shared>>
      tpu.enqueue_dma source(%dma_start3A_153 : memref<80x128xf32, #tpu.memory_space<vmem_shared>>) target(%arg11 : memref<80x128xf32, #tpu.memory_space<vmem>>) target_semaphore(%run_scoped3A : memref<!tpu.dma_semaphore, #tpu.memory_space<semaphore_mem>>)
      %dma_wait3A_154 = arith.constant 0 : i32
      %dma_wait3A_155 = tpu.memref_slice %arg14[%add3A_135, %dma_wait3A_154] : memref<10240x128xf32, #tpu.memory_space<vmem_shared>> -> memref<80x128xf32, #tpu.memory_space<vmem_shared>>
      %dma_wait3A_156 = arith.constant 0 : i32
      %dma_wait3A_157 = tpu.memref_slice %arg14[%add3A_135, %dma_wait3A_156] : memref<10240x128xf32, #tpu.memory_space<vmem_shared>> -> memref<80x128xf32, #tpu.memory_space<vmem_shared>>
      tpu.wait_dma2 semaphore(%run_scoped3A : memref<!tpu.dma_semaphore, #tpu.memory_space<semaphore_mem>>) src(%dma_wait3A_157 : memref<80x128xf32, #tpu.memory_space<vmem_shared>>) dst(%arg11 : memref<80x128xf32, #tpu.memory_space<vmem>>)
      tpu.yield
    }) : () -> ()
    %add3A_136 = arith.constant 320 : i32
    %add3A_137 = arith.addi %multiple_of3A_6, %add3A_136 : i32
    "tpu.region"() ({
      %run_scoped3A = tpu.sem_alloc : memref<!tpu.dma_semaphore, #tpu.memory_space<semaphore_mem>>
      %dma_start3A_150 = arith.constant 0 : i32
      %dma_start3A_151 = tpu.memref_slice %arg6[%add3A_137, %dma_start3A_150] : memref<20480x128xf32, #tpu.memory_space<hbm>> -> memref<80x128xf32, #tpu.memory_space<hbm>>
      %dma_start3A_152 = arith.constant 0 : i32
      %dma_start3A_153 = tpu.memref_slice %arg6[%add3A_137, %dma_start3A_152] : memref<20480x128xf32, #tpu.memory_space<hbm>> -> memref<80x128xf32, #tpu.memory_space<hbm>>
      tpu.enqueue_dma source(%arg11 : memref<80x128xf32, #tpu.memory_space<vmem>>) target(%dma_start3A_153 : memref<80x128xf32, #tpu.memory_space<hbm>>) target_semaphore(%run_scoped3A : memref<!tpu.dma_semaphore, #tpu.memory_space<semaphore_mem>>)
      %dma_wait3A_154 = arith.constant 0 : i32
      %dma_wait3A_155 = tpu.memref_slice %arg6[%add3A_137, %dma_wait3A_154] : memref<20480x128xf32, #tpu.memory_space<hbm>> -> memref<80x128xf32, #tpu.memory_space<hbm>>
      %dma_wait3A_156 = arith.constant 0 : i32
      %dma_wait3A_157 = tpu.memref_slice %arg6[%add3A_137, %dma_wait3A_156] : memref<20480x128xf32, #tpu.memory_space<hbm>> -> memref<80x128xf32, #tpu.memory_space<hbm>>
      tpu.wait_dma2 semaphore(%run_scoped3A : memref<!tpu.dma_semaphore, #tpu.memory_space<semaphore_mem>>) src(%arg11 : memref<80x128xf32, #tpu.memory_space<vmem>>) dst(%dma_wait3A_157 : memref<80x128xf32, #tpu.memory_space<hbm>>)
      tpu.yield
    }) : () -> ()
    %add3A_138 = arith.constant 400 : i32
    %add3A_139 = arith.addi %multiple_of3A, %add3A_138 : i32
    "tpu.region"() ({
      %run_scoped3A = tpu.sem_alloc : memref<!tpu.dma_semaphore, #tpu.memory_space<semaphore_mem>>
      %dma_start3A_150 = arith.constant 0 : i32
      %dma_start3A_151 = tpu.memref_slice %arg14[%add3A_139, %dma_start3A_150] : memref<10240x128xf32, #tpu.memory_space<vmem_shared>> -> memref<80x128xf32, #tpu.memory_space<vmem_shared>>
      %dma_start3A_152 = arith.constant 0 : i32
      %dma_start3A_153 = tpu.memref_slice %arg14[%add3A_139, %dma_start3A_152] : memref<10240x128xf32, #tpu.memory_space<vmem_shared>> -> memref<80x128xf32, #tpu.memory_space<vmem_shared>>
      tpu.enqueue_dma source(%dma_start3A_153 : memref<80x128xf32, #tpu.memory_space<vmem_shared>>) target(%arg11 : memref<80x128xf32, #tpu.memory_space<vmem>>) target_semaphore(%run_scoped3A : memref<!tpu.dma_semaphore, #tpu.memory_space<semaphore_mem>>)
      %dma_wait3A_154 = arith.constant 0 : i32
      %dma_wait3A_155 = tpu.memref_slice %arg14[%add3A_139, %dma_wait3A_154] : memref<10240x128xf32, #tpu.memory_space<vmem_shared>> -> memref<80x128xf32, #tpu.memory_space<vmem_shared>>
      %dma_wait3A_156 = arith.constant 0 : i32
      %dma_wait3A_157 = tpu.memref_slice %arg14[%add3A_139, %dma_wait3A_156] : memref<10240x128xf32, #tpu.memory_space<vmem_shared>> -> memref<80x128xf32, #tpu.memory_space<vmem_shared>>
      tpu.wait_dma2 semaphore(%run_scoped3A : memref<!tpu.dma_semaphore, #tpu.memory_space<semaphore_mem>>) src(%dma_wait3A_157 : memref<80x128xf32, #tpu.memory_space<vmem_shared>>) dst(%arg11 : memref<80x128xf32, #tpu.memory_space<vmem>>)
      tpu.yield
    }) : () -> ()
    %add3A_140 = arith.constant 400 : i32
    %add3A_141 = arith.addi %multiple_of3A_6, %add3A_140 : i32
    "tpu.region"() ({
      %run_scoped3A = tpu.sem_alloc : memref<!tpu.dma_semaphore, #tpu.memory_space<semaphore_mem>>
      %dma_start3A_150 = arith.constant 0 : i32
      %dma_start3A_151 = tpu.memref_slice %arg6[%add3A_141, %dma_start3A_150] : memref<20480x128xf32, #tpu.memory_space<hbm>> -> memref<80x128xf32, #tpu.memory_space<hbm>>
      %dma_start3A_152 = arith.constant 0 : i32
      %dma_start3A_153 = tpu.memref_slice %arg6[%add3A_141, %dma_start3A_152] : memref<20480x128xf32, #tpu.memory_space<hbm>> -> memref<80x128xf32, #tpu.memory_space<hbm>>
      tpu.enqueue_dma source(%arg11 : memref<80x128xf32, #tpu.memory_space<vmem>>) target(%dma_start3A_153 : memref<80x128xf32, #tpu.memory_space<hbm>>) target_semaphore(%run_scoped3A : memref<!tpu.dma_semaphore, #tpu.memory_space<semaphore_mem>>)
      %dma_wait3A_154 = arith.constant 0 : i32
      %dma_wait3A_155 = tpu.memref_slice %arg6[%add3A_141, %dma_wait3A_154] : memref<20480x128xf32, #tpu.memory_space<hbm>> -> memref<80x128xf32, #tpu.memory_space<hbm>>
      %dma_wait3A_156 = arith.constant 0 : i32
      %dma_wait3A_157 = tpu.memref_slice %arg6[%add3A_141, %dma_wait3A_156] : memref<20480x128xf32, #tpu.memory_space<hbm>> -> memref<80x128xf32, #tpu.memory_space<hbm>>
      tpu.wait_dma2 semaphore(%run_scoped3A : memref<!tpu.dma_semaphore, #tpu.memory_space<semaphore_mem>>) src(%arg11 : memref<80x128xf32, #tpu.memory_space<vmem>>) dst(%dma_wait3A_157 : memref<80x128xf32, #tpu.memory_space<hbm>>)
      tpu.yield
    }) : () -> ()
    %add3A_142 = arith.constant 480 : i32
    %add3A_143 = arith.addi %multiple_of3A, %add3A_142 : i32
    "tpu.region"() ({
      %run_scoped3A = tpu.sem_alloc : memref<!tpu.dma_semaphore, #tpu.memory_space<semaphore_mem>>
      %dma_start3A_150 = arith.constant 0 : i32
      %dma_start3A_151 = tpu.memref_slice %arg14[%add3A_143, %dma_start3A_150] : memref<10240x128xf32, #tpu.memory_space<vmem_shared>> -> memref<80x128xf32, #tpu.memory_space<vmem_shared>>
      %dma_start3A_152 = arith.constant 0 : i32
      %dma_start3A_153 = tpu.memref_slice %arg14[%add3A_143, %dma_start3A_152] : memref<10240x128xf32, #tpu.memory_space<vmem_shared>> -> memref<80x128xf32, #tpu.memory_space<vmem_shared>>
      tpu.enqueue_dma source(%dma_start3A_153 : memref<80x128xf32, #tpu.memory_space<vmem_shared>>) target(%arg11 : memref<80x128xf32, #tpu.memory_space<vmem>>) target_semaphore(%run_scoped3A : memref<!tpu.dma_semaphore, #tpu.memory_space<semaphore_mem>>)
      %dma_wait3A_154 = arith.constant 0 : i32
      %dma_wait3A_155 = tpu.memref_slice %arg14[%add3A_143, %dma_wait3A_154] : memref<10240x128xf32, #tpu.memory_space<vmem_shared>> -> memref<80x128xf32, #tpu.memory_space<vmem_shared>>
      %dma_wait3A_156 = arith.constant 0 : i32
      %dma_wait3A_157 = tpu.memref_slice %arg14[%add3A_143, %dma_wait3A_156] : memref<10240x128xf32, #tpu.memory_space<vmem_shared>> -> memref<80x128xf32, #tpu.memory_space<vmem_shared>>
      tpu.wait_dma2 semaphore(%run_scoped3A : memref<!tpu.dma_semaphore, #tpu.memory_space<semaphore_mem>>) src(%dma_wait3A_157 : memref<80x128xf32, #tpu.memory_space<vmem_shared>>) dst(%arg11 : memref<80x128xf32, #tpu.memory_space<vmem>>)
      tpu.yield
    }) : () -> ()
    %add3A_144 = arith.constant 480 : i32
    %add3A_145 = arith.addi %multiple_of3A_6, %add3A_144 : i32
    "tpu.region"() ({
      %run_scoped3A = tpu.sem_alloc : memref<!tpu.dma_semaphore, #tpu.memory_space<semaphore_mem>>
      %dma_start3A_150 = arith.constant 0 : i32
      %dma_start3A_151 = tpu.memref_slice %arg6[%add3A_145, %dma_start3A_150] : memref<20480x128xf32, #tpu.memory_space<hbm>> -> memref<80x128xf32, #tpu.memory_space<hbm>>
      %dma_start3A_152 = arith.constant 0 : i32
      %dma_start3A_153 = tpu.memref_slice %arg6[%add3A_145, %dma_start3A_152] : memref<20480x128xf32, #tpu.memory_space<hbm>> -> memref<80x128xf32, #tpu.memory_space<hbm>>
      tpu.enqueue_dma source(%arg11 : memref<80x128xf32, #tpu.memory_space<vmem>>) target(%dma_start3A_153 : memref<80x128xf32, #tpu.memory_space<hbm>>) target_semaphore(%run_scoped3A : memref<!tpu.dma_semaphore, #tpu.memory_space<semaphore_mem>>)
      %dma_wait3A_154 = arith.constant 0 : i32
      %dma_wait3A_155 = tpu.memref_slice %arg6[%add3A_145, %dma_wait3A_154] : memref<20480x128xf32, #tpu.memory_space<hbm>> -> memref<80x128xf32, #tpu.memory_space<hbm>>
      %dma_wait3A_156 = arith.constant 0 : i32
      %dma_wait3A_157 = tpu.memref_slice %arg6[%add3A_145, %dma_wait3A_156] : memref<20480x128xf32, #tpu.memory_space<hbm>> -> memref<80x128xf32, #tpu.memory_space<hbm>>
      tpu.wait_dma2 semaphore(%run_scoped3A : memref<!tpu.dma_semaphore, #tpu.memory_space<semaphore_mem>>) src(%arg11 : memref<80x128xf32, #tpu.memory_space<vmem>>) dst(%dma_wait3A_157 : memref<80x128xf32, #tpu.memory_space<hbm>>)
      tpu.yield
    }) : () -> ()
    %add3A_146 = arith.constant 560 : i32
    %add3A_147 = arith.addi %multiple_of3A, %add3A_146 : i32
    "tpu.region"() ({
      %run_scoped3A = tpu.sem_alloc : memref<!tpu.dma_semaphore, #tpu.memory_space<semaphore_mem>>
      %dma_start3A_150 = arith.constant 0 : i32
      %dma_start3A_151 = tpu.memref_slice %arg14[%add3A_147, %dma_start3A_150] : memref<10240x128xf32, #tpu.memory_space<vmem_shared>> -> memref<80x128xf32, #tpu.memory_space<vmem_shared>>
      %dma_start3A_152 = arith.constant 0 : i32
      %dma_start3A_153 = tpu.memref_slice %arg14[%add3A_147, %dma_start3A_152] : memref<10240x128xf32, #tpu.memory_space<vmem_shared>> -> memref<80x128xf32, #tpu.memory_space<vmem_shared>>
      tpu.enqueue_dma source(%dma_start3A_153 : memref<80x128xf32, #tpu.memory_space<vmem_shared>>) target(%arg11 : memref<80x128xf32, #tpu.memory_space<vmem>>) target_semaphore(%run_scoped3A : memref<!tpu.dma_semaphore, #tpu.memory_space<semaphore_mem>>)
      %dma_wait3A_154 = arith.constant 0 : i32
      %dma_wait3A_155 = tpu.memref_slice %arg14[%add3A_147, %dma_wait3A_154] : memref<10240x128xf32, #tpu.memory_space<vmem_shared>> -> memref<80x128xf32, #tpu.memory_space<vmem_shared>>
      %dma_wait3A_156 = arith.constant 0 : i32
      %dma_wait3A_157 = tpu.memref_slice %arg14[%add3A_147, %dma_wait3A_156] : memref<10240x128xf32, #tpu.memory_space<vmem_shared>> -> memref<80x128xf32, #tpu.memory_space<vmem_shared>>
      tpu.wait_dma2 semaphore(%run_scoped3A : memref<!tpu.dma_semaphore, #tpu.memory_space<semaphore_mem>>) src(%dma_wait3A_157 : memref<80x128xf32, #tpu.memory_space<vmem_shared>>) dst(%arg11 : memref<80x128xf32, #tpu.memory_space<vmem>>)
      tpu.yield
    }) : () -> ()
    %add3A_148 = arith.constant 560 : i32
    %add3A_149 = arith.addi %multiple_of3A_6, %add3A_148 : i32
    "tpu.region"() ({
      %run_scoped3A = tpu.sem_alloc : memref<!tpu.dma_semaphore, #tpu.memory_space<semaphore_mem>>
      %dma_start3A_150 = arith.constant 0 : i32
      %dma_start3A_151 = tpu.memref_slice %arg6[%add3A_149, %dma_start3A_150] : memref<20480x128xf32, #tpu.memory_space<hbm>> -> memref<80x128xf32, #tpu.memory_space<hbm>>
      %dma_start3A_152 = arith.constant 0 : i32
      %dma_start3A_153 = tpu.memref_slice %arg6[%add3A_149, %dma_start3A_152] : memref<20480x128xf32, #tpu.memory_space<hbm>> -> memref<80x128xf32, #tpu.memory_space<hbm>>
      tpu.enqueue_dma source(%arg11 : memref<80x128xf32, #tpu.memory_space<vmem>>) target(%dma_start3A_153 : memref<80x128xf32, #tpu.memory_space<hbm>>) target_semaphore(%run_scoped3A : memref<!tpu.dma_semaphore, #tpu.memory_space<semaphore_mem>>)
      %dma_wait3A_154 = arith.constant 0 : i32
      %dma_wait3A_155 = tpu.memref_slice %arg6[%add3A_149, %dma_wait3A_154] : memref<20480x128xf32, #tpu.memory_space<hbm>> -> memref<80x128xf32, #tpu.memory_space<hbm>>
      %dma_wait3A_156 = arith.constant 0 : i32
      %dma_wait3A_157 = tpu.memref_slice %arg6[%add3A_149, %dma_wait3A_156] : memref<20480x128xf32, #tpu.memory_space<hbm>> -> memref<80x128xf32, #tpu.memory_space<hbm>>
      tpu.wait_dma2 semaphore(%run_scoped3A : memref<!tpu.dma_semaphore, #tpu.memory_space<semaphore_mem>>) src(%arg11 : memref<80x128xf32, #tpu.memory_space<vmem>>) dst(%dma_wait3A_157 : memref<80x128xf32, #tpu.memory_space<hbm>>)
      tpu.yield
    }) : () -> ()
    return
  }
}

#map = affine_map<(d0, d1) -> (0, 0)>
#map1 = affine_map<(d0, d1) -> (0)>
module attributes {stable_mosaic.version = 14 : i64} {
  func.func @sc_agg(%arg0: i32, %arg1: i32, %arg2: memref<10000x128xf32, #tpu.memory_space<hbm>>, %arg3: memref<320000xi32, #tpu.memory_space<hbm>>, %arg4: memref<320000xi32, #tpu.memory_space<hbm>>, %arg5: memref<80x128xf32, #tpu.memory_space<hbm>>, %arg6: memref<20480x128xf32, #tpu.memory_space<hbm>>, %arg7: memref<10000xi32, #tpu.memory_space<vmem>>, %arg8: memref<80xi32, #tpu.memory_space<vmem>>, %arg9: memref<80xi32, #tpu.memory_space<vmem>>, %arg10: memref<80xi32, #tpu.memory_space<vmem>>, %arg11: memref<80x128xf32, #tpu.memory_space<vmem>>, %arg12: memref<80x128xf32, #tpu.memory_space<vmem>>, %arg13: memref<80x128xf32, #tpu.memory_space<vmem>>, %arg14: memref<10240x128xf32, #tpu.memory_space<vmem_shared>>, %arg15: memref<!tpu.dma_semaphore, #tpu.memory_space<semaphore_mem>>, %arg16: memref<!tpu.dma_semaphore, #tpu.memory_space<semaphore_mem>>, %arg17: memref<!tpu.dma_semaphore, #tpu.memory_space<semaphore_mem>>, %arg18: memref<!tpu.dma_semaphore, #tpu.memory_space<semaphore_mem>>, %arg19: memref<!tpu.dma_semaphore, #tpu.memory_space<semaphore_mem>>, %arg20: memref<!tpu.dma_semaphore, #tpu.memory_space<semaphore_mem>>) attributes {dimension_semantics = [#tpu.dimension_semantics<core_parallel>, #tpu.dimension_semantics<subcore_parallel>], iteration_bounds = array<i64: 2, 16>, scalar_prefetch = 0 : i64, scratch_operands = 14 : i64, tpu.core_type = #tpu.core_type<sc_vector_subcore>, window_params = [{transform_indices = #map}, {transform_indices = #map1}, {transform_indices = #map1}, {transform_indices = #map}, {transform_indices = #map}]} {
    %mul3A = arith.constant 2 : i32
    %mul3A_0 = arith.muli %arg1, %mul3A : i32
    %add3A = arith.addi %mul3A_0, %arg0 : i32
    %mul3A_1 = arith.constant 640 : i32
    %mul3A_2 = arith.muli %arg1, %mul3A_1 : i32
    %multiple_of3A = tpu.assume_multiple %mul3A_2, 8 : i32
    %mul3A_3 = arith.constant 10240 : i32
    %mul3A_4 = arith.muli %arg0, %mul3A_3 : i32
    %add3A_5 = arith.addi %mul3A_4, %multiple_of3A : i32
    %multiple_of3A_6 = tpu.assume_multiple %add3A_5, 8 : i32
    %mul3A_7 = arith.constant 10000 : i32
    %mul3A_8 = arith.muli %add3A, %mul3A_7 : i32
    "tpu.region"() ({
      %run_scoped3A = tpu.sem_alloc : memref<!tpu.dma_semaphore, #tpu.memory_space<semaphore_mem>>
      tpu.enqueue_dma source(%arg5 : memref<80x128xf32, #tpu.memory_space<hbm>>) target(%arg11 : memref<80x128xf32, #tpu.memory_space<vmem>>) target_semaphore(%run_scoped3A : memref<!tpu.dma_semaphore, #tpu.memory_space<semaphore_mem>>)
      tpu.wait_dma2 semaphore(%run_scoped3A : memref<!tpu.dma_semaphore, #tpu.memory_space<semaphore_mem>>) src(%arg5 : memref<80x128xf32, #tpu.memory_space<hbm>>) dst(%arg11 : memref<80x128xf32, #tpu.memory_space<vmem>>)
      tpu.yield
    }) : () -> ()
    %add3A_9 = arith.constant 0 : i32
    %add3A_10 = arith.addi %multiple_of3A, %add3A_9 : i32
    "tpu.region"() ({
      %run_scoped3A = tpu.sem_alloc : memref<!tpu.dma_semaphore, #tpu.memory_space<semaphore_mem>>
      %dma_start3A_150 = arith.constant 0 : i32
      %dma_start3A_151 = tpu.memref_slice %arg14[%add3A_10, %dma_start3A_150] : memref<10240x128xf32, #tpu.memory_space<vmem_shared>> -> memref<80x128xf32, #tpu.memory_space<vmem_shared>>
      %dma_start3A_152 = arith.constant 0 : i32
      %dma_start3A_153 = tpu.memref_slice %arg14[%add3A_10, %dma_start3A_152] : memref<10240x128xf32, #tpu.memory_space<vmem_shared>> -> memref<80x128xf32, #tpu.memory_space<vmem_shared>>
      tpu.enqueue_dma source(%arg11 : memref<80x128xf32, #tpu.memory_space<vmem>>) target(%dma_start3A_153 : memref<80x128xf32, #tpu.memory_space<vmem_shared>>) target_semaphore(%run_scoped3A : memref<!tpu.dma_semaphore, #tpu.memory_space<semaphore_mem>>)
      %dma_wait3A_154 = arith.constant 0 : i32
      %dma_wait3A_155 = tpu.memref_slice %arg14[%add3A_10, %dma_wait3A_154] : memref<10240x128xf32, #tpu.memory_space<vmem_shared>> -> memref<80x128xf32, #tpu.memory_space<vmem_shared>>
      %dma_wait3A_156 = arith.constant 0 : i32
      %dma_wait3A_157 = tpu.memref_slice %arg14[%add3A_10, %dma_wait3A_156] : memref<10240x128xf32, #tpu.memory_space<vmem_shared>> -> memref<80x128xf32, #tpu.memory_space<vmem_shared>>
      tpu.wait_dma2 semaphore(%run_scoped3A : memref<!tpu.dma_semaphore, #tpu.memory_space<semaphore_mem>>) src(%arg11 : memref<80x128xf32, #tpu.memory_space<vmem>>) dst(%dma_wait3A_157 : memref<80x128xf32, #tpu.memory_space<vmem_shared>>)
      tpu.yield
    }) : () -> ()
    %add3A_11 = arith.constant 80 : i32
    %add3A_12 = arith.addi %multiple_of3A, %add3A_11 : i32
    "tpu.region"() ({
      %run_scoped3A = tpu.sem_alloc : memref<!tpu.dma_semaphore, #tpu.memory_space<semaphore_mem>>
      %dma_start3A_150 = arith.constant 0 : i32
      %dma_start3A_151 = tpu.memref_slice %arg14[%add3A_12, %dma_start3A_150] : memref<10240x128xf32, #tpu.memory_space<vmem_shared>> -> memref<80x128xf32, #tpu.memory_space<vmem_shared>>
      %dma_start3A_152 = arith.constant 0 : i32
      %dma_start3A_153 = tpu.memref_slice %arg14[%add3A_12, %dma_start3A_152] : memref<10240x128xf32, #tpu.memory_space<vmem_shared>> -> memref<80x128xf32, #tpu.memory_space<vmem_shared>>
      tpu.enqueue_dma source(%arg11 : memref<80x128xf32, #tpu.memory_space<vmem>>) target(%dma_start3A_153 : memref<80x128xf32, #tpu.memory_space<vmem_shared>>) target_semaphore(%run_scoped3A : memref<!tpu.dma_semaphore, #tpu.memory_space<semaphore_mem>>)
      %dma_wait3A_154 = arith.constant 0 : i32
      %dma_wait3A_155 = tpu.memref_slice %arg14[%add3A_12, %dma_wait3A_154] : memref<10240x128xf32, #tpu.memory_space<vmem_shared>> -> memref<80x128xf32, #tpu.memory_space<vmem_shared>>
      %dma_wait3A_156 = arith.constant 0 : i32
      %dma_wait3A_157 = tpu.memref_slice %arg14[%add3A_12, %dma_wait3A_156] : memref<10240x128xf32, #tpu.memory_space<vmem_shared>> -> memref<80x128xf32, #tpu.memory_space<vmem_shared>>
      tpu.wait_dma2 semaphore(%run_scoped3A : memref<!tpu.dma_semaphore, #tpu.memory_space<semaphore_mem>>) src(%arg11 : memref<80x128xf32, #tpu.memory_space<vmem>>) dst(%dma_wait3A_157 : memref<80x128xf32, #tpu.memory_space<vmem_shared>>)
      tpu.yield
    }) : () -> ()
    %add3A_13 = arith.constant 160 : i32
    %add3A_14 = arith.addi %multiple_of3A, %add3A_13 : i32
    "tpu.region"() ({
      %run_scoped3A = tpu.sem_alloc : memref<!tpu.dma_semaphore, #tpu.memory_space<semaphore_mem>>
      %dma_start3A_150 = arith.constant 0 : i32
      %dma_start3A_151 = tpu.memref_slice %arg14[%add3A_14, %dma_start3A_150] : memref<10240x128xf32, #tpu.memory_space<vmem_shared>> -> memref<80x128xf32, #tpu.memory_space<vmem_shared>>
      %dma_start3A_152 = arith.constant 0 : i32
      %dma_start3A_153 = tpu.memref_slice %arg14[%add3A_14, %dma_start3A_152] : memref<10240x128xf32, #tpu.memory_space<vmem_shared>> -> memref<80x128xf32, #tpu.memory_space<vmem_shared>>
      tpu.enqueue_dma source(%arg11 : memref<80x128xf32, #tpu.memory_space<vmem>>) target(%dma_start3A_153 : memref<80x128xf32, #tpu.memory_space<vmem_shared>>) target_semaphore(%run_scoped3A : memref<!tpu.dma_semaphore, #tpu.memory_space<semaphore_mem>>)
      %dma_wait3A_154 = arith.constant 0 : i32
      %dma_wait3A_155 = tpu.memref_slice %arg14[%add3A_14, %dma_wait3A_154] : memref<10240x128xf32, #tpu.memory_space<vmem_shared>> -> memref<80x128xf32, #tpu.memory_space<vmem_shared>>
      %dma_wait3A_156 = arith.constant 0 : i32
      %dma_wait3A_157 = tpu.memref_slice %arg14[%add3A_14, %dma_wait3A_156] : memref<10240x128xf32, #tpu.memory_space<vmem_shared>> -> memref<80x128xf32, #tpu.memory_space<vmem_shared>>
      tpu.wait_dma2 semaphore(%run_scoped3A : memref<!tpu.dma_semaphore, #tpu.memory_space<semaphore_mem>>) src(%arg11 : memref<80x128xf32, #tpu.memory_space<vmem>>) dst(%dma_wait3A_157 : memref<80x128xf32, #tpu.memory_space<vmem_shared>>)
      tpu.yield
    }) : () -> ()
    %add3A_15 = arith.constant 240 : i32
    %add3A_16 = arith.addi %multiple_of3A, %add3A_15 : i32
    "tpu.region"() ({
      %run_scoped3A = tpu.sem_alloc : memref<!tpu.dma_semaphore, #tpu.memory_space<semaphore_mem>>
      %dma_start3A_150 = arith.constant 0 : i32
      %dma_start3A_151 = tpu.memref_slice %arg14[%add3A_16, %dma_start3A_150] : memref<10240x128xf32, #tpu.memory_space<vmem_shared>> -> memref<80x128xf32, #tpu.memory_space<vmem_shared>>
      %dma_start3A_152 = arith.constant 0 : i32
      %dma_start3A_153 = tpu.memref_slice %arg14[%add3A_16, %dma_start3A_152] : memref<10240x128xf32, #tpu.memory_space<vmem_shared>> -> memref<80x128xf32, #tpu.memory_space<vmem_shared>>
      tpu.enqueue_dma source(%arg11 : memref<80x128xf32, #tpu.memory_space<vmem>>) target(%dma_start3A_153 : memref<80x128xf32, #tpu.memory_space<vmem_shared>>) target_semaphore(%run_scoped3A : memref<!tpu.dma_semaphore, #tpu.memory_space<semaphore_mem>>)
      %dma_wait3A_154 = arith.constant 0 : i32
      %dma_wait3A_155 = tpu.memref_slice %arg14[%add3A_16, %dma_wait3A_154] : memref<10240x128xf32, #tpu.memory_space<vmem_shared>> -> memref<80x128xf32, #tpu.memory_space<vmem_shared>>
      %dma_wait3A_156 = arith.constant 0 : i32
      %dma_wait3A_157 = tpu.memref_slice %arg14[%add3A_16, %dma_wait3A_156] : memref<10240x128xf32, #tpu.memory_space<vmem_shared>> -> memref<80x128xf32, #tpu.memory_space<vmem_shared>>
      tpu.wait_dma2 semaphore(%run_scoped3A : memref<!tpu.dma_semaphore, #tpu.memory_space<semaphore_mem>>) src(%arg11 : memref<80x128xf32, #tpu.memory_space<vmem>>) dst(%dma_wait3A_157 : memref<80x128xf32, #tpu.memory_space<vmem_shared>>)
      tpu.yield
    }) : () -> ()
    %add3A_17 = arith.constant 320 : i32
    %add3A_18 = arith.addi %multiple_of3A, %add3A_17 : i32
    "tpu.region"() ({
      %run_scoped3A = tpu.sem_alloc : memref<!tpu.dma_semaphore, #tpu.memory_space<semaphore_mem>>
      %dma_start3A_150 = arith.constant 0 : i32
      %dma_start3A_151 = tpu.memref_slice %arg14[%add3A_18, %dma_start3A_150] : memref<10240x128xf32, #tpu.memory_space<vmem_shared>> -> memref<80x128xf32, #tpu.memory_space<vmem_shared>>
      %dma_start3A_152 = arith.constant 0 : i32
      %dma_start3A_153 = tpu.memref_slice %arg14[%add3A_18, %dma_start3A_152] : memref<10240x128xf32, #tpu.memory_space<vmem_shared>> -> memref<80x128xf32, #tpu.memory_space<vmem_shared>>
      tpu.enqueue_dma source(%arg11 : memref<80x128xf32, #tpu.memory_space<vmem>>) target(%dma_start3A_153 : memref<80x128xf32, #tpu.memory_space<vmem_shared>>) target_semaphore(%run_scoped3A : memref<!tpu.dma_semaphore, #tpu.memory_space<semaphore_mem>>)
      %dma_wait3A_154 = arith.constant 0 : i32
      %dma_wait3A_155 = tpu.memref_slice %arg14[%add3A_18, %dma_wait3A_154] : memref<10240x128xf32, #tpu.memory_space<vmem_shared>> -> memref<80x128xf32, #tpu.memory_space<vmem_shared>>
      %dma_wait3A_156 = arith.constant 0 : i32
      %dma_wait3A_157 = tpu.memref_slice %arg14[%add3A_18, %dma_wait3A_156] : memref<10240x128xf32, #tpu.memory_space<vmem_shared>> -> memref<80x128xf32, #tpu.memory_space<vmem_shared>>
      tpu.wait_dma2 semaphore(%run_scoped3A : memref<!tpu.dma_semaphore, #tpu.memory_space<semaphore_mem>>) src(%arg11 : memref<80x128xf32, #tpu.memory_space<vmem>>) dst(%dma_wait3A_157 : memref<80x128xf32, #tpu.memory_space<vmem_shared>>)
      tpu.yield
    }) : () -> ()
    %add3A_19 = arith.constant 400 : i32
    %add3A_20 = arith.addi %multiple_of3A, %add3A_19 : i32
    "tpu.region"() ({
      %run_scoped3A = tpu.sem_alloc : memref<!tpu.dma_semaphore, #tpu.memory_space<semaphore_mem>>
      %dma_start3A_150 = arith.constant 0 : i32
      %dma_start3A_151 = tpu.memref_slice %arg14[%add3A_20, %dma_start3A_150] : memref<10240x128xf32, #tpu.memory_space<vmem_shared>> -> memref<80x128xf32, #tpu.memory_space<vmem_shared>>
      %dma_start3A_152 = arith.constant 0 : i32
      %dma_start3A_153 = tpu.memref_slice %arg14[%add3A_20, %dma_start3A_152] : memref<10240x128xf32, #tpu.memory_space<vmem_shared>> -> memref<80x128xf32, #tpu.memory_space<vmem_shared>>
      tpu.enqueue_dma source(%arg11 : memref<80x128xf32, #tpu.memory_space<vmem>>) target(%dma_start3A_153 : memref<80x128xf32, #tpu.memory_space<vmem_shared>>) target_semaphore(%run_scoped3A : memref<!tpu.dma_semaphore, #tpu.memory_space<semaphore_mem>>)
      %dma_wait3A_154 = arith.constant 0 : i32
      %dma_wait3A_155 = tpu.memref_slice %arg14[%add3A_20, %dma_wait3A_154] : memref<10240x128xf32, #tpu.memory_space<vmem_shared>> -> memref<80x128xf32, #tpu.memory_space<vmem_shared>>
      %dma_wait3A_156 = arith.constant 0 : i32
      %dma_wait3A_157 = tpu.memref_slice %arg14[%add3A_20, %dma_wait3A_156] : memref<10240x128xf32, #tpu.memory_space<vmem_shared>> -> memref<80x128xf32, #tpu.memory_space<vmem_shared>>
      tpu.wait_dma2 semaphore(%run_scoped3A : memref<!tpu.dma_semaphore, #tpu.memory_space<semaphore_mem>>) src(%arg11 : memref<80x128xf32, #tpu.memory_space<vmem>>) dst(%dma_wait3A_157 : memref<80x128xf32, #tpu.memory_space<vmem_shared>>)
      tpu.yield
    }) : () -> ()
    %add3A_21 = arith.constant 480 : i32
    %add3A_22 = arith.addi %multiple_of3A, %add3A_21 : i32
    "tpu.region"() ({
      %run_scoped3A = tpu.sem_alloc : memref<!tpu.dma_semaphore, #tpu.memory_space<semaphore_mem>>
      %dma_start3A_150 = arith.constant 0 : i32
      %dma_start3A_151 = tpu.memref_slice %arg14[%add3A_22, %dma_start3A_150] : memref<10240x128xf32, #tpu.memory_space<vmem_shared>> -> memref<80x128xf32, #tpu.memory_space<vmem_shared>>
      %dma_start3A_152 = arith.constant 0 : i32
      %dma_start3A_153 = tpu.memref_slice %arg14[%add3A_22, %dma_start3A_152] : memref<10240x128xf32, #tpu.memory_space<vmem_shared>> -> memref<80x128xf32, #tpu.memory_space<vmem_shared>>
      tpu.enqueue_dma source(%arg11 : memref<80x128xf32, #tpu.memory_space<vmem>>) target(%dma_start3A_153 : memref<80x128xf32, #tpu.memory_space<vmem_shared>>) target_semaphore(%run_scoped3A : memref<!tpu.dma_semaphore, #tpu.memory_space<semaphore_mem>>)
      %dma_wait3A_154 = arith.constant 0 : i32
      %dma_wait3A_155 = tpu.memref_slice %arg14[%add3A_22, %dma_wait3A_154] : memref<10240x128xf32, #tpu.memory_space<vmem_shared>> -> memref<80x128xf32, #tpu.memory_space<vmem_shared>>
      %dma_wait3A_156 = arith.constant 0 : i32
      %dma_wait3A_157 = tpu.memref_slice %arg14[%add3A_22, %dma_wait3A_156] : memref<10240x128xf32, #tpu.memory_space<vmem_shared>> -> memref<80x128xf32, #tpu.memory_space<vmem_shared>>
      tpu.wait_dma2 semaphore(%run_scoped3A : memref<!tpu.dma_semaphore, #tpu.memory_space<semaphore_mem>>) src(%arg11 : memref<80x128xf32, #tpu.memory_space<vmem>>) dst(%dma_wait3A_157 : memref<80x128xf32, #tpu.memory_space<vmem_shared>>)
      tpu.yield
    }) : () -> ()
    %add3A_23 = arith.constant 560 : i32
    %add3A_24 = arith.addi %multiple_of3A, %add3A_23 : i32
    "tpu.region"() ({
      %run_scoped3A = tpu.sem_alloc : memref<!tpu.dma_semaphore, #tpu.memory_space<semaphore_mem>>
      %dma_start3A_150 = arith.constant 0 : i32
      %dma_start3A_151 = tpu.memref_slice %arg14[%add3A_24, %dma_start3A_150] : memref<10240x128xf32, #tpu.memory_space<vmem_shared>> -> memref<80x128xf32, #tpu.memory_space<vmem_shared>>
      %dma_start3A_152 = arith.constant 0 : i32
      %dma_start3A_153 = tpu.memref_slice %arg14[%add3A_24, %dma_start3A_152] : memref<10240x128xf32, #tpu.memory_space<vmem_shared>> -> memref<80x128xf32, #tpu.memory_space<vmem_shared>>
      tpu.enqueue_dma source(%arg11 : memref<80x128xf32, #tpu.memory_space<vmem>>) target(%dma_start3A_153 : memref<80x128xf32, #tpu.memory_space<vmem_shared>>) target_semaphore(%run_scoped3A : memref<!tpu.dma_semaphore, #tpu.memory_space<semaphore_mem>>)
      %dma_wait3A_154 = arith.constant 0 : i32
      %dma_wait3A_155 = tpu.memref_slice %arg14[%add3A_24, %dma_wait3A_154] : memref<10240x128xf32, #tpu.memory_space<vmem_shared>> -> memref<80x128xf32, #tpu.memory_space<vmem_shared>>
      %dma_wait3A_156 = arith.constant 0 : i32
      %dma_wait3A_157 = tpu.memref_slice %arg14[%add3A_24, %dma_wait3A_156] : memref<10240x128xf32, #tpu.memory_space<vmem_shared>> -> memref<80x128xf32, #tpu.memory_space<vmem_shared>>
      tpu.wait_dma2 semaphore(%run_scoped3A : memref<!tpu.dma_semaphore, #tpu.memory_space<semaphore_mem>>) src(%arg11 : memref<80x128xf32, #tpu.memory_space<vmem>>) dst(%dma_wait3A_157 : memref<80x128xf32, #tpu.memory_space<vmem_shared>>)
      tpu.yield
    }) : () -> ()
    "tpu.region"() ({
      %run_scoped3A = tpu.sem_alloc : memref<!tpu.dma_semaphore, #tpu.memory_space<semaphore_mem>>
      %dma_start3A_150 = tpu.memref_slice %arg3[%mul3A_8] : memref<320000xi32, #tpu.memory_space<hbm>> -> memref<10000xi32, #tpu.memory_space<hbm>>
      %dma_start3A_151 = tpu.memref_slice %arg3[%mul3A_8] : memref<320000xi32, #tpu.memory_space<hbm>> -> memref<10000xi32, #tpu.memory_space<hbm>>
      tpu.enqueue_dma source(%dma_start3A_151 : memref<10000xi32, #tpu.memory_space<hbm>>) target(%arg7 : memref<10000xi32, #tpu.memory_space<vmem>>) target_semaphore(%run_scoped3A : memref<!tpu.dma_semaphore, #tpu.memory_space<semaphore_mem>>)
      %dma_wait3A_152 = tpu.memref_slice %arg3[%mul3A_8] : memref<320000xi32, #tpu.memory_space<hbm>> -> memref<10000xi32, #tpu.memory_space<hbm>>
      %dma_wait3A_153 = tpu.memref_slice %arg3[%mul3A_8] : memref<320000xi32, #tpu.memory_space<hbm>> -> memref<10000xi32, #tpu.memory_space<hbm>>
      tpu.wait_dma2 semaphore(%run_scoped3A : memref<!tpu.dma_semaphore, #tpu.memory_space<semaphore_mem>>) src(%dma_wait3A_153 : memref<10000xi32, #tpu.memory_space<hbm>>) dst(%arg7 : memref<10000xi32, #tpu.memory_space<vmem>>)
      tpu.yield
    }) : () -> ()
    %barrier3A = arith.constant 0 : index
    tpu.barrier barrier_id(%barrier3A)
    %add3A_25 = arith.constant 0 : i32
    %add3A_26 = arith.addi %mul3A_8, %add3A_25 : i32
    %dma_start3A = tpu.memref_slice %arg4[%add3A_26] : memref<320000xi32, #tpu.memory_space<hbm>> -> memref<80xi32, #tpu.memory_space<hbm>>
    %dma_start3A_27 = tpu.memref_slice %arg4[%add3A_26] : memref<320000xi32, #tpu.memory_space<hbm>> -> memref<80xi32, #tpu.memory_space<hbm>>
    tpu.enqueue_dma source(%dma_start3A_27 : memref<80xi32, #tpu.memory_space<hbm>>) target(%arg8 : memref<80xi32, #tpu.memory_space<vmem>>) target_semaphore(%arg18 : memref<!tpu.dma_semaphore, #tpu.memory_space<semaphore_mem>>)
    %dma_start3A_28 = arith.constant 0 : i32
    %dma_start3A_29 = tpu.memref_slice %arg7[%dma_start3A_28] : memref<10000xi32, #tpu.memory_space<vmem>> -> memref<80xi32, #tpu.memory_space<vmem>>
    %dma_start3A_30 = arith.constant 0 : i32
    %dma_start3A_31 = arith.constant 0 : i32
    %dma_start3A_32 = tpu.memref_slice %arg2[%dma_start3A_30, %dma_start3A_31] : memref<10000x128xf32, #tpu.memory_space<hbm>> -> memref<10000x128xf32, #tpu.memory_space<hbm>>
    tpu.enqueue_indirect_dma source(%dma_start3A_32 : memref<10000x128xf32, #tpu.memory_space<hbm>>) target(%arg11 : memref<80x128xf32, #tpu.memory_space<vmem>>) offsets(%dma_start3A_29 : memref<80xi32, #tpu.memory_space<vmem>>) semaphore(%arg15 : memref<!tpu.dma_semaphore, #tpu.memory_space<semaphore_mem>>)
    %add3A_33 = arith.constant 80 : i32
    %add3A_34 = arith.addi %mul3A_8, %add3A_33 : i32
    %dma_start3A_35 = tpu.memref_slice %arg4[%add3A_34] : memref<320000xi32, #tpu.memory_space<hbm>> -> memref<80xi32, #tpu.memory_space<hbm>>
    %dma_start3A_36 = tpu.memref_slice %arg4[%add3A_34] : memref<320000xi32, #tpu.memory_space<hbm>> -> memref<80xi32, #tpu.memory_space<hbm>>
    tpu.enqueue_dma source(%dma_start3A_36 : memref<80xi32, #tpu.memory_space<hbm>>) target(%arg9 : memref<80xi32, #tpu.memory_space<vmem>>) target_semaphore(%arg19 : memref<!tpu.dma_semaphore, #tpu.memory_space<semaphore_mem>>)
    %dma_start3A_37 = arith.constant 80 : i32
    %dma_start3A_38 = tpu.memref_slice %arg7[%dma_start3A_37] : memref<10000xi32, #tpu.memory_space<vmem>> -> memref<80xi32, #tpu.memory_space<vmem>>
    %dma_start3A_39 = arith.constant 0 : i32
    %dma_start3A_40 = arith.constant 0 : i32
    %dma_start3A_41 = tpu.memref_slice %arg2[%dma_start3A_39, %dma_start3A_40] : memref<10000x128xf32, #tpu.memory_space<hbm>> -> memref<10000x128xf32, #tpu.memory_space<hbm>>
    tpu.enqueue_indirect_dma source(%dma_start3A_41 : memref<10000x128xf32, #tpu.memory_space<hbm>>) target(%arg12 : memref<80x128xf32, #tpu.memory_space<vmem>>) offsets(%dma_start3A_38 : memref<80xi32, #tpu.memory_space<vmem>>) semaphore(%arg16 : memref<!tpu.dma_semaphore, #tpu.memory_space<semaphore_mem>>)
    %add3A_42 = arith.constant 160 : i32
    %add3A_43 = arith.addi %mul3A_8, %add3A_42 : i32
    %dma_start3A_44 = tpu.memref_slice %arg4[%add3A_43] : memref<320000xi32, #tpu.memory_space<hbm>> -> memref<80xi32, #tpu.memory_space<hbm>>
    %dma_start3A_45 = tpu.memref_slice %arg4[%add3A_43] : memref<320000xi32, #tpu.memory_space<hbm>> -> memref<80xi32, #tpu.memory_space<hbm>>
    tpu.enqueue_dma source(%dma_start3A_45 : memref<80xi32, #tpu.memory_space<hbm>>) target(%arg10 : memref<80xi32, #tpu.memory_space<vmem>>) target_semaphore(%arg20 : memref<!tpu.dma_semaphore, #tpu.memory_space<semaphore_mem>>)
    %dma_start3A_46 = arith.constant 160 : i32
    %dma_start3A_47 = tpu.memref_slice %arg7[%dma_start3A_46] : memref<10000xi32, #tpu.memory_space<vmem>> -> memref<80xi32, #tpu.memory_space<vmem>>
    %dma_start3A_48 = arith.constant 0 : i32
    %dma_start3A_49 = arith.constant 0 : i32
    %dma_start3A_50 = tpu.memref_slice %arg2[%dma_start3A_48, %dma_start3A_49] : memref<10000x128xf32, #tpu.memory_space<hbm>> -> memref<10000x128xf32, #tpu.memory_space<hbm>>
    tpu.enqueue_indirect_dma source(%dma_start3A_50 : memref<10000x128xf32, #tpu.memory_space<hbm>>) target(%arg13 : memref<80x128xf32, #tpu.memory_space<vmem>>) offsets(%dma_start3A_47 : memref<80xi32, #tpu.memory_space<vmem>>) semaphore(%arg17 : memref<!tpu.dma_semaphore, #tpu.memory_space<semaphore_mem>>)
    %scan3A = arith.constant 0 : i32
    %scan3A_51 = arith.constant 40 : i32
    %scan3A_52 = arith.addi %scan3A, %scan3A_51 : i32
    %scan3A_53 = arith.constant 1 : i32
    scf.for %scan3A_150 = %scan3A to %scan3A_52 step %scan3A_53  : i32 {
      %mul3A_151 = arith.constant 3 : i32
      %mul3A_152 = arith.muli %scan3A_150, %mul3A_151 : i32
      %add3A_153 = arith.constant 0 : i32
      %add3A_154 = arith.addi %add3A_153, %mul3A_152 : i32
      %add3A_155 = arith.constant 0 : i32
      %add3A_156 = arith.addi %add3A_154, %add3A_155 : i32
      %dma_wait3A_157 = arith.constant 0 : i32
      %dma_wait3A_158 = tpu.memref_slice %arg7[%dma_wait3A_157] : memref<10000xi32, #tpu.memory_space<vmem>> -> memref<80xi32, #tpu.memory_space<vmem>>
      %dma_wait3A_159 = arith.constant 0 : i32
      %dma_wait3A_160 = arith.constant 0 : i32
      %dma_wait3A_161 = tpu.memref_slice %arg2[%dma_wait3A_159, %dma_wait3A_160] : memref<10000x128xf32, #tpu.memory_space<hbm>> -> memref<10000x128xf32, #tpu.memory_space<hbm>>
      tpu.wait_indirect_dma semaphore(%arg15 : memref<!tpu.dma_semaphore, #tpu.memory_space<semaphore_mem>>) src(%dma_wait3A_161 : memref<10000x128xf32, #tpu.memory_space<hbm>>) dst(%arg11 : memref<80x128xf32, #tpu.memory_space<vmem>>)
      %dma_wait3A_162 = arith.constant 0 : i32
      %dma_wait3A_163 = tpu.memref_slice %arg4[%dma_wait3A_162] : memref<320000xi32, #tpu.memory_space<hbm>> -> memref<80xi32, #tpu.memory_space<hbm>>
      %dma_wait3A_164 = arith.constant 0 : i32
      %dma_wait3A_165 = tpu.memref_slice %arg4[%dma_wait3A_164] : memref<320000xi32, #tpu.memory_space<hbm>> -> memref<80xi32, #tpu.memory_space<hbm>>
      tpu.wait_dma2 semaphore(%arg18 : memref<!tpu.dma_semaphore, #tpu.memory_space<semaphore_mem>>) src(%dma_wait3A_165 : memref<80xi32, #tpu.memory_space<hbm>>) dst(%arg8 : memref<80xi32, #tpu.memory_space<vmem>>)
      "tpu.region"() ({
        %run_scoped3A = tpu.sem_alloc : memref<!tpu.dma_semaphore, #tpu.memory_space<semaphore_mem>>
        %dma_start3A_233 = arith.constant 0 : i32
        %dma_start3A_234 = arith.constant 0 : i32
        %dma_start3A_235 = tpu.memref_slice %arg14[%dma_start3A_233, %dma_start3A_234] : memref<10240x128xf32, #tpu.memory_space<vmem_shared>> -> memref<10240x128xf32, #tpu.memory_space<vmem_shared>>
        tpu.enqueue_indirect_dma source(%arg11 : memref<80x128xf32, #tpu.memory_space<vmem>>) target(%dma_start3A_235 : memref<10240x128xf32, #tpu.memory_space<vmem_shared>>) offsets(%arg8 : memref<80xi32, #tpu.memory_space<vmem>>) semaphore(%run_scoped3A : memref<!tpu.dma_semaphore, #tpu.memory_space<semaphore_mem>>) {add = true}
        %dma_wait3A_236 = arith.constant 0 : i32
        %dma_wait3A_237 = arith.constant 0 : i32
        %dma_wait3A_238 = tpu.memref_slice %arg14[%dma_wait3A_236, %dma_wait3A_237] : memref<10240x128xf32, #tpu.memory_space<vmem_shared>> -> memref<10240x128xf32, #tpu.memory_space<vmem_shared>>
        tpu.wait_indirect_dma semaphore(%run_scoped3A : memref<!tpu.dma_semaphore, #tpu.memory_space<semaphore_mem>>) src(%arg11 : memref<80x128xf32, #tpu.memory_space<vmem>>) dst(%dma_wait3A_238 : memref<10240x128xf32, #tpu.memory_space<vmem_shared>>)
        tpu.yield
      }) : () -> ()
      %add3A_166 = arith.constant 3 : i32
      %add3A_167 = arith.addi %add3A_154, %add3A_166 : i32
      %add3A_168 = arith.constant 0 : i32
      %add3A_169 = arith.addi %add3A_167, %add3A_168 : i32
      %mul3A_170 = arith.constant 80 : i32
      %mul3A_171 = arith.muli %add3A_169, %mul3A_170 : i32
      %add3A_172 = arith.addi %mul3A_8, %mul3A_171 : i32
      %dma_start3A_173 = tpu.memref_slice %arg4[%add3A_172] : memref<320000xi32, #tpu.memory_space<hbm>> -> memref<80xi32, #tpu.memory_space<hbm>>
      %dma_start3A_174 = tpu.memref_slice %arg4[%add3A_172] : memref<320000xi32, #tpu.memory_space<hbm>> -> memref<80xi32, #tpu.memory_space<hbm>>
      tpu.enqueue_dma source(%dma_start3A_174 : memref<80xi32, #tpu.memory_space<hbm>>) target(%arg8 : memref<80xi32, #tpu.memory_space<vmem>>) target_semaphore(%arg18 : memref<!tpu.dma_semaphore, #tpu.memory_space<semaphore_mem>>)
      %mul3A_175 = arith.constant 80 : i32
      %mul3A_176 = arith.muli %add3A_169, %mul3A_175 : i32
      %dma_start3A_177 = tpu.memref_slice %arg7[%mul3A_176] : memref<10000xi32, #tpu.memory_space<vmem>> -> memref<80xi32, #tpu.memory_space<vmem>>
      %dma_start3A_178 = arith.constant 0 : i32
      %dma_start3A_179 = arith.constant 0 : i32
      %dma_start3A_180 = tpu.memref_slice %arg2[%dma_start3A_178, %dma_start3A_179] : memref<10000x128xf32, #tpu.memory_space<hbm>> -> memref<10000x128xf32, #tpu.memory_space<hbm>>
      tpu.enqueue_indirect_dma source(%dma_start3A_180 : memref<10000x128xf32, #tpu.memory_space<hbm>>) target(%arg11 : memref<80x128xf32, #tpu.memory_space<vmem>>) offsets(%dma_start3A_177 : memref<80xi32, #tpu.memory_space<vmem>>) semaphore(%arg15 : memref<!tpu.dma_semaphore, #tpu.memory_space<semaphore_mem>>)
      %add3A_181 = arith.constant 1 : i32
      %add3A_182 = arith.addi %add3A_154, %add3A_181 : i32
      %dma_wait3A_183 = arith.constant 0 : i32
      %dma_wait3A_184 = tpu.memref_slice %arg7[%dma_wait3A_183] : memref<10000xi32, #tpu.memory_space<vmem>> -> memref<80xi32, #tpu.memory_space<vmem>>
      %dma_wait3A_185 = arith.constant 0 : i32
      %dma_wait3A_186 = arith.constant 0 : i32
      %dma_wait3A_187 = tpu.memref_slice %arg2[%dma_wait3A_185, %dma_wait3A_186] : memref<10000x128xf32, #tpu.memory_space<hbm>> -> memref<10000x128xf32, #tpu.memory_space<hbm>>
      tpu.wait_indirect_dma semaphore(%arg16 : memref<!tpu.dma_semaphore, #tpu.memory_space<semaphore_mem>>) src(%dma_wait3A_187 : memref<10000x128xf32, #tpu.memory_space<hbm>>) dst(%arg12 : memref<80x128xf32, #tpu.memory_space<vmem>>)
      %dma_wait3A_188 = arith.constant 0 : i32
      %dma_wait3A_189 = tpu.memref_slice %arg4[%dma_wait3A_188] : memref<320000xi32, #tpu.memory_space<hbm>> -> memref<80xi32, #tpu.memory_space<hbm>>
      %dma_wait3A_190 = arith.constant 0 : i32
      %dma_wait3A_191 = tpu.memref_slice %arg4[%dma_wait3A_190] : memref<320000xi32, #tpu.memory_space<hbm>> -> memref<80xi32, #tpu.memory_space<hbm>>
      tpu.wait_dma2 semaphore(%arg19 : memref<!tpu.dma_semaphore, #tpu.memory_space<semaphore_mem>>) src(%dma_wait3A_191 : memref<80xi32, #tpu.memory_space<hbm>>) dst(%arg9 : memref<80xi32, #tpu.memory_space<vmem>>)
      "tpu.region"() ({
        %run_scoped3A = tpu.sem_alloc : memref<!tpu.dma_semaphore, #tpu.memory_space<semaphore_mem>>
        %dma_start3A_233 = arith.constant 0 : i32
        %dma_start3A_234 = arith.constant 0 : i32
        %dma_start3A_235 = tpu.memref_slice %arg14[%dma_start3A_233, %dma_start3A_234] : memref<10240x128xf32, #tpu.memory_space<vmem_shared>> -> memref<10240x128xf32, #tpu.memory_space<vmem_shared>>
        tpu.enqueue_indirect_dma source(%arg12 : memref<80x128xf32, #tpu.memory_space<vmem>>) target(%dma_start3A_235 : memref<10240x128xf32, #tpu.memory_space<vmem_shared>>) offsets(%arg9 : memref<80xi32, #tpu.memory_space<vmem>>) semaphore(%run_scoped3A : memref<!tpu.dma_semaphore, #tpu.memory_space<semaphore_mem>>) {add = true}
        %dma_wait3A_236 = arith.constant 0 : i32
        %dma_wait3A_237 = arith.constant 0 : i32
        %dma_wait3A_238 = tpu.memref_slice %arg14[%dma_wait3A_236, %dma_wait3A_237] : memref<10240x128xf32, #tpu.memory_space<vmem_shared>> -> memref<10240x128xf32, #tpu.memory_space<vmem_shared>>
        tpu.wait_indirect_dma semaphore(%run_scoped3A : memref<!tpu.dma_semaphore, #tpu.memory_space<semaphore_mem>>) src(%arg12 : memref<80x128xf32, #tpu.memory_space<vmem>>) dst(%dma_wait3A_238 : memref<10240x128xf32, #tpu.memory_space<vmem_shared>>)
        tpu.yield
      }) : () -> ()
      %add3A_192 = arith.constant 3 : i32
      %add3A_193 = arith.addi %add3A_154, %add3A_192 : i32
      %add3A_194 = arith.constant 1 : i32
      %add3A_195 = arith.addi %add3A_193, %add3A_194 : i32
      %mul3A_196 = arith.constant 80 : i32
      %mul3A_197 = arith.muli %add3A_195, %mul3A_196 : i32
      %add3A_198 = arith.addi %mul3A_8, %mul3A_197 : i32
      %dma_start3A_199 = tpu.memref_slice %arg4[%add3A_198] : memref<320000xi32, #tpu.memory_space<hbm>> -> memref<80xi32, #tpu.memory_space<hbm>>
      %dma_start3A_200 = tpu.memref_slice %arg4[%add3A_198] : memref<320000xi32, #tpu.memory_space<hbm>> -> memref<80xi32, #tpu.memory_space<hbm>>
      tpu.enqueue_dma source(%dma_start3A_200 : memref<80xi32, #tpu.memory_space<hbm>>) target(%arg9 : memref<80xi32, #tpu.memory_space<vmem>>) target_semaphore(%arg19 : memref<!tpu.dma_semaphore, #tpu.memory_space<semaphore_mem>>)
      %mul3A_201 = arith.constant 80 : i32
      %mul3A_202 = arith.muli %add3A_195, %mul3A_201 : i32
      %dma_start3A_203 = tpu.memref_slice %arg7[%mul3A_202] : memref<10000xi32, #tpu.memory_space<vmem>> -> memref<80xi32, #tpu.memory_space<vmem>>
      %dma_start3A_204 = arith.constant 0 : i32
      %dma_start3A_205 = arith.constant 0 : i32
      %dma_start3A_206 = tpu.memref_slice %arg2[%dma_start3A_204, %dma_start3A_205] : memref<10000x128xf32, #tpu.memory_space<hbm>> -> memref<10000x128xf32, #tpu.memory_space<hbm>>
      tpu.enqueue_indirect_dma source(%dma_start3A_206 : memref<10000x128xf32, #tpu.memory_space<hbm>>) target(%arg12 : memref<80x128xf32, #tpu.memory_space<vmem>>) offsets(%dma_start3A_203 : memref<80xi32, #tpu.memory_space<vmem>>) semaphore(%arg16 : memref<!tpu.dma_semaphore, #tpu.memory_space<semaphore_mem>>)
      %add3A_207 = arith.constant 2 : i32
      %add3A_208 = arith.addi %add3A_154, %add3A_207 : i32
      %dma_wait3A_209 = arith.constant 0 : i32
      %dma_wait3A_210 = tpu.memref_slice %arg7[%dma_wait3A_209] : memref<10000xi32, #tpu.memory_space<vmem>> -> memref<80xi32, #tpu.memory_space<vmem>>
      %dma_wait3A_211 = arith.constant 0 : i32
      %dma_wait3A_212 = arith.constant 0 : i32
      %dma_wait3A_213 = tpu.memref_slice %arg2[%dma_wait3A_211, %dma_wait3A_212] : memref<10000x128xf32, #tpu.memory_space<hbm>> -> memref<10000x128xf32, #tpu.memory_space<hbm>>
      tpu.wait_indirect_dma semaphore(%arg17 : memref<!tpu.dma_semaphore, #tpu.memory_space<semaphore_mem>>) src(%dma_wait3A_213 : memref<10000x128xf32, #tpu.memory_space<hbm>>) dst(%arg13 : memref<80x128xf32, #tpu.memory_space<vmem>>)
      %dma_wait3A_214 = arith.constant 0 : i32
      %dma_wait3A_215 = tpu.memref_slice %arg4[%dma_wait3A_214] : memref<320000xi32, #tpu.memory_space<hbm>> -> memref<80xi32, #tpu.memory_space<hbm>>
      %dma_wait3A_216 = arith.constant 0 : i32
      %dma_wait3A_217 = tpu.memref_slice %arg4[%dma_wait3A_216] : memref<320000xi32, #tpu.memory_space<hbm>> -> memref<80xi32, #tpu.memory_space<hbm>>
      tpu.wait_dma2 semaphore(%arg20 : memref<!tpu.dma_semaphore, #tpu.memory_space<semaphore_mem>>) src(%dma_wait3A_217 : memref<80xi32, #tpu.memory_space<hbm>>) dst(%arg10 : memref<80xi32, #tpu.memory_space<vmem>>)
      "tpu.region"() ({
        %run_scoped3A = tpu.sem_alloc : memref<!tpu.dma_semaphore, #tpu.memory_space<semaphore_mem>>
        %dma_start3A_233 = arith.constant 0 : i32
        %dma_start3A_234 = arith.constant 0 : i32
        %dma_start3A_235 = tpu.memref_slice %arg14[%dma_start3A_233, %dma_start3A_234] : memref<10240x128xf32, #tpu.memory_space<vmem_shared>> -> memref<10240x128xf32, #tpu.memory_space<vmem_shared>>
        tpu.enqueue_indirect_dma source(%arg13 : memref<80x128xf32, #tpu.memory_space<vmem>>) target(%dma_start3A_235 : memref<10240x128xf32, #tpu.memory_space<vmem_shared>>) offsets(%arg10 : memref<80xi32, #tpu.memory_space<vmem>>) semaphore(%run_scoped3A : memref<!tpu.dma_semaphore, #tpu.memory_space<semaphore_mem>>) {add = true}
        %dma_wait3A_236 = arith.constant 0 : i32
        %dma_wait3A_237 = arith.constant 0 : i32
        %dma_wait3A_238 = tpu.memref_slice %arg14[%dma_wait3A_236, %dma_wait3A_237] : memref<10240x128xf32, #tpu.memory_space<vmem_shared>> -> memref<10240x128xf32, #tpu.memory_space<vmem_shared>>
        tpu.wait_indirect_dma semaphore(%run_scoped3A : memref<!tpu.dma_semaphore, #tpu.memory_space<semaphore_mem>>) src(%arg13 : memref<80x128xf32, #tpu.memory_space<vmem>>) dst(%dma_wait3A_238 : memref<10240x128xf32, #tpu.memory_space<vmem_shared>>)
        tpu.yield
      }) : () -> ()
      %add3A_218 = arith.constant 3 : i32
      %add3A_219 = arith.addi %add3A_154, %add3A_218 : i32
      %add3A_220 = arith.constant 2 : i32
      %add3A_221 = arith.addi %add3A_219, %add3A_220 : i32
      %mul3A_222 = arith.constant 80 : i32
      %mul3A_223 = arith.muli %add3A_221, %mul3A_222 : i32
      %add3A_224 = arith.addi %mul3A_8, %mul3A_223 : i32
      %dma_start3A_225 = tpu.memref_slice %arg4[%add3A_224] : memref<320000xi32, #tpu.memory_space<hbm>> -> memref<80xi32, #tpu.memory_space<hbm>>
      %dma_start3A_226 = tpu.memref_slice %arg4[%add3A_224] : memref<320000xi32, #tpu.memory_space<hbm>> -> memref<80xi32, #tpu.memory_space<hbm>>
      tpu.enqueue_dma source(%dma_start3A_226 : memref<80xi32, #tpu.memory_space<hbm>>) target(%arg10 : memref<80xi32, #tpu.memory_space<vmem>>) target_semaphore(%arg20 : memref<!tpu.dma_semaphore, #tpu.memory_space<semaphore_mem>>)
      %mul3A_227 = arith.constant 80 : i32
      %mul3A_228 = arith.muli %add3A_221, %mul3A_227 : i32
      %dma_start3A_229 = tpu.memref_slice %arg7[%mul3A_228] : memref<10000xi32, #tpu.memory_space<vmem>> -> memref<80xi32, #tpu.memory_space<vmem>>
      %dma_start3A_230 = arith.constant 0 : i32
      %dma_start3A_231 = arith.constant 0 : i32
      %dma_start3A_232 = tpu.memref_slice %arg2[%dma_start3A_230, %dma_start3A_231] : memref<10000x128xf32, #tpu.memory_space<hbm>> -> memref<10000x128xf32, #tpu.memory_space<hbm>>
      tpu.enqueue_indirect_dma source(%dma_start3A_232 : memref<10000x128xf32, #tpu.memory_space<hbm>>) target(%arg13 : memref<80x128xf32, #tpu.memory_space<vmem>>) offsets(%dma_start3A_229 : memref<80xi32, #tpu.memory_space<vmem>>) semaphore(%arg17 : memref<!tpu.dma_semaphore, #tpu.memory_space<semaphore_mem>>)
    }
    %scan3A_54 = arith.constant 40 : i32
    %dma_wait3A = arith.constant 0 : i32
    %dma_wait3A_55 = tpu.memref_slice %arg7[%dma_wait3A] : memref<10000xi32, #tpu.memory_space<vmem>> -> memref<80xi32, #tpu.memory_space<vmem>>
    %dma_wait3A_56 = arith.constant 0 : i32
    %dma_wait3A_57 = arith.constant 0 : i32
    %dma_wait3A_58 = tpu.memref_slice %arg2[%dma_wait3A_56, %dma_wait3A_57] : memref<10000x128xf32, #tpu.memory_space<hbm>> -> memref<10000x128xf32, #tpu.memory_space<hbm>>
    tpu.wait_indirect_dma semaphore(%arg15 : memref<!tpu.dma_semaphore, #tpu.memory_space<semaphore_mem>>) src(%dma_wait3A_58 : memref<10000x128xf32, #tpu.memory_space<hbm>>) dst(%arg11 : memref<80x128xf32, #tpu.memory_space<vmem>>)
    %dma_wait3A_59 = arith.constant 0 : i32
    %dma_wait3A_60 = tpu.memref_slice %arg4[%dma_wait3A_59] : memref<320000xi32, #tpu.memory_space<hbm>> -> memref<80xi32, #tpu.memory_space<hbm>>
    %dma_wait3A_61 = arith.constant 0 : i32
    %dma_wait3A_62 = tpu.memref_slice %arg4[%dma_wait3A_61] : memref<320000xi32, #tpu.memory_space<hbm>> -> memref<80xi32, #tpu.memory_space<hbm>>
    tpu.wait_dma2 semaphore(%arg18 : memref<!tpu.dma_semaphore, #tpu.memory_space<semaphore_mem>>) src(%dma_wait3A_62 : memref<80xi32, #tpu.memory_space<hbm>>) dst(%arg8 : memref<80xi32, #tpu.memory_space<vmem>>)
    "tpu.region"() ({
      %run_scoped3A = tpu.sem_alloc : memref<!tpu.dma_semaphore, #tpu.memory_space<semaphore_mem>>
      %dma_start3A_150 = arith.constant 0 : i32
      %dma_start3A_151 = arith.constant 0 : i32
      %dma_start3A_152 = tpu.memref_slice %arg14[%dma_start3A_150, %dma_start3A_151] : memref<10240x128xf32, #tpu.memory_space<vmem_shared>> -> memref<10240x128xf32, #tpu.memory_space<vmem_shared>>
      tpu.enqueue_indirect_dma source(%arg11 : memref<80x128xf32, #tpu.memory_space<vmem>>) target(%dma_start3A_152 : memref<10240x128xf32, #tpu.memory_space<vmem_shared>>) offsets(%arg8 : memref<80xi32, #tpu.memory_space<vmem>>) semaphore(%run_scoped3A : memref<!tpu.dma_semaphore, #tpu.memory_space<semaphore_mem>>) {add = true}
      %dma_wait3A_153 = arith.constant 0 : i32
      %dma_wait3A_154 = arith.constant 0 : i32
      %dma_wait3A_155 = tpu.memref_slice %arg14[%dma_wait3A_153, %dma_wait3A_154] : memref<10240x128xf32, #tpu.memory_space<vmem_shared>> -> memref<10240x128xf32, #tpu.memory_space<vmem_shared>>
      tpu.wait_indirect_dma semaphore(%run_scoped3A : memref<!tpu.dma_semaphore, #tpu.memory_space<semaphore_mem>>) src(%arg11 : memref<80x128xf32, #tpu.memory_space<vmem>>) dst(%dma_wait3A_155 : memref<10240x128xf32, #tpu.memory_space<vmem_shared>>)
      tpu.yield
    }) : () -> ()
    %add3A_63 = arith.constant 9840 : i32
    %add3A_64 = arith.addi %mul3A_8, %add3A_63 : i32
    %dma_start3A_65 = tpu.memref_slice %arg4[%add3A_64] : memref<320000xi32, #tpu.memory_space<hbm>> -> memref<80xi32, #tpu.memory_space<hbm>>
    %dma_start3A_66 = tpu.memref_slice %arg4[%add3A_64] : memref<320000xi32, #tpu.memory_space<hbm>> -> memref<80xi32, #tpu.memory_space<hbm>>
    tpu.enqueue_dma source(%dma_start3A_66 : memref<80xi32, #tpu.memory_space<hbm>>) target(%arg8 : memref<80xi32, #tpu.memory_space<vmem>>) target_semaphore(%arg18 : memref<!tpu.dma_semaphore, #tpu.memory_space<semaphore_mem>>)
    %dma_start3A_67 = arith.constant 9840 : i32
    %dma_start3A_68 = tpu.memref_slice %arg7[%dma_start3A_67] : memref<10000xi32, #tpu.memory_space<vmem>> -> memref<80xi32, #tpu.memory_space<vmem>>
    %dma_start3A_69 = arith.constant 0 : i32
    %dma_start3A_70 = arith.constant 0 : i32
    %dma_start3A_71 = tpu.memref_slice %arg2[%dma_start3A_69, %dma_start3A_70] : memref<10000x128xf32, #tpu.memory_space<hbm>> -> memref<10000x128xf32, #tpu.memory_space<hbm>>
    tpu.enqueue_indirect_dma source(%dma_start3A_71 : memref<10000x128xf32, #tpu.memory_space<hbm>>) target(%arg11 : memref<80x128xf32, #tpu.memory_space<vmem>>) offsets(%dma_start3A_68 : memref<80xi32, #tpu.memory_space<vmem>>) semaphore(%arg15 : memref<!tpu.dma_semaphore, #tpu.memory_space<semaphore_mem>>)
    %dma_wait3A_72 = arith.constant 0 : i32
    %dma_wait3A_73 = tpu.memref_slice %arg7[%dma_wait3A_72] : memref<10000xi32, #tpu.memory_space<vmem>> -> memref<80xi32, #tpu.memory_space<vmem>>
    %dma_wait3A_74 = arith.constant 0 : i32
    %dma_wait3A_75 = arith.constant 0 : i32
    %dma_wait3A_76 = tpu.memref_slice %arg2[%dma_wait3A_74, %dma_wait3A_75] : memref<10000x128xf32, #tpu.memory_space<hbm>> -> memref<10000x128xf32, #tpu.memory_space<hbm>>
    tpu.wait_indirect_dma semaphore(%arg16 : memref<!tpu.dma_semaphore, #tpu.memory_space<semaphore_mem>>) src(%dma_wait3A_76 : memref<10000x128xf32, #tpu.memory_space<hbm>>) dst(%arg12 : memref<80x128xf32, #tpu.memory_space<vmem>>)
    %dma_wait3A_77 = arith.constant 0 : i32
    %dma_wait3A_78 = tpu.memref_slice %arg4[%dma_wait3A_77] : memref<320000xi32, #tpu.memory_space<hbm>> -> memref<80xi32, #tpu.memory_space<hbm>>
    %dma_wait3A_79 = arith.constant 0 : i32
    %dma_wait3A_80 = tpu.memref_slice %arg4[%dma_wait3A_79] : memref<320000xi32, #tpu.memory_space<hbm>> -> memref<80xi32, #tpu.memory_space<hbm>>
    tpu.wait_dma2 semaphore(%arg19 : memref<!tpu.dma_semaphore, #tpu.memory_space<semaphore_mem>>) src(%dma_wait3A_80 : memref<80xi32, #tpu.memory_space<hbm>>) dst(%arg9 : memref<80xi32, #tpu.memory_space<vmem>>)
    "tpu.region"() ({
      %run_scoped3A = tpu.sem_alloc : memref<!tpu.dma_semaphore, #tpu.memory_space<semaphore_mem>>
      %dma_start3A_150 = arith.constant 0 : i32
      %dma_start3A_151 = arith.constant 0 : i32
      %dma_start3A_152 = tpu.memref_slice %arg14[%dma_start3A_150, %dma_start3A_151] : memref<10240x128xf32, #tpu.memory_space<vmem_shared>> -> memref<10240x128xf32, #tpu.memory_space<vmem_shared>>
      tpu.enqueue_indirect_dma source(%arg12 : memref<80x128xf32, #tpu.memory_space<vmem>>) target(%dma_start3A_152 : memref<10240x128xf32, #tpu.memory_space<vmem_shared>>) offsets(%arg9 : memref<80xi32, #tpu.memory_space<vmem>>) semaphore(%run_scoped3A : memref<!tpu.dma_semaphore, #tpu.memory_space<semaphore_mem>>) {add = true}
      %dma_wait3A_153 = arith.constant 0 : i32
      %dma_wait3A_154 = arith.constant 0 : i32
      %dma_wait3A_155 = tpu.memref_slice %arg14[%dma_wait3A_153, %dma_wait3A_154] : memref<10240x128xf32, #tpu.memory_space<vmem_shared>> -> memref<10240x128xf32, #tpu.memory_space<vmem_shared>>
      tpu.wait_indirect_dma semaphore(%run_scoped3A : memref<!tpu.dma_semaphore, #tpu.memory_space<semaphore_mem>>) src(%arg12 : memref<80x128xf32, #tpu.memory_space<vmem>>) dst(%dma_wait3A_155 : memref<10240x128xf32, #tpu.memory_space<vmem_shared>>)
      tpu.yield
    }) : () -> ()
    %add3A_81 = arith.constant 9920 : i32
    %add3A_82 = arith.addi %mul3A_8, %add3A_81 : i32
    %dma_start3A_83 = tpu.memref_slice %arg4[%add3A_82] : memref<320000xi32, #tpu.memory_space<hbm>> -> memref<80xi32, #tpu.memory_space<hbm>>
    %dma_start3A_84 = tpu.memref_slice %arg4[%add3A_82] : memref<320000xi32, #tpu.memory_space<hbm>> -> memref<80xi32, #tpu.memory_space<hbm>>
    tpu.enqueue_dma source(%dma_start3A_84 : memref<80xi32, #tpu.memory_space<hbm>>) target(%arg9 : memref<80xi32, #tpu.memory_space<vmem>>) target_semaphore(%arg19 : memref<!tpu.dma_semaphore, #tpu.memory_space<semaphore_mem>>)
    %dma_start3A_85 = arith.constant 9920 : i32
    %dma_start3A_86 = tpu.memref_slice %arg7[%dma_start3A_85] : memref<10000xi32, #tpu.memory_space<vmem>> -> memref<80xi32, #tpu.memory_space<vmem>>
    %dma_start3A_87 = arith.constant 0 : i32
    %dma_start3A_88 = arith.constant 0 : i32
    %dma_start3A_89 = tpu.memref_slice %arg2[%dma_start3A_87, %dma_start3A_88] : memref<10000x128xf32, #tpu.memory_space<hbm>> -> memref<10000x128xf32, #tpu.memory_space<hbm>>
    tpu.enqueue_indirect_dma source(%dma_start3A_89 : memref<10000x128xf32, #tpu.memory_space<hbm>>) target(%arg12 : memref<80x128xf32, #tpu.memory_space<vmem>>) offsets(%dma_start3A_86 : memref<80xi32, #tpu.memory_space<vmem>>) semaphore(%arg16 : memref<!tpu.dma_semaphore, #tpu.memory_space<semaphore_mem>>)
    %dma_wait3A_90 = arith.constant 0 : i32
    %dma_wait3A_91 = tpu.memref_slice %arg7[%dma_wait3A_90] : memref<10000xi32, #tpu.memory_space<vmem>> -> memref<80xi32, #tpu.memory_space<vmem>>
    %dma_wait3A_92 = arith.constant 0 : i32
    %dma_wait3A_93 = arith.constant 0 : i32
    %dma_wait3A_94 = tpu.memref_slice %arg2[%dma_wait3A_92, %dma_wait3A_93] : memref<10000x128xf32, #tpu.memory_space<hbm>> -> memref<10000x128xf32, #tpu.memory_space<hbm>>
    tpu.wait_indirect_dma semaphore(%arg17 : memref<!tpu.dma_semaphore, #tpu.memory_space<semaphore_mem>>) src(%dma_wait3A_94 : memref<10000x128xf32, #tpu.memory_space<hbm>>) dst(%arg13 : memref<80x128xf32, #tpu.memory_space<vmem>>)
    %dma_wait3A_95 = arith.constant 0 : i32
    %dma_wait3A_96 = tpu.memref_slice %arg4[%dma_wait3A_95] : memref<320000xi32, #tpu.memory_space<hbm>> -> memref<80xi32, #tpu.memory_space<hbm>>
    %dma_wait3A_97 = arith.constant 0 : i32
    %dma_wait3A_98 = tpu.memref_slice %arg4[%dma_wait3A_97] : memref<320000xi32, #tpu.memory_space<hbm>> -> memref<80xi32, #tpu.memory_space<hbm>>
    tpu.wait_dma2 semaphore(%arg20 : memref<!tpu.dma_semaphore, #tpu.memory_space<semaphore_mem>>) src(%dma_wait3A_98 : memref<80xi32, #tpu.memory_space<hbm>>) dst(%arg10 : memref<80xi32, #tpu.memory_space<vmem>>)
    "tpu.region"() ({
      %run_scoped3A = tpu.sem_alloc : memref<!tpu.dma_semaphore, #tpu.memory_space<semaphore_mem>>
      %dma_start3A_150 = arith.constant 0 : i32
      %dma_start3A_151 = arith.constant 0 : i32
      %dma_start3A_152 = tpu.memref_slice %arg14[%dma_start3A_150, %dma_start3A_151] : memref<10240x128xf32, #tpu.memory_space<vmem_shared>> -> memref<10240x128xf32, #tpu.memory_space<vmem_shared>>
      tpu.enqueue_indirect_dma source(%arg13 : memref<80x128xf32, #tpu.memory_space<vmem>>) target(%dma_start3A_152 : memref<10240x128xf32, #tpu.memory_space<vmem_shared>>) offsets(%arg10 : memref<80xi32, #tpu.memory_space<vmem>>) semaphore(%run_scoped3A : memref<!tpu.dma_semaphore, #tpu.memory_space<semaphore_mem>>) {add = true}
      %dma_wait3A_153 = arith.constant 0 : i32
      %dma_wait3A_154 = arith.constant 0 : i32
      %dma_wait3A_155 = tpu.memref_slice %arg14[%dma_wait3A_153, %dma_wait3A_154] : memref<10240x128xf32, #tpu.memory_space<vmem_shared>> -> memref<10240x128xf32, #tpu.memory_space<vmem_shared>>
      tpu.wait_indirect_dma semaphore(%run_scoped3A : memref<!tpu.dma_semaphore, #tpu.memory_space<semaphore_mem>>) src(%arg13 : memref<80x128xf32, #tpu.memory_space<vmem>>) dst(%dma_wait3A_155 : memref<10240x128xf32, #tpu.memory_space<vmem_shared>>)
      tpu.yield
    }) : () -> ()
    %dma_wait3A_99 = arith.constant 0 : i32
    %dma_wait3A_100 = tpu.memref_slice %arg7[%dma_wait3A_99] : memref<10000xi32, #tpu.memory_space<vmem>> -> memref<80xi32, #tpu.memory_space<vmem>>
    %dma_wait3A_101 = arith.constant 0 : i32
    %dma_wait3A_102 = arith.constant 0 : i32
    %dma_wait3A_103 = tpu.memref_slice %arg2[%dma_wait3A_101, %dma_wait3A_102] : memref<10000x128xf32, #tpu.memory_space<hbm>> -> memref<10000x128xf32, #tpu.memory_space<hbm>>
    tpu.wait_indirect_dma semaphore(%arg15 : memref<!tpu.dma_semaphore, #tpu.memory_space<semaphore_mem>>) src(%dma_wait3A_103 : memref<10000x128xf32, #tpu.memory_space<hbm>>) dst(%arg11 : memref<80x128xf32, #tpu.memory_space<vmem>>)
    %dma_wait3A_104 = arith.constant 0 : i32
    %dma_wait3A_105 = tpu.memref_slice %arg4[%dma_wait3A_104] : memref<320000xi32, #tpu.memory_space<hbm>> -> memref<80xi32, #tpu.memory_space<hbm>>
    %dma_wait3A_106 = arith.constant 0 : i32
    %dma_wait3A_107 = tpu.memref_slice %arg4[%dma_wait3A_106] : memref<320000xi32, #tpu.memory_space<hbm>> -> memref<80xi32, #tpu.memory_space<hbm>>
    tpu.wait_dma2 semaphore(%arg18 : memref<!tpu.dma_semaphore, #tpu.memory_space<semaphore_mem>>) src(%dma_wait3A_107 : memref<80xi32, #tpu.memory_space<hbm>>) dst(%arg8 : memref<80xi32, #tpu.memory_space<vmem>>)
    "tpu.region"() ({
      %run_scoped3A = tpu.sem_alloc : memref<!tpu.dma_semaphore, #tpu.memory_space<semaphore_mem>>
      %dma_start3A_150 = arith.constant 0 : i32
      %dma_start3A_151 = arith.constant 0 : i32
      %dma_start3A_152 = tpu.memref_slice %arg14[%dma_start3A_150, %dma_start3A_151] : memref<10240x128xf32, #tpu.memory_space<vmem_shared>> -> memref<10240x128xf32, #tpu.memory_space<vmem_shared>>
      tpu.enqueue_indirect_dma source(%arg11 : memref<80x128xf32, #tpu.memory_space<vmem>>) target(%dma_start3A_152 : memref<10240x128xf32, #tpu.memory_space<vmem_shared>>) offsets(%arg8 : memref<80xi32, #tpu.memory_space<vmem>>) semaphore(%run_scoped3A : memref<!tpu.dma_semaphore, #tpu.memory_space<semaphore_mem>>) {add = true}
      %dma_wait3A_153 = arith.constant 0 : i32
      %dma_wait3A_154 = arith.constant 0 : i32
      %dma_wait3A_155 = tpu.memref_slice %arg14[%dma_wait3A_153, %dma_wait3A_154] : memref<10240x128xf32, #tpu.memory_space<vmem_shared>> -> memref<10240x128xf32, #tpu.memory_space<vmem_shared>>
      tpu.wait_indirect_dma semaphore(%run_scoped3A : memref<!tpu.dma_semaphore, #tpu.memory_space<semaphore_mem>>) src(%arg11 : memref<80x128xf32, #tpu.memory_space<vmem>>) dst(%dma_wait3A_155 : memref<10240x128xf32, #tpu.memory_space<vmem_shared>>)
      tpu.yield
    }) : () -> ()
    %dma_wait3A_108 = arith.constant 0 : i32
    %dma_wait3A_109 = tpu.memref_slice %arg7[%dma_wait3A_108] : memref<10000xi32, #tpu.memory_space<vmem>> -> memref<80xi32, #tpu.memory_space<vmem>>
    %dma_wait3A_110 = arith.constant 0 : i32
    %dma_wait3A_111 = arith.constant 0 : i32
    %dma_wait3A_112 = tpu.memref_slice %arg2[%dma_wait3A_110, %dma_wait3A_111] : memref<10000x128xf32, #tpu.memory_space<hbm>> -> memref<10000x128xf32, #tpu.memory_space<hbm>>
    tpu.wait_indirect_dma semaphore(%arg16 : memref<!tpu.dma_semaphore, #tpu.memory_space<semaphore_mem>>) src(%dma_wait3A_112 : memref<10000x128xf32, #tpu.memory_space<hbm>>) dst(%arg12 : memref<80x128xf32, #tpu.memory_space<vmem>>)
    %dma_wait3A_113 = arith.constant 0 : i32
    %dma_wait3A_114 = tpu.memref_slice %arg4[%dma_wait3A_113] : memref<320000xi32, #tpu.memory_space<hbm>> -> memref<80xi32, #tpu.memory_space<hbm>>
    %dma_wait3A_115 = arith.constant 0 : i32
    %dma_wait3A_116 = tpu.memref_slice %arg4[%dma_wait3A_115] : memref<320000xi32, #tpu.memory_space<hbm>> -> memref<80xi32, #tpu.memory_space<hbm>>
    tpu.wait_dma2 semaphore(%arg19 : memref<!tpu.dma_semaphore, #tpu.memory_space<semaphore_mem>>) src(%dma_wait3A_116 : memref<80xi32, #tpu.memory_space<hbm>>) dst(%arg9 : memref<80xi32, #tpu.memory_space<vmem>>)
    "tpu.region"() ({
      %run_scoped3A = tpu.sem_alloc : memref<!tpu.dma_semaphore, #tpu.memory_space<semaphore_mem>>
      %dma_start3A_150 = arith.constant 0 : i32
      %dma_start3A_151 = arith.constant 0 : i32
      %dma_start3A_152 = tpu.memref_slice %arg14[%dma_start3A_150, %dma_start3A_151] : memref<10240x128xf32, #tpu.memory_space<vmem_shared>> -> memref<10240x128xf32, #tpu.memory_space<vmem_shared>>
      tpu.enqueue_indirect_dma source(%arg12 : memref<80x128xf32, #tpu.memory_space<vmem>>) target(%dma_start3A_152 : memref<10240x128xf32, #tpu.memory_space<vmem_shared>>) offsets(%arg9 : memref<80xi32, #tpu.memory_space<vmem>>) semaphore(%run_scoped3A : memref<!tpu.dma_semaphore, #tpu.memory_space<semaphore_mem>>) {add = true}
      %dma_wait3A_153 = arith.constant 0 : i32
      %dma_wait3A_154 = arith.constant 0 : i32
      %dma_wait3A_155 = tpu.memref_slice %arg14[%dma_wait3A_153, %dma_wait3A_154] : memref<10240x128xf32, #tpu.memory_space<vmem_shared>> -> memref<10240x128xf32, #tpu.memory_space<vmem_shared>>
      tpu.wait_indirect_dma semaphore(%run_scoped3A : memref<!tpu.dma_semaphore, #tpu.memory_space<semaphore_mem>>) src(%arg12 : memref<80x128xf32, #tpu.memory_space<vmem>>) dst(%dma_wait3A_155 : memref<10240x128xf32, #tpu.memory_space<vmem_shared>>)
      tpu.yield
    }) : () -> ()
    %barrier3A_117 = arith.constant 0 : index
    tpu.barrier barrier_id(%barrier3A_117)
    %add3A_118 = arith.constant 0 : i32
    %add3A_119 = arith.addi %multiple_of3A, %add3A_118 : i32
    "tpu.region"() ({
      %run_scoped3A = tpu.sem_alloc : memref<!tpu.dma_semaphore, #tpu.memory_space<semaphore_mem>>
      %dma_start3A_150 = arith.constant 0 : i32
      %dma_start3A_151 = tpu.memref_slice %arg14[%add3A_119, %dma_start3A_150] : memref<10240x128xf32, #tpu.memory_space<vmem_shared>> -> memref<80x128xf32, #tpu.memory_space<vmem_shared>>
      %dma_start3A_152 = arith.constant 0 : i32
      %dma_start3A_153 = tpu.memref_slice %arg14[%add3A_119, %dma_start3A_152] : memref<10240x128xf32, #tpu.memory_space<vmem_shared>> -> memref<80x128xf32, #tpu.memory_space<vmem_shared>>
      tpu.enqueue_dma source(%dma_start3A_153 : memref<80x128xf32, #tpu.memory_space<vmem_shared>>) target(%arg11 : memref<80x128xf32, #tpu.memory_space<vmem>>) target_semaphore(%run_scoped3A : memref<!tpu.dma_semaphore, #tpu.memory_space<semaphore_mem>>)
      %dma_wait3A_154 = arith.constant 0 : i32
      %dma_wait3A_155 = tpu.memref_slice %arg14[%add3A_119, %dma_wait3A_154] : memref<10240x128xf32, #tpu.memory_space<vmem_shared>> -> memref<80x128xf32, #tpu.memory_space<vmem_shared>>
      %dma_wait3A_156 = arith.constant 0 : i32
      %dma_wait3A_157 = tpu.memref_slice %arg14[%add3A_119, %dma_wait3A_156] : memref<10240x128xf32, #tpu.memory_space<vmem_shared>> -> memref<80x128xf32, #tpu.memory_space<vmem_shared>>
      tpu.wait_dma2 semaphore(%run_scoped3A : memref<!tpu.dma_semaphore, #tpu.memory_space<semaphore_mem>>) src(%dma_wait3A_157 : memref<80x128xf32, #tpu.memory_space<vmem_shared>>) dst(%arg11 : memref<80x128xf32, #tpu.memory_space<vmem>>)
      tpu.yield
    }) : () -> ()
    %add3A_120 = arith.constant 0 : i32
    %add3A_121 = arith.addi %multiple_of3A_6, %add3A_120 : i32
    "tpu.region"() ({
      %run_scoped3A = tpu.sem_alloc : memref<!tpu.dma_semaphore, #tpu.memory_space<semaphore_mem>>
      %dma_start3A_150 = arith.constant 0 : i32
      %dma_start3A_151 = tpu.memref_slice %arg6[%add3A_121, %dma_start3A_150] : memref<20480x128xf32, #tpu.memory_space<hbm>> -> memref<80x128xf32, #tpu.memory_space<hbm>>
      %dma_start3A_152 = arith.constant 0 : i32
      %dma_start3A_153 = tpu.memref_slice %arg6[%add3A_121, %dma_start3A_152] : memref<20480x128xf32, #tpu.memory_space<hbm>> -> memref<80x128xf32, #tpu.memory_space<hbm>>
      tpu.enqueue_dma source(%arg11 : memref<80x128xf32, #tpu.memory_space<vmem>>) target(%dma_start3A_153 : memref<80x128xf32, #tpu.memory_space<hbm>>) target_semaphore(%run_scoped3A : memref<!tpu.dma_semaphore, #tpu.memory_space<semaphore_mem>>)
      %dma_wait3A_154 = arith.constant 0 : i32
      %dma_wait3A_155 = tpu.memref_slice %arg6[%add3A_121, %dma_wait3A_154] : memref<20480x128xf32, #tpu.memory_space<hbm>> -> memref<80x128xf32, #tpu.memory_space<hbm>>
      %dma_wait3A_156 = arith.constant 0 : i32
      %dma_wait3A_157 = tpu.memref_slice %arg6[%add3A_121, %dma_wait3A_156] : memref<20480x128xf32, #tpu.memory_space<hbm>> -> memref<80x128xf32, #tpu.memory_space<hbm>>
      tpu.wait_dma2 semaphore(%run_scoped3A : memref<!tpu.dma_semaphore, #tpu.memory_space<semaphore_mem>>) src(%arg11 : memref<80x128xf32, #tpu.memory_space<vmem>>) dst(%dma_wait3A_157 : memref<80x128xf32, #tpu.memory_space<hbm>>)
      tpu.yield
    }) : () -> ()
    %add3A_122 = arith.constant 80 : i32
    %add3A_123 = arith.addi %multiple_of3A, %add3A_122 : i32
    "tpu.region"() ({
      %run_scoped3A = tpu.sem_alloc : memref<!tpu.dma_semaphore, #tpu.memory_space<semaphore_mem>>
      %dma_start3A_150 = arith.constant 0 : i32
      %dma_start3A_151 = tpu.memref_slice %arg14[%add3A_123, %dma_start3A_150] : memref<10240x128xf32, #tpu.memory_space<vmem_shared>> -> memref<80x128xf32, #tpu.memory_space<vmem_shared>>
      %dma_start3A_152 = arith.constant 0 : i32
      %dma_start3A_153 = tpu.memref_slice %arg14[%add3A_123, %dma_start3A_152] : memref<10240x128xf32, #tpu.memory_space<vmem_shared>> -> memref<80x128xf32, #tpu.memory_space<vmem_shared>>
      tpu.enqueue_dma source(%dma_start3A_153 : memref<80x128xf32, #tpu.memory_space<vmem_shared>>) target(%arg11 : memref<80x128xf32, #tpu.memory_space<vmem>>) target_semaphore(%run_scoped3A : memref<!tpu.dma_semaphore, #tpu.memory_space<semaphore_mem>>)
      %dma_wait3A_154 = arith.constant 0 : i32
      %dma_wait3A_155 = tpu.memref_slice %arg14[%add3A_123, %dma_wait3A_154] : memref<10240x128xf32, #tpu.memory_space<vmem_shared>> -> memref<80x128xf32, #tpu.memory_space<vmem_shared>>
      %dma_wait3A_156 = arith.constant 0 : i32
      %dma_wait3A_157 = tpu.memref_slice %arg14[%add3A_123, %dma_wait3A_156] : memref<10240x128xf32, #tpu.memory_space<vmem_shared>> -> memref<80x128xf32, #tpu.memory_space<vmem_shared>>
      tpu.wait_dma2 semaphore(%run_scoped3A : memref<!tpu.dma_semaphore, #tpu.memory_space<semaphore_mem>>) src(%dma_wait3A_157 : memref<80x128xf32, #tpu.memory_space<vmem_shared>>) dst(%arg11 : memref<80x128xf32, #tpu.memory_space<vmem>>)
      tpu.yield
    }) : () -> ()
    %add3A_124 = arith.constant 80 : i32
    %add3A_125 = arith.addi %multiple_of3A_6, %add3A_124 : i32
    "tpu.region"() ({
      %run_scoped3A = tpu.sem_alloc : memref<!tpu.dma_semaphore, #tpu.memory_space<semaphore_mem>>
      %dma_start3A_150 = arith.constant 0 : i32
      %dma_start3A_151 = tpu.memref_slice %arg6[%add3A_125, %dma_start3A_150] : memref<20480x128xf32, #tpu.memory_space<hbm>> -> memref<80x128xf32, #tpu.memory_space<hbm>>
      %dma_start3A_152 = arith.constant 0 : i32
      %dma_start3A_153 = tpu.memref_slice %arg6[%add3A_125, %dma_start3A_152] : memref<20480x128xf32, #tpu.memory_space<hbm>> -> memref<80x128xf32, #tpu.memory_space<hbm>>
      tpu.enqueue_dma source(%arg11 : memref<80x128xf32, #tpu.memory_space<vmem>>) target(%dma_start3A_153 : memref<80x128xf32, #tpu.memory_space<hbm>>) target_semaphore(%run_scoped3A : memref<!tpu.dma_semaphore, #tpu.memory_space<semaphore_mem>>)
      %dma_wait3A_154 = arith.constant 0 : i32
      %dma_wait3A_155 = tpu.memref_slice %arg6[%add3A_125, %dma_wait3A_154] : memref<20480x128xf32, #tpu.memory_space<hbm>> -> memref<80x128xf32, #tpu.memory_space<hbm>>
      %dma_wait3A_156 = arith.constant 0 : i32
      %dma_wait3A_157 = tpu.memref_slice %arg6[%add3A_125, %dma_wait3A_156] : memref<20480x128xf32, #tpu.memory_space<hbm>> -> memref<80x128xf32, #tpu.memory_space<hbm>>
      tpu.wait_dma2 semaphore(%run_scoped3A : memref<!tpu.dma_semaphore, #tpu.memory_space<semaphore_mem>>) src(%arg11 : memref<80x128xf32, #tpu.memory_space<vmem>>) dst(%dma_wait3A_157 : memref<80x128xf32, #tpu.memory_space<hbm>>)
      tpu.yield
    }) : () -> ()
    %add3A_126 = arith.constant 160 : i32
    %add3A_127 = arith.addi %multiple_of3A, %add3A_126 : i32
    "tpu.region"() ({
      %run_scoped3A = tpu.sem_alloc : memref<!tpu.dma_semaphore, #tpu.memory_space<semaphore_mem>>
      %dma_start3A_150 = arith.constant 0 : i32
      %dma_start3A_151 = tpu.memref_slice %arg14[%add3A_127, %dma_start3A_150] : memref<10240x128xf32, #tpu.memory_space<vmem_shared>> -> memref<80x128xf32, #tpu.memory_space<vmem_shared>>
      %dma_start3A_152 = arith.constant 0 : i32
      %dma_start3A_153 = tpu.memref_slice %arg14[%add3A_127, %dma_start3A_152] : memref<10240x128xf32, #tpu.memory_space<vmem_shared>> -> memref<80x128xf32, #tpu.memory_space<vmem_shared>>
      tpu.enqueue_dma source(%dma_start3A_153 : memref<80x128xf32, #tpu.memory_space<vmem_shared>>) target(%arg11 : memref<80x128xf32, #tpu.memory_space<vmem>>) target_semaphore(%run_scoped3A : memref<!tpu.dma_semaphore, #tpu.memory_space<semaphore_mem>>)
      %dma_wait3A_154 = arith.constant 0 : i32
      %dma_wait3A_155 = tpu.memref_slice %arg14[%add3A_127, %dma_wait3A_154] : memref<10240x128xf32, #tpu.memory_space<vmem_shared>> -> memref<80x128xf32, #tpu.memory_space<vmem_shared>>
      %dma_wait3A_156 = arith.constant 0 : i32
      %dma_wait3A_157 = tpu.memref_slice %arg14[%add3A_127, %dma_wait3A_156] : memref<10240x128xf32, #tpu.memory_space<vmem_shared>> -> memref<80x128xf32, #tpu.memory_space<vmem_shared>>
      tpu.wait_dma2 semaphore(%run_scoped3A : memref<!tpu.dma_semaphore, #tpu.memory_space<semaphore_mem>>) src(%dma_wait3A_157 : memref<80x128xf32, #tpu.memory_space<vmem_shared>>) dst(%arg11 : memref<80x128xf32, #tpu.memory_space<vmem>>)
      tpu.yield
    }) : () -> ()
    %add3A_128 = arith.constant 160 : i32
    %add3A_129 = arith.addi %multiple_of3A_6, %add3A_128 : i32
    "tpu.region"() ({
      %run_scoped3A = tpu.sem_alloc : memref<!tpu.dma_semaphore, #tpu.memory_space<semaphore_mem>>
      %dma_start3A_150 = arith.constant 0 : i32
      %dma_start3A_151 = tpu.memref_slice %arg6[%add3A_129, %dma_start3A_150] : memref<20480x128xf32, #tpu.memory_space<hbm>> -> memref<80x128xf32, #tpu.memory_space<hbm>>
      %dma_start3A_152 = arith.constant 0 : i32
      %dma_start3A_153 = tpu.memref_slice %arg6[%add3A_129, %dma_start3A_152] : memref<20480x128xf32, #tpu.memory_space<hbm>> -> memref<80x128xf32, #tpu.memory_space<hbm>>
      tpu.enqueue_dma source(%arg11 : memref<80x128xf32, #tpu.memory_space<vmem>>) target(%dma_start3A_153 : memref<80x128xf32, #tpu.memory_space<hbm>>) target_semaphore(%run_scoped3A : memref<!tpu.dma_semaphore, #tpu.memory_space<semaphore_mem>>)
      %dma_wait3A_154 = arith.constant 0 : i32
      %dma_wait3A_155 = tpu.memref_slice %arg6[%add3A_129, %dma_wait3A_154] : memref<20480x128xf32, #tpu.memory_space<hbm>> -> memref<80x128xf32, #tpu.memory_space<hbm>>
      %dma_wait3A_156 = arith.constant 0 : i32
      %dma_wait3A_157 = tpu.memref_slice %arg6[%add3A_129, %dma_wait3A_156] : memref<20480x128xf32, #tpu.memory_space<hbm>> -> memref<80x128xf32, #tpu.memory_space<hbm>>
      tpu.wait_dma2 semaphore(%run_scoped3A : memref<!tpu.dma_semaphore, #tpu.memory_space<semaphore_mem>>) src(%arg11 : memref<80x128xf32, #tpu.memory_space<vmem>>) dst(%dma_wait3A_157 : memref<80x128xf32, #tpu.memory_space<hbm>>)
      tpu.yield
    }) : () -> ()
    %add3A_130 = arith.constant 240 : i32
    %add3A_131 = arith.addi %multiple_of3A, %add3A_130 : i32
    "tpu.region"() ({
      %run_scoped3A = tpu.sem_alloc : memref<!tpu.dma_semaphore, #tpu.memory_space<semaphore_mem>>
      %dma_start3A_150 = arith.constant 0 : i32
      %dma_start3A_151 = tpu.memref_slice %arg14[%add3A_131, %dma_start3A_150] : memref<10240x128xf32, #tpu.memory_space<vmem_shared>> -> memref<80x128xf32, #tpu.memory_space<vmem_shared>>
      %dma_start3A_152 = arith.constant 0 : i32
      %dma_start3A_153 = tpu.memref_slice %arg14[%add3A_131, %dma_start3A_152] : memref<10240x128xf32, #tpu.memory_space<vmem_shared>> -> memref<80x128xf32, #tpu.memory_space<vmem_shared>>
      tpu.enqueue_dma source(%dma_start3A_153 : memref<80x128xf32, #tpu.memory_space<vmem_shared>>) target(%arg11 : memref<80x128xf32, #tpu.memory_space<vmem>>) target_semaphore(%run_scoped3A : memref<!tpu.dma_semaphore, #tpu.memory_space<semaphore_mem>>)
      %dma_wait3A_154 = arith.constant 0 : i32
      %dma_wait3A_155 = tpu.memref_slice %arg14[%add3A_131, %dma_wait3A_154] : memref<10240x128xf32, #tpu.memory_space<vmem_shared>> -> memref<80x128xf32, #tpu.memory_space<vmem_shared>>
      %dma_wait3A_156 = arith.constant 0 : i32
      %dma_wait3A_157 = tpu.memref_slice %arg14[%add3A_131, %dma_wait3A_156] : memref<10240x128xf32, #tpu.memory_space<vmem_shared>> -> memref<80x128xf32, #tpu.memory_space<vmem_shared>>
      tpu.wait_dma2 semaphore(%run_scoped3A : memref<!tpu.dma_semaphore, #tpu.memory_space<semaphore_mem>>) src(%dma_wait3A_157 : memref<80x128xf32, #tpu.memory_space<vmem_shared>>) dst(%arg11 : memref<80x128xf32, #tpu.memory_space<vmem>>)
      tpu.yield
    }) : () -> ()
    %add3A_132 = arith.constant 240 : i32
    %add3A_133 = arith.addi %multiple_of3A_6, %add3A_132 : i32
    "tpu.region"() ({
      %run_scoped3A = tpu.sem_alloc : memref<!tpu.dma_semaphore, #tpu.memory_space<semaphore_mem>>
      %dma_start3A_150 = arith.constant 0 : i32
      %dma_start3A_151 = tpu.memref_slice %arg6[%add3A_133, %dma_start3A_150] : memref<20480x128xf32, #tpu.memory_space<hbm>> -> memref<80x128xf32, #tpu.memory_space<hbm>>
      %dma_start3A_152 = arith.constant 0 : i32
      %dma_start3A_153 = tpu.memref_slice %arg6[%add3A_133, %dma_start3A_152] : memref<20480x128xf32, #tpu.memory_space<hbm>> -> memref<80x128xf32, #tpu.memory_space<hbm>>
      tpu.enqueue_dma source(%arg11 : memref<80x128xf32, #tpu.memory_space<vmem>>) target(%dma_start3A_153 : memref<80x128xf32, #tpu.memory_space<hbm>>) target_semaphore(%run_scoped3A : memref<!tpu.dma_semaphore, #tpu.memory_space<semaphore_mem>>)
      %dma_wait3A_154 = arith.constant 0 : i32
      %dma_wait3A_155 = tpu.memref_slice %arg6[%add3A_133, %dma_wait3A_154] : memref<20480x128xf32, #tpu.memory_space<hbm>> -> memref<80x128xf32, #tpu.memory_space<hbm>>
      %dma_wait3A_156 = arith.constant 0 : i32
      %dma_wait3A_157 = tpu.memref_slice %arg6[%add3A_133, %dma_wait3A_156] : memref<20480x128xf32, #tpu.memory_space<hbm>> -> memref<80x128xf32, #tpu.memory_space<hbm>>
      tpu.wait_dma2 semaphore(%run_scoped3A : memref<!tpu.dma_semaphore, #tpu.memory_space<semaphore_mem>>) src(%arg11 : memref<80x128xf32, #tpu.memory_space<vmem>>) dst(%dma_wait3A_157 : memref<80x128xf32, #tpu.memory_space<hbm>>)
      tpu.yield
    }) : () -> ()
    %add3A_134 = arith.constant 320 : i32
    %add3A_135 = arith.addi %multiple_of3A, %add3A_134 : i32
    "tpu.region"() ({
      %run_scoped3A = tpu.sem_alloc : memref<!tpu.dma_semaphore, #tpu.memory_space<semaphore_mem>>
      %dma_start3A_150 = arith.constant 0 : i32
      %dma_start3A_151 = tpu.memref_slice %arg14[%add3A_135, %dma_start3A_150] : memref<10240x128xf32, #tpu.memory_space<vmem_shared>> -> memref<80x128xf32, #tpu.memory_space<vmem_shared>>
      %dma_start3A_152 = arith.constant 0 : i32
      %dma_start3A_153 = tpu.memref_slice %arg14[%add3A_135, %dma_start3A_152] : memref<10240x128xf32, #tpu.memory_space<vmem_shared>> -> memref<80x128xf32, #tpu.memory_space<vmem_shared>>
      tpu.enqueue_dma source(%dma_start3A_153 : memref<80x128xf32, #tpu.memory_space<vmem_shared>>) target(%arg11 : memref<80x128xf32, #tpu.memory_space<vmem>>) target_semaphore(%run_scoped3A : memref<!tpu.dma_semaphore, #tpu.memory_space<semaphore_mem>>)
      %dma_wait3A_154 = arith.constant 0 : i32
      %dma_wait3A_155 = tpu.memref_slice %arg14[%add3A_135, %dma_wait3A_154] : memref<10240x128xf32, #tpu.memory_space<vmem_shared>> -> memref<80x128xf32, #tpu.memory_space<vmem_shared>>
      %dma_wait3A_156 = arith.constant 0 : i32
      %dma_wait3A_157 = tpu.memref_slice %arg14[%add3A_135, %dma_wait3A_156] : memref<10240x128xf32, #tpu.memory_space<vmem_shared>> -> memref<80x128xf32, #tpu.memory_space<vmem_shared>>
      tpu.wait_dma2 semaphore(%run_scoped3A : memref<!tpu.dma_semaphore, #tpu.memory_space<semaphore_mem>>) src(%dma_wait3A_157 : memref<80x128xf32, #tpu.memory_space<vmem_shared>>) dst(%arg11 : memref<80x128xf32, #tpu.memory_space<vmem>>)
      tpu.yield
    }) : () -> ()
    %add3A_136 = arith.constant 320 : i32
    %add3A_137 = arith.addi %multiple_of3A_6, %add3A_136 : i32
    "tpu.region"() ({
      %run_scoped3A = tpu.sem_alloc : memref<!tpu.dma_semaphore, #tpu.memory_space<semaphore_mem>>
      %dma_start3A_150 = arith.constant 0 : i32
      %dma_start3A_151 = tpu.memref_slice %arg6[%add3A_137, %dma_start3A_150] : memref<20480x128xf32, #tpu.memory_space<hbm>> -> memref<80x128xf32, #tpu.memory_space<hbm>>
      %dma_start3A_152 = arith.constant 0 : i32
      %dma_start3A_153 = tpu.memref_slice %arg6[%add3A_137, %dma_start3A_152] : memref<20480x128xf32, #tpu.memory_space<hbm>> -> memref<80x128xf32, #tpu.memory_space<hbm>>
      tpu.enqueue_dma source(%arg11 : memref<80x128xf32, #tpu.memory_space<vmem>>) target(%dma_start3A_153 : memref<80x128xf32, #tpu.memory_space<hbm>>) target_semaphore(%run_scoped3A : memref<!tpu.dma_semaphore, #tpu.memory_space<semaphore_mem>>)
      %dma_wait3A_154 = arith.constant 0 : i32
      %dma_wait3A_155 = tpu.memref_slice %arg6[%add3A_137, %dma_wait3A_154] : memref<20480x128xf32, #tpu.memory_space<hbm>> -> memref<80x128xf32, #tpu.memory_space<hbm>>
      %dma_wait3A_156 = arith.constant 0 : i32
      %dma_wait3A_157 = tpu.memref_slice %arg6[%add3A_137, %dma_wait3A_156] : memref<20480x128xf32, #tpu.memory_space<hbm>> -> memref<80x128xf32, #tpu.memory_space<hbm>>
      tpu.wait_dma2 semaphore(%run_scoped3A : memref<!tpu.dma_semaphore, #tpu.memory_space<semaphore_mem>>) src(%arg11 : memref<80x128xf32, #tpu.memory_space<vmem>>) dst(%dma_wait3A_157 : memref<80x128xf32, #tpu.memory_space<hbm>>)
      tpu.yield
    }) : () -> ()
    %add3A_138 = arith.constant 400 : i32
    %add3A_139 = arith.addi %multiple_of3A, %add3A_138 : i32
    "tpu.region"() ({
      %run_scoped3A = tpu.sem_alloc : memref<!tpu.dma_semaphore, #tpu.memory_space<semaphore_mem>>
      %dma_start3A_150 = arith.constant 0 : i32
      %dma_start3A_151 = tpu.memref_slice %arg14[%add3A_139, %dma_start3A_150] : memref<10240x128xf32, #tpu.memory_space<vmem_shared>> -> memref<80x128xf32, #tpu.memory_space<vmem_shared>>
      %dma_start3A_152 = arith.constant 0 : i32
      %dma_start3A_153 = tpu.memref_slice %arg14[%add3A_139, %dma_start3A_152] : memref<10240x128xf32, #tpu.memory_space<vmem_shared>> -> memref<80x128xf32, #tpu.memory_space<vmem_shared>>
      tpu.enqueue_dma source(%dma_start3A_153 : memref<80x128xf32, #tpu.memory_space<vmem_shared>>) target(%arg11 : memref<80x128xf32, #tpu.memory_space<vmem>>) target_semaphore(%run_scoped3A : memref<!tpu.dma_semaphore, #tpu.memory_space<semaphore_mem>>)
      %dma_wait3A_154 = arith.constant 0 : i32
      %dma_wait3A_155 = tpu.memref_slice %arg14[%add3A_139, %dma_wait3A_154] : memref<10240x128xf32, #tpu.memory_space<vmem_shared>> -> memref<80x128xf32, #tpu.memory_space<vmem_shared>>
      %dma_wait3A_156 = arith.constant 0 : i32
      %dma_wait3A_157 = tpu.memref_slice %arg14[%add3A_139, %dma_wait3A_156] : memref<10240x128xf32, #tpu.memory_space<vmem_shared>> -> memref<80x128xf32, #tpu.memory_space<vmem_shared>>
      tpu.wait_dma2 semaphore(%run_scoped3A : memref<!tpu.dma_semaphore, #tpu.memory_space<semaphore_mem>>) src(%dma_wait3A_157 : memref<80x128xf32, #tpu.memory_space<vmem_shared>>) dst(%arg11 : memref<80x128xf32, #tpu.memory_space<vmem>>)
      tpu.yield
    }) : () -> ()
    %add3A_140 = arith.constant 400 : i32
    %add3A_141 = arith.addi %multiple_of3A_6, %add3A_140 : i32
    "tpu.region"() ({
      %run_scoped3A = tpu.sem_alloc : memref<!tpu.dma_semaphore, #tpu.memory_space<semaphore_mem>>
      %dma_start3A_150 = arith.constant 0 : i32
      %dma_start3A_151 = tpu.memref_slice %arg6[%add3A_141, %dma_start3A_150] : memref<20480x128xf32, #tpu.memory_space<hbm>> -> memref<80x128xf32, #tpu.memory_space<hbm>>
      %dma_start3A_152 = arith.constant 0 : i32
      %dma_start3A_153 = tpu.memref_slice %arg6[%add3A_141, %dma_start3A_152] : memref<20480x128xf32, #tpu.memory_space<hbm>> -> memref<80x128xf32, #tpu.memory_space<hbm>>
      tpu.enqueue_dma source(%arg11 : memref<80x128xf32, #tpu.memory_space<vmem>>) target(%dma_start3A_153 : memref<80x128xf32, #tpu.memory_space<hbm>>) target_semaphore(%run_scoped3A : memref<!tpu.dma_semaphore, #tpu.memory_space<semaphore_mem>>)
      %dma_wait3A_154 = arith.constant 0 : i32
      %dma_wait3A_155 = tpu.memref_slice %arg6[%add3A_141, %dma_wait3A_154] : memref<20480x128xf32, #tpu.memory_space<hbm>> -> memref<80x128xf32, #tpu.memory_space<hbm>>
      %dma_wait3A_156 = arith.constant 0 : i32
      %dma_wait3A_157 = tpu.memref_slice %arg6[%add3A_141, %dma_wait3A_156] : memref<20480x128xf32, #tpu.memory_space<hbm>> -> memref<80x128xf32, #tpu.memory_space<hbm>>
      tpu.wait_dma2 semaphore(%run_scoped3A : memref<!tpu.dma_semaphore, #tpu.memory_space<semaphore_mem>>) src(%arg11 : memref<80x128xf32, #tpu.memory_space<vmem>>) dst(%dma_wait3A_157 : memref<80x128xf32, #tpu.memory_space<hbm>>)
      tpu.yield
    }) : () -> ()
    %add3A_142 = arith.constant 480 : i32
    %add3A_143 = arith.addi %multiple_of3A, %add3A_142 : i32
    "tpu.region"() ({
      %run_scoped3A = tpu.sem_alloc : memref<!tpu.dma_semaphore, #tpu.memory_space<semaphore_mem>>
      %dma_start3A_150 = arith.constant 0 : i32
      %dma_start3A_151 = tpu.memref_slice %arg14[%add3A_143, %dma_start3A_150] : memref<10240x128xf32, #tpu.memory_space<vmem_shared>> -> memref<80x128xf32, #tpu.memory_space<vmem_shared>>
      %dma_start3A_152 = arith.constant 0 : i32
      %dma_start3A_153 = tpu.memref_slice %arg14[%add3A_143, %dma_start3A_152] : memref<10240x128xf32, #tpu.memory_space<vmem_shared>> -> memref<80x128xf32, #tpu.memory_space<vmem_shared>>
      tpu.enqueue_dma source(%dma_start3A_153 : memref<80x128xf32, #tpu.memory_space<vmem_shared>>) target(%arg11 : memref<80x128xf32, #tpu.memory_space<vmem>>) target_semaphore(%run_scoped3A : memref<!tpu.dma_semaphore, #tpu.memory_space<semaphore_mem>>)
      %dma_wait3A_154 = arith.constant 0 : i32
      %dma_wait3A_155 = tpu.memref_slice %arg14[%add3A_143, %dma_wait3A_154] : memref<10240x128xf32, #tpu.memory_space<vmem_shared>> -> memref<80x128xf32, #tpu.memory_space<vmem_shared>>
      %dma_wait3A_156 = arith.constant 0 : i32
      %dma_wait3A_157 = tpu.memref_slice %arg14[%add3A_143, %dma_wait3A_156] : memref<10240x128xf32, #tpu.memory_space<vmem_shared>> -> memref<80x128xf32, #tpu.memory_space<vmem_shared>>
      tpu.wait_dma2 semaphore(%run_scoped3A : memref<!tpu.dma_semaphore, #tpu.memory_space<semaphore_mem>>) src(%dma_wait3A_157 : memref<80x128xf32, #tpu.memory_space<vmem_shared>>) dst(%arg11 : memref<80x128xf32, #tpu.memory_space<vmem>>)
      tpu.yield
    }) : () -> ()
    %add3A_144 = arith.constant 480 : i32
    %add3A_145 = arith.addi %multiple_of3A_6, %add3A_144 : i32
    "tpu.region"() ({
      %run_scoped3A = tpu.sem_alloc : memref<!tpu.dma_semaphore, #tpu.memory_space<semaphore_mem>>
      %dma_start3A_150 = arith.constant 0 : i32
      %dma_start3A_151 = tpu.memref_slice %arg6[%add3A_145, %dma_start3A_150] : memref<20480x128xf32, #tpu.memory_space<hbm>> -> memref<80x128xf32, #tpu.memory_space<hbm>>
      %dma_start3A_152 = arith.constant 0 : i32
      %dma_start3A_153 = tpu.memref_slice %arg6[%add3A_145, %dma_start3A_152] : memref<20480x128xf32, #tpu.memory_space<hbm>> -> memref<80x128xf32, #tpu.memory_space<hbm>>
      tpu.enqueue_dma source(%arg11 : memref<80x128xf32, #tpu.memory_space<vmem>>) target(%dma_start3A_153 : memref<80x128xf32, #tpu.memory_space<hbm>>) target_semaphore(%run_scoped3A : memref<!tpu.dma_semaphore, #tpu.memory_space<semaphore_mem>>)
      %dma_wait3A_154 = arith.constant 0 : i32
      %dma_wait3A_155 = tpu.memref_slice %arg6[%add3A_145, %dma_wait3A_154] : memref<20480x128xf32, #tpu.memory_space<hbm>> -> memref<80x128xf32, #tpu.memory_space<hbm>>
      %dma_wait3A_156 = arith.constant 0 : i32
      %dma_wait3A_157 = tpu.memref_slice %arg6[%add3A_145, %dma_wait3A_156] : memref<20480x128xf32, #tpu.memory_space<hbm>> -> memref<80x128xf32, #tpu.memory_space<hbm>>
      tpu.wait_dma2 semaphore(%run_scoped3A : memref<!tpu.dma_semaphore, #tpu.memory_space<semaphore_mem>>) src(%arg11 : memref<80x128xf32, #tpu.memory_space<vmem>>) dst(%dma_wait3A_157 : memref<80x128xf32, #tpu.memory_space<hbm>>)
      tpu.yield
    }) : () -> ()
    %add3A_146 = arith.constant 560 : i32
    %add3A_147 = arith.addi %multiple_of3A, %add3A_146 : i32
    "tpu.region"() ({
      %run_scoped3A = tpu.sem_alloc : memref<!tpu.dma_semaphore, #tpu.memory_space<semaphore_mem>>
      %dma_start3A_150 = arith.constant 0 : i32
      %dma_start3A_151 = tpu.memref_slice %arg14[%add3A_147, %dma_start3A_150] : memref<10240x128xf32, #tpu.memory_space<vmem_shared>> -> memref<80x128xf32, #tpu.memory_space<vmem_shared>>
      %dma_start3A_152 = arith.constant 0 : i32
      %dma_start3A_153 = tpu.memref_slice %arg14[%add3A_147, %dma_start3A_152] : memref<10240x128xf32, #tpu.memory_space<vmem_shared>> -> memref<80x128xf32, #tpu.memory_space<vmem_shared>>
      tpu.enqueue_dma source(%dma_start3A_153 : memref<80x128xf32, #tpu.memory_space<vmem_shared>>) target(%arg11 : memref<80x128xf32, #tpu.memory_space<vmem>>) target_semaphore(%run_scoped3A : memref<!tpu.dma_semaphore, #tpu.memory_space<semaphore_mem>>)
      %dma_wait3A_154 = arith.constant 0 : i32
      %dma_wait3A_155 = tpu.memref_slice %arg14[%add3A_147, %dma_wait3A_154] : memref<10240x128xf32, #tpu.memory_space<vmem_shared>> -> memref<80x128xf32, #tpu.memory_space<vmem_shared>>
      %dma_wait3A_156 = arith.constant 0 : i32
      %dma_wait3A_157 = tpu.memref_slice %arg14[%add3A_147, %dma_wait3A_156] : memref<10240x128xf32, #tpu.memory_space<vmem_shared>> -> memref<80x128xf32, #tpu.memory_space<vmem_shared>>
      tpu.wait_dma2 semaphore(%run_scoped3A : memref<!tpu.dma_semaphore, #tpu.memory_space<semaphore_mem>>) src(%dma_wait3A_157 : memref<80x128xf32, #tpu.memory_space<vmem_shared>>) dst(%arg11 : memref<80x128xf32, #tpu.memory_space<vmem>>)
      tpu.yield
    }) : () -> ()
    %add3A_148 = arith.constant 560 : i32
    %add3A_149 = arith.addi %multiple_of3A_6, %add3A_148 : i32
    "tpu.region"() ({
      %run_scoped3A = tpu.sem_alloc : memref<!tpu.dma_semaphore, #tpu.memory_space<semaphore_mem>>
      %dma_start3A_150 = arith.constant 0 : i32
      %dma_start3A_151 = tpu.memref_slice %arg6[%add3A_149, %dma_start3A_150] : memref<20480x128xf32, #tpu.memory_space<hbm>> -> memref<80x128xf32, #tpu.memory_space<hbm>>
      %dma_start3A_152 = arith.constant 0 : i32
      %dma_start3A_153 = tpu.memref_slice %arg6[%add3A_149, %dma_start3A_152] : memref<20480x128xf32, #tpu.memory_space<hbm>> -> memref<80x128xf32, #tpu.memory_space<hbm>>
      tpu.enqueue_dma source(%arg11 : memref<80x128xf32, #tpu.memory_space<vmem>>) target(%dma_start3A_153 : memref<80x128xf32, #tpu.memory_space<hbm>>) target_semaphore(%run_scoped3A : memref<!tpu.dma_semaphore, #tpu.memory_space<semaphore_mem>>)
      %dma_wait3A_154 = arith.constant 0 : i32
      %dma_wait3A_155 = tpu.memref_slice %arg6[%add3A_149, %dma_wait3A_154] : memref<20480x128xf32, #tpu.memory_space<hbm>> -> memref<80x128xf32, #tpu.memory_space<hbm>>
      %dma_wait3A_156 = arith.constant 0 : i32
      %dma_wait3A_157 = tpu.memref_slice %arg6[%add3A_149, %dma_wait3A_156] : memref<20480x128xf32, #tpu.memory_space<hbm>> -> memref<80x128xf32, #tpu.memory_space<hbm>>
      tpu.wait_dma2 semaphore(%run_scoped3A : memref<!tpu.dma_semaphore, #tpu.memory_space<semaphore_mem>>) src(%arg11 : memref<80x128xf32, #tpu.memory_space<vmem>>) dst(%dma_wait3A_157 : memref<80x128xf32, #tpu.memory_space<hbm>>)
      tpu.yield
    }) : () -> ()
    return
  }
}

#map = affine_map<(d0, d1) -> (0)>
#map1 = affine_map<(d0, d1) -> (0, 0)>
module attributes {stable_mosaic.version = 14 : i64} {
  func.func @sc_degree(%arg0: i32, %arg1: i32, %arg2: memref<320000xi32, #tpu.memory_space<hbm>>, %arg3: memref<80x128xf32, #tpu.memory_space<hbm>>, %arg4: memref<80x128xf32, #tpu.memory_space<hbm>>, %arg5: memref<20480x128xf32, #tpu.memory_space<hbm>>, %arg6: memref<80xi32, #tpu.memory_space<vmem>>, %arg7: memref<80xi32, #tpu.memory_space<vmem>>, %arg8: memref<80x128xf32, #tpu.memory_space<vmem>>, %arg9: memref<80x128xf32, #tpu.memory_space<vmem>>, %arg10: memref<10240x128xf32, #tpu.memory_space<vmem_shared>>, %arg11: memref<!tpu.dma_semaphore, #tpu.memory_space<semaphore_mem>>, %arg12: memref<!tpu.dma_semaphore, #tpu.memory_space<semaphore_mem>>) attributes {dimension_semantics = [#tpu.dimension_semantics<core_parallel>, #tpu.dimension_semantics<subcore_parallel>], iteration_bounds = array<i64: 2, 16>, scalar_prefetch = 0 : i64, scratch_operands = 7 : i64, tpu.core_type = #tpu.core_type<sc_vector_subcore>, window_params = [{transform_indices = #map}, {transform_indices = #map1}, {transform_indices = #map1}, {transform_indices = #map1}]} {
    %mul3A = arith.constant 2 : i32
    %mul3A_0 = arith.muli %arg1, %mul3A : i32
    %add3A = arith.addi %mul3A_0, %arg0 : i32
    %mul3A_1 = arith.constant 640 : i32
    %mul3A_2 = arith.muli %arg1, %mul3A_1 : i32
    %multiple_of3A = tpu.assume_multiple %mul3A_2, 8 : i32
    %mul3A_3 = arith.constant 10240 : i32
    %mul3A_4 = arith.muli %arg0, %mul3A_3 : i32
    %add3A_5 = arith.addi %mul3A_4, %multiple_of3A : i32
    %multiple_of3A_6 = tpu.assume_multiple %add3A_5, 8 : i32
    %mul3A_7 = arith.constant 10000 : i32
    %mul3A_8 = arith.muli %add3A, %mul3A_7 : i32
    "tpu.region"() ({
      %run_scoped3A = tpu.sem_alloc : memref<!tpu.dma_semaphore, #tpu.memory_space<semaphore_mem>>
      tpu.enqueue_dma source(%arg3 : memref<80x128xf32, #tpu.memory_space<hbm>>) target(%arg9 : memref<80x128xf32, #tpu.memory_space<vmem>>) target_semaphore(%run_scoped3A : memref<!tpu.dma_semaphore, #tpu.memory_space<semaphore_mem>>)
      tpu.wait_dma2 semaphore(%run_scoped3A : memref<!tpu.dma_semaphore, #tpu.memory_space<semaphore_mem>>) src(%arg3 : memref<80x128xf32, #tpu.memory_space<hbm>>) dst(%arg9 : memref<80x128xf32, #tpu.memory_space<vmem>>)
      tpu.yield
    }) : () -> ()
    %add3A_9 = arith.constant 0 : i32
    %add3A_10 = arith.addi %multiple_of3A, %add3A_9 : i32
    "tpu.region"() ({
      %run_scoped3A = tpu.sem_alloc : memref<!tpu.dma_semaphore, #tpu.memory_space<semaphore_mem>>
      %dma_start3A_68 = arith.constant 0 : i32
      %dma_start3A_69 = tpu.memref_slice %arg10[%add3A_10, %dma_start3A_68] : memref<10240x128xf32, #tpu.memory_space<vmem_shared>> -> memref<80x128xf32, #tpu.memory_space<vmem_shared>>
      %dma_start3A_70 = arith.constant 0 : i32
      %dma_start3A_71 = tpu.memref_slice %arg10[%add3A_10, %dma_start3A_70] : memref<10240x128xf32, #tpu.memory_space<vmem_shared>> -> memref<80x128xf32, #tpu.memory_space<vmem_shared>>
      tpu.enqueue_dma source(%arg9 : memref<80x128xf32, #tpu.memory_space<vmem>>) target(%dma_start3A_71 : memref<80x128xf32, #tpu.memory_space<vmem_shared>>) target_semaphore(%run_scoped3A : memref<!tpu.dma_semaphore, #tpu.memory_space<semaphore_mem>>)
      %dma_wait3A_72 = arith.constant 0 : i32
      %dma_wait3A_73 = tpu.memref_slice %arg10[%add3A_10, %dma_wait3A_72] : memref<10240x128xf32, #tpu.memory_space<vmem_shared>> -> memref<80x128xf32, #tpu.memory_space<vmem_shared>>
      %dma_wait3A_74 = arith.constant 0 : i32
      %dma_wait3A_75 = tpu.memref_slice %arg10[%add3A_10, %dma_wait3A_74] : memref<10240x128xf32, #tpu.memory_space<vmem_shared>> -> memref<80x128xf32, #tpu.memory_space<vmem_shared>>
      tpu.wait_dma2 semaphore(%run_scoped3A : memref<!tpu.dma_semaphore, #tpu.memory_space<semaphore_mem>>) src(%arg9 : memref<80x128xf32, #tpu.memory_space<vmem>>) dst(%dma_wait3A_75 : memref<80x128xf32, #tpu.memory_space<vmem_shared>>)
      tpu.yield
    }) : () -> ()
    %add3A_11 = arith.constant 80 : i32
    %add3A_12 = arith.addi %multiple_of3A, %add3A_11 : i32
    "tpu.region"() ({
      %run_scoped3A = tpu.sem_alloc : memref<!tpu.dma_semaphore, #tpu.memory_space<semaphore_mem>>
      %dma_start3A_68 = arith.constant 0 : i32
      %dma_start3A_69 = tpu.memref_slice %arg10[%add3A_12, %dma_start3A_68] : memref<10240x128xf32, #tpu.memory_space<vmem_shared>> -> memref<80x128xf32, #tpu.memory_space<vmem_shared>>
      %dma_start3A_70 = arith.constant 0 : i32
      %dma_start3A_71 = tpu.memref_slice %arg10[%add3A_12, %dma_start3A_70] : memref<10240x128xf32, #tpu.memory_space<vmem_shared>> -> memref<80x128xf32, #tpu.memory_space<vmem_shared>>
      tpu.enqueue_dma source(%arg9 : memref<80x128xf32, #tpu.memory_space<vmem>>) target(%dma_start3A_71 : memref<80x128xf32, #tpu.memory_space<vmem_shared>>) target_semaphore(%run_scoped3A : memref<!tpu.dma_semaphore, #tpu.memory_space<semaphore_mem>>)
      %dma_wait3A_72 = arith.constant 0 : i32
      %dma_wait3A_73 = tpu.memref_slice %arg10[%add3A_12, %dma_wait3A_72] : memref<10240x128xf32, #tpu.memory_space<vmem_shared>> -> memref<80x128xf32, #tpu.memory_space<vmem_shared>>
      %dma_wait3A_74 = arith.constant 0 : i32
      %dma_wait3A_75 = tpu.memref_slice %arg10[%add3A_12, %dma_wait3A_74] : memref<10240x128xf32, #tpu.memory_space<vmem_shared>> -> memref<80x128xf32, #tpu.memory_space<vmem_shared>>
      tpu.wait_dma2 semaphore(%run_scoped3A : memref<!tpu.dma_semaphore, #tpu.memory_space<semaphore_mem>>) src(%arg9 : memref<80x128xf32, #tpu.memory_space<vmem>>) dst(%dma_wait3A_75 : memref<80x128xf32, #tpu.memory_space<vmem_shared>>)
      tpu.yield
    }) : () -> ()
    %add3A_13 = arith.constant 160 : i32
    %add3A_14 = arith.addi %multiple_of3A, %add3A_13 : i32
    "tpu.region"() ({
      %run_scoped3A = tpu.sem_alloc : memref<!tpu.dma_semaphore, #tpu.memory_space<semaphore_mem>>
      %dma_start3A_68 = arith.constant 0 : i32
      %dma_start3A_69 = tpu.memref_slice %arg10[%add3A_14, %dma_start3A_68] : memref<10240x128xf32, #tpu.memory_space<vmem_shared>> -> memref<80x128xf32, #tpu.memory_space<vmem_shared>>
      %dma_start3A_70 = arith.constant 0 : i32
      %dma_start3A_71 = tpu.memref_slice %arg10[%add3A_14, %dma_start3A_70] : memref<10240x128xf32, #tpu.memory_space<vmem_shared>> -> memref<80x128xf32, #tpu.memory_space<vmem_shared>>
      tpu.enqueue_dma source(%arg9 : memref<80x128xf32, #tpu.memory_space<vmem>>) target(%dma_start3A_71 : memref<80x128xf32, #tpu.memory_space<vmem_shared>>) target_semaphore(%run_scoped3A : memref<!tpu.dma_semaphore, #tpu.memory_space<semaphore_mem>>)
      %dma_wait3A_72 = arith.constant 0 : i32
      %dma_wait3A_73 = tpu.memref_slice %arg10[%add3A_14, %dma_wait3A_72] : memref<10240x128xf32, #tpu.memory_space<vmem_shared>> -> memref<80x128xf32, #tpu.memory_space<vmem_shared>>
      %dma_wait3A_74 = arith.constant 0 : i32
      %dma_wait3A_75 = tpu.memref_slice %arg10[%add3A_14, %dma_wait3A_74] : memref<10240x128xf32, #tpu.memory_space<vmem_shared>> -> memref<80x128xf32, #tpu.memory_space<vmem_shared>>
      tpu.wait_dma2 semaphore(%run_scoped3A : memref<!tpu.dma_semaphore, #tpu.memory_space<semaphore_mem>>) src(%arg9 : memref<80x128xf32, #tpu.memory_space<vmem>>) dst(%dma_wait3A_75 : memref<80x128xf32, #tpu.memory_space<vmem_shared>>)
      tpu.yield
    }) : () -> ()
    %add3A_15 = arith.constant 240 : i32
    %add3A_16 = arith.addi %multiple_of3A, %add3A_15 : i32
    "tpu.region"() ({
      %run_scoped3A = tpu.sem_alloc : memref<!tpu.dma_semaphore, #tpu.memory_space<semaphore_mem>>
      %dma_start3A_68 = arith.constant 0 : i32
      %dma_start3A_69 = tpu.memref_slice %arg10[%add3A_16, %dma_start3A_68] : memref<10240x128xf32, #tpu.memory_space<vmem_shared>> -> memref<80x128xf32, #tpu.memory_space<vmem_shared>>
      %dma_start3A_70 = arith.constant 0 : i32
      %dma_start3A_71 = tpu.memref_slice %arg10[%add3A_16, %dma_start3A_70] : memref<10240x128xf32, #tpu.memory_space<vmem_shared>> -> memref<80x128xf32, #tpu.memory_space<vmem_shared>>
      tpu.enqueue_dma source(%arg9 : memref<80x128xf32, #tpu.memory_space<vmem>>) target(%dma_start3A_71 : memref<80x128xf32, #tpu.memory_space<vmem_shared>>) target_semaphore(%run_scoped3A : memref<!tpu.dma_semaphore, #tpu.memory_space<semaphore_mem>>)
      %dma_wait3A_72 = arith.constant 0 : i32
      %dma_wait3A_73 = tpu.memref_slice %arg10[%add3A_16, %dma_wait3A_72] : memref<10240x128xf32, #tpu.memory_space<vmem_shared>> -> memref<80x128xf32, #tpu.memory_space<vmem_shared>>
      %dma_wait3A_74 = arith.constant 0 : i32
      %dma_wait3A_75 = tpu.memref_slice %arg10[%add3A_16, %dma_wait3A_74] : memref<10240x128xf32, #tpu.memory_space<vmem_shared>> -> memref<80x128xf32, #tpu.memory_space<vmem_shared>>
      tpu.wait_dma2 semaphore(%run_scoped3A : memref<!tpu.dma_semaphore, #tpu.memory_space<semaphore_mem>>) src(%arg9 : memref<80x128xf32, #tpu.memory_space<vmem>>) dst(%dma_wait3A_75 : memref<80x128xf32, #tpu.memory_space<vmem_shared>>)
      tpu.yield
    }) : () -> ()
    %add3A_17 = arith.constant 320 : i32
    %add3A_18 = arith.addi %multiple_of3A, %add3A_17 : i32
    "tpu.region"() ({
      %run_scoped3A = tpu.sem_alloc : memref<!tpu.dma_semaphore, #tpu.memory_space<semaphore_mem>>
      %dma_start3A_68 = arith.constant 0 : i32
      %dma_start3A_69 = tpu.memref_slice %arg10[%add3A_18, %dma_start3A_68] : memref<10240x128xf32, #tpu.memory_space<vmem_shared>> -> memref<80x128xf32, #tpu.memory_space<vmem_shared>>
      %dma_start3A_70 = arith.constant 0 : i32
      %dma_start3A_71 = tpu.memref_slice %arg10[%add3A_18, %dma_start3A_70] : memref<10240x128xf32, #tpu.memory_space<vmem_shared>> -> memref<80x128xf32, #tpu.memory_space<vmem_shared>>
      tpu.enqueue_dma source(%arg9 : memref<80x128xf32, #tpu.memory_space<vmem>>) target(%dma_start3A_71 : memref<80x128xf32, #tpu.memory_space<vmem_shared>>) target_semaphore(%run_scoped3A : memref<!tpu.dma_semaphore, #tpu.memory_space<semaphore_mem>>)
      %dma_wait3A_72 = arith.constant 0 : i32
      %dma_wait3A_73 = tpu.memref_slice %arg10[%add3A_18, %dma_wait3A_72] : memref<10240x128xf32, #tpu.memory_space<vmem_shared>> -> memref<80x128xf32, #tpu.memory_space<vmem_shared>>
      %dma_wait3A_74 = arith.constant 0 : i32
      %dma_wait3A_75 = tpu.memref_slice %arg10[%add3A_18, %dma_wait3A_74] : memref<10240x128xf32, #tpu.memory_space<vmem_shared>> -> memref<80x128xf32, #tpu.memory_space<vmem_shared>>
      tpu.wait_dma2 semaphore(%run_scoped3A : memref<!tpu.dma_semaphore, #tpu.memory_space<semaphore_mem>>) src(%arg9 : memref<80x128xf32, #tpu.memory_space<vmem>>) dst(%dma_wait3A_75 : memref<80x128xf32, #tpu.memory_space<vmem_shared>>)
      tpu.yield
    }) : () -> ()
    %add3A_19 = arith.constant 400 : i32
    %add3A_20 = arith.addi %multiple_of3A, %add3A_19 : i32
    "tpu.region"() ({
      %run_scoped3A = tpu.sem_alloc : memref<!tpu.dma_semaphore, #tpu.memory_space<semaphore_mem>>
      %dma_start3A_68 = arith.constant 0 : i32
      %dma_start3A_69 = tpu.memref_slice %arg10[%add3A_20, %dma_start3A_68] : memref<10240x128xf32, #tpu.memory_space<vmem_shared>> -> memref<80x128xf32, #tpu.memory_space<vmem_shared>>
      %dma_start3A_70 = arith.constant 0 : i32
      %dma_start3A_71 = tpu.memref_slice %arg10[%add3A_20, %dma_start3A_70] : memref<10240x128xf32, #tpu.memory_space<vmem_shared>> -> memref<80x128xf32, #tpu.memory_space<vmem_shared>>
      tpu.enqueue_dma source(%arg9 : memref<80x128xf32, #tpu.memory_space<vmem>>) target(%dma_start3A_71 : memref<80x128xf32, #tpu.memory_space<vmem_shared>>) target_semaphore(%run_scoped3A : memref<!tpu.dma_semaphore, #tpu.memory_space<semaphore_mem>>)
      %dma_wait3A_72 = arith.constant 0 : i32
      %dma_wait3A_73 = tpu.memref_slice %arg10[%add3A_20, %dma_wait3A_72] : memref<10240x128xf32, #tpu.memory_space<vmem_shared>> -> memref<80x128xf32, #tpu.memory_space<vmem_shared>>
      %dma_wait3A_74 = arith.constant 0 : i32
      %dma_wait3A_75 = tpu.memref_slice %arg10[%add3A_20, %dma_wait3A_74] : memref<10240x128xf32, #tpu.memory_space<vmem_shared>> -> memref<80x128xf32, #tpu.memory_space<vmem_shared>>
      tpu.wait_dma2 semaphore(%run_scoped3A : memref<!tpu.dma_semaphore, #tpu.memory_space<semaphore_mem>>) src(%arg9 : memref<80x128xf32, #tpu.memory_space<vmem>>) dst(%dma_wait3A_75 : memref<80x128xf32, #tpu.memory_space<vmem_shared>>)
      tpu.yield
    }) : () -> ()
    %add3A_21 = arith.constant 480 : i32
    %add3A_22 = arith.addi %multiple_of3A, %add3A_21 : i32
    "tpu.region"() ({
      %run_scoped3A = tpu.sem_alloc : memref<!tpu.dma_semaphore, #tpu.memory_space<semaphore_mem>>
      %dma_start3A_68 = arith.constant 0 : i32
      %dma_start3A_69 = tpu.memref_slice %arg10[%add3A_22, %dma_start3A_68] : memref<10240x128xf32, #tpu.memory_space<vmem_shared>> -> memref<80x128xf32, #tpu.memory_space<vmem_shared>>
      %dma_start3A_70 = arith.constant 0 : i32
      %dma_start3A_71 = tpu.memref_slice %arg10[%add3A_22, %dma_start3A_70] : memref<10240x128xf32, #tpu.memory_space<vmem_shared>> -> memref<80x128xf32, #tpu.memory_space<vmem_shared>>
      tpu.enqueue_dma source(%arg9 : memref<80x128xf32, #tpu.memory_space<vmem>>) target(%dma_start3A_71 : memref<80x128xf32, #tpu.memory_space<vmem_shared>>) target_semaphore(%run_scoped3A : memref<!tpu.dma_semaphore, #tpu.memory_space<semaphore_mem>>)
      %dma_wait3A_72 = arith.constant 0 : i32
      %dma_wait3A_73 = tpu.memref_slice %arg10[%add3A_22, %dma_wait3A_72] : memref<10240x128xf32, #tpu.memory_space<vmem_shared>> -> memref<80x128xf32, #tpu.memory_space<vmem_shared>>
      %dma_wait3A_74 = arith.constant 0 : i32
      %dma_wait3A_75 = tpu.memref_slice %arg10[%add3A_22, %dma_wait3A_74] : memref<10240x128xf32, #tpu.memory_space<vmem_shared>> -> memref<80x128xf32, #tpu.memory_space<vmem_shared>>
      tpu.wait_dma2 semaphore(%run_scoped3A : memref<!tpu.dma_semaphore, #tpu.memory_space<semaphore_mem>>) src(%arg9 : memref<80x128xf32, #tpu.memory_space<vmem>>) dst(%dma_wait3A_75 : memref<80x128xf32, #tpu.memory_space<vmem_shared>>)
      tpu.yield
    }) : () -> ()
    %add3A_23 = arith.constant 560 : i32
    %add3A_24 = arith.addi %multiple_of3A, %add3A_23 : i32
    "tpu.region"() ({
      %run_scoped3A = tpu.sem_alloc : memref<!tpu.dma_semaphore, #tpu.memory_space<semaphore_mem>>
      %dma_start3A_68 = arith.constant 0 : i32
      %dma_start3A_69 = tpu.memref_slice %arg10[%add3A_24, %dma_start3A_68] : memref<10240x128xf32, #tpu.memory_space<vmem_shared>> -> memref<80x128xf32, #tpu.memory_space<vmem_shared>>
      %dma_start3A_70 = arith.constant 0 : i32
      %dma_start3A_71 = tpu.memref_slice %arg10[%add3A_24, %dma_start3A_70] : memref<10240x128xf32, #tpu.memory_space<vmem_shared>> -> memref<80x128xf32, #tpu.memory_space<vmem_shared>>
      tpu.enqueue_dma source(%arg9 : memref<80x128xf32, #tpu.memory_space<vmem>>) target(%dma_start3A_71 : memref<80x128xf32, #tpu.memory_space<vmem_shared>>) target_semaphore(%run_scoped3A : memref<!tpu.dma_semaphore, #tpu.memory_space<semaphore_mem>>)
      %dma_wait3A_72 = arith.constant 0 : i32
      %dma_wait3A_73 = tpu.memref_slice %arg10[%add3A_24, %dma_wait3A_72] : memref<10240x128xf32, #tpu.memory_space<vmem_shared>> -> memref<80x128xf32, #tpu.memory_space<vmem_shared>>
      %dma_wait3A_74 = arith.constant 0 : i32
      %dma_wait3A_75 = tpu.memref_slice %arg10[%add3A_24, %dma_wait3A_74] : memref<10240x128xf32, #tpu.memory_space<vmem_shared>> -> memref<80x128xf32, #tpu.memory_space<vmem_shared>>
      tpu.wait_dma2 semaphore(%run_scoped3A : memref<!tpu.dma_semaphore, #tpu.memory_space<semaphore_mem>>) src(%arg9 : memref<80x128xf32, #tpu.memory_space<vmem>>) dst(%dma_wait3A_75 : memref<80x128xf32, #tpu.memory_space<vmem_shared>>)
      tpu.yield
    }) : () -> ()
    "tpu.region"() ({
      %run_scoped3A = tpu.sem_alloc : memref<!tpu.dma_semaphore, #tpu.memory_space<semaphore_mem>>
      tpu.enqueue_dma source(%arg4 : memref<80x128xf32, #tpu.memory_space<hbm>>) target(%arg8 : memref<80x128xf32, #tpu.memory_space<vmem>>) target_semaphore(%run_scoped3A : memref<!tpu.dma_semaphore, #tpu.memory_space<semaphore_mem>>)
      tpu.wait_dma2 semaphore(%run_scoped3A : memref<!tpu.dma_semaphore, #tpu.memory_space<semaphore_mem>>) src(%arg4 : memref<80x128xf32, #tpu.memory_space<hbm>>) dst(%arg8 : memref<80x128xf32, #tpu.memory_space<vmem>>)
      tpu.yield
    }) : () -> ()
    %barrier3A = arith.constant 0 : index
    tpu.barrier barrier_id(%barrier3A)
    %add3A_25 = arith.constant 0 : i32
    %add3A_26 = arith.addi %mul3A_8, %add3A_25 : i32
    %dma_start3A = tpu.memref_slice %arg2[%add3A_26] : memref<320000xi32, #tpu.memory_space<hbm>> -> memref<80xi32, #tpu.memory_space<hbm>>
    %dma_start3A_27 = tpu.memref_slice %arg2[%add3A_26] : memref<320000xi32, #tpu.memory_space<hbm>> -> memref<80xi32, #tpu.memory_space<hbm>>
    tpu.enqueue_dma source(%dma_start3A_27 : memref<80xi32, #tpu.memory_space<hbm>>) target(%arg6 : memref<80xi32, #tpu.memory_space<vmem>>) target_semaphore(%arg11 : memref<!tpu.dma_semaphore, #tpu.memory_space<semaphore_mem>>)
    %scan3A = arith.constant 0 : i32
    %scan3A_28 = arith.constant 62 : i32
    %scan3A_29 = arith.addi %scan3A, %scan3A_28 : i32
    %scan3A_30 = arith.constant 1 : i32
    scf.for %scan3A_68 = %scan3A to %scan3A_29 step %scan3A_30  : i32 {
      %mul3A_69 = arith.constant 2 : i32
      %mul3A_70 = arith.muli %scan3A_68, %mul3A_69 : i32
      %add3A_71 = arith.constant 0 : i32
      %add3A_72 = arith.addi %add3A_71, %mul3A_70 : i32
      %add3A_73 = arith.constant 1 : i32
      %add3A_74 = arith.addi %add3A_72, %add3A_73 : i32
      %mul3A_75 = arith.constant 80 : i32
      %mul3A_76 = arith.muli %add3A_74, %mul3A_75 : i32
      %add3A_77 = arith.addi %mul3A_8, %mul3A_76 : i32
      %dma_start3A_78 = tpu.memref_slice %arg2[%add3A_77] : memref<320000xi32, #tpu.memory_space<hbm>> -> memref<80xi32, #tpu.memory_space<hbm>>
      %dma_start3A_79 = tpu.memref_slice %arg2[%add3A_77] : memref<320000xi32, #tpu.memory_space<hbm>> -> memref<80xi32, #tpu.memory_space<hbm>>
      tpu.enqueue_dma source(%dma_start3A_79 : memref<80xi32, #tpu.memory_space<hbm>>) target(%arg7 : memref<80xi32, #tpu.memory_space<vmem>>) target_semaphore(%arg12 : memref<!tpu.dma_semaphore, #tpu.memory_space<semaphore_mem>>)
      %dma_wait3A_80 = arith.constant 0 : i32
      %dma_wait3A_81 = tpu.memref_slice %arg2[%dma_wait3A_80] : memref<320000xi32, #tpu.memory_space<hbm>> -> memref<80xi32, #tpu.memory_space<hbm>>
      %dma_wait3A_82 = arith.constant 0 : i32
      %dma_wait3A_83 = tpu.memref_slice %arg2[%dma_wait3A_82] : memref<320000xi32, #tpu.memory_space<hbm>> -> memref<80xi32, #tpu.memory_space<hbm>>
      tpu.wait_dma2 semaphore(%arg11 : memref<!tpu.dma_semaphore, #tpu.memory_space<semaphore_mem>>) src(%dma_wait3A_83 : memref<80xi32, #tpu.memory_space<hbm>>) dst(%arg6 : memref<80xi32, #tpu.memory_space<vmem>>)
      "tpu.region"() ({
        %run_scoped3A = tpu.sem_alloc : memref<!tpu.dma_semaphore, #tpu.memory_space<semaphore_mem>>
        %dma_start3A_95 = arith.constant 0 : i32
        %dma_start3A_96 = arith.constant 0 : i32
        %dma_start3A_97 = tpu.memref_slice %arg10[%dma_start3A_95, %dma_start3A_96] : memref<10240x128xf32, #tpu.memory_space<vmem_shared>> -> memref<10240x128xf32, #tpu.memory_space<vmem_shared>>
        tpu.enqueue_indirect_dma source(%arg8 : memref<80x128xf32, #tpu.memory_space<vmem>>) target(%dma_start3A_97 : memref<10240x128xf32, #tpu.memory_space<vmem_shared>>) offsets(%arg6 : memref<80xi32, #tpu.memory_space<vmem>>) semaphore(%run_scoped3A : memref<!tpu.dma_semaphore, #tpu.memory_space<semaphore_mem>>) {add = true}
        %dma_wait3A_98 = arith.constant 0 : i32
        %dma_wait3A_99 = arith.constant 0 : i32
        %dma_wait3A_100 = tpu.memref_slice %arg10[%dma_wait3A_98, %dma_wait3A_99] : memref<10240x128xf32, #tpu.memory_space<vmem_shared>> -> memref<10240x128xf32, #tpu.memory_space<vmem_shared>>
        tpu.wait_indirect_dma semaphore(%run_scoped3A : memref<!tpu.dma_semaphore, #tpu.memory_space<semaphore_mem>>) src(%arg8 : memref<80x128xf32, #tpu.memory_space<vmem>>) dst(%dma_wait3A_100 : memref<10240x128xf32, #tpu.memory_space<vmem_shared>>)
        tpu.yield
      }) : () -> ()
      %add3A_84 = arith.constant 2 : i32
      %add3A_85 = arith.addi %add3A_72, %add3A_84 : i32
      %mul3A_86 = arith.constant 80 : i32
      %mul3A_87 = arith.muli %add3A_85, %mul3A_86 : i32
      %add3A_88 = arith.addi %mul3A_8, %mul3A_87 : i32
      %dma_start3A_89 = tpu.memref_slice %arg2[%add3A_88] : memref<320000xi32, #tpu.memory_space<hbm>> -> memref<80xi32, #tpu.memory_space<hbm>>
      %dma_start3A_90 = tpu.memref_slice %arg2[%add3A_88] : memref<320000xi32, #tpu.memory_space<hbm>> -> memref<80xi32, #tpu.memory_space<hbm>>
      tpu.enqueue_dma source(%dma_start3A_90 : memref<80xi32, #tpu.memory_space<hbm>>) target(%arg6 : memref<80xi32, #tpu.memory_space<vmem>>) target_semaphore(%arg11 : memref<!tpu.dma_semaphore, #tpu.memory_space<semaphore_mem>>)
      %dma_wait3A_91 = arith.constant 0 : i32
      %dma_wait3A_92 = tpu.memref_slice %arg2[%dma_wait3A_91] : memref<320000xi32, #tpu.memory_space<hbm>> -> memref<80xi32, #tpu.memory_space<hbm>>
      %dma_wait3A_93 = arith.constant 0 : i32
      %dma_wait3A_94 = tpu.memref_slice %arg2[%dma_wait3A_93] : memref<320000xi32, #tpu.memory_space<hbm>> -> memref<80xi32, #tpu.memory_space<hbm>>
      tpu.wait_dma2 semaphore(%arg12 : memref<!tpu.dma_semaphore, #tpu.memory_space<semaphore_mem>>) src(%dma_wait3A_94 : memref<80xi32, #tpu.memory_space<hbm>>) dst(%arg7 : memref<80xi32, #tpu.memory_space<vmem>>)
      "tpu.region"() ({
        %run_scoped3A = tpu.sem_alloc : memref<!tpu.dma_semaphore, #tpu.memory_space<semaphore_mem>>
        %dma_start3A_95 = arith.constant 0 : i32
        %dma_start3A_96 = arith.constant 0 : i32
        %dma_start3A_97 = tpu.memref_slice %arg10[%dma_start3A_95, %dma_start3A_96] : memref<10240x128xf32, #tpu.memory_space<vmem_shared>> -> memref<10240x128xf32, #tpu.memory_space<vmem_shared>>
        tpu.enqueue_indirect_dma source(%arg8 : memref<80x128xf32, #tpu.memory_space<vmem>>) target(%dma_start3A_97 : memref<10240x128xf32, #tpu.memory_space<vmem_shared>>) offsets(%arg7 : memref<80xi32, #tpu.memory_space<vmem>>) semaphore(%run_scoped3A : memref<!tpu.dma_semaphore, #tpu.memory_space<semaphore_mem>>) {add = true}
        %dma_wait3A_98 = arith.constant 0 : i32
        %dma_wait3A_99 = arith.constant 0 : i32
        %dma_wait3A_100 = tpu.memref_slice %arg10[%dma_wait3A_98, %dma_wait3A_99] : memref<10240x128xf32, #tpu.memory_space<vmem_shared>> -> memref<10240x128xf32, #tpu.memory_space<vmem_shared>>
        tpu.wait_indirect_dma semaphore(%run_scoped3A : memref<!tpu.dma_semaphore, #tpu.memory_space<semaphore_mem>>) src(%arg8 : memref<80x128xf32, #tpu.memory_space<vmem>>) dst(%dma_wait3A_100 : memref<10240x128xf32, #tpu.memory_space<vmem_shared>>)
        tpu.yield
      }) : () -> ()
    }
    %scan3A_31 = arith.constant 62 : i32
    %dma_wait3A = arith.constant 0 : i32
    %dma_wait3A_32 = tpu.memref_slice %arg2[%dma_wait3A] : memref<320000xi32, #tpu.memory_space<hbm>> -> memref<80xi32, #tpu.memory_space<hbm>>
    %dma_wait3A_33 = arith.constant 0 : i32
    %dma_wait3A_34 = tpu.memref_slice %arg2[%dma_wait3A_33] : memref<320000xi32, #tpu.memory_space<hbm>> -> memref<80xi32, #tpu.memory_space<hbm>>
    tpu.wait_dma2 semaphore(%arg11 : memref<!tpu.dma_semaphore, #tpu.memory_space<semaphore_mem>>) src(%dma_wait3A_34 : memref<80xi32, #tpu.memory_space<hbm>>) dst(%arg6 : memref<80xi32, #tpu.memory_space<vmem>>)
    "tpu.region"() ({
      %run_scoped3A = tpu.sem_alloc : memref<!tpu.dma_semaphore, #tpu.memory_space<semaphore_mem>>
      %dma_start3A_68 = arith.constant 0 : i32
      %dma_start3A_69 = arith.constant 0 : i32
      %dma_start3A_70 = tpu.memref_slice %arg10[%dma_start3A_68, %dma_start3A_69] : memref<10240x128xf32, #tpu.memory_space<vmem_shared>> -> memref<10240x128xf32, #tpu.memory_space<vmem_shared>>
      tpu.enqueue_indirect_dma source(%arg8 : memref<80x128xf32, #tpu.memory_space<vmem>>) target(%dma_start3A_70 : memref<10240x128xf32, #tpu.memory_space<vmem_shared>>) offsets(%arg6 : memref<80xi32, #tpu.memory_space<vmem>>) semaphore(%run_scoped3A : memref<!tpu.dma_semaphore, #tpu.memory_space<semaphore_mem>>) {add = true}
      %dma_wait3A_71 = arith.constant 0 : i32
      %dma_wait3A_72 = arith.constant 0 : i32
      %dma_wait3A_73 = tpu.memref_slice %arg10[%dma_wait3A_71, %dma_wait3A_72] : memref<10240x128xf32, #tpu.memory_space<vmem_shared>> -> memref<10240x128xf32, #tpu.memory_space<vmem_shared>>
      tpu.wait_indirect_dma semaphore(%run_scoped3A : memref<!tpu.dma_semaphore, #tpu.memory_space<semaphore_mem>>) src(%arg8 : memref<80x128xf32, #tpu.memory_space<vmem>>) dst(%dma_wait3A_73 : memref<10240x128xf32, #tpu.memory_space<vmem_shared>>)
      tpu.yield
    }) : () -> ()
    %barrier3A_35 = arith.constant 0 : index
    tpu.barrier barrier_id(%barrier3A_35)
    %add3A_36 = arith.constant 0 : i32
    %add3A_37 = arith.addi %multiple_of3A, %add3A_36 : i32
    "tpu.region"() ({
      %run_scoped3A = tpu.sem_alloc : memref<!tpu.dma_semaphore, #tpu.memory_space<semaphore_mem>>
      %dma_start3A_68 = arith.constant 0 : i32
      %dma_start3A_69 = tpu.memref_slice %arg10[%add3A_37, %dma_start3A_68] : memref<10240x128xf32, #tpu.memory_space<vmem_shared>> -> memref<80x128xf32, #tpu.memory_space<vmem_shared>>
      %dma_start3A_70 = arith.constant 0 : i32
      %dma_start3A_71 = tpu.memref_slice %arg10[%add3A_37, %dma_start3A_70] : memref<10240x128xf32, #tpu.memory_space<vmem_shared>> -> memref<80x128xf32, #tpu.memory_space<vmem_shared>>
      tpu.enqueue_dma source(%dma_start3A_71 : memref<80x128xf32, #tpu.memory_space<vmem_shared>>) target(%arg9 : memref<80x128xf32, #tpu.memory_space<vmem>>) target_semaphore(%run_scoped3A : memref<!tpu.dma_semaphore, #tpu.memory_space<semaphore_mem>>)
      %dma_wait3A_72 = arith.constant 0 : i32
      %dma_wait3A_73 = tpu.memref_slice %arg10[%add3A_37, %dma_wait3A_72] : memref<10240x128xf32, #tpu.memory_space<vmem_shared>> -> memref<80x128xf32, #tpu.memory_space<vmem_shared>>
      %dma_wait3A_74 = arith.constant 0 : i32
      %dma_wait3A_75 = tpu.memref_slice %arg10[%add3A_37, %dma_wait3A_74] : memref<10240x128xf32, #tpu.memory_space<vmem_shared>> -> memref<80x128xf32, #tpu.memory_space<vmem_shared>>
      tpu.wait_dma2 semaphore(%run_scoped3A : memref<!tpu.dma_semaphore, #tpu.memory_space<semaphore_mem>>) src(%dma_wait3A_75 : memref<80x128xf32, #tpu.memory_space<vmem_shared>>) dst(%arg9 : memref<80x128xf32, #tpu.memory_space<vmem>>)
      tpu.yield
    }) : () -> ()
    %add3A_38 = arith.constant 0 : i32
    %add3A_39 = arith.addi %multiple_of3A_6, %add3A_38 : i32
    "tpu.region"() ({
      %run_scoped3A = tpu.sem_alloc : memref<!tpu.dma_semaphore, #tpu.memory_space<semaphore_mem>>
      %dma_start3A_68 = arith.constant 0 : i32
      %dma_start3A_69 = tpu.memref_slice %arg5[%add3A_39, %dma_start3A_68] : memref<20480x128xf32, #tpu.memory_space<hbm>> -> memref<80x128xf32, #tpu.memory_space<hbm>>
      %dma_start3A_70 = arith.constant 0 : i32
      %dma_start3A_71 = tpu.memref_slice %arg5[%add3A_39, %dma_start3A_70] : memref<20480x128xf32, #tpu.memory_space<hbm>> -> memref<80x128xf32, #tpu.memory_space<hbm>>
      tpu.enqueue_dma source(%arg9 : memref<80x128xf32, #tpu.memory_space<vmem>>) target(%dma_start3A_71 : memref<80x128xf32, #tpu.memory_space<hbm>>) target_semaphore(%run_scoped3A : memref<!tpu.dma_semaphore, #tpu.memory_space<semaphore_mem>>)
      %dma_wait3A_72 = arith.constant 0 : i32
      %dma_wait3A_73 = tpu.memref_slice %arg5[%add3A_39, %dma_wait3A_72] : memref<20480x128xf32, #tpu.memory_space<hbm>> -> memref<80x128xf32, #tpu.memory_space<hbm>>
      %dma_wait3A_74 = arith.constant 0 : i32
      %dma_wait3A_75 = tpu.memref_slice %arg5[%add3A_39, %dma_wait3A_74] : memref<20480x128xf32, #tpu.memory_space<hbm>> -> memref<80x128xf32, #tpu.memory_space<hbm>>
      tpu.wait_dma2 semaphore(%run_scoped3A : memref<!tpu.dma_semaphore, #tpu.memory_space<semaphore_mem>>) src(%arg9 : memref<80x128xf32, #tpu.memory_space<vmem>>) dst(%dma_wait3A_75 : memref<80x128xf32, #tpu.memory_space<hbm>>)
      tpu.yield
    }) : () -> ()
    %add3A_40 = arith.constant 80 : i32
    %add3A_41 = arith.addi %multiple_of3A, %add3A_40 : i32
    "tpu.region"() ({
      %run_scoped3A = tpu.sem_alloc : memref<!tpu.dma_semaphore, #tpu.memory_space<semaphore_mem>>
      %dma_start3A_68 = arith.constant 0 : i32
      %dma_start3A_69 = tpu.memref_slice %arg10[%add3A_41, %dma_start3A_68] : memref<10240x128xf32, #tpu.memory_space<vmem_shared>> -> memref<80x128xf32, #tpu.memory_space<vmem_shared>>
      %dma_start3A_70 = arith.constant 0 : i32
      %dma_start3A_71 = tpu.memref_slice %arg10[%add3A_41, %dma_start3A_70] : memref<10240x128xf32, #tpu.memory_space<vmem_shared>> -> memref<80x128xf32, #tpu.memory_space<vmem_shared>>
      tpu.enqueue_dma source(%dma_start3A_71 : memref<80x128xf32, #tpu.memory_space<vmem_shared>>) target(%arg9 : memref<80x128xf32, #tpu.memory_space<vmem>>) target_semaphore(%run_scoped3A : memref<!tpu.dma_semaphore, #tpu.memory_space<semaphore_mem>>)
      %dma_wait3A_72 = arith.constant 0 : i32
      %dma_wait3A_73 = tpu.memref_slice %arg10[%add3A_41, %dma_wait3A_72] : memref<10240x128xf32, #tpu.memory_space<vmem_shared>> -> memref<80x128xf32, #tpu.memory_space<vmem_shared>>
      %dma_wait3A_74 = arith.constant 0 : i32
      %dma_wait3A_75 = tpu.memref_slice %arg10[%add3A_41, %dma_wait3A_74] : memref<10240x128xf32, #tpu.memory_space<vmem_shared>> -> memref<80x128xf32, #tpu.memory_space<vmem_shared>>
      tpu.wait_dma2 semaphore(%run_scoped3A : memref<!tpu.dma_semaphore, #tpu.memory_space<semaphore_mem>>) src(%dma_wait3A_75 : memref<80x128xf32, #tpu.memory_space<vmem_shared>>) dst(%arg9 : memref<80x128xf32, #tpu.memory_space<vmem>>)
      tpu.yield
    }) : () -> ()
    %add3A_42 = arith.constant 80 : i32
    %add3A_43 = arith.addi %multiple_of3A_6, %add3A_42 : i32
    "tpu.region"() ({
      %run_scoped3A = tpu.sem_alloc : memref<!tpu.dma_semaphore, #tpu.memory_space<semaphore_mem>>
      %dma_start3A_68 = arith.constant 0 : i32
      %dma_start3A_69 = tpu.memref_slice %arg5[%add3A_43, %dma_start3A_68] : memref<20480x128xf32, #tpu.memory_space<hbm>> -> memref<80x128xf32, #tpu.memory_space<hbm>>
      %dma_start3A_70 = arith.constant 0 : i32
      %dma_start3A_71 = tpu.memref_slice %arg5[%add3A_43, %dma_start3A_70] : memref<20480x128xf32, #tpu.memory_space<hbm>> -> memref<80x128xf32, #tpu.memory_space<hbm>>
      tpu.enqueue_dma source(%arg9 : memref<80x128xf32, #tpu.memory_space<vmem>>) target(%dma_start3A_71 : memref<80x128xf32, #tpu.memory_space<hbm>>) target_semaphore(%run_scoped3A : memref<!tpu.dma_semaphore, #tpu.memory_space<semaphore_mem>>)
      %dma_wait3A_72 = arith.constant 0 : i32
      %dma_wait3A_73 = tpu.memref_slice %arg5[%add3A_43, %dma_wait3A_72] : memref<20480x128xf32, #tpu.memory_space<hbm>> -> memref<80x128xf32, #tpu.memory_space<hbm>>
      %dma_wait3A_74 = arith.constant 0 : i32
      %dma_wait3A_75 = tpu.memref_slice %arg5[%add3A_43, %dma_wait3A_74] : memref<20480x128xf32, #tpu.memory_space<hbm>> -> memref<80x128xf32, #tpu.memory_space<hbm>>
      tpu.wait_dma2 semaphore(%run_scoped3A : memref<!tpu.dma_semaphore, #tpu.memory_space<semaphore_mem>>) src(%arg9 : memref<80x128xf32, #tpu.memory_space<vmem>>) dst(%dma_wait3A_75 : memref<80x128xf32, #tpu.memory_space<hbm>>)
      tpu.yield
    }) : () -> ()
    %add3A_44 = arith.constant 160 : i32
    %add3A_45 = arith.addi %multiple_of3A, %add3A_44 : i32
    "tpu.region"() ({
      %run_scoped3A = tpu.sem_alloc : memref<!tpu.dma_semaphore, #tpu.memory_space<semaphore_mem>>
      %dma_start3A_68 = arith.constant 0 : i32
      %dma_start3A_69 = tpu.memref_slice %arg10[%add3A_45, %dma_start3A_68] : memref<10240x128xf32, #tpu.memory_space<vmem_shared>> -> memref<80x128xf32, #tpu.memory_space<vmem_shared>>
      %dma_start3A_70 = arith.constant 0 : i32
      %dma_start3A_71 = tpu.memref_slice %arg10[%add3A_45, %dma_start3A_70] : memref<10240x128xf32, #tpu.memory_space<vmem_shared>> -> memref<80x128xf32, #tpu.memory_space<vmem_shared>>
      tpu.enqueue_dma source(%dma_start3A_71 : memref<80x128xf32, #tpu.memory_space<vmem_shared>>) target(%arg9 : memref<80x128xf32, #tpu.memory_space<vmem>>) target_semaphore(%run_scoped3A : memref<!tpu.dma_semaphore, #tpu.memory_space<semaphore_mem>>)
      %dma_wait3A_72 = arith.constant 0 : i32
      %dma_wait3A_73 = tpu.memref_slice %arg10[%add3A_45, %dma_wait3A_72] : memref<10240x128xf32, #tpu.memory_space<vmem_shared>> -> memref<80x128xf32, #tpu.memory_space<vmem_shared>>
      %dma_wait3A_74 = arith.constant 0 : i32
      %dma_wait3A_75 = tpu.memref_slice %arg10[%add3A_45, %dma_wait3A_74] : memref<10240x128xf32, #tpu.memory_space<vmem_shared>> -> memref<80x128xf32, #tpu.memory_space<vmem_shared>>
      tpu.wait_dma2 semaphore(%run_scoped3A : memref<!tpu.dma_semaphore, #tpu.memory_space<semaphore_mem>>) src(%dma_wait3A_75 : memref<80x128xf32, #tpu.memory_space<vmem_shared>>) dst(%arg9 : memref<80x128xf32, #tpu.memory_space<vmem>>)
      tpu.yield
    }) : () -> ()
    %add3A_46 = arith.constant 160 : i32
    %add3A_47 = arith.addi %multiple_of3A_6, %add3A_46 : i32
    "tpu.region"() ({
      %run_scoped3A = tpu.sem_alloc : memref<!tpu.dma_semaphore, #tpu.memory_space<semaphore_mem>>
      %dma_start3A_68 = arith.constant 0 : i32
      %dma_start3A_69 = tpu.memref_slice %arg5[%add3A_47, %dma_start3A_68] : memref<20480x128xf32, #tpu.memory_space<hbm>> -> memref<80x128xf32, #tpu.memory_space<hbm>>
      %dma_start3A_70 = arith.constant 0 : i32
      %dma_start3A_71 = tpu.memref_slice %arg5[%add3A_47, %dma_start3A_70] : memref<20480x128xf32, #tpu.memory_space<hbm>> -> memref<80x128xf32, #tpu.memory_space<hbm>>
      tpu.enqueue_dma source(%arg9 : memref<80x128xf32, #tpu.memory_space<vmem>>) target(%dma_start3A_71 : memref<80x128xf32, #tpu.memory_space<hbm>>) target_semaphore(%run_scoped3A : memref<!tpu.dma_semaphore, #tpu.memory_space<semaphore_mem>>)
      %dma_wait3A_72 = arith.constant 0 : i32
      %dma_wait3A_73 = tpu.memref_slice %arg5[%add3A_47, %dma_wait3A_72] : memref<20480x128xf32, #tpu.memory_space<hbm>> -> memref<80x128xf32, #tpu.memory_space<hbm>>
      %dma_wait3A_74 = arith.constant 0 : i32
      %dma_wait3A_75 = tpu.memref_slice %arg5[%add3A_47, %dma_wait3A_74] : memref<20480x128xf32, #tpu.memory_space<hbm>> -> memref<80x128xf32, #tpu.memory_space<hbm>>
      tpu.wait_dma2 semaphore(%run_scoped3A : memref<!tpu.dma_semaphore, #tpu.memory_space<semaphore_mem>>) src(%arg9 : memref<80x128xf32, #tpu.memory_space<vmem>>) dst(%dma_wait3A_75 : memref<80x128xf32, #tpu.memory_space<hbm>>)
      tpu.yield
    }) : () -> ()
    %add3A_48 = arith.constant 240 : i32
    %add3A_49 = arith.addi %multiple_of3A, %add3A_48 : i32
    "tpu.region"() ({
      %run_scoped3A = tpu.sem_alloc : memref<!tpu.dma_semaphore, #tpu.memory_space<semaphore_mem>>
      %dma_start3A_68 = arith.constant 0 : i32
      %dma_start3A_69 = tpu.memref_slice %arg10[%add3A_49, %dma_start3A_68] : memref<10240x128xf32, #tpu.memory_space<vmem_shared>> -> memref<80x128xf32, #tpu.memory_space<vmem_shared>>
      %dma_start3A_70 = arith.constant 0 : i32
      %dma_start3A_71 = tpu.memref_slice %arg10[%add3A_49, %dma_start3A_70] : memref<10240x128xf32, #tpu.memory_space<vmem_shared>> -> memref<80x128xf32, #tpu.memory_space<vmem_shared>>
      tpu.enqueue_dma source(%dma_start3A_71 : memref<80x128xf32, #tpu.memory_space<vmem_shared>>) target(%arg9 : memref<80x128xf32, #tpu.memory_space<vmem>>) target_semaphore(%run_scoped3A : memref<!tpu.dma_semaphore, #tpu.memory_space<semaphore_mem>>)
      %dma_wait3A_72 = arith.constant 0 : i32
      %dma_wait3A_73 = tpu.memref_slice %arg10[%add3A_49, %dma_wait3A_72] : memref<10240x128xf32, #tpu.memory_space<vmem_shared>> -> memref<80x128xf32, #tpu.memory_space<vmem_shared>>
      %dma_wait3A_74 = arith.constant 0 : i32
      %dma_wait3A_75 = tpu.memref_slice %arg10[%add3A_49, %dma_wait3A_74] : memref<10240x128xf32, #tpu.memory_space<vmem_shared>> -> memref<80x128xf32, #tpu.memory_space<vmem_shared>>
      tpu.wait_dma2 semaphore(%run_scoped3A : memref<!tpu.dma_semaphore, #tpu.memory_space<semaphore_mem>>) src(%dma_wait3A_75 : memref<80x128xf32, #tpu.memory_space<vmem_shared>>) dst(%arg9 : memref<80x128xf32, #tpu.memory_space<vmem>>)
      tpu.yield
    }) : () -> ()
    %add3A_50 = arith.constant 240 : i32
    %add3A_51 = arith.addi %multiple_of3A_6, %add3A_50 : i32
    "tpu.region"() ({
      %run_scoped3A = tpu.sem_alloc : memref<!tpu.dma_semaphore, #tpu.memory_space<semaphore_mem>>
      %dma_start3A_68 = arith.constant 0 : i32
      %dma_start3A_69 = tpu.memref_slice %arg5[%add3A_51, %dma_start3A_68] : memref<20480x128xf32, #tpu.memory_space<hbm>> -> memref<80x128xf32, #tpu.memory_space<hbm>>
      %dma_start3A_70 = arith.constant 0 : i32
      %dma_start3A_71 = tpu.memref_slice %arg5[%add3A_51, %dma_start3A_70] : memref<20480x128xf32, #tpu.memory_space<hbm>> -> memref<80x128xf32, #tpu.memory_space<hbm>>
      tpu.enqueue_dma source(%arg9 : memref<80x128xf32, #tpu.memory_space<vmem>>) target(%dma_start3A_71 : memref<80x128xf32, #tpu.memory_space<hbm>>) target_semaphore(%run_scoped3A : memref<!tpu.dma_semaphore, #tpu.memory_space<semaphore_mem>>)
      %dma_wait3A_72 = arith.constant 0 : i32
      %dma_wait3A_73 = tpu.memref_slice %arg5[%add3A_51, %dma_wait3A_72] : memref<20480x128xf32, #tpu.memory_space<hbm>> -> memref<80x128xf32, #tpu.memory_space<hbm>>
      %dma_wait3A_74 = arith.constant 0 : i32
      %dma_wait3A_75 = tpu.memref_slice %arg5[%add3A_51, %dma_wait3A_74] : memref<20480x128xf32, #tpu.memory_space<hbm>> -> memref<80x128xf32, #tpu.memory_space<hbm>>
      tpu.wait_dma2 semaphore(%run_scoped3A : memref<!tpu.dma_semaphore, #tpu.memory_space<semaphore_mem>>) src(%arg9 : memref<80x128xf32, #tpu.memory_space<vmem>>) dst(%dma_wait3A_75 : memref<80x128xf32, #tpu.memory_space<hbm>>)
      tpu.yield
    }) : () -> ()
    %add3A_52 = arith.constant 320 : i32
    %add3A_53 = arith.addi %multiple_of3A, %add3A_52 : i32
    "tpu.region"() ({
      %run_scoped3A = tpu.sem_alloc : memref<!tpu.dma_semaphore, #tpu.memory_space<semaphore_mem>>
      %dma_start3A_68 = arith.constant 0 : i32
      %dma_start3A_69 = tpu.memref_slice %arg10[%add3A_53, %dma_start3A_68] : memref<10240x128xf32, #tpu.memory_space<vmem_shared>> -> memref<80x128xf32, #tpu.memory_space<vmem_shared>>
      %dma_start3A_70 = arith.constant 0 : i32
      %dma_start3A_71 = tpu.memref_slice %arg10[%add3A_53, %dma_start3A_70] : memref<10240x128xf32, #tpu.memory_space<vmem_shared>> -> memref<80x128xf32, #tpu.memory_space<vmem_shared>>
      tpu.enqueue_dma source(%dma_start3A_71 : memref<80x128xf32, #tpu.memory_space<vmem_shared>>) target(%arg9 : memref<80x128xf32, #tpu.memory_space<vmem>>) target_semaphore(%run_scoped3A : memref<!tpu.dma_semaphore, #tpu.memory_space<semaphore_mem>>)
      %dma_wait3A_72 = arith.constant 0 : i32
      %dma_wait3A_73 = tpu.memref_slice %arg10[%add3A_53, %dma_wait3A_72] : memref<10240x128xf32, #tpu.memory_space<vmem_shared>> -> memref<80x128xf32, #tpu.memory_space<vmem_shared>>
      %dma_wait3A_74 = arith.constant 0 : i32
      %dma_wait3A_75 = tpu.memref_slice %arg10[%add3A_53, %dma_wait3A_74] : memref<10240x128xf32, #tpu.memory_space<vmem_shared>> -> memref<80x128xf32, #tpu.memory_space<vmem_shared>>
      tpu.wait_dma2 semaphore(%run_scoped3A : memref<!tpu.dma_semaphore, #tpu.memory_space<semaphore_mem>>) src(%dma_wait3A_75 : memref<80x128xf32, #tpu.memory_space<vmem_shared>>) dst(%arg9 : memref<80x128xf32, #tpu.memory_space<vmem>>)
      tpu.yield
    }) : () -> ()
    %add3A_54 = arith.constant 320 : i32
    %add3A_55 = arith.addi %multiple_of3A_6, %add3A_54 : i32
    "tpu.region"() ({
      %run_scoped3A = tpu.sem_alloc : memref<!tpu.dma_semaphore, #tpu.memory_space<semaphore_mem>>
      %dma_start3A_68 = arith.constant 0 : i32
      %dma_start3A_69 = tpu.memref_slice %arg5[%add3A_55, %dma_start3A_68] : memref<20480x128xf32, #tpu.memory_space<hbm>> -> memref<80x128xf32, #tpu.memory_space<hbm>>
      %dma_start3A_70 = arith.constant 0 : i32
      %dma_start3A_71 = tpu.memref_slice %arg5[%add3A_55, %dma_start3A_70] : memref<20480x128xf32, #tpu.memory_space<hbm>> -> memref<80x128xf32, #tpu.memory_space<hbm>>
      tpu.enqueue_dma source(%arg9 : memref<80x128xf32, #tpu.memory_space<vmem>>) target(%dma_start3A_71 : memref<80x128xf32, #tpu.memory_space<hbm>>) target_semaphore(%run_scoped3A : memref<!tpu.dma_semaphore, #tpu.memory_space<semaphore_mem>>)
      %dma_wait3A_72 = arith.constant 0 : i32
      %dma_wait3A_73 = tpu.memref_slice %arg5[%add3A_55, %dma_wait3A_72] : memref<20480x128xf32, #tpu.memory_space<hbm>> -> memref<80x128xf32, #tpu.memory_space<hbm>>
      %dma_wait3A_74 = arith.constant 0 : i32
      %dma_wait3A_75 = tpu.memref_slice %arg5[%add3A_55, %dma_wait3A_74] : memref<20480x128xf32, #tpu.memory_space<hbm>> -> memref<80x128xf32, #tpu.memory_space<hbm>>
      tpu.wait_dma2 semaphore(%run_scoped3A : memref<!tpu.dma_semaphore, #tpu.memory_space<semaphore_mem>>) src(%arg9 : memref<80x128xf32, #tpu.memory_space<vmem>>) dst(%dma_wait3A_75 : memref<80x128xf32, #tpu.memory_space<hbm>>)
      tpu.yield
    }) : () -> ()
    %add3A_56 = arith.constant 400 : i32
    %add3A_57 = arith.addi %multiple_of3A, %add3A_56 : i32
    "tpu.region"() ({
      %run_scoped3A = tpu.sem_alloc : memref<!tpu.dma_semaphore, #tpu.memory_space<semaphore_mem>>
      %dma_start3A_68 = arith.constant 0 : i32
      %dma_start3A_69 = tpu.memref_slice %arg10[%add3A_57, %dma_start3A_68] : memref<10240x128xf32, #tpu.memory_space<vmem_shared>> -> memref<80x128xf32, #tpu.memory_space<vmem_shared>>
      %dma_start3A_70 = arith.constant 0 : i32
      %dma_start3A_71 = tpu.memref_slice %arg10[%add3A_57, %dma_start3A_70] : memref<10240x128xf32, #tpu.memory_space<vmem_shared>> -> memref<80x128xf32, #tpu.memory_space<vmem_shared>>
      tpu.enqueue_dma source(%dma_start3A_71 : memref<80x128xf32, #tpu.memory_space<vmem_shared>>) target(%arg9 : memref<80x128xf32, #tpu.memory_space<vmem>>) target_semaphore(%run_scoped3A : memref<!tpu.dma_semaphore, #tpu.memory_space<semaphore_mem>>)
      %dma_wait3A_72 = arith.constant 0 : i32
      %dma_wait3A_73 = tpu.memref_slice %arg10[%add3A_57, %dma_wait3A_72] : memref<10240x128xf32, #tpu.memory_space<vmem_shared>> -> memref<80x128xf32, #tpu.memory_space<vmem_shared>>
      %dma_wait3A_74 = arith.constant 0 : i32
      %dma_wait3A_75 = tpu.memref_slice %arg10[%add3A_57, %dma_wait3A_74] : memref<10240x128xf32, #tpu.memory_space<vmem_shared>> -> memref<80x128xf32, #tpu.memory_space<vmem_shared>>
      tpu.wait_dma2 semaphore(%run_scoped3A : memref<!tpu.dma_semaphore, #tpu.memory_space<semaphore_mem>>) src(%dma_wait3A_75 : memref<80x128xf32, #tpu.memory_space<vmem_shared>>) dst(%arg9 : memref<80x128xf32, #tpu.memory_space<vmem>>)
      tpu.yield
    }) : () -> ()
    %add3A_58 = arith.constant 400 : i32
    %add3A_59 = arith.addi %multiple_of3A_6, %add3A_58 : i32
    "tpu.region"() ({
      %run_scoped3A = tpu.sem_alloc : memref<!tpu.dma_semaphore, #tpu.memory_space<semaphore_mem>>
      %dma_start3A_68 = arith.constant 0 : i32
      %dma_start3A_69 = tpu.memref_slice %arg5[%add3A_59, %dma_start3A_68] : memref<20480x128xf32, #tpu.memory_space<hbm>> -> memref<80x128xf32, #tpu.memory_space<hbm>>
      %dma_start3A_70 = arith.constant 0 : i32
      %dma_start3A_71 = tpu.memref_slice %arg5[%add3A_59, %dma_start3A_70] : memref<20480x128xf32, #tpu.memory_space<hbm>> -> memref<80x128xf32, #tpu.memory_space<hbm>>
      tpu.enqueue_dma source(%arg9 : memref<80x128xf32, #tpu.memory_space<vmem>>) target(%dma_start3A_71 : memref<80x128xf32, #tpu.memory_space<hbm>>) target_semaphore(%run_scoped3A : memref<!tpu.dma_semaphore, #tpu.memory_space<semaphore_mem>>)
      %dma_wait3A_72 = arith.constant 0 : i32
      %dma_wait3A_73 = tpu.memref_slice %arg5[%add3A_59, %dma_wait3A_72] : memref<20480x128xf32, #tpu.memory_space<hbm>> -> memref<80x128xf32, #tpu.memory_space<hbm>>
      %dma_wait3A_74 = arith.constant 0 : i32
      %dma_wait3A_75 = tpu.memref_slice %arg5[%add3A_59, %dma_wait3A_74] : memref<20480x128xf32, #tpu.memory_space<hbm>> -> memref<80x128xf32, #tpu.memory_space<hbm>>
      tpu.wait_dma2 semaphore(%run_scoped3A : memref<!tpu.dma_semaphore, #tpu.memory_space<semaphore_mem>>) src(%arg9 : memref<80x128xf32, #tpu.memory_space<vmem>>) dst(%dma_wait3A_75 : memref<80x128xf32, #tpu.memory_space<hbm>>)
      tpu.yield
    }) : () -> ()
    %add3A_60 = arith.constant 480 : i32
    %add3A_61 = arith.addi %multiple_of3A, %add3A_60 : i32
    "tpu.region"() ({
      %run_scoped3A = tpu.sem_alloc : memref<!tpu.dma_semaphore, #tpu.memory_space<semaphore_mem>>
      %dma_start3A_68 = arith.constant 0 : i32
      %dma_start3A_69 = tpu.memref_slice %arg10[%add3A_61, %dma_start3A_68] : memref<10240x128xf32, #tpu.memory_space<vmem_shared>> -> memref<80x128xf32, #tpu.memory_space<vmem_shared>>
      %dma_start3A_70 = arith.constant 0 : i32
      %dma_start3A_71 = tpu.memref_slice %arg10[%add3A_61, %dma_start3A_70] : memref<10240x128xf32, #tpu.memory_space<vmem_shared>> -> memref<80x128xf32, #tpu.memory_space<vmem_shared>>
      tpu.enqueue_dma source(%dma_start3A_71 : memref<80x128xf32, #tpu.memory_space<vmem_shared>>) target(%arg9 : memref<80x128xf32, #tpu.memory_space<vmem>>) target_semaphore(%run_scoped3A : memref<!tpu.dma_semaphore, #tpu.memory_space<semaphore_mem>>)
      %dma_wait3A_72 = arith.constant 0 : i32
      %dma_wait3A_73 = tpu.memref_slice %arg10[%add3A_61, %dma_wait3A_72] : memref<10240x128xf32, #tpu.memory_space<vmem_shared>> -> memref<80x128xf32, #tpu.memory_space<vmem_shared>>
      %dma_wait3A_74 = arith.constant 0 : i32
      %dma_wait3A_75 = tpu.memref_slice %arg10[%add3A_61, %dma_wait3A_74] : memref<10240x128xf32, #tpu.memory_space<vmem_shared>> -> memref<80x128xf32, #tpu.memory_space<vmem_shared>>
      tpu.wait_dma2 semaphore(%run_scoped3A : memref<!tpu.dma_semaphore, #tpu.memory_space<semaphore_mem>>) src(%dma_wait3A_75 : memref<80x128xf32, #tpu.memory_space<vmem_shared>>) dst(%arg9 : memref<80x128xf32, #tpu.memory_space<vmem>>)
      tpu.yield
    }) : () -> ()
    %add3A_62 = arith.constant 480 : i32
    %add3A_63 = arith.addi %multiple_of3A_6, %add3A_62 : i32
    "tpu.region"() ({
      %run_scoped3A = tpu.sem_alloc : memref<!tpu.dma_semaphore, #tpu.memory_space<semaphore_mem>>
      %dma_start3A_68 = arith.constant 0 : i32
      %dma_start3A_69 = tpu.memref_slice %arg5[%add3A_63, %dma_start3A_68] : memref<20480x128xf32, #tpu.memory_space<hbm>> -> memref<80x128xf32, #tpu.memory_space<hbm>>
      %dma_start3A_70 = arith.constant 0 : i32
      %dma_start3A_71 = tpu.memref_slice %arg5[%add3A_63, %dma_start3A_70] : memref<20480x128xf32, #tpu.memory_space<hbm>> -> memref<80x128xf32, #tpu.memory_space<hbm>>
      tpu.enqueue_dma source(%arg9 : memref<80x128xf32, #tpu.memory_space<vmem>>) target(%dma_start3A_71 : memref<80x128xf32, #tpu.memory_space<hbm>>) target_semaphore(%run_scoped3A : memref<!tpu.dma_semaphore, #tpu.memory_space<semaphore_mem>>)
      %dma_wait3A_72 = arith.constant 0 : i32
      %dma_wait3A_73 = tpu.memref_slice %arg5[%add3A_63, %dma_wait3A_72] : memref<20480x128xf32, #tpu.memory_space<hbm>> -> memref<80x128xf32, #tpu.memory_space<hbm>>
      %dma_wait3A_74 = arith.constant 0 : i32
      %dma_wait3A_75 = tpu.memref_slice %arg5[%add3A_63, %dma_wait3A_74] : memref<20480x128xf32, #tpu.memory_space<hbm>> -> memref<80x128xf32, #tpu.memory_space<hbm>>
      tpu.wait_dma2 semaphore(%run_scoped3A : memref<!tpu.dma_semaphore, #tpu.memory_space<semaphore_mem>>) src(%arg9 : memref<80x128xf32, #tpu.memory_space<vmem>>) dst(%dma_wait3A_75 : memref<80x128xf32, #tpu.memory_space<hbm>>)
      tpu.yield
    }) : () -> ()
    %add3A_64 = arith.constant 560 : i32
    %add3A_65 = arith.addi %multiple_of3A, %add3A_64 : i32
    "tpu.region"() ({
      %run_scoped3A = tpu.sem_alloc : memref<!tpu.dma_semaphore, #tpu.memory_space<semaphore_mem>>
      %dma_start3A_68 = arith.constant 0 : i32
      %dma_start3A_69 = tpu.memref_slice %arg10[%add3A_65, %dma_start3A_68] : memref<10240x128xf32, #tpu.memory_space<vmem_shared>> -> memref<80x128xf32, #tpu.memory_space<vmem_shared>>
      %dma_start3A_70 = arith.constant 0 : i32
      %dma_start3A_71 = tpu.memref_slice %arg10[%add3A_65, %dma_start3A_70] : memref<10240x128xf32, #tpu.memory_space<vmem_shared>> -> memref<80x128xf32, #tpu.memory_space<vmem_shared>>
      tpu.enqueue_dma source(%dma_start3A_71 : memref<80x128xf32, #tpu.memory_space<vmem_shared>>) target(%arg9 : memref<80x128xf32, #tpu.memory_space<vmem>>) target_semaphore(%run_scoped3A : memref<!tpu.dma_semaphore, #tpu.memory_space<semaphore_mem>>)
      %dma_wait3A_72 = arith.constant 0 : i32
      %dma_wait3A_73 = tpu.memref_slice %arg10[%add3A_65, %dma_wait3A_72] : memref<10240x128xf32, #tpu.memory_space<vmem_shared>> -> memref<80x128xf32, #tpu.memory_space<vmem_shared>>
      %dma_wait3A_74 = arith.constant 0 : i32
      %dma_wait3A_75 = tpu.memref_slice %arg10[%add3A_65, %dma_wait3A_74] : memref<10240x128xf32, #tpu.memory_space<vmem_shared>> -> memref<80x128xf32, #tpu.memory_space<vmem_shared>>
      tpu.wait_dma2 semaphore(%run_scoped3A : memref<!tpu.dma_semaphore, #tpu.memory_space<semaphore_mem>>) src(%dma_wait3A_75 : memref<80x128xf32, #tpu.memory_space<vmem_shared>>) dst(%arg9 : memref<80x128xf32, #tpu.memory_space<vmem>>)
      tpu.yield
    }) : () -> ()
    %add3A_66 = arith.constant 560 : i32
    %add3A_67 = arith.addi %multiple_of3A_6, %add3A_66 : i32
    "tpu.region"() ({
      %run_scoped3A = tpu.sem_alloc : memref<!tpu.dma_semaphore, #tpu.memory_space<semaphore_mem>>
      %dma_start3A_68 = arith.constant 0 : i32
      %dma_start3A_69 = tpu.memref_slice %arg5[%add3A_67, %dma_start3A_68] : memref<20480x128xf32, #tpu.memory_space<hbm>> -> memref<80x128xf32, #tpu.memory_space<hbm>>
      %dma_start3A_70 = arith.constant 0 : i32
      %dma_start3A_71 = tpu.memref_slice %arg5[%add3A_67, %dma_start3A_70] : memref<20480x128xf32, #tpu.memory_space<hbm>> -> memref<80x128xf32, #tpu.memory_space<hbm>>
      tpu.enqueue_dma source(%arg9 : memref<80x128xf32, #tpu.memory_space<vmem>>) target(%dma_start3A_71 : memref<80x128xf32, #tpu.memory_space<hbm>>) target_semaphore(%run_scoped3A : memref<!tpu.dma_semaphore, #tpu.memory_space<semaphore_mem>>)
      %dma_wait3A_72 = arith.constant 0 : i32
      %dma_wait3A_73 = tpu.memref_slice %arg5[%add3A_67, %dma_wait3A_72] : memref<20480x128xf32, #tpu.memory_space<hbm>> -> memref<80x128xf32, #tpu.memory_space<hbm>>
      %dma_wait3A_74 = arith.constant 0 : i32
      %dma_wait3A_75 = tpu.memref_slice %arg5[%add3A_67, %dma_wait3A_74] : memref<20480x128xf32, #tpu.memory_space<hbm>> -> memref<80x128xf32, #tpu.memory_space<hbm>>
      tpu.wait_dma2 semaphore(%run_scoped3A : memref<!tpu.dma_semaphore, #tpu.memory_space<semaphore_mem>>) src(%arg9 : memref<80x128xf32, #tpu.memory_space<vmem>>) dst(%dma_wait3A_75 : memref<80x128xf32, #tpu.memory_space<hbm>>)
      tpu.yield
    }) : () -> ()
    return
  }
}

#map = affine_map<(d0, d1) -> (0, 0)>
#map1 = affine_map<(d0, d1) -> (0)>
module attributes {stable_mosaic.version = 14 : i64} {
  func.func @sc_agg(%arg0: i32, %arg1: i32, %arg2: memref<10000x128xf32, #tpu.memory_space<hbm>>, %arg3: memref<320000xi32, #tpu.memory_space<hbm>>, %arg4: memref<320000xi32, #tpu.memory_space<hbm>>, %arg5: memref<80x128xf32, #tpu.memory_space<hbm>>, %arg6: memref<20480x128xf32, #tpu.memory_space<hbm>>, %arg7: memref<10000xi32, #tpu.memory_space<vmem>>, %arg8: memref<80xi32, #tpu.memory_space<vmem>>, %arg9: memref<80xi32, #tpu.memory_space<vmem>>, %arg10: memref<80xi32, #tpu.memory_space<vmem>>, %arg11: memref<80x128xf32, #tpu.memory_space<vmem>>, %arg12: memref<80x128xf32, #tpu.memory_space<vmem>>, %arg13: memref<80x128xf32, #tpu.memory_space<vmem>>, %arg14: memref<10240x128xf32, #tpu.memory_space<vmem_shared>>, %arg15: memref<!tpu.dma_semaphore, #tpu.memory_space<semaphore_mem>>, %arg16: memref<!tpu.dma_semaphore, #tpu.memory_space<semaphore_mem>>, %arg17: memref<!tpu.dma_semaphore, #tpu.memory_space<semaphore_mem>>, %arg18: memref<!tpu.dma_semaphore, #tpu.memory_space<semaphore_mem>>, %arg19: memref<!tpu.dma_semaphore, #tpu.memory_space<semaphore_mem>>, %arg20: memref<!tpu.dma_semaphore, #tpu.memory_space<semaphore_mem>>) attributes {dimension_semantics = [#tpu.dimension_semantics<core_parallel>, #tpu.dimension_semantics<subcore_parallel>], iteration_bounds = array<i64: 2, 16>, scalar_prefetch = 0 : i64, scratch_operands = 14 : i64, tpu.core_type = #tpu.core_type<sc_vector_subcore>, window_params = [{transform_indices = #map}, {transform_indices = #map1}, {transform_indices = #map1}, {transform_indices = #map}, {transform_indices = #map}]} {
    %mul3A = arith.constant 2 : i32
    %mul3A_0 = arith.muli %arg1, %mul3A : i32
    %add3A = arith.addi %mul3A_0, %arg0 : i32
    %mul3A_1 = arith.constant 640 : i32
    %mul3A_2 = arith.muli %arg1, %mul3A_1 : i32
    %multiple_of3A = tpu.assume_multiple %mul3A_2, 8 : i32
    %mul3A_3 = arith.constant 10240 : i32
    %mul3A_4 = arith.muli %arg0, %mul3A_3 : i32
    %add3A_5 = arith.addi %mul3A_4, %multiple_of3A : i32
    %multiple_of3A_6 = tpu.assume_multiple %add3A_5, 8 : i32
    %mul3A_7 = arith.constant 10000 : i32
    %mul3A_8 = arith.muli %add3A, %mul3A_7 : i32
    "tpu.region"() ({
      %run_scoped3A = tpu.sem_alloc : memref<!tpu.dma_semaphore, #tpu.memory_space<semaphore_mem>>
      tpu.enqueue_dma source(%arg5 : memref<80x128xf32, #tpu.memory_space<hbm>>) target(%arg11 : memref<80x128xf32, #tpu.memory_space<vmem>>) target_semaphore(%run_scoped3A : memref<!tpu.dma_semaphore, #tpu.memory_space<semaphore_mem>>)
      tpu.wait_dma2 semaphore(%run_scoped3A : memref<!tpu.dma_semaphore, #tpu.memory_space<semaphore_mem>>) src(%arg5 : memref<80x128xf32, #tpu.memory_space<hbm>>) dst(%arg11 : memref<80x128xf32, #tpu.memory_space<vmem>>)
      tpu.yield
    }) : () -> ()
    %add3A_9 = arith.constant 0 : i32
    %add3A_10 = arith.addi %multiple_of3A, %add3A_9 : i32
    "tpu.region"() ({
      %run_scoped3A = tpu.sem_alloc : memref<!tpu.dma_semaphore, #tpu.memory_space<semaphore_mem>>
      %dma_start3A_150 = arith.constant 0 : i32
      %dma_start3A_151 = tpu.memref_slice %arg14[%add3A_10, %dma_start3A_150] : memref<10240x128xf32, #tpu.memory_space<vmem_shared>> -> memref<80x128xf32, #tpu.memory_space<vmem_shared>>
      %dma_start3A_152 = arith.constant 0 : i32
      %dma_start3A_153 = tpu.memref_slice %arg14[%add3A_10, %dma_start3A_152] : memref<10240x128xf32, #tpu.memory_space<vmem_shared>> -> memref<80x128xf32, #tpu.memory_space<vmem_shared>>
      tpu.enqueue_dma source(%arg11 : memref<80x128xf32, #tpu.memory_space<vmem>>) target(%dma_start3A_153 : memref<80x128xf32, #tpu.memory_space<vmem_shared>>) target_semaphore(%run_scoped3A : memref<!tpu.dma_semaphore, #tpu.memory_space<semaphore_mem>>)
      %dma_wait3A_154 = arith.constant 0 : i32
      %dma_wait3A_155 = tpu.memref_slice %arg14[%add3A_10, %dma_wait3A_154] : memref<10240x128xf32, #tpu.memory_space<vmem_shared>> -> memref<80x128xf32, #tpu.memory_space<vmem_shared>>
      %dma_wait3A_156 = arith.constant 0 : i32
      %dma_wait3A_157 = tpu.memref_slice %arg14[%add3A_10, %dma_wait3A_156] : memref<10240x128xf32, #tpu.memory_space<vmem_shared>> -> memref<80x128xf32, #tpu.memory_space<vmem_shared>>
      tpu.wait_dma2 semaphore(%run_scoped3A : memref<!tpu.dma_semaphore, #tpu.memory_space<semaphore_mem>>) src(%arg11 : memref<80x128xf32, #tpu.memory_space<vmem>>) dst(%dma_wait3A_157 : memref<80x128xf32, #tpu.memory_space<vmem_shared>>)
      tpu.yield
    }) : () -> ()
    %add3A_11 = arith.constant 80 : i32
    %add3A_12 = arith.addi %multiple_of3A, %add3A_11 : i32
    "tpu.region"() ({
      %run_scoped3A = tpu.sem_alloc : memref<!tpu.dma_semaphore, #tpu.memory_space<semaphore_mem>>
      %dma_start3A_150 = arith.constant 0 : i32
      %dma_start3A_151 = tpu.memref_slice %arg14[%add3A_12, %dma_start3A_150] : memref<10240x128xf32, #tpu.memory_space<vmem_shared>> -> memref<80x128xf32, #tpu.memory_space<vmem_shared>>
      %dma_start3A_152 = arith.constant 0 : i32
      %dma_start3A_153 = tpu.memref_slice %arg14[%add3A_12, %dma_start3A_152] : memref<10240x128xf32, #tpu.memory_space<vmem_shared>> -> memref<80x128xf32, #tpu.memory_space<vmem_shared>>
      tpu.enqueue_dma source(%arg11 : memref<80x128xf32, #tpu.memory_space<vmem>>) target(%dma_start3A_153 : memref<80x128xf32, #tpu.memory_space<vmem_shared>>) target_semaphore(%run_scoped3A : memref<!tpu.dma_semaphore, #tpu.memory_space<semaphore_mem>>)
      %dma_wait3A_154 = arith.constant 0 : i32
      %dma_wait3A_155 = tpu.memref_slice %arg14[%add3A_12, %dma_wait3A_154] : memref<10240x128xf32, #tpu.memory_space<vmem_shared>> -> memref<80x128xf32, #tpu.memory_space<vmem_shared>>
      %dma_wait3A_156 = arith.constant 0 : i32
      %dma_wait3A_157 = tpu.memref_slice %arg14[%add3A_12, %dma_wait3A_156] : memref<10240x128xf32, #tpu.memory_space<vmem_shared>> -> memref<80x128xf32, #tpu.memory_space<vmem_shared>>
      tpu.wait_dma2 semaphore(%run_scoped3A : memref<!tpu.dma_semaphore, #tpu.memory_space<semaphore_mem>>) src(%arg11 : memref<80x128xf32, #tpu.memory_space<vmem>>) dst(%dma_wait3A_157 : memref<80x128xf32, #tpu.memory_space<vmem_shared>>)
      tpu.yield
    }) : () -> ()
    %add3A_13 = arith.constant 160 : i32
    %add3A_14 = arith.addi %multiple_of3A, %add3A_13 : i32
    "tpu.region"() ({
      %run_scoped3A = tpu.sem_alloc : memref<!tpu.dma_semaphore, #tpu.memory_space<semaphore_mem>>
      %dma_start3A_150 = arith.constant 0 : i32
      %dma_start3A_151 = tpu.memref_slice %arg14[%add3A_14, %dma_start3A_150] : memref<10240x128xf32, #tpu.memory_space<vmem_shared>> -> memref<80x128xf32, #tpu.memory_space<vmem_shared>>
      %dma_start3A_152 = arith.constant 0 : i32
      %dma_start3A_153 = tpu.memref_slice %arg14[%add3A_14, %dma_start3A_152] : memref<10240x128xf32, #tpu.memory_space<vmem_shared>> -> memref<80x128xf32, #tpu.memory_space<vmem_shared>>
      tpu.enqueue_dma source(%arg11 : memref<80x128xf32, #tpu.memory_space<vmem>>) target(%dma_start3A_153 : memref<80x128xf32, #tpu.memory_space<vmem_shared>>) target_semaphore(%run_scoped3A : memref<!tpu.dma_semaphore, #tpu.memory_space<semaphore_mem>>)
      %dma_wait3A_154 = arith.constant 0 : i32
      %dma_wait3A_155 = tpu.memref_slice %arg14[%add3A_14, %dma_wait3A_154] : memref<10240x128xf32, #tpu.memory_space<vmem_shared>> -> memref<80x128xf32, #tpu.memory_space<vmem_shared>>
      %dma_wait3A_156 = arith.constant 0 : i32
      %dma_wait3A_157 = tpu.memref_slice %arg14[%add3A_14, %dma_wait3A_156] : memref<10240x128xf32, #tpu.memory_space<vmem_shared>> -> memref<80x128xf32, #tpu.memory_space<vmem_shared>>
      tpu.wait_dma2 semaphore(%run_scoped3A : memref<!tpu.dma_semaphore, #tpu.memory_space<semaphore_mem>>) src(%arg11 : memref<80x128xf32, #tpu.memory_space<vmem>>) dst(%dma_wait3A_157 : memref<80x128xf32, #tpu.memory_space<vmem_shared>>)
      tpu.yield
    }) : () -> ()
    %add3A_15 = arith.constant 240 : i32
    %add3A_16 = arith.addi %multiple_of3A, %add3A_15 : i32
    "tpu.region"() ({
      %run_scoped3A = tpu.sem_alloc : memref<!tpu.dma_semaphore, #tpu.memory_space<semaphore_mem>>
      %dma_start3A_150 = arith.constant 0 : i32
      %dma_start3A_151 = tpu.memref_slice %arg14[%add3A_16, %dma_start3A_150] : memref<10240x128xf32, #tpu.memory_space<vmem_shared>> -> memref<80x128xf32, #tpu.memory_space<vmem_shared>>
      %dma_start3A_152 = arith.constant 0 : i32
      %dma_start3A_153 = tpu.memref_slice %arg14[%add3A_16, %dma_start3A_152] : memref<10240x128xf32, #tpu.memory_space<vmem_shared>> -> memref<80x128xf32, #tpu.memory_space<vmem_shared>>
      tpu.enqueue_dma source(%arg11 : memref<80x128xf32, #tpu.memory_space<vmem>>) target(%dma_start3A_153 : memref<80x128xf32, #tpu.memory_space<vmem_shared>>) target_semaphore(%run_scoped3A : memref<!tpu.dma_semaphore, #tpu.memory_space<semaphore_mem>>)
      %dma_wait3A_154 = arith.constant 0 : i32
      %dma_wait3A_155 = tpu.memref_slice %arg14[%add3A_16, %dma_wait3A_154] : memref<10240x128xf32, #tpu.memory_space<vmem_shared>> -> memref<80x128xf32, #tpu.memory_space<vmem_shared>>
      %dma_wait3A_156 = arith.constant 0 : i32
      %dma_wait3A_157 = tpu.memref_slice %arg14[%add3A_16, %dma_wait3A_156] : memref<10240x128xf32, #tpu.memory_space<vmem_shared>> -> memref<80x128xf32, #tpu.memory_space<vmem_shared>>
      tpu.wait_dma2 semaphore(%run_scoped3A : memref<!tpu.dma_semaphore, #tpu.memory_space<semaphore_mem>>) src(%arg11 : memref<80x128xf32, #tpu.memory_space<vmem>>) dst(%dma_wait3A_157 : memref<80x128xf32, #tpu.memory_space<vmem_shared>>)
      tpu.yield
    }) : () -> ()
    %add3A_17 = arith.constant 320 : i32
    %add3A_18 = arith.addi %multiple_of3A, %add3A_17 : i32
    "tpu.region"() ({
      %run_scoped3A = tpu.sem_alloc : memref<!tpu.dma_semaphore, #tpu.memory_space<semaphore_mem>>
      %dma_start3A_150 = arith.constant 0 : i32
      %dma_start3A_151 = tpu.memref_slice %arg14[%add3A_18, %dma_start3A_150] : memref<10240x128xf32, #tpu.memory_space<vmem_shared>> -> memref<80x128xf32, #tpu.memory_space<vmem_shared>>
      %dma_start3A_152 = arith.constant 0 : i32
      %dma_start3A_153 = tpu.memref_slice %arg14[%add3A_18, %dma_start3A_152] : memref<10240x128xf32, #tpu.memory_space<vmem_shared>> -> memref<80x128xf32, #tpu.memory_space<vmem_shared>>
      tpu.enqueue_dma source(%arg11 : memref<80x128xf32, #tpu.memory_space<vmem>>) target(%dma_start3A_153 : memref<80x128xf32, #tpu.memory_space<vmem_shared>>) target_semaphore(%run_scoped3A : memref<!tpu.dma_semaphore, #tpu.memory_space<semaphore_mem>>)
      %dma_wait3A_154 = arith.constant 0 : i32
      %dma_wait3A_155 = tpu.memref_slice %arg14[%add3A_18, %dma_wait3A_154] : memref<10240x128xf32, #tpu.memory_space<vmem_shared>> -> memref<80x128xf32, #tpu.memory_space<vmem_shared>>
      %dma_wait3A_156 = arith.constant 0 : i32
      %dma_wait3A_157 = tpu.memref_slice %arg14[%add3A_18, %dma_wait3A_156] : memref<10240x128xf32, #tpu.memory_space<vmem_shared>> -> memref<80x128xf32, #tpu.memory_space<vmem_shared>>
      tpu.wait_dma2 semaphore(%run_scoped3A : memref<!tpu.dma_semaphore, #tpu.memory_space<semaphore_mem>>) src(%arg11 : memref<80x128xf32, #tpu.memory_space<vmem>>) dst(%dma_wait3A_157 : memref<80x128xf32, #tpu.memory_space<vmem_shared>>)
      tpu.yield
    }) : () -> ()
    %add3A_19 = arith.constant 400 : i32
    %add3A_20 = arith.addi %multiple_of3A, %add3A_19 : i32
    "tpu.region"() ({
      %run_scoped3A = tpu.sem_alloc : memref<!tpu.dma_semaphore, #tpu.memory_space<semaphore_mem>>
      %dma_start3A_150 = arith.constant 0 : i32
      %dma_start3A_151 = tpu.memref_slice %arg14[%add3A_20, %dma_start3A_150] : memref<10240x128xf32, #tpu.memory_space<vmem_shared>> -> memref<80x128xf32, #tpu.memory_space<vmem_shared>>
      %dma_start3A_152 = arith.constant 0 : i32
      %dma_start3A_153 = tpu.memref_slice %arg14[%add3A_20, %dma_start3A_152] : memref<10240x128xf32, #tpu.memory_space<vmem_shared>> -> memref<80x128xf32, #tpu.memory_space<vmem_shared>>
      tpu.enqueue_dma source(%arg11 : memref<80x128xf32, #tpu.memory_space<vmem>>) target(%dma_start3A_153 : memref<80x128xf32, #tpu.memory_space<vmem_shared>>) target_semaphore(%run_scoped3A : memref<!tpu.dma_semaphore, #tpu.memory_space<semaphore_mem>>)
      %dma_wait3A_154 = arith.constant 0 : i32
      %dma_wait3A_155 = tpu.memref_slice %arg14[%add3A_20, %dma_wait3A_154] : memref<10240x128xf32, #tpu.memory_space<vmem_shared>> -> memref<80x128xf32, #tpu.memory_space<vmem_shared>>
      %dma_wait3A_156 = arith.constant 0 : i32
      %dma_wait3A_157 = tpu.memref_slice %arg14[%add3A_20, %dma_wait3A_156] : memref<10240x128xf32, #tpu.memory_space<vmem_shared>> -> memref<80x128xf32, #tpu.memory_space<vmem_shared>>
      tpu.wait_dma2 semaphore(%run_scoped3A : memref<!tpu.dma_semaphore, #tpu.memory_space<semaphore_mem>>) src(%arg11 : memref<80x128xf32, #tpu.memory_space<vmem>>) dst(%dma_wait3A_157 : memref<80x128xf32, #tpu.memory_space<vmem_shared>>)
      tpu.yield
    }) : () -> ()
    %add3A_21 = arith.constant 480 : i32
    %add3A_22 = arith.addi %multiple_of3A, %add3A_21 : i32
    "tpu.region"() ({
      %run_scoped3A = tpu.sem_alloc : memref<!tpu.dma_semaphore, #tpu.memory_space<semaphore_mem>>
      %dma_start3A_150 = arith.constant 0 : i32
      %dma_start3A_151 = tpu.memref_slice %arg14[%add3A_22, %dma_start3A_150] : memref<10240x128xf32, #tpu.memory_space<vmem_shared>> -> memref<80x128xf32, #tpu.memory_space<vmem_shared>>
      %dma_start3A_152 = arith.constant 0 : i32
      %dma_start3A_153 = tpu.memref_slice %arg14[%add3A_22, %dma_start3A_152] : memref<10240x128xf32, #tpu.memory_space<vmem_shared>> -> memref<80x128xf32, #tpu.memory_space<vmem_shared>>
      tpu.enqueue_dma source(%arg11 : memref<80x128xf32, #tpu.memory_space<vmem>>) target(%dma_start3A_153 : memref<80x128xf32, #tpu.memory_space<vmem_shared>>) target_semaphore(%run_scoped3A : memref<!tpu.dma_semaphore, #tpu.memory_space<semaphore_mem>>)
      %dma_wait3A_154 = arith.constant 0 : i32
      %dma_wait3A_155 = tpu.memref_slice %arg14[%add3A_22, %dma_wait3A_154] : memref<10240x128xf32, #tpu.memory_space<vmem_shared>> -> memref<80x128xf32, #tpu.memory_space<vmem_shared>>
      %dma_wait3A_156 = arith.constant 0 : i32
      %dma_wait3A_157 = tpu.memref_slice %arg14[%add3A_22, %dma_wait3A_156] : memref<10240x128xf32, #tpu.memory_space<vmem_shared>> -> memref<80x128xf32, #tpu.memory_space<vmem_shared>>
      tpu.wait_dma2 semaphore(%run_scoped3A : memref<!tpu.dma_semaphore, #tpu.memory_space<semaphore_mem>>) src(%arg11 : memref<80x128xf32, #tpu.memory_space<vmem>>) dst(%dma_wait3A_157 : memref<80x128xf32, #tpu.memory_space<vmem_shared>>)
      tpu.yield
    }) : () -> ()
    %add3A_23 = arith.constant 560 : i32
    %add3A_24 = arith.addi %multiple_of3A, %add3A_23 : i32
    "tpu.region"() ({
      %run_scoped3A = tpu.sem_alloc : memref<!tpu.dma_semaphore, #tpu.memory_space<semaphore_mem>>
      %dma_start3A_150 = arith.constant 0 : i32
      %dma_start3A_151 = tpu.memref_slice %arg14[%add3A_24, %dma_start3A_150] : memref<10240x128xf32, #tpu.memory_space<vmem_shared>> -> memref<80x128xf32, #tpu.memory_space<vmem_shared>>
      %dma_start3A_152 = arith.constant 0 : i32
      %dma_start3A_153 = tpu.memref_slice %arg14[%add3A_24, %dma_start3A_152] : memref<10240x128xf32, #tpu.memory_space<vmem_shared>> -> memref<80x128xf32, #tpu.memory_space<vmem_shared>>
      tpu.enqueue_dma source(%arg11 : memref<80x128xf32, #tpu.memory_space<vmem>>) target(%dma_start3A_153 : memref<80x128xf32, #tpu.memory_space<vmem_shared>>) target_semaphore(%run_scoped3A : memref<!tpu.dma_semaphore, #tpu.memory_space<semaphore_mem>>)
      %dma_wait3A_154 = arith.constant 0 : i32
      %dma_wait3A_155 = tpu.memref_slice %arg14[%add3A_24, %dma_wait3A_154] : memref<10240x128xf32, #tpu.memory_space<vmem_shared>> -> memref<80x128xf32, #tpu.memory_space<vmem_shared>>
      %dma_wait3A_156 = arith.constant 0 : i32
      %dma_wait3A_157 = tpu.memref_slice %arg14[%add3A_24, %dma_wait3A_156] : memref<10240x128xf32, #tpu.memory_space<vmem_shared>> -> memref<80x128xf32, #tpu.memory_space<vmem_shared>>
      tpu.wait_dma2 semaphore(%run_scoped3A : memref<!tpu.dma_semaphore, #tpu.memory_space<semaphore_mem>>) src(%arg11 : memref<80x128xf32, #tpu.memory_space<vmem>>) dst(%dma_wait3A_157 : memref<80x128xf32, #tpu.memory_space<vmem_shared>>)
      tpu.yield
    }) : () -> ()
    "tpu.region"() ({
      %run_scoped3A = tpu.sem_alloc : memref<!tpu.dma_semaphore, #tpu.memory_space<semaphore_mem>>
      %dma_start3A_150 = tpu.memref_slice %arg3[%mul3A_8] : memref<320000xi32, #tpu.memory_space<hbm>> -> memref<10000xi32, #tpu.memory_space<hbm>>
      %dma_start3A_151 = tpu.memref_slice %arg3[%mul3A_8] : memref<320000xi32, #tpu.memory_space<hbm>> -> memref<10000xi32, #tpu.memory_space<hbm>>
      tpu.enqueue_dma source(%dma_start3A_151 : memref<10000xi32, #tpu.memory_space<hbm>>) target(%arg7 : memref<10000xi32, #tpu.memory_space<vmem>>) target_semaphore(%run_scoped3A : memref<!tpu.dma_semaphore, #tpu.memory_space<semaphore_mem>>)
      %dma_wait3A_152 = tpu.memref_slice %arg3[%mul3A_8] : memref<320000xi32, #tpu.memory_space<hbm>> -> memref<10000xi32, #tpu.memory_space<hbm>>
      %dma_wait3A_153 = tpu.memref_slice %arg3[%mul3A_8] : memref<320000xi32, #tpu.memory_space<hbm>> -> memref<10000xi32, #tpu.memory_space<hbm>>
      tpu.wait_dma2 semaphore(%run_scoped3A : memref<!tpu.dma_semaphore, #tpu.memory_space<semaphore_mem>>) src(%dma_wait3A_153 : memref<10000xi32, #tpu.memory_space<hbm>>) dst(%arg7 : memref<10000xi32, #tpu.memory_space<vmem>>)
      tpu.yield
    }) : () -> ()
    %barrier3A = arith.constant 0 : index
    tpu.barrier barrier_id(%barrier3A)
    %add3A_25 = arith.constant 0 : i32
    %add3A_26 = arith.addi %mul3A_8, %add3A_25 : i32
    %dma_start3A = tpu.memref_slice %arg4[%add3A_26] : memref<320000xi32, #tpu.memory_space<hbm>> -> memref<80xi32, #tpu.memory_space<hbm>>
    %dma_start3A_27 = tpu.memref_slice %arg4[%add3A_26] : memref<320000xi32, #tpu.memory_space<hbm>> -> memref<80xi32, #tpu.memory_space<hbm>>
    tpu.enqueue_dma source(%dma_start3A_27 : memref<80xi32, #tpu.memory_space<hbm>>) target(%arg8 : memref<80xi32, #tpu.memory_space<vmem>>) target_semaphore(%arg18 : memref<!tpu.dma_semaphore, #tpu.memory_space<semaphore_mem>>)
    %dma_start3A_28 = arith.constant 0 : i32
    %dma_start3A_29 = tpu.memref_slice %arg7[%dma_start3A_28] : memref<10000xi32, #tpu.memory_space<vmem>> -> memref<80xi32, #tpu.memory_space<vmem>>
    %dma_start3A_30 = arith.constant 0 : i32
    %dma_start3A_31 = arith.constant 0 : i32
    %dma_start3A_32 = tpu.memref_slice %arg2[%dma_start3A_30, %dma_start3A_31] : memref<10000x128xf32, #tpu.memory_space<hbm>> -> memref<10000x128xf32, #tpu.memory_space<hbm>>
    tpu.enqueue_indirect_dma source(%dma_start3A_32 : memref<10000x128xf32, #tpu.memory_space<hbm>>) target(%arg11 : memref<80x128xf32, #tpu.memory_space<vmem>>) offsets(%dma_start3A_29 : memref<80xi32, #tpu.memory_space<vmem>>) semaphore(%arg15 : memref<!tpu.dma_semaphore, #tpu.memory_space<semaphore_mem>>)
    %add3A_33 = arith.constant 80 : i32
    %add3A_34 = arith.addi %mul3A_8, %add3A_33 : i32
    %dma_start3A_35 = tpu.memref_slice %arg4[%add3A_34] : memref<320000xi32, #tpu.memory_space<hbm>> -> memref<80xi32, #tpu.memory_space<hbm>>
    %dma_start3A_36 = tpu.memref_slice %arg4[%add3A_34] : memref<320000xi32, #tpu.memory_space<hbm>> -> memref<80xi32, #tpu.memory_space<hbm>>
    tpu.enqueue_dma source(%dma_start3A_36 : memref<80xi32, #tpu.memory_space<hbm>>) target(%arg9 : memref<80xi32, #tpu.memory_space<vmem>>) target_semaphore(%arg19 : memref<!tpu.dma_semaphore, #tpu.memory_space<semaphore_mem>>)
    %dma_start3A_37 = arith.constant 80 : i32
    %dma_start3A_38 = tpu.memref_slice %arg7[%dma_start3A_37] : memref<10000xi32, #tpu.memory_space<vmem>> -> memref<80xi32, #tpu.memory_space<vmem>>
    %dma_start3A_39 = arith.constant 0 : i32
    %dma_start3A_40 = arith.constant 0 : i32
    %dma_start3A_41 = tpu.memref_slice %arg2[%dma_start3A_39, %dma_start3A_40] : memref<10000x128xf32, #tpu.memory_space<hbm>> -> memref<10000x128xf32, #tpu.memory_space<hbm>>
    tpu.enqueue_indirect_dma source(%dma_start3A_41 : memref<10000x128xf32, #tpu.memory_space<hbm>>) target(%arg12 : memref<80x128xf32, #tpu.memory_space<vmem>>) offsets(%dma_start3A_38 : memref<80xi32, #tpu.memory_space<vmem>>) semaphore(%arg16 : memref<!tpu.dma_semaphore, #tpu.memory_space<semaphore_mem>>)
    %add3A_42 = arith.constant 160 : i32
    %add3A_43 = arith.addi %mul3A_8, %add3A_42 : i32
    %dma_start3A_44 = tpu.memref_slice %arg4[%add3A_43] : memref<320000xi32, #tpu.memory_space<hbm>> -> memref<80xi32, #tpu.memory_space<hbm>>
    %dma_start3A_45 = tpu.memref_slice %arg4[%add3A_43] : memref<320000xi32, #tpu.memory_space<hbm>> -> memref<80xi32, #tpu.memory_space<hbm>>
    tpu.enqueue_dma source(%dma_start3A_45 : memref<80xi32, #tpu.memory_space<hbm>>) target(%arg10 : memref<80xi32, #tpu.memory_space<vmem>>) target_semaphore(%arg20 : memref<!tpu.dma_semaphore, #tpu.memory_space<semaphore_mem>>)
    %dma_start3A_46 = arith.constant 160 : i32
    %dma_start3A_47 = tpu.memref_slice %arg7[%dma_start3A_46] : memref<10000xi32, #tpu.memory_space<vmem>> -> memref<80xi32, #tpu.memory_space<vmem>>
    %dma_start3A_48 = arith.constant 0 : i32
    %dma_start3A_49 = arith.constant 0 : i32
    %dma_start3A_50 = tpu.memref_slice %arg2[%dma_start3A_48, %dma_start3A_49] : memref<10000x128xf32, #tpu.memory_space<hbm>> -> memref<10000x128xf32, #tpu.memory_space<hbm>>
    tpu.enqueue_indirect_dma source(%dma_start3A_50 : memref<10000x128xf32, #tpu.memory_space<hbm>>) target(%arg13 : memref<80x128xf32, #tpu.memory_space<vmem>>) offsets(%dma_start3A_47 : memref<80xi32, #tpu.memory_space<vmem>>) semaphore(%arg17 : memref<!tpu.dma_semaphore, #tpu.memory_space<semaphore_mem>>)
    %scan3A = arith.constant 0 : i32
    %scan3A_51 = arith.constant 40 : i32
    %scan3A_52 = arith.addi %scan3A, %scan3A_51 : i32
    %scan3A_53 = arith.constant 1 : i32
    scf.for %scan3A_150 = %scan3A to %scan3A_52 step %scan3A_53  : i32 {
      %mul3A_151 = arith.constant 3 : i32
      %mul3A_152 = arith.muli %scan3A_150, %mul3A_151 : i32
      %add3A_153 = arith.constant 0 : i32
      %add3A_154 = arith.addi %add3A_153, %mul3A_152 : i32
      %add3A_155 = arith.constant 0 : i32
      %add3A_156 = arith.addi %add3A_154, %add3A_155 : i32
      %dma_wait3A_157 = arith.constant 0 : i32
      %dma_wait3A_158 = tpu.memref_slice %arg7[%dma_wait3A_157] : memref<10000xi32, #tpu.memory_space<vmem>> -> memref<80xi32, #tpu.memory_space<vmem>>
      %dma_wait3A_159 = arith.constant 0 : i32
      %dma_wait3A_160 = arith.constant 0 : i32
      %dma_wait3A_161 = tpu.memref_slice %arg2[%dma_wait3A_159, %dma_wait3A_160] : memref<10000x128xf32, #tpu.memory_space<hbm>> -> memref<10000x128xf32, #tpu.memory_space<hbm>>
      tpu.wait_indirect_dma semaphore(%arg15 : memref<!tpu.dma_semaphore, #tpu.memory_space<semaphore_mem>>) src(%dma_wait3A_161 : memref<10000x128xf32, #tpu.memory_space<hbm>>) dst(%arg11 : memref<80x128xf32, #tpu.memory_space<vmem>>)
      %dma_wait3A_162 = arith.constant 0 : i32
      %dma_wait3A_163 = tpu.memref_slice %arg4[%dma_wait3A_162] : memref<320000xi32, #tpu.memory_space<hbm>> -> memref<80xi32, #tpu.memory_space<hbm>>
      %dma_wait3A_164 = arith.constant 0 : i32
      %dma_wait3A_165 = tpu.memref_slice %arg4[%dma_wait3A_164] : memref<320000xi32, #tpu.memory_space<hbm>> -> memref<80xi32, #tpu.memory_space<hbm>>
      tpu.wait_dma2 semaphore(%arg18 : memref<!tpu.dma_semaphore, #tpu.memory_space<semaphore_mem>>) src(%dma_wait3A_165 : memref<80xi32, #tpu.memory_space<hbm>>) dst(%arg8 : memref<80xi32, #tpu.memory_space<vmem>>)
      "tpu.region"() ({
        %run_scoped3A = tpu.sem_alloc : memref<!tpu.dma_semaphore, #tpu.memory_space<semaphore_mem>>
        %dma_start3A_233 = arith.constant 0 : i32
        %dma_start3A_234 = arith.constant 0 : i32
        %dma_start3A_235 = tpu.memref_slice %arg14[%dma_start3A_233, %dma_start3A_234] : memref<10240x128xf32, #tpu.memory_space<vmem_shared>> -> memref<10240x128xf32, #tpu.memory_space<vmem_shared>>
        tpu.enqueue_indirect_dma source(%arg11 : memref<80x128xf32, #tpu.memory_space<vmem>>) target(%dma_start3A_235 : memref<10240x128xf32, #tpu.memory_space<vmem_shared>>) offsets(%arg8 : memref<80xi32, #tpu.memory_space<vmem>>) semaphore(%run_scoped3A : memref<!tpu.dma_semaphore, #tpu.memory_space<semaphore_mem>>) {add = true}
        %dma_wait3A_236 = arith.constant 0 : i32
        %dma_wait3A_237 = arith.constant 0 : i32
        %dma_wait3A_238 = tpu.memref_slice %arg14[%dma_wait3A_236, %dma_wait3A_237] : memref<10240x128xf32, #tpu.memory_space<vmem_shared>> -> memref<10240x128xf32, #tpu.memory_space<vmem_shared>>
        tpu.wait_indirect_dma semaphore(%run_scoped3A : memref<!tpu.dma_semaphore, #tpu.memory_space<semaphore_mem>>) src(%arg11 : memref<80x128xf32, #tpu.memory_space<vmem>>) dst(%dma_wait3A_238 : memref<10240x128xf32, #tpu.memory_space<vmem_shared>>)
        tpu.yield
      }) : () -> ()
      %add3A_166 = arith.constant 3 : i32
      %add3A_167 = arith.addi %add3A_154, %add3A_166 : i32
      %add3A_168 = arith.constant 0 : i32
      %add3A_169 = arith.addi %add3A_167, %add3A_168 : i32
      %mul3A_170 = arith.constant 80 : i32
      %mul3A_171 = arith.muli %add3A_169, %mul3A_170 : i32
      %add3A_172 = arith.addi %mul3A_8, %mul3A_171 : i32
      %dma_start3A_173 = tpu.memref_slice %arg4[%add3A_172] : memref<320000xi32, #tpu.memory_space<hbm>> -> memref<80xi32, #tpu.memory_space<hbm>>
      %dma_start3A_174 = tpu.memref_slice %arg4[%add3A_172] : memref<320000xi32, #tpu.memory_space<hbm>> -> memref<80xi32, #tpu.memory_space<hbm>>
      tpu.enqueue_dma source(%dma_start3A_174 : memref<80xi32, #tpu.memory_space<hbm>>) target(%arg8 : memref<80xi32, #tpu.memory_space<vmem>>) target_semaphore(%arg18 : memref<!tpu.dma_semaphore, #tpu.memory_space<semaphore_mem>>)
      %mul3A_175 = arith.constant 80 : i32
      %mul3A_176 = arith.muli %add3A_169, %mul3A_175 : i32
      %dma_start3A_177 = tpu.memref_slice %arg7[%mul3A_176] : memref<10000xi32, #tpu.memory_space<vmem>> -> memref<80xi32, #tpu.memory_space<vmem>>
      %dma_start3A_178 = arith.constant 0 : i32
      %dma_start3A_179 = arith.constant 0 : i32
      %dma_start3A_180 = tpu.memref_slice %arg2[%dma_start3A_178, %dma_start3A_179] : memref<10000x128xf32, #tpu.memory_space<hbm>> -> memref<10000x128xf32, #tpu.memory_space<hbm>>
      tpu.enqueue_indirect_dma source(%dma_start3A_180 : memref<10000x128xf32, #tpu.memory_space<hbm>>) target(%arg11 : memref<80x128xf32, #tpu.memory_space<vmem>>) offsets(%dma_start3A_177 : memref<80xi32, #tpu.memory_space<vmem>>) semaphore(%arg15 : memref<!tpu.dma_semaphore, #tpu.memory_space<semaphore_mem>>)
      %add3A_181 = arith.constant 1 : i32
      %add3A_182 = arith.addi %add3A_154, %add3A_181 : i32
      %dma_wait3A_183 = arith.constant 0 : i32
      %dma_wait3A_184 = tpu.memref_slice %arg7[%dma_wait3A_183] : memref<10000xi32, #tpu.memory_space<vmem>> -> memref<80xi32, #tpu.memory_space<vmem>>
      %dma_wait3A_185 = arith.constant 0 : i32
      %dma_wait3A_186 = arith.constant 0 : i32
      %dma_wait3A_187 = tpu.memref_slice %arg2[%dma_wait3A_185, %dma_wait3A_186] : memref<10000x128xf32, #tpu.memory_space<hbm>> -> memref<10000x128xf32, #tpu.memory_space<hbm>>
      tpu.wait_indirect_dma semaphore(%arg16 : memref<!tpu.dma_semaphore, #tpu.memory_space<semaphore_mem>>) src(%dma_wait3A_187 : memref<10000x128xf32, #tpu.memory_space<hbm>>) dst(%arg12 : memref<80x128xf32, #tpu.memory_space<vmem>>)
      %dma_wait3A_188 = arith.constant 0 : i32
      %dma_wait3A_189 = tpu.memref_slice %arg4[%dma_wait3A_188] : memref<320000xi32, #tpu.memory_space<hbm>> -> memref<80xi32, #tpu.memory_space<hbm>>
      %dma_wait3A_190 = arith.constant 0 : i32
      %dma_wait3A_191 = tpu.memref_slice %arg4[%dma_wait3A_190] : memref<320000xi32, #tpu.memory_space<hbm>> -> memref<80xi32, #tpu.memory_space<hbm>>
      tpu.wait_dma2 semaphore(%arg19 : memref<!tpu.dma_semaphore, #tpu.memory_space<semaphore_mem>>) src(%dma_wait3A_191 : memref<80xi32, #tpu.memory_space<hbm>>) dst(%arg9 : memref<80xi32, #tpu.memory_space<vmem>>)
      "tpu.region"() ({
        %run_scoped3A = tpu.sem_alloc : memref<!tpu.dma_semaphore, #tpu.memory_space<semaphore_mem>>
        %dma_start3A_233 = arith.constant 0 : i32
        %dma_start3A_234 = arith.constant 0 : i32
        %dma_start3A_235 = tpu.memref_slice %arg14[%dma_start3A_233, %dma_start3A_234] : memref<10240x128xf32, #tpu.memory_space<vmem_shared>> -> memref<10240x128xf32, #tpu.memory_space<vmem_shared>>
        tpu.enqueue_indirect_dma source(%arg12 : memref<80x128xf32, #tpu.memory_space<vmem>>) target(%dma_start3A_235 : memref<10240x128xf32, #tpu.memory_space<vmem_shared>>) offsets(%arg9 : memref<80xi32, #tpu.memory_space<vmem>>) semaphore(%run_scoped3A : memref<!tpu.dma_semaphore, #tpu.memory_space<semaphore_mem>>) {add = true}
        %dma_wait3A_236 = arith.constant 0 : i32
        %dma_wait3A_237 = arith.constant 0 : i32
        %dma_wait3A_238 = tpu.memref_slice %arg14[%dma_wait3A_236, %dma_wait3A_237] : memref<10240x128xf32, #tpu.memory_space<vmem_shared>> -> memref<10240x128xf32, #tpu.memory_space<vmem_shared>>
        tpu.wait_indirect_dma semaphore(%run_scoped3A : memref<!tpu.dma_semaphore, #tpu.memory_space<semaphore_mem>>) src(%arg12 : memref<80x128xf32, #tpu.memory_space<vmem>>) dst(%dma_wait3A_238 : memref<10240x128xf32, #tpu.memory_space<vmem_shared>>)
        tpu.yield
      }) : () -> ()
      %add3A_192 = arith.constant 3 : i32
      %add3A_193 = arith.addi %add3A_154, %add3A_192 : i32
      %add3A_194 = arith.constant 1 : i32
      %add3A_195 = arith.addi %add3A_193, %add3A_194 : i32
      %mul3A_196 = arith.constant 80 : i32
      %mul3A_197 = arith.muli %add3A_195, %mul3A_196 : i32
      %add3A_198 = arith.addi %mul3A_8, %mul3A_197 : i32
      %dma_start3A_199 = tpu.memref_slice %arg4[%add3A_198] : memref<320000xi32, #tpu.memory_space<hbm>> -> memref<80xi32, #tpu.memory_space<hbm>>
      %dma_start3A_200 = tpu.memref_slice %arg4[%add3A_198] : memref<320000xi32, #tpu.memory_space<hbm>> -> memref<80xi32, #tpu.memory_space<hbm>>
      tpu.enqueue_dma source(%dma_start3A_200 : memref<80xi32, #tpu.memory_space<hbm>>) target(%arg9 : memref<80xi32, #tpu.memory_space<vmem>>) target_semaphore(%arg19 : memref<!tpu.dma_semaphore, #tpu.memory_space<semaphore_mem>>)
      %mul3A_201 = arith.constant 80 : i32
      %mul3A_202 = arith.muli %add3A_195, %mul3A_201 : i32
      %dma_start3A_203 = tpu.memref_slice %arg7[%mul3A_202] : memref<10000xi32, #tpu.memory_space<vmem>> -> memref<80xi32, #tpu.memory_space<vmem>>
      %dma_start3A_204 = arith.constant 0 : i32
      %dma_start3A_205 = arith.constant 0 : i32
      %dma_start3A_206 = tpu.memref_slice %arg2[%dma_start3A_204, %dma_start3A_205] : memref<10000x128xf32, #tpu.memory_space<hbm>> -> memref<10000x128xf32, #tpu.memory_space<hbm>>
      tpu.enqueue_indirect_dma source(%dma_start3A_206 : memref<10000x128xf32, #tpu.memory_space<hbm>>) target(%arg12 : memref<80x128xf32, #tpu.memory_space<vmem>>) offsets(%dma_start3A_203 : memref<80xi32, #tpu.memory_space<vmem>>) semaphore(%arg16 : memref<!tpu.dma_semaphore, #tpu.memory_space<semaphore_mem>>)
      %add3A_207 = arith.constant 2 : i32
      %add3A_208 = arith.addi %add3A_154, %add3A_207 : i32
      %dma_wait3A_209 = arith.constant 0 : i32
      %dma_wait3A_210 = tpu.memref_slice %arg7[%dma_wait3A_209] : memref<10000xi32, #tpu.memory_space<vmem>> -> memref<80xi32, #tpu.memory_space<vmem>>
      %dma_wait3A_211 = arith.constant 0 : i32
      %dma_wait3A_212 = arith.constant 0 : i32
      %dma_wait3A_213 = tpu.memref_slice %arg2[%dma_wait3A_211, %dma_wait3A_212] : memref<10000x128xf32, #tpu.memory_space<hbm>> -> memref<10000x128xf32, #tpu.memory_space<hbm>>
      tpu.wait_indirect_dma semaphore(%arg17 : memref<!tpu.dma_semaphore, #tpu.memory_space<semaphore_mem>>) src(%dma_wait3A_213 : memref<10000x128xf32, #tpu.memory_space<hbm>>) dst(%arg13 : memref<80x128xf32, #tpu.memory_space<vmem>>)
      %dma_wait3A_214 = arith.constant 0 : i32
      %dma_wait3A_215 = tpu.memref_slice %arg4[%dma_wait3A_214] : memref<320000xi32, #tpu.memory_space<hbm>> -> memref<80xi32, #tpu.memory_space<hbm>>
      %dma_wait3A_216 = arith.constant 0 : i32
      %dma_wait3A_217 = tpu.memref_slice %arg4[%dma_wait3A_216] : memref<320000xi32, #tpu.memory_space<hbm>> -> memref<80xi32, #tpu.memory_space<hbm>>
      tpu.wait_dma2 semaphore(%arg20 : memref<!tpu.dma_semaphore, #tpu.memory_space<semaphore_mem>>) src(%dma_wait3A_217 : memref<80xi32, #tpu.memory_space<hbm>>) dst(%arg10 : memref<80xi32, #tpu.memory_space<vmem>>)
      "tpu.region"() ({
        %run_scoped3A = tpu.sem_alloc : memref<!tpu.dma_semaphore, #tpu.memory_space<semaphore_mem>>
        %dma_start3A_233 = arith.constant 0 : i32
        %dma_start3A_234 = arith.constant 0 : i32
        %dma_start3A_235 = tpu.memref_slice %arg14[%dma_start3A_233, %dma_start3A_234] : memref<10240x128xf32, #tpu.memory_space<vmem_shared>> -> memref<10240x128xf32, #tpu.memory_space<vmem_shared>>
        tpu.enqueue_indirect_dma source(%arg13 : memref<80x128xf32, #tpu.memory_space<vmem>>) target(%dma_start3A_235 : memref<10240x128xf32, #tpu.memory_space<vmem_shared>>) offsets(%arg10 : memref<80xi32, #tpu.memory_space<vmem>>) semaphore(%run_scoped3A : memref<!tpu.dma_semaphore, #tpu.memory_space<semaphore_mem>>) {add = true}
        %dma_wait3A_236 = arith.constant 0 : i32
        %dma_wait3A_237 = arith.constant 0 : i32
        %dma_wait3A_238 = tpu.memref_slice %arg14[%dma_wait3A_236, %dma_wait3A_237] : memref<10240x128xf32, #tpu.memory_space<vmem_shared>> -> memref<10240x128xf32, #tpu.memory_space<vmem_shared>>
        tpu.wait_indirect_dma semaphore(%run_scoped3A : memref<!tpu.dma_semaphore, #tpu.memory_space<semaphore_mem>>) src(%arg13 : memref<80x128xf32, #tpu.memory_space<vmem>>) dst(%dma_wait3A_238 : memref<10240x128xf32, #tpu.memory_space<vmem_shared>>)
        tpu.yield
      }) : () -> ()
      %add3A_218 = arith.constant 3 : i32
      %add3A_219 = arith.addi %add3A_154, %add3A_218 : i32
      %add3A_220 = arith.constant 2 : i32
      %add3A_221 = arith.addi %add3A_219, %add3A_220 : i32
      %mul3A_222 = arith.constant 80 : i32
      %mul3A_223 = arith.muli %add3A_221, %mul3A_222 : i32
      %add3A_224 = arith.addi %mul3A_8, %mul3A_223 : i32
      %dma_start3A_225 = tpu.memref_slice %arg4[%add3A_224] : memref<320000xi32, #tpu.memory_space<hbm>> -> memref<80xi32, #tpu.memory_space<hbm>>
      %dma_start3A_226 = tpu.memref_slice %arg4[%add3A_224] : memref<320000xi32, #tpu.memory_space<hbm>> -> memref<80xi32, #tpu.memory_space<hbm>>
      tpu.enqueue_dma source(%dma_start3A_226 : memref<80xi32, #tpu.memory_space<hbm>>) target(%arg10 : memref<80xi32, #tpu.memory_space<vmem>>) target_semaphore(%arg20 : memref<!tpu.dma_semaphore, #tpu.memory_space<semaphore_mem>>)
      %mul3A_227 = arith.constant 80 : i32
      %mul3A_228 = arith.muli %add3A_221, %mul3A_227 : i32
      %dma_start3A_229 = tpu.memref_slice %arg7[%mul3A_228] : memref<10000xi32, #tpu.memory_space<vmem>> -> memref<80xi32, #tpu.memory_space<vmem>>
      %dma_start3A_230 = arith.constant 0 : i32
      %dma_start3A_231 = arith.constant 0 : i32
      %dma_start3A_232 = tpu.memref_slice %arg2[%dma_start3A_230, %dma_start3A_231] : memref<10000x128xf32, #tpu.memory_space<hbm>> -> memref<10000x128xf32, #tpu.memory_space<hbm>>
      tpu.enqueue_indirect_dma source(%dma_start3A_232 : memref<10000x128xf32, #tpu.memory_space<hbm>>) target(%arg13 : memref<80x128xf32, #tpu.memory_space<vmem>>) offsets(%dma_start3A_229 : memref<80xi32, #tpu.memory_space<vmem>>) semaphore(%arg17 : memref<!tpu.dma_semaphore, #tpu.memory_space<semaphore_mem>>)
    }
    %scan3A_54 = arith.constant 40 : i32
    %dma_wait3A = arith.constant 0 : i32
    %dma_wait3A_55 = tpu.memref_slice %arg7[%dma_wait3A] : memref<10000xi32, #tpu.memory_space<vmem>> -> memref<80xi32, #tpu.memory_space<vmem>>
    %dma_wait3A_56 = arith.constant 0 : i32
    %dma_wait3A_57 = arith.constant 0 : i32
    %dma_wait3A_58 = tpu.memref_slice %arg2[%dma_wait3A_56, %dma_wait3A_57] : memref<10000x128xf32, #tpu.memory_space<hbm>> -> memref<10000x128xf32, #tpu.memory_space<hbm>>
    tpu.wait_indirect_dma semaphore(%arg15 : memref<!tpu.dma_semaphore, #tpu.memory_space<semaphore_mem>>) src(%dma_wait3A_58 : memref<10000x128xf32, #tpu.memory_space<hbm>>) dst(%arg11 : memref<80x128xf32, #tpu.memory_space<vmem>>)
    %dma_wait3A_59 = arith.constant 0 : i32
    %dma_wait3A_60 = tpu.memref_slice %arg4[%dma_wait3A_59] : memref<320000xi32, #tpu.memory_space<hbm>> -> memref<80xi32, #tpu.memory_space<hbm>>
    %dma_wait3A_61 = arith.constant 0 : i32
    %dma_wait3A_62 = tpu.memref_slice %arg4[%dma_wait3A_61] : memref<320000xi32, #tpu.memory_space<hbm>> -> memref<80xi32, #tpu.memory_space<hbm>>
    tpu.wait_dma2 semaphore(%arg18 : memref<!tpu.dma_semaphore, #tpu.memory_space<semaphore_mem>>) src(%dma_wait3A_62 : memref<80xi32, #tpu.memory_space<hbm>>) dst(%arg8 : memref<80xi32, #tpu.memory_space<vmem>>)
    "tpu.region"() ({
      %run_scoped3A = tpu.sem_alloc : memref<!tpu.dma_semaphore, #tpu.memory_space<semaphore_mem>>
      %dma_start3A_150 = arith.constant 0 : i32
      %dma_start3A_151 = arith.constant 0 : i32
      %dma_start3A_152 = tpu.memref_slice %arg14[%dma_start3A_150, %dma_start3A_151] : memref<10240x128xf32, #tpu.memory_space<vmem_shared>> -> memref<10240x128xf32, #tpu.memory_space<vmem_shared>>
      tpu.enqueue_indirect_dma source(%arg11 : memref<80x128xf32, #tpu.memory_space<vmem>>) target(%dma_start3A_152 : memref<10240x128xf32, #tpu.memory_space<vmem_shared>>) offsets(%arg8 : memref<80xi32, #tpu.memory_space<vmem>>) semaphore(%run_scoped3A : memref<!tpu.dma_semaphore, #tpu.memory_space<semaphore_mem>>) {add = true}
      %dma_wait3A_153 = arith.constant 0 : i32
      %dma_wait3A_154 = arith.constant 0 : i32
      %dma_wait3A_155 = tpu.memref_slice %arg14[%dma_wait3A_153, %dma_wait3A_154] : memref<10240x128xf32, #tpu.memory_space<vmem_shared>> -> memref<10240x128xf32, #tpu.memory_space<vmem_shared>>
      tpu.wait_indirect_dma semaphore(%run_scoped3A : memref<!tpu.dma_semaphore, #tpu.memory_space<semaphore_mem>>) src(%arg11 : memref<80x128xf32, #tpu.memory_space<vmem>>) dst(%dma_wait3A_155 : memref<10240x128xf32, #tpu.memory_space<vmem_shared>>)
      tpu.yield
    }) : () -> ()
    %add3A_63 = arith.constant 9840 : i32
    %add3A_64 = arith.addi %mul3A_8, %add3A_63 : i32
    %dma_start3A_65 = tpu.memref_slice %arg4[%add3A_64] : memref<320000xi32, #tpu.memory_space<hbm>> -> memref<80xi32, #tpu.memory_space<hbm>>
    %dma_start3A_66 = tpu.memref_slice %arg4[%add3A_64] : memref<320000xi32, #tpu.memory_space<hbm>> -> memref<80xi32, #tpu.memory_space<hbm>>
    tpu.enqueue_dma source(%dma_start3A_66 : memref<80xi32, #tpu.memory_space<hbm>>) target(%arg8 : memref<80xi32, #tpu.memory_space<vmem>>) target_semaphore(%arg18 : memref<!tpu.dma_semaphore, #tpu.memory_space<semaphore_mem>>)
    %dma_start3A_67 = arith.constant 9840 : i32
    %dma_start3A_68 = tpu.memref_slice %arg7[%dma_start3A_67] : memref<10000xi32, #tpu.memory_space<vmem>> -> memref<80xi32, #tpu.memory_space<vmem>>
    %dma_start3A_69 = arith.constant 0 : i32
    %dma_start3A_70 = arith.constant 0 : i32
    %dma_start3A_71 = tpu.memref_slice %arg2[%dma_start3A_69, %dma_start3A_70] : memref<10000x128xf32, #tpu.memory_space<hbm>> -> memref<10000x128xf32, #tpu.memory_space<hbm>>
    tpu.enqueue_indirect_dma source(%dma_start3A_71 : memref<10000x128xf32, #tpu.memory_space<hbm>>) target(%arg11 : memref<80x128xf32, #tpu.memory_space<vmem>>) offsets(%dma_start3A_68 : memref<80xi32, #tpu.memory_space<vmem>>) semaphore(%arg15 : memref<!tpu.dma_semaphore, #tpu.memory_space<semaphore_mem>>)
    %dma_wait3A_72 = arith.constant 0 : i32
    %dma_wait3A_73 = tpu.memref_slice %arg7[%dma_wait3A_72] : memref<10000xi32, #tpu.memory_space<vmem>> -> memref<80xi32, #tpu.memory_space<vmem>>
    %dma_wait3A_74 = arith.constant 0 : i32
    %dma_wait3A_75 = arith.constant 0 : i32
    %dma_wait3A_76 = tpu.memref_slice %arg2[%dma_wait3A_74, %dma_wait3A_75] : memref<10000x128xf32, #tpu.memory_space<hbm>> -> memref<10000x128xf32, #tpu.memory_space<hbm>>
    tpu.wait_indirect_dma semaphore(%arg16 : memref<!tpu.dma_semaphore, #tpu.memory_space<semaphore_mem>>) src(%dma_wait3A_76 : memref<10000x128xf32, #tpu.memory_space<hbm>>) dst(%arg12 : memref<80x128xf32, #tpu.memory_space<vmem>>)
    %dma_wait3A_77 = arith.constant 0 : i32
    %dma_wait3A_78 = tpu.memref_slice %arg4[%dma_wait3A_77] : memref<320000xi32, #tpu.memory_space<hbm>> -> memref<80xi32, #tpu.memory_space<hbm>>
    %dma_wait3A_79 = arith.constant 0 : i32
    %dma_wait3A_80 = tpu.memref_slice %arg4[%dma_wait3A_79] : memref<320000xi32, #tpu.memory_space<hbm>> -> memref<80xi32, #tpu.memory_space<hbm>>
    tpu.wait_dma2 semaphore(%arg19 : memref<!tpu.dma_semaphore, #tpu.memory_space<semaphore_mem>>) src(%dma_wait3A_80 : memref<80xi32, #tpu.memory_space<hbm>>) dst(%arg9 : memref<80xi32, #tpu.memory_space<vmem>>)
    "tpu.region"() ({
      %run_scoped3A = tpu.sem_alloc : memref<!tpu.dma_semaphore, #tpu.memory_space<semaphore_mem>>
      %dma_start3A_150 = arith.constant 0 : i32
      %dma_start3A_151 = arith.constant 0 : i32
      %dma_start3A_152 = tpu.memref_slice %arg14[%dma_start3A_150, %dma_start3A_151] : memref<10240x128xf32, #tpu.memory_space<vmem_shared>> -> memref<10240x128xf32, #tpu.memory_space<vmem_shared>>
      tpu.enqueue_indirect_dma source(%arg12 : memref<80x128xf32, #tpu.memory_space<vmem>>) target(%dma_start3A_152 : memref<10240x128xf32, #tpu.memory_space<vmem_shared>>) offsets(%arg9 : memref<80xi32, #tpu.memory_space<vmem>>) semaphore(%run_scoped3A : memref<!tpu.dma_semaphore, #tpu.memory_space<semaphore_mem>>) {add = true}
      %dma_wait3A_153 = arith.constant 0 : i32
      %dma_wait3A_154 = arith.constant 0 : i32
      %dma_wait3A_155 = tpu.memref_slice %arg14[%dma_wait3A_153, %dma_wait3A_154] : memref<10240x128xf32, #tpu.memory_space<vmem_shared>> -> memref<10240x128xf32, #tpu.memory_space<vmem_shared>>
      tpu.wait_indirect_dma semaphore(%run_scoped3A : memref<!tpu.dma_semaphore, #tpu.memory_space<semaphore_mem>>) src(%arg12 : memref<80x128xf32, #tpu.memory_space<vmem>>) dst(%dma_wait3A_155 : memref<10240x128xf32, #tpu.memory_space<vmem_shared>>)
      tpu.yield
    }) : () -> ()
    %add3A_81 = arith.constant 9920 : i32
    %add3A_82 = arith.addi %mul3A_8, %add3A_81 : i32
    %dma_start3A_83 = tpu.memref_slice %arg4[%add3A_82] : memref<320000xi32, #tpu.memory_space<hbm>> -> memref<80xi32, #tpu.memory_space<hbm>>
    %dma_start3A_84 = tpu.memref_slice %arg4[%add3A_82] : memref<320000xi32, #tpu.memory_space<hbm>> -> memref<80xi32, #tpu.memory_space<hbm>>
    tpu.enqueue_dma source(%dma_start3A_84 : memref<80xi32, #tpu.memory_space<hbm>>) target(%arg9 : memref<80xi32, #tpu.memory_space<vmem>>) target_semaphore(%arg19 : memref<!tpu.dma_semaphore, #tpu.memory_space<semaphore_mem>>)
    %dma_start3A_85 = arith.constant 9920 : i32
    %dma_start3A_86 = tpu.memref_slice %arg7[%dma_start3A_85] : memref<10000xi32, #tpu.memory_space<vmem>> -> memref<80xi32, #tpu.memory_space<vmem>>
    %dma_start3A_87 = arith.constant 0 : i32
    %dma_start3A_88 = arith.constant 0 : i32
    %dma_start3A_89 = tpu.memref_slice %arg2[%dma_start3A_87, %dma_start3A_88] : memref<10000x128xf32, #tpu.memory_space<hbm>> -> memref<10000x128xf32, #tpu.memory_space<hbm>>
    tpu.enqueue_indirect_dma source(%dma_start3A_89 : memref<10000x128xf32, #tpu.memory_space<hbm>>) target(%arg12 : memref<80x128xf32, #tpu.memory_space<vmem>>) offsets(%dma_start3A_86 : memref<80xi32, #tpu.memory_space<vmem>>) semaphore(%arg16 : memref<!tpu.dma_semaphore, #tpu.memory_space<semaphore_mem>>)
    %dma_wait3A_90 = arith.constant 0 : i32
    %dma_wait3A_91 = tpu.memref_slice %arg7[%dma_wait3A_90] : memref<10000xi32, #tpu.memory_space<vmem>> -> memref<80xi32, #tpu.memory_space<vmem>>
    %dma_wait3A_92 = arith.constant 0 : i32
    %dma_wait3A_93 = arith.constant 0 : i32
    %dma_wait3A_94 = tpu.memref_slice %arg2[%dma_wait3A_92, %dma_wait3A_93] : memref<10000x128xf32, #tpu.memory_space<hbm>> -> memref<10000x128xf32, #tpu.memory_space<hbm>>
    tpu.wait_indirect_dma semaphore(%arg17 : memref<!tpu.dma_semaphore, #tpu.memory_space<semaphore_mem>>) src(%dma_wait3A_94 : memref<10000x128xf32, #tpu.memory_space<hbm>>) dst(%arg13 : memref<80x128xf32, #tpu.memory_space<vmem>>)
    %dma_wait3A_95 = arith.constant 0 : i32
    %dma_wait3A_96 = tpu.memref_slice %arg4[%dma_wait3A_95] : memref<320000xi32, #tpu.memory_space<hbm>> -> memref<80xi32, #tpu.memory_space<hbm>>
    %dma_wait3A_97 = arith.constant 0 : i32
    %dma_wait3A_98 = tpu.memref_slice %arg4[%dma_wait3A_97] : memref<320000xi32, #tpu.memory_space<hbm>> -> memref<80xi32, #tpu.memory_space<hbm>>
    tpu.wait_dma2 semaphore(%arg20 : memref<!tpu.dma_semaphore, #tpu.memory_space<semaphore_mem>>) src(%dma_wait3A_98 : memref<80xi32, #tpu.memory_space<hbm>>) dst(%arg10 : memref<80xi32, #tpu.memory_space<vmem>>)
    "tpu.region"() ({
      %run_scoped3A = tpu.sem_alloc : memref<!tpu.dma_semaphore, #tpu.memory_space<semaphore_mem>>
      %dma_start3A_150 = arith.constant 0 : i32
      %dma_start3A_151 = arith.constant 0 : i32
      %dma_start3A_152 = tpu.memref_slice %arg14[%dma_start3A_150, %dma_start3A_151] : memref<10240x128xf32, #tpu.memory_space<vmem_shared>> -> memref<10240x128xf32, #tpu.memory_space<vmem_shared>>
      tpu.enqueue_indirect_dma source(%arg13 : memref<80x128xf32, #tpu.memory_space<vmem>>) target(%dma_start3A_152 : memref<10240x128xf32, #tpu.memory_space<vmem_shared>>) offsets(%arg10 : memref<80xi32, #tpu.memory_space<vmem>>) semaphore(%run_scoped3A : memref<!tpu.dma_semaphore, #tpu.memory_space<semaphore_mem>>) {add = true}
      %dma_wait3A_153 = arith.constant 0 : i32
      %dma_wait3A_154 = arith.constant 0 : i32
      %dma_wait3A_155 = tpu.memref_slice %arg14[%dma_wait3A_153, %dma_wait3A_154] : memref<10240x128xf32, #tpu.memory_space<vmem_shared>> -> memref<10240x128xf32, #tpu.memory_space<vmem_shared>>
      tpu.wait_indirect_dma semaphore(%run_scoped3A : memref<!tpu.dma_semaphore, #tpu.memory_space<semaphore_mem>>) src(%arg13 : memref<80x128xf32, #tpu.memory_space<vmem>>) dst(%dma_wait3A_155 : memref<10240x128xf32, #tpu.memory_space<vmem_shared>>)
      tpu.yield
    }) : () -> ()
    %dma_wait3A_99 = arith.constant 0 : i32
    %dma_wait3A_100 = tpu.memref_slice %arg7[%dma_wait3A_99] : memref<10000xi32, #tpu.memory_space<vmem>> -> memref<80xi32, #tpu.memory_space<vmem>>
    %dma_wait3A_101 = arith.constant 0 : i32
    %dma_wait3A_102 = arith.constant 0 : i32
    %dma_wait3A_103 = tpu.memref_slice %arg2[%dma_wait3A_101, %dma_wait3A_102] : memref<10000x128xf32, #tpu.memory_space<hbm>> -> memref<10000x128xf32, #tpu.memory_space<hbm>>
    tpu.wait_indirect_dma semaphore(%arg15 : memref<!tpu.dma_semaphore, #tpu.memory_space<semaphore_mem>>) src(%dma_wait3A_103 : memref<10000x128xf32, #tpu.memory_space<hbm>>) dst(%arg11 : memref<80x128xf32, #tpu.memory_space<vmem>>)
    %dma_wait3A_104 = arith.constant 0 : i32
    %dma_wait3A_105 = tpu.memref_slice %arg4[%dma_wait3A_104] : memref<320000xi32, #tpu.memory_space<hbm>> -> memref<80xi32, #tpu.memory_space<hbm>>
    %dma_wait3A_106 = arith.constant 0 : i32
    %dma_wait3A_107 = tpu.memref_slice %arg4[%dma_wait3A_106] : memref<320000xi32, #tpu.memory_space<hbm>> -> memref<80xi32, #tpu.memory_space<hbm>>
    tpu.wait_dma2 semaphore(%arg18 : memref<!tpu.dma_semaphore, #tpu.memory_space<semaphore_mem>>) src(%dma_wait3A_107 : memref<80xi32, #tpu.memory_space<hbm>>) dst(%arg8 : memref<80xi32, #tpu.memory_space<vmem>>)
    "tpu.region"() ({
      %run_scoped3A = tpu.sem_alloc : memref<!tpu.dma_semaphore, #tpu.memory_space<semaphore_mem>>
      %dma_start3A_150 = arith.constant 0 : i32
      %dma_start3A_151 = arith.constant 0 : i32
      %dma_start3A_152 = tpu.memref_slice %arg14[%dma_start3A_150, %dma_start3A_151] : memref<10240x128xf32, #tpu.memory_space<vmem_shared>> -> memref<10240x128xf32, #tpu.memory_space<vmem_shared>>
      tpu.enqueue_indirect_dma source(%arg11 : memref<80x128xf32, #tpu.memory_space<vmem>>) target(%dma_start3A_152 : memref<10240x128xf32, #tpu.memory_space<vmem_shared>>) offsets(%arg8 : memref<80xi32, #tpu.memory_space<vmem>>) semaphore(%run_scoped3A : memref<!tpu.dma_semaphore, #tpu.memory_space<semaphore_mem>>) {add = true}
      %dma_wait3A_153 = arith.constant 0 : i32
      %dma_wait3A_154 = arith.constant 0 : i32
      %dma_wait3A_155 = tpu.memref_slice %arg14[%dma_wait3A_153, %dma_wait3A_154] : memref<10240x128xf32, #tpu.memory_space<vmem_shared>> -> memref<10240x128xf32, #tpu.memory_space<vmem_shared>>
      tpu.wait_indirect_dma semaphore(%run_scoped3A : memref<!tpu.dma_semaphore, #tpu.memory_space<semaphore_mem>>) src(%arg11 : memref<80x128xf32, #tpu.memory_space<vmem>>) dst(%dma_wait3A_155 : memref<10240x128xf32, #tpu.memory_space<vmem_shared>>)
      tpu.yield
    }) : () -> ()
    %dma_wait3A_108 = arith.constant 0 : i32
    %dma_wait3A_109 = tpu.memref_slice %arg7[%dma_wait3A_108] : memref<10000xi32, #tpu.memory_space<vmem>> -> memref<80xi32, #tpu.memory_space<vmem>>
    %dma_wait3A_110 = arith.constant 0 : i32
    %dma_wait3A_111 = arith.constant 0 : i32
    %dma_wait3A_112 = tpu.memref_slice %arg2[%dma_wait3A_110, %dma_wait3A_111] : memref<10000x128xf32, #tpu.memory_space<hbm>> -> memref<10000x128xf32, #tpu.memory_space<hbm>>
    tpu.wait_indirect_dma semaphore(%arg16 : memref<!tpu.dma_semaphore, #tpu.memory_space<semaphore_mem>>) src(%dma_wait3A_112 : memref<10000x128xf32, #tpu.memory_space<hbm>>) dst(%arg12 : memref<80x128xf32, #tpu.memory_space<vmem>>)
    %dma_wait3A_113 = arith.constant 0 : i32
    %dma_wait3A_114 = tpu.memref_slice %arg4[%dma_wait3A_113] : memref<320000xi32, #tpu.memory_space<hbm>> -> memref<80xi32, #tpu.memory_space<hbm>>
    %dma_wait3A_115 = arith.constant 0 : i32
    %dma_wait3A_116 = tpu.memref_slice %arg4[%dma_wait3A_115] : memref<320000xi32, #tpu.memory_space<hbm>> -> memref<80xi32, #tpu.memory_space<hbm>>
    tpu.wait_dma2 semaphore(%arg19 : memref<!tpu.dma_semaphore, #tpu.memory_space<semaphore_mem>>) src(%dma_wait3A_116 : memref<80xi32, #tpu.memory_space<hbm>>) dst(%arg9 : memref<80xi32, #tpu.memory_space<vmem>>)
    "tpu.region"() ({
      %run_scoped3A = tpu.sem_alloc : memref<!tpu.dma_semaphore, #tpu.memory_space<semaphore_mem>>
      %dma_start3A_150 = arith.constant 0 : i32
      %dma_start3A_151 = arith.constant 0 : i32
      %dma_start3A_152 = tpu.memref_slice %arg14[%dma_start3A_150, %dma_start3A_151] : memref<10240x128xf32, #tpu.memory_space<vmem_shared>> -> memref<10240x128xf32, #tpu.memory_space<vmem_shared>>
      tpu.enqueue_indirect_dma source(%arg12 : memref<80x128xf32, #tpu.memory_space<vmem>>) target(%dma_start3A_152 : memref<10240x128xf32, #tpu.memory_space<vmem_shared>>) offsets(%arg9 : memref<80xi32, #tpu.memory_space<vmem>>) semaphore(%run_scoped3A : memref<!tpu.dma_semaphore, #tpu.memory_space<semaphore_mem>>) {add = true}
      %dma_wait3A_153 = arith.constant 0 : i32
      %dma_wait3A_154 = arith.constant 0 : i32
      %dma_wait3A_155 = tpu.memref_slice %arg14[%dma_wait3A_153, %dma_wait3A_154] : memref<10240x128xf32, #tpu.memory_space<vmem_shared>> -> memref<10240x128xf32, #tpu.memory_space<vmem_shared>>
      tpu.wait_indirect_dma semaphore(%run_scoped3A : memref<!tpu.dma_semaphore, #tpu.memory_space<semaphore_mem>>) src(%arg12 : memref<80x128xf32, #tpu.memory_space<vmem>>) dst(%dma_wait3A_155 : memref<10240x128xf32, #tpu.memory_space<vmem_shared>>)
      tpu.yield
    }) : () -> ()
    %barrier3A_117 = arith.constant 0 : index
    tpu.barrier barrier_id(%barrier3A_117)
    %add3A_118 = arith.constant 0 : i32
    %add3A_119 = arith.addi %multiple_of3A, %add3A_118 : i32
    "tpu.region"() ({
      %run_scoped3A = tpu.sem_alloc : memref<!tpu.dma_semaphore, #tpu.memory_space<semaphore_mem>>
      %dma_start3A_150 = arith.constant 0 : i32
      %dma_start3A_151 = tpu.memref_slice %arg14[%add3A_119, %dma_start3A_150] : memref<10240x128xf32, #tpu.memory_space<vmem_shared>> -> memref<80x128xf32, #tpu.memory_space<vmem_shared>>
      %dma_start3A_152 = arith.constant 0 : i32
      %dma_start3A_153 = tpu.memref_slice %arg14[%add3A_119, %dma_start3A_152] : memref<10240x128xf32, #tpu.memory_space<vmem_shared>> -> memref<80x128xf32, #tpu.memory_space<vmem_shared>>
      tpu.enqueue_dma source(%dma_start3A_153 : memref<80x128xf32, #tpu.memory_space<vmem_shared>>) target(%arg11 : memref<80x128xf32, #tpu.memory_space<vmem>>) target_semaphore(%run_scoped3A : memref<!tpu.dma_semaphore, #tpu.memory_space<semaphore_mem>>)
      %dma_wait3A_154 = arith.constant 0 : i32
      %dma_wait3A_155 = tpu.memref_slice %arg14[%add3A_119, %dma_wait3A_154] : memref<10240x128xf32, #tpu.memory_space<vmem_shared>> -> memref<80x128xf32, #tpu.memory_space<vmem_shared>>
      %dma_wait3A_156 = arith.constant 0 : i32
      %dma_wait3A_157 = tpu.memref_slice %arg14[%add3A_119, %dma_wait3A_156] : memref<10240x128xf32, #tpu.memory_space<vmem_shared>> -> memref<80x128xf32, #tpu.memory_space<vmem_shared>>
      tpu.wait_dma2 semaphore(%run_scoped3A : memref<!tpu.dma_semaphore, #tpu.memory_space<semaphore_mem>>) src(%dma_wait3A_157 : memref<80x128xf32, #tpu.memory_space<vmem_shared>>) dst(%arg11 : memref<80x128xf32, #tpu.memory_space<vmem>>)
      tpu.yield
    }) : () -> ()
    %add3A_120 = arith.constant 0 : i32
    %add3A_121 = arith.addi %multiple_of3A_6, %add3A_120 : i32
    "tpu.region"() ({
      %run_scoped3A = tpu.sem_alloc : memref<!tpu.dma_semaphore, #tpu.memory_space<semaphore_mem>>
      %dma_start3A_150 = arith.constant 0 : i32
      %dma_start3A_151 = tpu.memref_slice %arg6[%add3A_121, %dma_start3A_150] : memref<20480x128xf32, #tpu.memory_space<hbm>> -> memref<80x128xf32, #tpu.memory_space<hbm>>
      %dma_start3A_152 = arith.constant 0 : i32
      %dma_start3A_153 = tpu.memref_slice %arg6[%add3A_121, %dma_start3A_152] : memref<20480x128xf32, #tpu.memory_space<hbm>> -> memref<80x128xf32, #tpu.memory_space<hbm>>
      tpu.enqueue_dma source(%arg11 : memref<80x128xf32, #tpu.memory_space<vmem>>) target(%dma_start3A_153 : memref<80x128xf32, #tpu.memory_space<hbm>>) target_semaphore(%run_scoped3A : memref<!tpu.dma_semaphore, #tpu.memory_space<semaphore_mem>>)
      %dma_wait3A_154 = arith.constant 0 : i32
      %dma_wait3A_155 = tpu.memref_slice %arg6[%add3A_121, %dma_wait3A_154] : memref<20480x128xf32, #tpu.memory_space<hbm>> -> memref<80x128xf32, #tpu.memory_space<hbm>>
      %dma_wait3A_156 = arith.constant 0 : i32
      %dma_wait3A_157 = tpu.memref_slice %arg6[%add3A_121, %dma_wait3A_156] : memref<20480x128xf32, #tpu.memory_space<hbm>> -> memref<80x128xf32, #tpu.memory_space<hbm>>
      tpu.wait_dma2 semaphore(%run_scoped3A : memref<!tpu.dma_semaphore, #tpu.memory_space<semaphore_mem>>) src(%arg11 : memref<80x128xf32, #tpu.memory_space<vmem>>) dst(%dma_wait3A_157 : memref<80x128xf32, #tpu.memory_space<hbm>>)
      tpu.yield
    }) : () -> ()
    %add3A_122 = arith.constant 80 : i32
    %add3A_123 = arith.addi %multiple_of3A, %add3A_122 : i32
    "tpu.region"() ({
      %run_scoped3A = tpu.sem_alloc : memref<!tpu.dma_semaphore, #tpu.memory_space<semaphore_mem>>
      %dma_start3A_150 = arith.constant 0 : i32
      %dma_start3A_151 = tpu.memref_slice %arg14[%add3A_123, %dma_start3A_150] : memref<10240x128xf32, #tpu.memory_space<vmem_shared>> -> memref<80x128xf32, #tpu.memory_space<vmem_shared>>
      %dma_start3A_152 = arith.constant 0 : i32
      %dma_start3A_153 = tpu.memref_slice %arg14[%add3A_123, %dma_start3A_152] : memref<10240x128xf32, #tpu.memory_space<vmem_shared>> -> memref<80x128xf32, #tpu.memory_space<vmem_shared>>
      tpu.enqueue_dma source(%dma_start3A_153 : memref<80x128xf32, #tpu.memory_space<vmem_shared>>) target(%arg11 : memref<80x128xf32, #tpu.memory_space<vmem>>) target_semaphore(%run_scoped3A : memref<!tpu.dma_semaphore, #tpu.memory_space<semaphore_mem>>)
      %dma_wait3A_154 = arith.constant 0 : i32
      %dma_wait3A_155 = tpu.memref_slice %arg14[%add3A_123, %dma_wait3A_154] : memref<10240x128xf32, #tpu.memory_space<vmem_shared>> -> memref<80x128xf32, #tpu.memory_space<vmem_shared>>
      %dma_wait3A_156 = arith.constant 0 : i32
      %dma_wait3A_157 = tpu.memref_slice %arg14[%add3A_123, %dma_wait3A_156] : memref<10240x128xf32, #tpu.memory_space<vmem_shared>> -> memref<80x128xf32, #tpu.memory_space<vmem_shared>>
      tpu.wait_dma2 semaphore(%run_scoped3A : memref<!tpu.dma_semaphore, #tpu.memory_space<semaphore_mem>>) src(%dma_wait3A_157 : memref<80x128xf32, #tpu.memory_space<vmem_shared>>) dst(%arg11 : memref<80x128xf32, #tpu.memory_space<vmem>>)
      tpu.yield
    }) : () -> ()
    %add3A_124 = arith.constant 80 : i32
    %add3A_125 = arith.addi %multiple_of3A_6, %add3A_124 : i32
    "tpu.region"() ({
      %run_scoped3A = tpu.sem_alloc : memref<!tpu.dma_semaphore, #tpu.memory_space<semaphore_mem>>
      %dma_start3A_150 = arith.constant 0 : i32
      %dma_start3A_151 = tpu.memref_slice %arg6[%add3A_125, %dma_start3A_150] : memref<20480x128xf32, #tpu.memory_space<hbm>> -> memref<80x128xf32, #tpu.memory_space<hbm>>
      %dma_start3A_152 = arith.constant 0 : i32
      %dma_start3A_153 = tpu.memref_slice %arg6[%add3A_125, %dma_start3A_152] : memref<20480x128xf32, #tpu.memory_space<hbm>> -> memref<80x128xf32, #tpu.memory_space<hbm>>
      tpu.enqueue_dma source(%arg11 : memref<80x128xf32, #tpu.memory_space<vmem>>) target(%dma_start3A_153 : memref<80x128xf32, #tpu.memory_space<hbm>>) target_semaphore(%run_scoped3A : memref<!tpu.dma_semaphore, #tpu.memory_space<semaphore_mem>>)
      %dma_wait3A_154 = arith.constant 0 : i32
      %dma_wait3A_155 = tpu.memref_slice %arg6[%add3A_125, %dma_wait3A_154] : memref<20480x128xf32, #tpu.memory_space<hbm>> -> memref<80x128xf32, #tpu.memory_space<hbm>>
      %dma_wait3A_156 = arith.constant 0 : i32
      %dma_wait3A_157 = tpu.memref_slice %arg6[%add3A_125, %dma_wait3A_156] : memref<20480x128xf32, #tpu.memory_space<hbm>> -> memref<80x128xf32, #tpu.memory_space<hbm>>
      tpu.wait_dma2 semaphore(%run_scoped3A : memref<!tpu.dma_semaphore, #tpu.memory_space<semaphore_mem>>) src(%arg11 : memref<80x128xf32, #tpu.memory_space<vmem>>) dst(%dma_wait3A_157 : memref<80x128xf32, #tpu.memory_space<hbm>>)
      tpu.yield
    }) : () -> ()
    %add3A_126 = arith.constant 160 : i32
    %add3A_127 = arith.addi %multiple_of3A, %add3A_126 : i32
    "tpu.region"() ({
      %run_scoped3A = tpu.sem_alloc : memref<!tpu.dma_semaphore, #tpu.memory_space<semaphore_mem>>
      %dma_start3A_150 = arith.constant 0 : i32
      %dma_start3A_151 = tpu.memref_slice %arg14[%add3A_127, %dma_start3A_150] : memref<10240x128xf32, #tpu.memory_space<vmem_shared>> -> memref<80x128xf32, #tpu.memory_space<vmem_shared>>
      %dma_start3A_152 = arith.constant 0 : i32
      %dma_start3A_153 = tpu.memref_slice %arg14[%add3A_127, %dma_start3A_152] : memref<10240x128xf32, #tpu.memory_space<vmem_shared>> -> memref<80x128xf32, #tpu.memory_space<vmem_shared>>
      tpu.enqueue_dma source(%dma_start3A_153 : memref<80x128xf32, #tpu.memory_space<vmem_shared>>) target(%arg11 : memref<80x128xf32, #tpu.memory_space<vmem>>) target_semaphore(%run_scoped3A : memref<!tpu.dma_semaphore, #tpu.memory_space<semaphore_mem>>)
      %dma_wait3A_154 = arith.constant 0 : i32
      %dma_wait3A_155 = tpu.memref_slice %arg14[%add3A_127, %dma_wait3A_154] : memref<10240x128xf32, #tpu.memory_space<vmem_shared>> -> memref<80x128xf32, #tpu.memory_space<vmem_shared>>
      %dma_wait3A_156 = arith.constant 0 : i32
      %dma_wait3A_157 = tpu.memref_slice %arg14[%add3A_127, %dma_wait3A_156] : memref<10240x128xf32, #tpu.memory_space<vmem_shared>> -> memref<80x128xf32, #tpu.memory_space<vmem_shared>>
      tpu.wait_dma2 semaphore(%run_scoped3A : memref<!tpu.dma_semaphore, #tpu.memory_space<semaphore_mem>>) src(%dma_wait3A_157 : memref<80x128xf32, #tpu.memory_space<vmem_shared>>) dst(%arg11 : memref<80x128xf32, #tpu.memory_space<vmem>>)
      tpu.yield
    }) : () -> ()
    %add3A_128 = arith.constant 160 : i32
    %add3A_129 = arith.addi %multiple_of3A_6, %add3A_128 : i32
    "tpu.region"() ({
      %run_scoped3A = tpu.sem_alloc : memref<!tpu.dma_semaphore, #tpu.memory_space<semaphore_mem>>
      %dma_start3A_150 = arith.constant 0 : i32
      %dma_start3A_151 = tpu.memref_slice %arg6[%add3A_129, %dma_start3A_150] : memref<20480x128xf32, #tpu.memory_space<hbm>> -> memref<80x128xf32, #tpu.memory_space<hbm>>
      %dma_start3A_152 = arith.constant 0 : i32
      %dma_start3A_153 = tpu.memref_slice %arg6[%add3A_129, %dma_start3A_152] : memref<20480x128xf32, #tpu.memory_space<hbm>> -> memref<80x128xf32, #tpu.memory_space<hbm>>
      tpu.enqueue_dma source(%arg11 : memref<80x128xf32, #tpu.memory_space<vmem>>) target(%dma_start3A_153 : memref<80x128xf32, #tpu.memory_space<hbm>>) target_semaphore(%run_scoped3A : memref<!tpu.dma_semaphore, #tpu.memory_space<semaphore_mem>>)
      %dma_wait3A_154 = arith.constant 0 : i32
      %dma_wait3A_155 = tpu.memref_slice %arg6[%add3A_129, %dma_wait3A_154] : memref<20480x128xf32, #tpu.memory_space<hbm>> -> memref<80x128xf32, #tpu.memory_space<hbm>>
      %dma_wait3A_156 = arith.constant 0 : i32
      %dma_wait3A_157 = tpu.memref_slice %arg6[%add3A_129, %dma_wait3A_156] : memref<20480x128xf32, #tpu.memory_space<hbm>> -> memref<80x128xf32, #tpu.memory_space<hbm>>
      tpu.wait_dma2 semaphore(%run_scoped3A : memref<!tpu.dma_semaphore, #tpu.memory_space<semaphore_mem>>) src(%arg11 : memref<80x128xf32, #tpu.memory_space<vmem>>) dst(%dma_wait3A_157 : memref<80x128xf32, #tpu.memory_space<hbm>>)
      tpu.yield
    }) : () -> ()
    %add3A_130 = arith.constant 240 : i32
    %add3A_131 = arith.addi %multiple_of3A, %add3A_130 : i32
    "tpu.region"() ({
      %run_scoped3A = tpu.sem_alloc : memref<!tpu.dma_semaphore, #tpu.memory_space<semaphore_mem>>
      %dma_start3A_150 = arith.constant 0 : i32
      %dma_start3A_151 = tpu.memref_slice %arg14[%add3A_131, %dma_start3A_150] : memref<10240x128xf32, #tpu.memory_space<vmem_shared>> -> memref<80x128xf32, #tpu.memory_space<vmem_shared>>
      %dma_start3A_152 = arith.constant 0 : i32
      %dma_start3A_153 = tpu.memref_slice %arg14[%add3A_131, %dma_start3A_152] : memref<10240x128xf32, #tpu.memory_space<vmem_shared>> -> memref<80x128xf32, #tpu.memory_space<vmem_shared>>
      tpu.enqueue_dma source(%dma_start3A_153 : memref<80x128xf32, #tpu.memory_space<vmem_shared>>) target(%arg11 : memref<80x128xf32, #tpu.memory_space<vmem>>) target_semaphore(%run_scoped3A : memref<!tpu.dma_semaphore, #tpu.memory_space<semaphore_mem>>)
      %dma_wait3A_154 = arith.constant 0 : i32
      %dma_wait3A_155 = tpu.memref_slice %arg14[%add3A_131, %dma_wait3A_154] : memref<10240x128xf32, #tpu.memory_space<vmem_shared>> -> memref<80x128xf32, #tpu.memory_space<vmem_shared>>
      %dma_wait3A_156 = arith.constant 0 : i32
      %dma_wait3A_157 = tpu.memref_slice %arg14[%add3A_131, %dma_wait3A_156] : memref<10240x128xf32, #tpu.memory_space<vmem_shared>> -> memref<80x128xf32, #tpu.memory_space<vmem_shared>>
      tpu.wait_dma2 semaphore(%run_scoped3A : memref<!tpu.dma_semaphore, #tpu.memory_space<semaphore_mem>>) src(%dma_wait3A_157 : memref<80x128xf32, #tpu.memory_space<vmem_shared>>) dst(%arg11 : memref<80x128xf32, #tpu.memory_space<vmem>>)
      tpu.yield
    }) : () -> ()
    %add3A_132 = arith.constant 240 : i32
    %add3A_133 = arith.addi %multiple_of3A_6, %add3A_132 : i32
    "tpu.region"() ({
      %run_scoped3A = tpu.sem_alloc : memref<!tpu.dma_semaphore, #tpu.memory_space<semaphore_mem>>
      %dma_start3A_150 = arith.constant 0 : i32
      %dma_start3A_151 = tpu.memref_slice %arg6[%add3A_133, %dma_start3A_150] : memref<20480x128xf32, #tpu.memory_space<hbm>> -> memref<80x128xf32, #tpu.memory_space<hbm>>
      %dma_start3A_152 = arith.constant 0 : i32
      %dma_start3A_153 = tpu.memref_slice %arg6[%add3A_133, %dma_start3A_152] : memref<20480x128xf32, #tpu.memory_space<hbm>> -> memref<80x128xf32, #tpu.memory_space<hbm>>
      tpu.enqueue_dma source(%arg11 : memref<80x128xf32, #tpu.memory_space<vmem>>) target(%dma_start3A_153 : memref<80x128xf32, #tpu.memory_space<hbm>>) target_semaphore(%run_scoped3A : memref<!tpu.dma_semaphore, #tpu.memory_space<semaphore_mem>>)
      %dma_wait3A_154 = arith.constant 0 : i32
      %dma_wait3A_155 = tpu.memref_slice %arg6[%add3A_133, %dma_wait3A_154] : memref<20480x128xf32, #tpu.memory_space<hbm>> -> memref<80x128xf32, #tpu.memory_space<hbm>>
      %dma_wait3A_156 = arith.constant 0 : i32
      %dma_wait3A_157 = tpu.memref_slice %arg6[%add3A_133, %dma_wait3A_156] : memref<20480x128xf32, #tpu.memory_space<hbm>> -> memref<80x128xf32, #tpu.memory_space<hbm>>
      tpu.wait_dma2 semaphore(%run_scoped3A : memref<!tpu.dma_semaphore, #tpu.memory_space<semaphore_mem>>) src(%arg11 : memref<80x128xf32, #tpu.memory_space<vmem>>) dst(%dma_wait3A_157 : memref<80x128xf32, #tpu.memory_space<hbm>>)
      tpu.yield
    }) : () -> ()
    %add3A_134 = arith.constant 320 : i32
    %add3A_135 = arith.addi %multiple_of3A, %add3A_134 : i32
    "tpu.region"() ({
      %run_scoped3A = tpu.sem_alloc : memref<!tpu.dma_semaphore, #tpu.memory_space<semaphore_mem>>
      %dma_start3A_150 = arith.constant 0 : i32
      %dma_start3A_151 = tpu.memref_slice %arg14[%add3A_135, %dma_start3A_150] : memref<10240x128xf32, #tpu.memory_space<vmem_shared>> -> memref<80x128xf32, #tpu.memory_space<vmem_shared>>
      %dma_start3A_152 = arith.constant 0 : i32
      %dma_start3A_153 = tpu.memref_slice %arg14[%add3A_135, %dma_start3A_152] : memref<10240x128xf32, #tpu.memory_space<vmem_shared>> -> memref<80x128xf32, #tpu.memory_space<vmem_shared>>
      tpu.enqueue_dma source(%dma_start3A_153 : memref<80x128xf32, #tpu.memory_space<vmem_shared>>) target(%arg11 : memref<80x128xf32, #tpu.memory_space<vmem>>) target_semaphore(%run_scoped3A : memref<!tpu.dma_semaphore, #tpu.memory_space<semaphore_mem>>)
      %dma_wait3A_154 = arith.constant 0 : i32
      %dma_wait3A_155 = tpu.memref_slice %arg14[%add3A_135, %dma_wait3A_154] : memref<10240x128xf32, #tpu.memory_space<vmem_shared>> -> memref<80x128xf32, #tpu.memory_space<vmem_shared>>
      %dma_wait3A_156 = arith.constant 0 : i32
      %dma_wait3A_157 = tpu.memref_slice %arg14[%add3A_135, %dma_wait3A_156] : memref<10240x128xf32, #tpu.memory_space<vmem_shared>> -> memref<80x128xf32, #tpu.memory_space<vmem_shared>>
      tpu.wait_dma2 semaphore(%run_scoped3A : memref<!tpu.dma_semaphore, #tpu.memory_space<semaphore_mem>>) src(%dma_wait3A_157 : memref<80x128xf32, #tpu.memory_space<vmem_shared>>) dst(%arg11 : memref<80x128xf32, #tpu.memory_space<vmem>>)
      tpu.yield
    }) : () -> ()
    %add3A_136 = arith.constant 320 : i32
    %add3A_137 = arith.addi %multiple_of3A_6, %add3A_136 : i32
    "tpu.region"() ({
      %run_scoped3A = tpu.sem_alloc : memref<!tpu.dma_semaphore, #tpu.memory_space<semaphore_mem>>
      %dma_start3A_150 = arith.constant 0 : i32
      %dma_start3A_151 = tpu.memref_slice %arg6[%add3A_137, %dma_start3A_150] : memref<20480x128xf32, #tpu.memory_space<hbm>> -> memref<80x128xf32, #tpu.memory_space<hbm>>
      %dma_start3A_152 = arith.constant 0 : i32
      %dma_start3A_153 = tpu.memref_slice %arg6[%add3A_137, %dma_start3A_152] : memref<20480x128xf32, #tpu.memory_space<hbm>> -> memref<80x128xf32, #tpu.memory_space<hbm>>
      tpu.enqueue_dma source(%arg11 : memref<80x128xf32, #tpu.memory_space<vmem>>) target(%dma_start3A_153 : memref<80x128xf32, #tpu.memory_space<hbm>>) target_semaphore(%run_scoped3A : memref<!tpu.dma_semaphore, #tpu.memory_space<semaphore_mem>>)
      %dma_wait3A_154 = arith.constant 0 : i32
      %dma_wait3A_155 = tpu.memref_slice %arg6[%add3A_137, %dma_wait3A_154] : memref<20480x128xf32, #tpu.memory_space<hbm>> -> memref<80x128xf32, #tpu.memory_space<hbm>>
      %dma_wait3A_156 = arith.constant 0 : i32
      %dma_wait3A_157 = tpu.memref_slice %arg6[%add3A_137, %dma_wait3A_156] : memref<20480x128xf32, #tpu.memory_space<hbm>> -> memref<80x128xf32, #tpu.memory_space<hbm>>
      tpu.wait_dma2 semaphore(%run_scoped3A : memref<!tpu.dma_semaphore, #tpu.memory_space<semaphore_mem>>) src(%arg11 : memref<80x128xf32, #tpu.memory_space<vmem>>) dst(%dma_wait3A_157 : memref<80x128xf32, #tpu.memory_space<hbm>>)
      tpu.yield
    }) : () -> ()
    %add3A_138 = arith.constant 400 : i32
    %add3A_139 = arith.addi %multiple_of3A, %add3A_138 : i32
    "tpu.region"() ({
      %run_scoped3A = tpu.sem_alloc : memref<!tpu.dma_semaphore, #tpu.memory_space<semaphore_mem>>
      %dma_start3A_150 = arith.constant 0 : i32
      %dma_start3A_151 = tpu.memref_slice %arg14[%add3A_139, %dma_start3A_150] : memref<10240x128xf32, #tpu.memory_space<vmem_shared>> -> memref<80x128xf32, #tpu.memory_space<vmem_shared>>
      %dma_start3A_152 = arith.constant 0 : i32
      %dma_start3A_153 = tpu.memref_slice %arg14[%add3A_139, %dma_start3A_152] : memref<10240x128xf32, #tpu.memory_space<vmem_shared>> -> memref<80x128xf32, #tpu.memory_space<vmem_shared>>
      tpu.enqueue_dma source(%dma_start3A_153 : memref<80x128xf32, #tpu.memory_space<vmem_shared>>) target(%arg11 : memref<80x128xf32, #tpu.memory_space<vmem>>) target_semaphore(%run_scoped3A : memref<!tpu.dma_semaphore, #tpu.memory_space<semaphore_mem>>)
      %dma_wait3A_154 = arith.constant 0 : i32
      %dma_wait3A_155 = tpu.memref_slice %arg14[%add3A_139, %dma_wait3A_154] : memref<10240x128xf32, #tpu.memory_space<vmem_shared>> -> memref<80x128xf32, #tpu.memory_space<vmem_shared>>
      %dma_wait3A_156 = arith.constant 0 : i32
      %dma_wait3A_157 = tpu.memref_slice %arg14[%add3A_139, %dma_wait3A_156] : memref<10240x128xf32, #tpu.memory_space<vmem_shared>> -> memref<80x128xf32, #tpu.memory_space<vmem_shared>>
      tpu.wait_dma2 semaphore(%run_scoped3A : memref<!tpu.dma_semaphore, #tpu.memory_space<semaphore_mem>>) src(%dma_wait3A_157 : memref<80x128xf32, #tpu.memory_space<vmem_shared>>) dst(%arg11 : memref<80x128xf32, #tpu.memory_space<vmem>>)
      tpu.yield
    }) : () -> ()
    %add3A_140 = arith.constant 400 : i32
    %add3A_141 = arith.addi %multiple_of3A_6, %add3A_140 : i32
    "tpu.region"() ({
      %run_scoped3A = tpu.sem_alloc : memref<!tpu.dma_semaphore, #tpu.memory_space<semaphore_mem>>
      %dma_start3A_150 = arith.constant 0 : i32
      %dma_start3A_151 = tpu.memref_slice %arg6[%add3A_141, %dma_start3A_150] : memref<20480x128xf32, #tpu.memory_space<hbm>> -> memref<80x128xf32, #tpu.memory_space<hbm>>
      %dma_start3A_152 = arith.constant 0 : i32
      %dma_start3A_153 = tpu.memref_slice %arg6[%add3A_141, %dma_start3A_152] : memref<20480x128xf32, #tpu.memory_space<hbm>> -> memref<80x128xf32, #tpu.memory_space<hbm>>
      tpu.enqueue_dma source(%arg11 : memref<80x128xf32, #tpu.memory_space<vmem>>) target(%dma_start3A_153 : memref<80x128xf32, #tpu.memory_space<hbm>>) target_semaphore(%run_scoped3A : memref<!tpu.dma_semaphore, #tpu.memory_space<semaphore_mem>>)
      %dma_wait3A_154 = arith.constant 0 : i32
      %dma_wait3A_155 = tpu.memref_slice %arg6[%add3A_141, %dma_wait3A_154] : memref<20480x128xf32, #tpu.memory_space<hbm>> -> memref<80x128xf32, #tpu.memory_space<hbm>>
      %dma_wait3A_156 = arith.constant 0 : i32
      %dma_wait3A_157 = tpu.memref_slice %arg6[%add3A_141, %dma_wait3A_156] : memref<20480x128xf32, #tpu.memory_space<hbm>> -> memref<80x128xf32, #tpu.memory_space<hbm>>
      tpu.wait_dma2 semaphore(%run_scoped3A : memref<!tpu.dma_semaphore, #tpu.memory_space<semaphore_mem>>) src(%arg11 : memref<80x128xf32, #tpu.memory_space<vmem>>) dst(%dma_wait3A_157 : memref<80x128xf32, #tpu.memory_space<hbm>>)
      tpu.yield
    }) : () -> ()
    %add3A_142 = arith.constant 480 : i32
    %add3A_143 = arith.addi %multiple_of3A, %add3A_142 : i32
    "tpu.region"() ({
      %run_scoped3A = tpu.sem_alloc : memref<!tpu.dma_semaphore, #tpu.memory_space<semaphore_mem>>
      %dma_start3A_150 = arith.constant 0 : i32
      %dma_start3A_151 = tpu.memref_slice %arg14[%add3A_143, %dma_start3A_150] : memref<10240x128xf32, #tpu.memory_space<vmem_shared>> -> memref<80x128xf32, #tpu.memory_space<vmem_shared>>
      %dma_start3A_152 = arith.constant 0 : i32
      %dma_start3A_153 = tpu.memref_slice %arg14[%add3A_143, %dma_start3A_152] : memref<10240x128xf32, #tpu.memory_space<vmem_shared>> -> memref<80x128xf32, #tpu.memory_space<vmem_shared>>
      tpu.enqueue_dma source(%dma_start3A_153 : memref<80x128xf32, #tpu.memory_space<vmem_shared>>) target(%arg11 : memref<80x128xf32, #tpu.memory_space<vmem>>) target_semaphore(%run_scoped3A : memref<!tpu.dma_semaphore, #tpu.memory_space<semaphore_mem>>)
      %dma_wait3A_154 = arith.constant 0 : i32
      %dma_wait3A_155 = tpu.memref_slice %arg14[%add3A_143, %dma_wait3A_154] : memref<10240x128xf32, #tpu.memory_space<vmem_shared>> -> memref<80x128xf32, #tpu.memory_space<vmem_shared>>
      %dma_wait3A_156 = arith.constant 0 : i32
      %dma_wait3A_157 = tpu.memref_slice %arg14[%add3A_143, %dma_wait3A_156] : memref<10240x128xf32, #tpu.memory_space<vmem_shared>> -> memref<80x128xf32, #tpu.memory_space<vmem_shared>>
      tpu.wait_dma2 semaphore(%run_scoped3A : memref<!tpu.dma_semaphore, #tpu.memory_space<semaphore_mem>>) src(%dma_wait3A_157 : memref<80x128xf32, #tpu.memory_space<vmem_shared>>) dst(%arg11 : memref<80x128xf32, #tpu.memory_space<vmem>>)
      tpu.yield
    }) : () -> ()
    %add3A_144 = arith.constant 480 : i32
    %add3A_145 = arith.addi %multiple_of3A_6, %add3A_144 : i32
    "tpu.region"() ({
      %run_scoped3A = tpu.sem_alloc : memref<!tpu.dma_semaphore, #tpu.memory_space<semaphore_mem>>
      %dma_start3A_150 = arith.constant 0 : i32
      %dma_start3A_151 = tpu.memref_slice %arg6[%add3A_145, %dma_start3A_150] : memref<20480x128xf32, #tpu.memory_space<hbm>> -> memref<80x128xf32, #tpu.memory_space<hbm>>
      %dma_start3A_152 = arith.constant 0 : i32
      %dma_start3A_153 = tpu.memref_slice %arg6[%add3A_145, %dma_start3A_152] : memref<20480x128xf32, #tpu.memory_space<hbm>> -> memref<80x128xf32, #tpu.memory_space<hbm>>
      tpu.enqueue_dma source(%arg11 : memref<80x128xf32, #tpu.memory_space<vmem>>) target(%dma_start3A_153 : memref<80x128xf32, #tpu.memory_space<hbm>>) target_semaphore(%run_scoped3A : memref<!tpu.dma_semaphore, #tpu.memory_space<semaphore_mem>>)
      %dma_wait3A_154 = arith.constant 0 : i32
      %dma_wait3A_155 = tpu.memref_slice %arg6[%add3A_145, %dma_wait3A_154] : memref<20480x128xf32, #tpu.memory_space<hbm>> -> memref<80x128xf32, #tpu.memory_space<hbm>>
      %dma_wait3A_156 = arith.constant 0 : i32
      %dma_wait3A_157 = tpu.memref_slice %arg6[%add3A_145, %dma_wait3A_156] : memref<20480x128xf32, #tpu.memory_space<hbm>> -> memref<80x128xf32, #tpu.memory_space<hbm>>
      tpu.wait_dma2 semaphore(%run_scoped3A : memref<!tpu.dma_semaphore, #tpu.memory_space<semaphore_mem>>) src(%arg11 : memref<80x128xf32, #tpu.memory_space<vmem>>) dst(%dma_wait3A_157 : memref<80x128xf32, #tpu.memory_space<hbm>>)
      tpu.yield
    }) : () -> ()
    %add3A_146 = arith.constant 560 : i32
    %add3A_147 = arith.addi %multiple_of3A, %add3A_146 : i32
    "tpu.region"() ({
      %run_scoped3A = tpu.sem_alloc : memref<!tpu.dma_semaphore, #tpu.memory_space<semaphore_mem>>
      %dma_start3A_150 = arith.constant 0 : i32
      %dma_start3A_151 = tpu.memref_slice %arg14[%add3A_147, %dma_start3A_150] : memref<10240x128xf32, #tpu.memory_space<vmem_shared>> -> memref<80x128xf32, #tpu.memory_space<vmem_shared>>
      %dma_start3A_152 = arith.constant 0 : i32
      %dma_start3A_153 = tpu.memref_slice %arg14[%add3A_147, %dma_start3A_152] : memref<10240x128xf32, #tpu.memory_space<vmem_shared>> -> memref<80x128xf32, #tpu.memory_space<vmem_shared>>
      tpu.enqueue_dma source(%dma_start3A_153 : memref<80x128xf32, #tpu.memory_space<vmem_shared>>) target(%arg11 : memref<80x128xf32, #tpu.memory_space<vmem>>) target_semaphore(%run_scoped3A : memref<!tpu.dma_semaphore, #tpu.memory_space<semaphore_mem>>)
      %dma_wait3A_154 = arith.constant 0 : i32
      %dma_wait3A_155 = tpu.memref_slice %arg14[%add3A_147, %dma_wait3A_154] : memref<10240x128xf32, #tpu.memory_space<vmem_shared>> -> memref<80x128xf32, #tpu.memory_space<vmem_shared>>
      %dma_wait3A_156 = arith.constant 0 : i32
      %dma_wait3A_157 = tpu.memref_slice %arg14[%add3A_147, %dma_wait3A_156] : memref<10240x128xf32, #tpu.memory_space<vmem_shared>> -> memref<80x128xf32, #tpu.memory_space<vmem_shared>>
      tpu.wait_dma2 semaphore(%run_scoped3A : memref<!tpu.dma_semaphore, #tpu.memory_space<semaphore_mem>>) src(%dma_wait3A_157 : memref<80x128xf32, #tpu.memory_space<vmem_shared>>) dst(%arg11 : memref<80x128xf32, #tpu.memory_space<vmem>>)
      tpu.yield
    }) : () -> ()
    %add3A_148 = arith.constant 560 : i32
    %add3A_149 = arith.addi %multiple_of3A_6, %add3A_148 : i32
    "tpu.region"() ({
      %run_scoped3A = tpu.sem_alloc : memref<!tpu.dma_semaphore, #tpu.memory_space<semaphore_mem>>
      %dma_start3A_150 = arith.constant 0 : i32
      %dma_start3A_151 = tpu.memref_slice %arg6[%add3A_149, %dma_start3A_150] : memref<20480x128xf32, #tpu.memory_space<hbm>> -> memref<80x128xf32, #tpu.memory_space<hbm>>
      %dma_start3A_152 = arith.constant 0 : i32
      %dma_start3A_153 = tpu.memref_slice %arg6[%add3A_149, %dma_start3A_152] : memref<20480x128xf32, #tpu.memory_space<hbm>> -> memref<80x128xf32, #tpu.memory_space<hbm>>
      tpu.enqueue_dma source(%arg11 : memref<80x128xf32, #tpu.memory_space<vmem>>) target(%dma_start3A_153 : memref<80x128xf32, #tpu.memory_space<hbm>>) target_semaphore(%run_scoped3A : memref<!tpu.dma_semaphore, #tpu.memory_space<semaphore_mem>>)
      %dma_wait3A_154 = arith.constant 0 : i32
      %dma_wait3A_155 = tpu.memref_slice %arg6[%add3A_149, %dma_wait3A_154] : memref<20480x128xf32, #tpu.memory_space<hbm>> -> memref<80x128xf32, #tpu.memory_space<hbm>>
      %dma_wait3A_156 = arith.constant 0 : i32
      %dma_wait3A_157 = tpu.memref_slice %arg6[%add3A_149, %dma_wait3A_156] : memref<20480x128xf32, #tpu.memory_space<hbm>> -> memref<80x128xf32, #tpu.memory_space<hbm>>
      tpu.wait_dma2 semaphore(%run_scoped3A : memref<!tpu.dma_semaphore, #tpu.memory_space<semaphore_mem>>) src(%arg11 : memref<80x128xf32, #tpu.memory_space<vmem>>) dst(%dma_wait3A_157 : memref<80x128xf32, #tpu.memory_space<hbm>>)
      tpu.yield
    }) : () -> ()
    return
  }
}

module attributes {stable_mosaic.version = 14 : i64} {
  func.func @tc_layer(%arg0: i32, %arg1: memref<1000x128xf32, #tpu.memory_space<vmem>>, %arg2: memref<1x1000x128xf32, #tpu.memory_space<vmem>>, %arg3: memref<1x1000x128xf32, #tpu.memory_space<vmem>>, %arg4: memref<1000x1xf32, #tpu.memory_space<vmem>>, %arg5: memref<256x128xf32, #tpu.memory_space<vmem>>, %arg6: memref<128xf32, #tpu.memory_space<vmem>>, %arg7: memref<128xf32, #tpu.memory_space<vmem>>, %arg8: memref<128xf32, #tpu.memory_space<vmem>>, %arg9: memref<1000x128xf32, #tpu.memory_space<vmem>>) attributes {dimension_semantics = [#tpu.dimension_semantics<arbitrary>], iteration_bounds = array<i64: 10>, scalar_prefetch = 0 : i64, scratch_operands = 0 : i64, tpu.core_type = #tpu.core_type<tc>, window_params = [{transform_indices = @transform_0, window_bounds = array<i64: 1000, 128>}, {transform_indices = @transform_1, window_bounds = array<i64: 1, 1000, 128>}, {transform_indices = @transform_2, window_bounds = array<i64: 1, 1000, 128>}, {transform_indices = @transform_3, window_bounds = array<i64: 1000, 1>}, {pipeline_mode = #tpu.pipeline_mode<synchronous>, transform_indices = @transform_4, window_bounds = array<i64: 256, 128>}, {pipeline_mode = #tpu.pipeline_mode<synchronous>, transform_indices = @transform_5, window_bounds = array<i64: 128>}, {pipeline_mode = #tpu.pipeline_mode<synchronous>, transform_indices = @transform_6, window_bounds = array<i64: 128>}, {pipeline_mode = #tpu.pipeline_mode<synchronous>, transform_indices = @transform_7, window_bounds = array<i64: 128>}, {transform_indices = @transform_8, window_bounds = array<i64: 1000, 128>}]} {
    %get3A = arith.constant 0 : index
    %get3A_0 = arith.constant 0 : index
    %get3A_1 = vector.load %arg4[%get3A, %get3A_0] : memref<1000x1xf32, #tpu.memory_space<vmem>>, vector<1000x1xf32>
    %get3A_2 = arith.constant 0 : index
    %get3A_3 = arith.constant 0 : index
    %get3A_4 = arith.constant 0 : index
    %get3A_5 = vector.load %arg2[%get3A_2, %get3A_3, %get3A_4] : memref<1x1000x128xf32, #tpu.memory_space<vmem>>, vector<1x1000x128xf32>
    %get3A_6 = vector.shape_cast %get3A_5 : vector<1x1000x128xf32> to vector<1000x128xf32>
    %get3A_7 = arith.constant 0 : index
    %get3A_8 = arith.constant 0 : index
    %get3A_9 = arith.constant 0 : index
    %get3A_10 = vector.load %arg3[%get3A_7, %get3A_8, %get3A_9] : memref<1x1000x128xf32, #tpu.memory_space<vmem>>, vector<1x1000x128xf32>
    %get3A_11 = vector.shape_cast %get3A_10 : vector<1x1000x128xf32> to vector<1000x128xf32>
    %add3A = arith.addf %get3A_6, %get3A_11 : vector<1000x128xf32>
    %mul3A = vector.broadcast %get3A_1 : vector<1000x1xf32> to vector<1000x128xf32>
    %mul3A_12 = arith.mulf %add3A, %mul3A : vector<1000x128xf32>
    %get3A_13 = arith.constant 0 : index
    %get3A_14 = arith.constant 0 : index
    %get3A_15 = vector.load %arg1[%get3A_13, %get3A_14] : memref<1000x128xf32, #tpu.memory_space<vmem>>, vector<1000x128xf32>
    %concatenate3A = tpu.concatenate %get3A_15, %mul3A_12 in 1 : vector<1000x128xf32>, vector<1000x128xf32> -> vector<1000x256xf32>
    %get3A_16 = arith.constant 0 : index
    %get3A_17 = arith.constant 0 : index
    %get3A_18 = vector.load %arg5[%get3A_16, %get3A_17] : memref<256x128xf32, #tpu.memory_space<vmem>>, vector<256x128xf32>
    %dot_general3A = arith.constant dense<0.000000e+00> : vector<1000x128xf32>
    %dot_general3A_19 = tpu.matmul %concatenate3A, %get3A_18, %dot_general3A {dimension_numbers = #tpu.dot_dimension_numbers<[1], [0], [0], [1], [0, 0, 1, 1], [], []>, transpose_lhs_hint = false} : vector<1000x256xf32>, vector<256x128xf32>, vector<1000x128xf32> -> vector<1000x128xf32>
    %get3A_20 = arith.constant 0 : index
    %get3A_21 = vector.load %arg6[%get3A_20] : memref<128xf32, #tpu.memory_space<vmem>>, vector<128xf32>
    %broadcast_in_dim3A = vector.shape_cast %get3A_21 : vector<128xf32> to vector<1x128xf32>
    %add3A_22 = vector.broadcast %broadcast_in_dim3A : vector<1x128xf32> to vector<1000x128xf32>
    %add3A_23 = arith.addf %dot_general3A_19, %add3A_22 : vector<1000x128xf32>
    %mul3A_24 = arith.mulf %add3A_23, %add3A_23 : vector<1000x128xf32>
    %reduce_sum3A = arith.constant dense<0.000000e+00> : vector<1000xf32>
    %reduce_sum3A_25 = vector.multi_reduction <add>, %mul3A_24, %reduce_sum3A [1] : vector<1000x128xf32> to vector<1000xf32>
    %broadcast_in_dim3A_26 = vector.shape_cast %reduce_sum3A_25 : vector<1000xf32> to vector<1000x1xf32>
    %sqrt3A = math.sqrt %broadcast_in_dim3A_26 : vector<1000x1xf32>
    %max3A = arith.constant 9.99999996E-13 : f32
    %max3A_27 = vector.broadcast %max3A : f32 to vector<1000x1xf32>
    %max3A_28 = arith.maximumf %sqrt3A, %max3A_27 : vector<1000x1xf32>
    %div3A = vector.broadcast %max3A_28 : vector<1000x1xf32> to vector<1000x128xf32>
    %div3A_29 = arith.divf %add3A_23, %div3A : vector<1000x128xf32>
    %max3A_30 = arith.constant 0.000000e+00 : f32
    %max3A_31 = vector.broadcast %max3A_30 : f32 to vector<1000x128xf32>
    %max3A_32 = arith.maximumf %div3A_29, %max3A_31 : vector<1000x128xf32>
    %get3A_33 = arith.constant 0 : index
    %get3A_34 = vector.load %arg7[%get3A_33] : memref<128xf32, #tpu.memory_space<vmem>>, vector<128xf32>
    %mul3A_35 = arith.constant 0.999500393 : f32
    %mul3A_36 = vector.broadcast %mul3A_35 : f32 to vector<128xf32>
    %mul3A_37 = arith.mulf %get3A_34, %mul3A_36 : vector<128xf32>
    %broadcast_in_dim3A_38 = vector.shape_cast %mul3A_37 : vector<128xf32> to vector<1x128xf32>
    %mul3A_39 = vector.broadcast %broadcast_in_dim3A_38 : vector<1x128xf32> to vector<1000x128xf32>
    %mul3A_40 = arith.mulf %max3A_32, %mul3A_39 : vector<1000x128xf32>
    %get3A_41 = arith.constant 0 : index
    %get3A_42 = vector.load %arg8[%get3A_41] : memref<128xf32, #tpu.memory_space<vmem>>, vector<128xf32>
    %broadcast_in_dim3A_43 = vector.shape_cast %get3A_42 : vector<128xf32> to vector<1x128xf32>
    %add3A_44 = vector.broadcast %broadcast_in_dim3A_43 : vector<1x128xf32> to vector<1000x128xf32>
    %add3A_45 = arith.addf %mul3A_40, %add3A_44 : vector<1000x128xf32>
    %swap3A = arith.constant 0 : index
    %swap3A_46 = arith.constant 0 : index
    %swap3A_47 = vector.load %arg9[%swap3A, %swap3A_46] : memref<1000x128xf32, #tpu.memory_space<vmem>>, vector<1000x128xf32>
    tpu.vector_store %arg9[%swap3A, %swap3A_46], %add3A_45 {strides = array<i32>} : memref<1000x128xf32, #tpu.memory_space<vmem>>, vector<1000x128xf32>,
    return
  }
  func.func @transform_0(%arg0: i32) -> (i32, i32) {
    %c0_i32 = arith.constant 0 : i32
    %c0_i32_0 = arith.constant 0 : i32
    return %arg0, %c0_i32 : i32, i32
  }
  func.func @transform_1(%arg0: i32) -> (i32, i32, i32) {
    %c0_i32 = arith.constant 0 : i32
    %c0_i32_0 = arith.constant 0 : i32
    %c0_i32_1 = arith.constant 0 : i32
    return %c0_i32, %arg0, %c0_i32_0 : i32, i32, i32
  }
  func.func @transform_2(%arg0: i32) -> (i32, i32, i32) {
    %c1_i32 = arith.constant 1 : i32
    %c0_i32 = arith.constant 0 : i32
    %c0_i32_0 = arith.constant 0 : i32
    return %c1_i32, %arg0, %c0_i32 : i32, i32, i32
  }
  func.func @transform_3(%arg0: i32) -> (i32, i32) {
    %c0_i32 = arith.constant 0 : i32
    %c0_i32_0 = arith.constant 0 : i32
    return %arg0, %c0_i32 : i32, i32
  }
  func.func @transform_4(%arg0: i32) -> (i32, i32) {
    %c0_i32 = arith.constant 0 : i32
    %c0_i32_0 = arith.constant 0 : i32
    %c0_i32_1 = arith.constant 0 : i32
    return %c0_i32, %c0_i32_0 : i32, i32
  }
  func.func @transform_5(%arg0: i32) -> i32 {
    %c0_i32 = arith.constant 0 : i32
    %c0_i32_0 = arith.constant 0 : i32
    return %c0_i32 : i32
  }
  func.func @transform_6(%arg0: i32) -> i32 {
    %c0_i32 = arith.constant 0 : i32
    %c0_i32_0 = arith.constant 0 : i32
    return %c0_i32 : i32
  }
  func.func @transform_7(%arg0: i32) -> i32 {
    %c0_i32 = arith.constant 0 : i32
    %c0_i32_0 = arith.constant 0 : i32
    return %c0_i32 : i32
  }
  func.func @transform_8(%arg0: i32) -> (i32, i32) {
    %c0_i32 = arith.constant 0 : i32
    %c0_i32_0 = arith.constant 0 : i32
    return %arg0, %c0_i32 : i32, i32
  }
}

module attributes {stable_mosaic.version = 14 : i64} {
  func.func @tc_layer(%arg0: i32, %arg1: memref<1000x128xf32, #tpu.memory_space<vmem>>, %arg2: memref<1x1000x128xf32, #tpu.memory_space<vmem>>, %arg3: memref<1x1000x128xf32, #tpu.memory_space<vmem>>, %arg4: memref<1x1000x128xf32, #tpu.memory_space<vmem>>, %arg5: memref<1x1000x128xf32, #tpu.memory_space<vmem>>, %arg6: memref<256x128xf32, #tpu.memory_space<vmem>>, %arg7: memref<128xf32, #tpu.memory_space<vmem>>, %arg8: memref<128xf32, #tpu.memory_space<vmem>>, %arg9: memref<128xf32, #tpu.memory_space<vmem>>, %arg10: memref<1000x128xf32, #tpu.memory_space<vmem>>, %arg11: memref<1000x1xf32, #tpu.memory_space<vmem>>) attributes {dimension_semantics = [#tpu.dimension_semantics<arbitrary>], iteration_bounds = array<i64: 10>, scalar_prefetch = 0 : i64, scratch_operands = 0 : i64, tpu.core_type = #tpu.core_type<tc>, window_params = [{transform_indices = @transform_0, window_bounds = array<i64: 1000, 128>}, {transform_indices = @transform_1, window_bounds = array<i64: 1, 1000, 128>}, {transform_indices = @transform_2, window_bounds = array<i64: 1, 1000, 128>}, {transform_indices = @transform_3, window_bounds = array<i64: 1, 1000, 128>}, {transform_indices = @transform_4, window_bounds = array<i64: 1, 1000, 128>}, {pipeline_mode = #tpu.pipeline_mode<synchronous>, transform_indices = @transform_5, window_bounds = array<i64: 256, 128>}, {pipeline_mode = #tpu.pipeline_mode<synchronous>, transform_indices = @transform_6, window_bounds = array<i64: 128>}, {pipeline_mode = #tpu.pipeline_mode<synchronous>, transform_indices = @transform_7, window_bounds = array<i64: 128>}, {pipeline_mode = #tpu.pipeline_mode<synchronous>, transform_indices = @transform_8, window_bounds = array<i64: 128>}, {transform_indices = @transform_9, window_bounds = array<i64: 1000, 128>}, {transform_indices = @transform_10, window_bounds = array<i64: 1000, 1>}]} {
    %get3A = arith.constant 0 : index
    %get3A_0 = arith.constant 0 : index
    %get3A_1 = arith.constant 0 : index
    %get3A_2 = vector.load %arg4[%get3A, %get3A_0, %get3A_1] : memref<1x1000x128xf32, #tpu.memory_space<vmem>>, vector<1x1000x1xf32>
    %get3A_3 = vector.shape_cast %get3A_2 : vector<1x1000x1xf32> to vector<1000x1xf32>
    %get3A_4 = arith.constant 0 : index
    %get3A_5 = arith.constant 0 : index
    %get3A_6 = arith.constant 0 : index
    %get3A_7 = vector.load %arg5[%get3A_4, %get3A_5, %get3A_6] : memref<1x1000x128xf32, #tpu.memory_space<vmem>>, vector<1x1000x1xf32>
    %get3A_8 = vector.shape_cast %get3A_7 : vector<1x1000x1xf32> to vector<1000x1xf32>
    %add3A = arith.addf %get3A_3, %get3A_8 : vector<1000x1xf32>
    %max3A = arith.constant 1.000000e+00 : f32
    %max3A_9 = vector.broadcast %max3A : f32 to vector<1000x1xf32>
    %max3A_10 = arith.maximumf %add3A, %max3A_9 : vector<1000x1xf32>
    %div3A = arith.constant 1.000000e+00 : f32
    %div3A_11 = vector.broadcast %div3A : f32 to vector<1000x1xf32>
    %div3A_12 = arith.divf %div3A_11, %max3A_10 : vector<1000x1xf32>
    %swap3A = arith.constant 0 : index
    %swap3A_13 = arith.constant 0 : index
    %swap3A_14 = vector.load %arg11[%swap3A, %swap3A_13] : memref<1000x1xf32, #tpu.memory_space<vmem>>, vector<1000x1xf32>
    tpu.vector_store %arg11[%swap3A, %swap3A_13], %div3A_12 {strides = array<i32>} : memref<1000x1xf32, #tpu.memory_space<vmem>>, vector<1000x1xf32>,
    %get3A_15 = arith.constant 0 : index
    %get3A_16 = arith.constant 0 : index
    %get3A_17 = arith.constant 0 : index
    %get3A_18 = vector.load %arg2[%get3A_15, %get3A_16, %get3A_17] : memref<1x1000x128xf32, #tpu.memory_space<vmem>>, vector<1x1000x128xf32>
    %get3A_19 = vector.shape_cast %get3A_18 : vector<1x1000x128xf32> to vector<1000x128xf32>
    %get3A_20 = arith.constant 0 : index
    %get3A_21 = arith.constant 0 : index
    %get3A_22 = arith.constant 0 : index
    %get3A_23 = vector.load %arg3[%get3A_20, %get3A_21, %get3A_22] : memref<1x1000x128xf32, #tpu.memory_space<vmem>>, vector<1x1000x128xf32>
    %get3A_24 = vector.shape_cast %get3A_23 : vector<1x1000x128xf32> to vector<1000x128xf32>
    %add3A_25 = arith.addf %get3A_19, %get3A_24 : vector<1000x128xf32>
    %mul3A = vector.broadcast %div3A_12 : vector<1000x1xf32> to vector<1000x128xf32>
    %mul3A_26 = arith.mulf %add3A_25, %mul3A : vector<1000x128xf32>
    %get3A_27 = arith.constant 0 : index
    %get3A_28 = arith.constant 0 : index
    %get3A_29 = vector.load %arg1[%get3A_27, %get3A_28] : memref<1000x128xf32, #tpu.memory_space<vmem>>, vector<1000x128xf32>
    %concatenate3A = tpu.concatenate %get3A_29, %mul3A_26 in 1 : vector<1000x128xf32>, vector<1000x128xf32> -> vector<1000x256xf32>
    %get3A_30 = arith.constant 0 : index
    %get3A_31 = arith.constant 0 : index
    %get3A_32 = vector.load %arg6[%get3A_30, %get3A_31] : memref<256x128xf32, #tpu.memory_space<vmem>>, vector<256x128xf32>
    %dot_general3A = arith.constant dense<0.000000e+00> : vector<1000x128xf32>
    %dot_general3A_33 = tpu.matmul %concatenate3A, %get3A_32, %dot_general3A {dimension_numbers = #tpu.dot_dimension_numbers<[1], [0], [0], [1], [0, 0, 1, 1], [], []>, transpose_lhs_hint = false} : vector<1000x256xf32>, vector<256x128xf32>, vector<1000x128xf32> -> vector<1000x128xf32>
    %get3A_34 = arith.constant 0 : index
    %get3A_35 = vector.load %arg7[%get3A_34] : memref<128xf32, #tpu.memory_space<vmem>>, vector<128xf32>
    %broadcast_in_dim3A = vector.shape_cast %get3A_35 : vector<128xf32> to vector<1x128xf32>
    %add3A_36 = vector.broadcast %broadcast_in_dim3A : vector<1x128xf32> to vector<1000x128xf32>
    %add3A_37 = arith.addf %dot_general3A_33, %add3A_36 : vector<1000x128xf32>
    %mul3A_38 = arith.mulf %add3A_37, %add3A_37 : vector<1000x128xf32>
    %reduce_sum3A = arith.constant dense<0.000000e+00> : vector<1000xf32>
    %reduce_sum3A_39 = vector.multi_reduction <add>, %mul3A_38, %reduce_sum3A [1] : vector<1000x128xf32> to vector<1000xf32>
    %broadcast_in_dim3A_40 = vector.shape_cast %reduce_sum3A_39 : vector<1000xf32> to vector<1000x1xf32>
    %sqrt3A = math.sqrt %broadcast_in_dim3A_40 : vector<1000x1xf32>
    %max3A_41 = arith.constant 9.99999996E-13 : f32
    %max3A_42 = vector.broadcast %max3A_41 : f32 to vector<1000x1xf32>
    %max3A_43 = arith.maximumf %sqrt3A, %max3A_42 : vector<1000x1xf32>
    %div3A_44 = vector.broadcast %max3A_43 : vector<1000x1xf32> to vector<1000x128xf32>
    %div3A_45 = arith.divf %add3A_37, %div3A_44 : vector<1000x128xf32>
    %max3A_46 = arith.constant 0.000000e+00 : f32
    %max3A_47 = vector.broadcast %max3A_46 : f32 to vector<1000x128xf32>
    %max3A_48 = arith.maximumf %div3A_45, %max3A_47 : vector<1000x128xf32>
    %get3A_49 = arith.constant 0 : index
    %get3A_50 = vector.load %arg8[%get3A_49] : memref<128xf32, #tpu.memory_space<vmem>>, vector<128xf32>
    %mul3A_51 = arith.constant 0.999500393 : f32
    %mul3A_52 = vector.broadcast %mul3A_51 : f32 to vector<128xf32>
    %mul3A_53 = arith.mulf %get3A_50, %mul3A_52 : vector<128xf32>
    %broadcast_in_dim3A_54 = vector.shape_cast %mul3A_53 : vector<128xf32> to vector<1x128xf32>
    %mul3A_55 = vector.broadcast %broadcast_in_dim3A_54 : vector<1x128xf32> to vector<1000x128xf32>
    %mul3A_56 = arith.mulf %max3A_48, %mul3A_55 : vector<1000x128xf32>
    %get3A_57 = arith.constant 0 : index
    %get3A_58 = vector.load %arg9[%get3A_57] : memref<128xf32, #tpu.memory_space<vmem>>, vector<128xf32>
    %broadcast_in_dim3A_59 = vector.shape_cast %get3A_58 : vector<128xf32> to vector<1x128xf32>
    %add3A_60 = vector.broadcast %broadcast_in_dim3A_59 : vector<1x128xf32> to vector<1000x128xf32>
    %add3A_61 = arith.addf %mul3A_56, %add3A_60 : vector<1000x128xf32>
    %swap3A_62 = arith.constant 0 : index
    %swap3A_63 = arith.constant 0 : index
    %swap3A_64 = vector.load %arg10[%swap3A_62, %swap3A_63] : memref<1000x128xf32, #tpu.memory_space<vmem>>, vector<1000x128xf32>
    tpu.vector_store %arg10[%swap3A_62, %swap3A_63], %add3A_61 {strides = array<i32>} : memref<1000x128xf32, #tpu.memory_space<vmem>>, vector<1000x128xf32>,
    return
  }
  func.func @transform_0(%arg0: i32) -> (i32, i32) {
    %c0_i32 = arith.constant 0 : i32
    %c0_i32_0 = arith.constant 0 : i32
    return %arg0, %c0_i32 : i32, i32
  }
  func.func @transform_1(%arg0: i32) -> (i32, i32, i32) {
    %c0_i32 = arith.constant 0 : i32
    %c0_i32_0 = arith.constant 0 : i32
    %c0_i32_1 = arith.constant 0 : i32
    return %c0_i32, %arg0, %c0_i32_0 : i32, i32, i32
  }
  func.func @transform_2(%arg0: i32) -> (i32, i32, i32) {
    %c1_i32 = arith.constant 1 : i32
    %c0_i32 = arith.constant 0 : i32
    %c0_i32_0 = arith.constant 0 : i32
    return %c1_i32, %arg0, %c0_i32 : i32, i32, i32
  }
  func.func @transform_3(%arg0: i32) -> (i32, i32, i32) {
    %c0_i32 = arith.constant 0 : i32
    %c0_i32_0 = arith.constant 0 : i32
    %c0_i32_1 = arith.constant 0 : i32
    return %c0_i32, %arg0, %c0_i32_0 : i32, i32, i32
  }
  func.func @transform_4(%arg0: i32) -> (i32, i32, i32) {
    %c1_i32 = arith.constant 1 : i32
    %c0_i32 = arith.constant 0 : i32
    %c0_i32_0 = arith.constant 0 : i32
    return %c1_i32, %arg0, %c0_i32 : i32, i32, i32
  }
  func.func @transform_5(%arg0: i32) -> (i32, i32) {
    %c0_i32 = arith.constant 0 : i32
    %c0_i32_0 = arith.constant 0 : i32
    %c0_i32_1 = arith.constant 0 : i32
    return %c0_i32, %c0_i32_0 : i32, i32
  }
  func.func @transform_6(%arg0: i32) -> i32 {
    %c0_i32 = arith.constant 0 : i32
    %c0_i32_0 = arith.constant 0 : i32
    return %c0_i32 : i32
  }
  func.func @transform_7(%arg0: i32) -> i32 {
    %c0_i32 = arith.constant 0 : i32
    %c0_i32_0 = arith.constant 0 : i32
    return %c0_i32 : i32
  }
  func.func @transform_8(%arg0: i32) -> i32 {
    %c0_i32 = arith.constant 0 : i32
    %c0_i32_0 = arith.constant 0 : i32
    return %c0_i32 : i32
  }
  func.func @transform_9(%arg0: i32) -> (i32, i32) {
    %c0_i32 = arith.constant 0 : i32
    %c0_i32_0 = arith.constant 0 : i32
    return %arg0, %c0_i32 : i32, i32
  }
  func.func @transform_10(%arg0: i32) -> (i32, i32) {
    %c0_i32 = arith.constant 0 : i32
    %c0_i32_0 = arith.constant 0 : i32
    return %arg0, %c0_i32 : i32, i32
  }
}

module attributes {stable_mosaic.version = 14 : i64} {
  func.func @tc_head(%arg0: memref<10000x128xf32, #tpu.memory_space<vmem>>, %arg1: memref<10000x1xi32, #tpu.memory_space<vmem>>, %arg2: memref<128x256xf32, #tpu.memory_space<vmem>>, %arg3: memref<256xf32, #tpu.memory_space<vmem>>, %arg4: memref<256x128xf32, #tpu.memory_space<vmem>>, %arg5: memref<128xf32, #tpu.memory_space<vmem>>, %arg6: memref<128x16xf32, #tpu.memory_space<vmem>>, %arg7: memref<16xf32, #tpu.memory_space<vmem>>, %arg8: memref<16x16xf32, #tpu.memory_space<vmem>>) attributes {dimension_semantics = [], scalar_prefetch = 0 : i64, scratch_operands = 0 : i64, tpu.core_type = #tpu.core_type<tc>} {
    %get3A = arith.constant 0 : index
    %get3A_0 = arith.constant 0 : index
    %get3A_1 = vector.load %arg1[%get3A, %get3A_0] : memref<10000x1xi32, #tpu.memory_space<vmem>>, vector<10000x1xi32>
    %iota3A = tpu.iota {dimensions = array<i32: 1>} : vector<10000x16xi32>
    %eq3A = vector.broadcast %get3A_1 : vector<10000x1xi32> to vector<10000x16xi32>
    %eq3A_2 = arith.cmpi eq, %eq3A, %iota3A : vector<10000x16xi32>
    %convert_element_type3A = arith.extui %eq3A_2 : vector<10000x16xi1> to vector<10000x16xi32>
    %convert_element_type3A_3 = arith.sitofp %convert_element_type3A : vector<10000x16xi32> to vector<10000x16xf32>
    %get3A_4 = arith.constant 0 : index
    %get3A_5 = arith.constant 0 : index
    %get3A_6 = vector.load %arg0[%get3A_4, %get3A_5] : memref<10000x128xf32, #tpu.memory_space<vmem>>, vector<10000x128xf32>
    %dot_general3A = arith.constant dense<0.000000e+00> : vector<16x128xf32>
    %dot_general3A_7 = tpu.matmul %convert_element_type3A_3, %get3A_6, %dot_general3A {dimension_numbers = #tpu.dot_dimension_numbers<[0], [0], [1], [1], [0, 1, 1, 1], [], []>, transpose_lhs_hint = false} : vector<10000x16xf32>, vector<10000x128xf32>, vector<16x128xf32> -> vector<16x128xf32>
    %broadcast_in_dim3A = arith.constant 1.000000e+00 : f32
    %broadcast_in_dim3A_8 = vector.broadcast %broadcast_in_dim3A : f32 to vector<10000x1xf32>
    %dot_general3A_9 = arith.constant dense<0.000000e+00> : vector<16x1xf32>
    %dot_general3A_10 = tpu.matmul %convert_element_type3A_3, %broadcast_in_dim3A_8, %dot_general3A_9 {dimension_numbers = #tpu.dot_dimension_numbers<[0], [0], [1], [1], [0, 1, 1, 1], [], []>, transpose_lhs_hint = false} : vector<10000x16xf32>, vector<10000x1xf32>, vector<16x1xf32> -> vector<16x1xf32>
    %max3A = arith.constant 1.000000e+00 : f32
    %max3A_11 = vector.broadcast %max3A : f32 to vector<16x1xf32>
    %max3A_12 = arith.maximumf %dot_general3A_10, %max3A_11 : vector<16x1xf32>
    %div3A = vector.broadcast %max3A_12 : vector<16x1xf32> to vector<16x128xf32>
    %div3A_13 = arith.divf %dot_general3A_7, %div3A : vector<16x128xf32>
    %get3A_14 = arith.constant 0 : index
    %get3A_15 = arith.constant 0 : index
    %get3A_16 = vector.load %arg2[%get3A_14, %get3A_15] : memref<128x256xf32, #tpu.memory_space<vmem>>, vector<128x256xf32>
    %dot_general3A_17 = arith.constant dense<0.000000e+00> : vector<16x256xf32>
    %dot_general3A_18 = tpu.matmul %div3A_13, %get3A_16, %dot_general3A_17 {dimension_numbers = #tpu.dot_dimension_numbers<[1], [0], [0], [1], [0, 0, 1, 1], [], []>, transpose_lhs_hint = false} : vector<16x128xf32>, vector<128x256xf32>, vector<16x256xf32> -> vector<16x256xf32>
    %get3A_19 = arith.constant 0 : index
    %get3A_20 = vector.load %arg3[%get3A_19] : memref<256xf32, #tpu.memory_space<vmem>>, vector<256xf32>
    %broadcast_in_dim3A_21 = vector.shape_cast %get3A_20 : vector<256xf32> to vector<1x256xf32>
    %add3A = vector.broadcast %broadcast_in_dim3A_21 : vector<1x256xf32> to vector<16x256xf32>
    %add3A_22 = arith.addf %dot_general3A_18, %add3A : vector<16x256xf32>
    %max3A_23 = arith.constant 0.000000e+00 : f32
    %max3A_24 = vector.broadcast %max3A_23 : f32 to vector<16x256xf32>
    %max3A_25 = arith.maximumf %add3A_22, %max3A_24 : vector<16x256xf32>
    %get3A_26 = arith.constant 0 : index
    %get3A_27 = arith.constant 0 : index
    %get3A_28 = vector.load %arg4[%get3A_26, %get3A_27] : memref<256x128xf32, #tpu.memory_space<vmem>>, vector<256x128xf32>
    %dot_general3A_29 = arith.constant dense<0.000000e+00> : vector<16x128xf32>
    %dot_general3A_30 = tpu.matmul %max3A_25, %get3A_28, %dot_general3A_29 {dimension_numbers = #tpu.dot_dimension_numbers<[1], [0], [0], [1], [0, 0, 1, 1], [], []>, transpose_lhs_hint = false} : vector<16x256xf32>, vector<256x128xf32>, vector<16x128xf32> -> vector<16x128xf32>
    %get3A_31 = arith.constant 0 : index
    %get3A_32 = vector.load %arg5[%get3A_31] : memref<128xf32, #tpu.memory_space<vmem>>, vector<128xf32>
    %broadcast_in_dim3A_33 = vector.shape_cast %get3A_32 : vector<128xf32> to vector<1x128xf32>
    %add3A_34 = vector.broadcast %broadcast_in_dim3A_33 : vector<1x128xf32> to vector<16x128xf32>
    %add3A_35 = arith.addf %dot_general3A_30, %add3A_34 : vector<16x128xf32>
    %max3A_36 = arith.constant 0.000000e+00 : f32
    %max3A_37 = vector.broadcast %max3A_36 : f32 to vector<16x128xf32>
    %max3A_38 = arith.maximumf %add3A_35, %max3A_37 : vector<16x128xf32>
    %get3A_39 = arith.constant 0 : index
    %get3A_40 = arith.constant 0 : index
    %get3A_41 = vector.load %arg6[%get3A_39, %get3A_40] : memref<128x16xf32, #tpu.memory_space<vmem>>, vector<128x16xf32>
    %dot_general3A_42 = arith.constant dense<0.000000e+00> : vector<16x16xf32>
    %dot_general3A_43 = tpu.matmul %max3A_38, %get3A_41, %dot_general3A_42 {dimension_numbers = #tpu.dot_dimension_numbers<[1], [0], [0], [1], [0, 0, 1, 1], [], []>, transpose_lhs_hint = false} : vector<16x128xf32>, vector<128x16xf32>, vector<16x16xf32> -> vector<16x16xf32>
    %get3A_44 = arith.constant 0 : index
    %get3A_45 = vector.load %arg7[%get3A_44] : memref<16xf32, #tpu.memory_space<vmem>>, vector<16xf32>
    %broadcast_in_dim3A_46 = vector.shape_cast %get3A_45 : vector<16xf32> to vector<1x16xf32>
    %add3A_47 = vector.broadcast %broadcast_in_dim3A_46 : vector<1x16xf32> to vector<16x16xf32>
    %add3A_48 = arith.addf %dot_general3A_43, %add3A_47 : vector<16x16xf32>
    %reduce_max3A = arith.constant dense<0xFF800000> : vector<16xf32>
    %reduce_max3A_49 = vector.multi_reduction <maximumf>, %add3A_48, %reduce_max3A [1] : vector<16x16xf32> to vector<16xf32>
    %broadcast_in_dim3A_50 = vector.shape_cast %reduce_max3A_49 : vector<16xf32> to vector<16x1xf32>
    %sub3A = vector.broadcast %broadcast_in_dim3A_50 : vector<16x1xf32> to vector<16x16xf32>
    %sub3A_51 = arith.subf %add3A_48, %sub3A : vector<16x16xf32>
    %exp3A = math.exp %sub3A_51 : vector<16x16xf32>
    %reduce_sum3A = arith.constant dense<0.000000e+00> : vector<16xf32>
    %reduce_sum3A_52 = vector.multi_reduction <add>, %exp3A, %reduce_sum3A [1] : vector<16x16xf32> to vector<16xf32>
    %broadcast_in_dim3A_53 = vector.shape_cast %reduce_sum3A_52 : vector<16xf32> to vector<16x1xf32>
    %div3A_54 = vector.broadcast %broadcast_in_dim3A_53 : vector<16x1xf32> to vector<16x16xf32>
    %div3A_55 = arith.divf %exp3A, %div3A_54 : vector<16x16xf32>
    %swap3A = arith.constant 0 : index
    %swap3A_56 = arith.constant 0 : index
    %swap3A_57 = vector.load %arg8[%swap3A, %swap3A_56] : memref<16x16xf32, #tpu.memory_space<vmem>>, vector<16x16xf32>
    tpu.vector_store %arg8[%swap3A, %swap3A_56], %div3A_55 {strides = array<i32>} : memref<16x16xf32, #tpu.memory_space<vmem>>, vector<16x16xf32>,
    return
  }
}

</mosaic_0001>

<sc_bundles>
// kernel: sc_agg.11.cloned.1.call-start
scs
__scs_entry_jumppad:
0x0: {  	(pc) =	sbr.rel $0x88, $3  }
0x1: {  	(tag) =	ssettag $0x0;
	lr =	simm.s32 $0x1  }
0x2: {  	[smem:$0x3F8C] =	sst lr;
	_ =	strace $0xD0000000  }
0x3: {  	_ = 	snop  }
0x4: {  	_ = 	snop  }
0x5: {  	_ = 	snop  }
0x6: {  	_ = 	snop  }
0x7: {  	_ = 	snop  }
__scs_overlays_trampoline_lowered:
0x8: {  	[smem:$0x3F9B] =	sst s0  }
0x9: {  	[smem:$0x3F9C] =	sst s1  }
0xa: {  	[smem:$0x3F9D] =	sst s2  }
0xb: {  	[smem:$0x3F9E] =	sst s3  }
0xc: {  	[smem:$0x3F9F] =	sst s4  }
0xd: {  	[smem:$0x3FA0] =	sst s5  }
0xe: {  	[smem:$0x3FA1] =	sst s6  }
0xf: {  	[smem:$0x3FA2] =	sst s7  }
0x10: {  	[smem:$0x3FA3] =	sst s8  }
0x11: {  	[smem:$0x3FA4] =	sst s9;
	s0 =	simm.s32 @!p0 $0x0  }
0x12: {  	s1 =	sld [smem:$0x3F8A];
	s0 =	simm.s32 @p0 $0x1  }
0x13: {  	[smem:$0x3FA5] =	sst s0;
	s0 =	simm.s32 @!p1 $0x0  }
0x14: {  	s2 =	sld [smem:$0x3F89];
	s0 =	simm.s32 @p1 $0x1  }
0x15: {  	[smem:$0x3FA6] =	sst s0;
	s0 =	simm.s32 @!p2 $0x0  }
0x16: {  	s3 =	sld [smem:$0x3FDB];
	s0 =	simm.s32 @p2 $0x1  }
0x17: {  	s4 =	simm.s32 $0x1BF5;
	[smem:$0x3FA8] =	sst s0  }
0x18: {  	s0 =	sld [smem:$0x3F8B];
	_ =	swait.ge [sflag:s4], $0x0  }
0x19: {  	s7 =	sld [smem:$0x3F8C]  }
0x1a: {  	s8 =	sadd.s32 $0xFFFFE003, lr  }
0x1b: {  	s9 =	sadd.s32 $0xFFFFFEF7, lr;
	s5 =	simm.s32 $0xFFFFFFFF;
	p2 =	slt.u32 s8, $0xFFFFF086  }
0x1c: {  	p1 =	slt.u32 s9, $0xF7A;
	s5 =	simm.s32 @!p2 $0x0  }
0x1d: {  	s5 =	simm.s32 @p1 $0x1;
	p0 =	seq.s32 s7, s2  }
0x1e: {  	s7 =	smul.u32 @!p0 $0xF7A, s2;
	p2 =	seq.s32 @!p0 s5, $0x0  }
0x1f: {  	s9 =	smul.u32 $0xF7A, s1;
	s8 =	simm.s32 @!p0 $0x1BF5;
	p2 =	por !p2, p0  }
0x20: {  	[sflag:s8] =	ssyncset.s32 @!p0 $0xFFFFF086;
	s6 =	sadd.s32 @!p0 s3, s7;
	s7 =	simm.s32 @!p0 $0x108  }
0x21: {  	s3 =	sadd.s32 s3, s9;
	s6 =	sadd.s32 @!p0 $0x88, s6;
	s7 =	simm.s32 @p2 $0x1082  }
0x22: {  	[simem:s7], [sflag:s8] =	dma.local @!p0 [hbm:s6], $0xF7A  }
0x23: {  	s9 =	sor.u32 $0xD0000000, s2;
	s6 =	simm.s32 $0x108;
	_ =	swait.ge @!p0 [sflag:s8], $0x0  }
0x24: {  	s3 =	sadd.s32 $0x88, s3;
	s6 =	simm.s32 @!p1 $0x1082;
	[sflag:s4] =	ssyncset.s32 $0xFFFFF086  }
0x25: {  	[simem:s6], [sflag:s4] =	dma.local [hbm:s3], $0xF7A  }
0x26: {  	[smem:$0x3F8C] =	sst s1;
	(tag) =	ssettag s2;
	_ =	strace s9  }
0x27: {  	s1 =	sld [smem:$0x3F9C]  }
0x28: {  	s2 =	sld [smem:$0x3F9D]  }
0x29: {  	s4 =	sld [smem:$0x3F9F]  }
0x2a: {  	p0 =	seq.s32 s5, $0x0;
	s5 =	sld [smem:$0x3FA0]  }
0x2b: {  	s6 =	sld [smem:$0x3FA1]  }
0x2c: {  	s7 =	sld [smem:$0x3FA2]  }
0x2d: {  	s3 =	simm.s32 $0x108;
	s8 =	sld [smem:$0x3FA3]  }
0x2e: {  	s3 =	simm.s32 @!p0 $0x1082;
	s9 =	sld [smem:$0x3FA4]  }
0x2f: {  	lr =	sadd.s32 s0, s3;
	s0 =	sld [smem:$0x3F9B]  }
0x30: {  	s3 =	sld [smem:$0x3F9E]  }
0x31: {  	[smem:$0x3FA7] =	sst s10  }
0x32: {  	s10 =	sld [smem:$0x3FA5];
	_ =	sdelay $0x3  }
0x33: {  	p0 =	seq.s32 s10, $0x1;
	s10 =	sld [smem:$0x3FA7];
	_ =	sdelay $0x3  }
0x34: {  	[smem:$0x3FA7] =	sst s10  }
0x35: {  	s10 =	sld [smem:$0x3FA6];
	_ =	sdelay $0x3  }
0x36: {  	p1 =	seq.s32 s10, $0x1;
	s10 =	sld [smem:$0x3FA7];
	_ =	sdelay $0x3  }
0x37: {  	[smem:$0x3FA7] =	sst s10  }
0x38: {  	s10 =	sld [smem:$0x3FA8]  }
0x39: {  	_ = 	snop;
	(pc) =	sbr.ind lr, $3  }
0x3a: {  	_ = 	snop  }
0x3b: {  	_ = 	snop  }
0x3c: {  	p2 =	seq.s32 s10, $0x1;
	s10 =	sld [smem:$0x3FA7]  }
0x3d: {  	_ =	shalt  }
0x3e: {  	_ =	shalt  }
0x3f: {  	_ =	shalt  }
0x40: {  	_ =	shalt  }
0x41: {  	_ =	shalt  }
0x42: {  	_ =	shalt  }
0x43: {  	_ =	shalt  }
0x44: {  	_ =	shalt  }
0x45: {  	_ =	shalt  }
0x46: {  	_ =	shalt  }
0x47: {  	_ =	shalt  }
0x48: {  	_ =	shalt  }
0x49: {  	_ =	shalt  }
0x4a: {  	_ =	shalt  }
0x4b: {  	_ =	shalt  }
0x4c: {  	_ =	shalt  }
0x4d: {  	_ =	shalt  }
0x4e: {  	_ =	shalt  }
0x4f: {  	_ =	shalt  }
0x50: {  	_ =	shalt  }
0x51: {  	_ =	shalt  }
0x52: {  	_ =	shalt  }
0x53: {  	_ =	shalt  }
0x54: {  	_ =	shalt  }
0x55: {  	_ =	shalt  }
0x56: {  	_ =	shalt  }
0x57: {  	_ =	shalt  }
0x58: {  	_ =	shalt  }
0x59: {  	_ =	shalt  }
0x5a: {  	_ =	shalt  }
0x5b: {  	_ =	shalt  }
0x5c: {  	_ =	shalt  }
0x5d: {  	_ =	shalt  }
0x5e: {  	_ =	shalt  }
0x5f: {  	_ =	shalt  }
0x60: {  	_ =	shalt  }
0x61: {  	_ =	shalt  }
0x62: {  	_ =	shalt  }
0x63: {  	_ =	shalt  }
0x64: {  	_ =	shalt  }
0x65: {  	_ =	shalt  }
0x66: {  	_ =	shalt  }
0x67: {  	_ =	shalt  }
0x68: {  	_ =	shalt  }
0x69: {  	_ =	shalt  }
0x6a: {  	_ =	shalt  }
0x6b: {  	_ =	shalt  }
0x6c: {  	_ =	shalt  }
0x6d: {  	_ =	shalt  }
0x6e: {  	_ =	shalt  }
0x6f: {  	_ =	shalt  }
0x70: {  	_ =	shalt  }
0x71: {  	_ =	shalt  }
0x72: {  	_ =	shalt  }
0x73: {  	_ =	shalt  }
0x74: {  	_ =	shalt  }
0x75: {  	_ =	shalt  }
0x76: {  	_ =	shalt  }
0x77: {  	_ =	shalt  }
0x78: {  	_ =	shalt  }
0x79: {  	_ =	shalt  }
0x7a: {  	_ =	shalt  }
0x7b: {  	_ =	shalt  }
0x7c: {  	_ =	shalt  }
0x7d: {  	_ =	shalt  }
0x7e: {  	_ =	shalt  }
0x7f: {  	_ =	shalt  }
0x80: {  	_ =	shalt  }
0x81: {  	_ =	shalt  }
0x82: {  	_ =	shalt  }
0x83: {  	_ =	shalt  }
0x84: {  	_ =	shalt  }
0x85: {  	_ =	shalt  }
0x86: {  	_ =	shalt  }
0x87: {  	_ =	shalt  }
.Lfunc_end0:
.L_simem_size_0:
called_computation.3_lowered:
.L_overlay_start_0:
0x88: {  	s2 =	sld [smem:$0x3FD9]  }
0x89: {  	s3 =	sld [smem:$0x3FFE];
	_ =	sdelay $0x1  }
0x8a: {  	s1 =	srdreg.scid  }
0x8b: {  	s0 =	sand.u32 $0x1, s1  }
0x8c: {  	s16 =	sshll.u32 s0, $0xA;
	s2 =	sadd.s32 s3, s2  }
0x8d: {  	s2 =	sadd.s32 s2, s16  }
0x8e: {  	[smem:$0x3FB3] =	sst s2  }
0x8f: {  	_ = 	snop  }
0x90: {  	(tm) =	ssettm $0x1  }
0x91: {  	s17 =	sld [smem:$0x3FFB];
	_ =	sdelay $0x3  }
0x92: {  	_ =	strace s17  }
0x93: {  	s2 =	sld [smem:$0x3FFC];
	_ =	sdelay $0x3  }
0x94: {  	_ =	strace s2  }
0x95: {  	s2 =	sld [smem:$0x3FFD];
	_ =	sdelay $0x3  }
0x96: {  	_ =	strace s2  }
0x97: {  	_ =	strace $0x8FFFFFFF  }
0x98: {  	s18 =	sld [smem:$0x3FDB];
	_ =	sdelay $0x1  }
0x99: {  	s19 =	simm.s32 $_scs_section_size  }
0x9a: {  	s4 =	simm.s32 $_size__tile_overlayer_lowered;
	s5 =	simm.s32 $_tile_overlayer_lowered  }
0x9b: {  	s22 =	simm.s32 $0x1BFF;
	s21 =	sshll.u32 s5, $0x1;
	s2 =	sadd.s32 s19, s18  }
0x9c: {  	s6 =	simm.s32 $0x0;
	s20 =	sshll.u32 s4, $0x1;
	s4 =	sadd.s32 s21, s2  }
0x9d: {  	[timem:s6], [sflag:s22] =	dma.local [hbm:s4], s20  }
0x9e: {  	_ =	swait.ge [sflag:s22], s20  }
0x9f: {  	s3 =	ssub.s32 $0x0, s20;
	[sflag:s22] =	ssyncset.done $0x0  }
0xa0: {  	[sflag:s22] =	ssyncadd.s32 s3;
	_ =	sdelay $0x1  }
0xa1: {  	s23 =	simm.s32 $0x1B8B  }
0xa2: {  	_ =	swait.ge [sflag:s23], $0x1  }
0xa3: {  	[sflag:s23] =	ssyncset.done $0x0  }
0xa4: {  	s25 =	simm.s32 $0x1B8E;
	s24 =	sld [smem:$0x3FFE];
	[sflag:s23] =	ssyncadd.s32 $0xFFFFFFFF  }
0xa5: {  	s26 =	simm.s32 $execute0_lowered;
	[smem:$0x3FD2] =	sst s25  }
0xa6: {  	s4 =	sshll.u32 s26, $0x1;
	_ =	strace $0x8000004F;
	[dreg:$0x1] =	wrdreg $0xFFFFFFFF  }
0xa7: {  	s28 =	simm.s32 $_size_execute0_lowered;
	s2 =	sadd.s32 s2, s4;
	[dreg:$0x0] =	wrdreg $0x0  }
0xa8: {  	s4 =	sshll.u32 s28, $0x1;
	[dreg:$0x2] =	wrdreg s2  }
0xa9: {  	[dreg:$0x3] =	wrdreg s4  }
0xaa: {  	[dreg:$0x4] =	wrdreg $0xC0  }
0xab: {  	_ =	task [dreg:s6], $0x5FFFF  }
0xac: {  	[dreg:$0x1] =	wrdreg $0xFFFFFFFF  }
0xad: {  	[dreg:$0x0] =	wrdreg $0x60  }
0xae: {  	[dreg:$0x2] =	wrdreg s24  }
0xaf: {  	[dreg:$0x3] =	wrdreg $0xA1000  }
0xb0: {  	[dreg:$0x4] =	wrdreg $0x9  }
0xb1: {  	_ =	task.clear_ibuf [dreg:s6], $0x5FFFF;
	_ =	strace $0x9000004F  }
0xb2: {  	s29 =	simm.s32 $0x9;
	_ =	strace $0x80000051  }
0xb3: {  	_ =	swait.ge [sflag:s29], $0x1  }
0xb4: {  	[sflag:s29] =	ssyncadd.s32 $0xFFFFFFFF  }
0xb5: {  	_ =	strace $0x90000051  }
0xb6: {  	_ =	sfence  }
0xb7: {  	s30 =	sld [smem:$0x0];
	_ =	sdelay $0x2  }
0xb8: {  	s31 =	sshll.u32 s1, $0xD;
	s1 =	sshrl.u32 s1, $0x2  }
0xb9: {  	s3 =	sand.u32 $0x4000, s31;
	s1 =	sadd.s32 s1, s30  }
0xba: {  	s0 =	sor.u32 s3, s0;
	s1 =	sshll.u32 s1, $0x11  }
0xbb: {  	s0 =	sor.u32 s1, s0  }
0xbc: {  	s0 =	sadd.s32 $0x8F2B, s0  }
0xbd: {  	[sflag:s0] =	ssyncadd.remote.s32 $0x1  }
0xbe: {  	_ =	sfence.sel $0xFFFF  }
0xbf: {  	[dreg:$0x0] =	wrdreg $0xFFFFFFFF;
	(pc) =	sbr.abs _section_cstart, $3  }
0xc0: {  	[dreg:$0x1] =	wrdreg $0xFFFFFFFF  }
0xc1: {  	_ =	task.clear_ibuf [dreg:s6], $0x2FFFF;
	_ =	strace $0x9FFFFFFF  }
0xc2: {  	(tm) =	ssettm $0x7FFFFFFF  }
0xc3: {  	_ =	shalt  }
tec
execute0_lowered:
.L_overlay_start_1:
0x0: {  	(tag) =	ssettag $0x1  }
0x1: {  	s0 =	srdreg.scid  }
0x2: {  	s12 =	stileid.u32;
	s1 =	rddreg [dreg:$0x0]  }
0x3: {  	s2 =	rddreg [dreg:$0x1];
	s30 =	simm.s32 $0x5;
	s6 =	smul.u32 $0x280, s12  }
0x4: {  	s31 =	simm.s32 $0x3;
	s0 =	sand.u32 $0x1, s0;
	s10 =	smul.u32 $0x50000, s12  }
0x5: {  	s3 =	sshll.u32 s12, $0x1;
	s5 =	sadd.s32 $0x4000, s1;
	s26 =	smul.u32 $0x4E20, s12  }
0x6: {  	s11 =	sadd.s32 $0x17C00, s1;
	s4 =	sor.u32 s0, s3;
	s7 =	smul.u32 $0x2800, s0  }
0x7: {  	s3 =	simm.s32 $0x0;
	s23 =	ssub.s32 $0x2, s0;
	s0 =	smul.u32 $0x2710, s0  }
0x8: {  	s4 =	smul.u32 $0x2710, s4;
	[smem:$0x7FF] =	sst s3;
	s24 =	sshrl.u32 s10, $0x2  }
0x9: {  	s25 =	sshrl.u32 s23, $0x1;
	_ =	strace $0x80000050;
	[dreg:$0x3] =	wrdreg s11  }
0xa: {  	s6 =	sadd.s32 s6, s7;
	s24 =	sadd.s32 s24, s2;
	s0 =	sadd.s32 s0, s26  }
0xb: {  	s8 =	sshrl.u32 s4, $0x3;
	s4 =	sadd.s32 $0x18200, s1;
	s6 =	sshll.u32 s6, $0x4  }
0xc: {  	s11 =	sadd.s32 $0x2800, s24;
	s13 =	sadd.s32 $0x5000, s24;
	s18 =	sadd.s32 $0x190, s0  }
0xd: {  	s20 =	sadd.s32 $0x140, s0;
	s0 =	sadd.s32 $0xF0, s0;
	s9 =	sadd.s32 s8, s1  }
0xe: {  	s1 =	sadd.s32 s6, s1;
	s12 =	sadd.s32 s5, s8;
	[dreg:$0x11] =	wrdreg s0  }
0xf: {  	s6 =	ssub.s32 s23, s25;
	s25 =	sadd.s32 $0x11800, s24;
	[dreg:$0x5] =	wrdreg s12  }
0x10: {  	s14 =	sadd.s32 $0xA000, s24;
	s9 =	sadd.s32 $0xDE00, s9;
	[dreg:$0x13] =	wrdreg s25  }
0x11: {  	s10 =	sadd.s32 $0xC800, s24;
	s28 =	sadd.s32 $0x3F400, s1;
	[dreg:$0x4] =	wrdreg s9  }
0x12: {  	s23 =	sadd.s32 $0x7800, s24;
	s29 =	sadd.s32 $0x3F900, s1;
	[dreg:$0x6] =	wrdreg s28  }
0x13: {  	s19 =	sshrl.u32 s18, $0x3;
	s7 =	sadd.s32 $0x3FE00, s1;
	[dreg:$0x7] =	wrdreg s29  }
0x14: {  	s21 =	sshrl.u32 s20, $0x3;
	s15 =	sadd.s32 $0x40800, s1;
	[dreg:$0x8] =	wrdreg s7  }
0x15: {  	s18 =	simm.s32 $0x2880;
	s16 =	sadd.s32 $0x40D00, s1;
	[dreg:$0xa] =	wrdreg s15  }
0x16: {  	s20 =	simm.s32 $0x1;
	s17 =	sadd.s32 $0x41200, s1;
	[dreg:$0xb] =	wrdreg s16  }
0x17: {  	s0 =	simm.s32 $0x0;
	s6 =	smax.u32 s6, $0x1;
	[dreg:$0xc] =	wrdreg s17  }
0x18: {  	s22 =	sadd.s32 $0xA, s12;
	s26 =	sadd.s32 $0x14, s12;
	[dreg:$0xe] =	wrdreg s6  }
0x19: {  	s9 =	smov.u32 s14;
	s14 =	sadd.s32 $0x40300, s1;
	[dreg:$0x14] =	wrdreg s22  }
0x1a: {  	s1 =	sadd.s32 $0x41700, s1;
	s7 =	sadd.s32 $0xF000, s24;
	[dreg:$0x15] =	wrdreg s26  }
0x1b: {  	s28 =	sadd.s32 $0x4CE, s12;
	s29 =	sadd.s32 $0x4D8, s12;
	[dreg:$0x9] =	wrdreg s14  }
0x1c: {  	s6 =	simm.s32 $0x2900;
	s12 =	simm.s32 $0x7;
	[dreg:$0xd] =	wrdreg s1  }
0x1d: {  	s15 =	simm.s32 $0x50;
	s16 =	simm.s32 $0x2800;
	[dreg:$0x16] =	wrdreg s28  }
0x1e: {  	s17 =	simm.s32 $0x5100;
	s22 =	simm.s32 $0x2;
	[dreg:$0x17] =	wrdreg s29  }
0x1f: {  	s1 =	sadd.s32 s19, s5;
	s14 =	simm.s32 $0x2780;
	[dreg:$0x12] =	wrdreg s7  }
0x20: {  	s19 =	simm.s32 $0x7900;
	[dreg:$0xf] =	wrdreg s1;
	s1 =	sadd.s32 s21, s5  }
0x21: {  	s21 =	simm.s32 $0x4;
	[dreg:$0x10] =	wrdreg s1;
	s1 =	simm.s32 $0x6  }
.LBB2_1:
0x22: {  	s8 =	rddreg [dreg:$0x3]  }
0x23: {  	[tilespmem:s6], [sflag:$0x7] =	stream.linear.gather [hbm4b:s8+s3], $0x2800, $0x38;
	[tilespmem:$0x1E100] =	vst v63  }
0x24: {  	_ =	swait.ge [sflag:s12], $0x2800  }
0x25: {  	[sflag:s12] =	ssyncset.done $0x0  }
0x26: {  	[sflag:s12] =	ssyncadd.s32 $0xFFFFD800  }
0x27: {  	[spmem:s24] =	stream.linear.scatter [tilespmem:s6], [sflag:$0x7], $0x2800, $0x38;
	[tilespmem:$0x1E100] =	vst v63  }
0x28: {  	_ =	swait.ge [sflag:s12], $0x2800  }
0x29: {  	[sflag:s12] =	ssyncset.done $0x0  }
0x2a: {  	[sflag:s12] =	ssyncadd.s32 $0xFFFFD800  }
0x2b: {  	[spmem:s11] =	stream.linear.scatter [tilespmem:s6], [sflag:$0x7], $0x2800, $0x38;
	[tilespmem:$0x1E100] =	vst v63  }
0x2c: {  	_ =	swait.ge [sflag:s12], $0x2800  }
0x2d: {  	[sflag:s12] =	ssyncset.done $0x0  }
0x2e: {  	[sflag:s12] =	ssyncadd.s32 $0xFFFFD800  }
0x2f: {  	[spmem:s13] =	stream.linear.scatter [tilespmem:s6], [sflag:$0x7], $0x2800, $0x38;
	[tilespmem:$0x1E100] =	vst v63  }
0x30: {  	_ =	swait.ge [sflag:s12], $0x2800  }
0x31: {  	[sflag:s12] =	ssyncset.done $0x0  }
0x32: {  	[sflag:s12] =	ssyncadd.s32 $0xFFFFD800  }
0x33: {  	[spmem:s23] =	stream.linear.scatter [tilespmem:s6], [sflag:$0x7], $0x2800, $0x38;
	[tilespmem:$0x1E100] =	vst v63  }
0x34: {  	_ =	swait.ge [sflag:s12], $0x2800  }
0x35: {  	[sflag:s12] =	ssyncset.done $0x0  }
0x36: {  	[sflag:s12] =	ssyncadd.s32 $0xFFFFD800  }
0x37: {  	[spmem:s9] =	stream.linear.scatter [tilespmem:s6], [sflag:$0x7], $0x2800, $0x38;
	[tilespmem:$0x1E100] =	vst v63  }
0x38: {  	_ =	swait.ge [sflag:s12], $0x2800  }
0x39: {  	[sflag:s12] =	ssyncset.done $0x0  }
0x3a: {  	[sflag:s12] =	ssyncadd.s32 $0xFFFFD800  }
0x3b: {  	[spmem:s10] =	stream.linear.scatter [tilespmem:s6], [sflag:$0x7], $0x2800, $0x38;
	[tilespmem:$0x1E100] =	vst v63  }
0x3c: {  	_ =	swait.ge [sflag:s12], $0x2800  }
0x3d: {  	[sflag:s12] =	ssyncset.done $0x0  }
0x3e: {  	s8 =	smov.u32 s7;
	[sflag:s12] =	ssyncadd.s32 $0xFFFFD800  }
0x3f: {  	[spmem:s8] =	stream.linear.scatter [tilespmem:s6], [sflag:$0x7], $0x2800, $0x38;
	[tilespmem:$0x1E100] =	vst v63  }
0x40: {  	_ =	swait.ge [sflag:s12], $0x2800  }
0x41: {  	s29 =	smov.u32 s24;
	[sflag:s12] =	ssyncset.done $0x0  }
0x42: {  	s24 =	smov.u32 s11;
	s11 =	smov.u32 s25;
	[sflag:s12] =	ssyncadd.s32 $0xFFFFD800  }
0x43: {  	[spmem:s11] =	stream.linear.scatter [tilespmem:s6], [sflag:$0x7], $0x2800, $0x38;
	[tilespmem:$0x1E100] =	vst v63  }
0x44: {  	_ =	swait.ge [sflag:s12], $0x2800  }
0x45: {  	[sflag:s12] =	ssyncset.done $0x0  }
0x46: {  	s28 =	smov.u32 s9;
	s9 =	rddreg [dreg:$0x4];
	[sflag:s12] =	ssyncadd.s32 $0xFFFFD800  }
0x47: {  	[tilespmem:s3], [sflag:$0x7] =	stream.linear.gather [hbm4b:s9+s3], $0x2710, $0x38;
	[tilespmem:$0x1E100] =	vst v63  }
0x48: {  	_ =	swait.ge [sflag:s12], $0x2710  }
0x49: {  	[sflag:s12] =	ssyncset.done $0x0  }
0x4a: {  	[sflag:s12] =	ssyncadd.s32 $0xFFFFD8F0  }
0x4b: {  	[bflag:$0x0] =	sbarrier.arrive $0xFFFF  }
0x4c: {  	s7 =	smov.u32 s10;
	s10 =	rddreg [dreg:$0x5]  }
0x4d: {  	[tilespmem:s14], [sflag:$0x4] =	stream.linear.gather [hbm4b:s10+s3], $0x50, $0x38;
	[tilespmem:$0x1E100] =	vst v63  }
0x4e: {  	_ = 	snop  }
0x4f: {  	[tilespmem:s6], [sflag:$0x1] =	stream.indirect.gather [hbm4b:s4+s15], $0x80, s3, s15, $0xb8;
	[tilespmem:$0x1E100] =	vst v63  }
0x50: {  	s11 =	rddreg [dreg:$0x14]  }
0x51: {  	[tilespmem:s16], [sflag:$0x5] =	stream.linear.gather [hbm4b:s11+s3], $0x50, $0x38;
	[tilespmem:$0x1E100] =	vst v63  }
0x52: {  	_ = 	snop  }
0x53: {  	[tilespmem:s17], [sflag:$0x2] =	stream.indirect.gather [hbm4b:s4+s15], $0x80, s15, s15, $0xb8;
	[tilespmem:$0x1E100] =	vst v63  }
0x54: {  	s25 =	smov.u32 s13;
	s13 =	rddreg [dreg:$0x15]  }
0x55: {  	[tilespmem:s18], [sflag:$0x6] =	stream.linear.gather [hbm4b:s13+s3], $0x50, $0x38;
	[tilespmem:$0x1E100] =	vst v63  }
0x56: {  	s26 =	smov.u32 s23;
	s23 =	simm.s32 $0xA0  }
0x57: {  	[tilespmem:s19], [sflag:$0x3] =	stream.indirect.gather [hbm4b:s4+s15], $0x80, s23, s15, $0xb8;
	[tilespmem:$0x1E100] =	vst v63  }
0x58: {  	_ =	swait.ge [sflag:s20], $0x2800  }
0x59: {  	[sflag:s20] =	ssyncset.done $0x0  }
0x5a: {  	[sflag:s20] =	ssyncadd.s32 $0xFFFFD800  }
0x5b: {  	_ =	swait.ge [sflag:s21], $0x50  }
0x5c: {  	[sflag:s21] =	ssyncset.done $0x0  }
0x5d: {  	[sflag:s21] =	ssyncadd.s32 $0xFFFFFFB0  }
0x5e: {  	[spmem:s2] =	stream.indirect.scatter.add.f32 [tilespmem:s6], [sflag:$0x7], $0x80, s14, s15, $0xb8;
	[tilespmem:$0x1E100] =	vst v63  }
0x5f: {  	_ =	swait.ge [sflag:s12], $0x2800  }
0x60: {  	s11 =	rddreg [dreg:$0x11]  }
0x61: {  	[sflag:s12] =	ssyncset.done $0x0;
	s9 =	sshrl.u32 s11, $0x3  }
0x62: {  	[sflag:s12] =	ssyncadd.s32 $0xFFFFD800;
	s8 =	sadd.s32 s5, s9  }
0x63: {  	[tilespmem:s14], [sflag:$0x4] =	stream.linear.gather [hbm4b:s8+s3], $0x50, $0x38;
	[tilespmem:$0x1E100] =	vst v63  }
0x64: {  	s10 =	simm.s32 $0xF0  }
0x65: {  	[tilespmem:s6], [sflag:$0x1] =	stream.indirect.gather [hbm4b:s4+s15], $0x80, s10, s15, $0xb8;
	[tilespmem:$0x1E100] =	vst v63  }
0x66: {  	_ =	swait.ge [sflag:s22], $0x2800  }
0x67: {  	[sflag:s22] =	ssyncset.done $0x0  }
0x68: {  	[sflag:s22] =	ssyncadd.s32 $0xFFFFD800  }
0x69: {  	_ =	swait.ge [sflag:s30], $0x50  }
0x6a: {  	[sflag:s30] =	ssyncset.done $0x0  }
0x6b: {  	[sflag:s30] =	ssyncadd.s32 $0xFFFFFFB0  }
0x6c: {  	[spmem:s2] =	stream.indirect.scatter.add.f32 [tilespmem:s17], [sflag:$0x7], $0x80, s16, s15, $0xb8;
	[tilespmem:$0x1E100] =	vst v63  }
0x6d: {  	_ =	swait.ge [sflag:s12], $0x2800  }
0x6e: {  	[sflag:s12] =	ssyncset.done $0x0  }
0x6f: {  	s10 =	rddreg [dreg:$0x10];
	[sflag:s12] =	ssyncadd.s32 $0xFFFFD800  }
0x70: {  	[tilespmem:s16], [sflag:$0x5] =	stream.linear.gather [hbm4b:s10+s3], $0x50, $0x38;
	[tilespmem:$0x1E100] =	vst v63  }
0x71: {  	s13 =	simm.s32 $0x140  }
0x72: {  	[tilespmem:s17], [sflag:$0x2] =	stream.indirect.gather [hbm4b:s4+s15], $0x80, s13, s15, $0xb8;
	[tilespmem:$0x1E100] =	vst v63  }
0x73: {  	_ =	swait.ge [sflag:s31], $0x2800  }
0x74: {  	[sflag:s31] =	ssyncset.done $0x0  }
0x75: {  	[sflag:s31] =	ssyncadd.s32 $0xFFFFD800  }
0x76: {  	_ =	swait.ge [sflag:s1], $0x50  }
0x77: {  	[sflag:s1] =	ssyncset.done $0x0  }
0x78: {  	[sflag:s1] =	ssyncadd.s32 $0xFFFFFFB0  }
0x79: {  	[spmem:s2] =	stream.indirect.scatter.add.f32 [tilespmem:s19], [sflag:$0x7], $0x80, s18, s15, $0xb8;
	[tilespmem:$0x1E100] =	vst v63  }
0x7a: {  	s8 =	sadd.s32 $0xF0, s11;
	s11 =	simm.s32 $0x190;
	_ =	swait.ge [sflag:s12], $0x2800  }
0x7b: {  	s10 =	sadd.s32 $0x1E, s10;
	[sflag:s12] =	ssyncset.done $0x0;
	s23 =	rddreg [dreg:$0xf]  }
0x7c: {  	s13 =	simm.s32 $0x3C0;
	[sflag:s12] =	ssyncadd.s32 $0xFFFFD800;
	s9 =	sadd.s32 $0x1E, s23  }
0x7d: {  	[tilespmem:s18], [sflag:$0x6] =	stream.linear.gather [hbm4b:s23+s3], $0x50, $0x38;
	[tilespmem:$0x1E100] =	vst v63  }
.LBB2_2:
0x7e: {  	[tilespmem:s19], [sflag:$0x3] =	stream.indirect.gather [hbm4b:s4+s15], $0x80, s11, s15, $0xb8;
	[tilespmem:$0x1E100] =	vst v63  }
0x7f: {  	s11 =	smov.u32 s13  }
0x80: {  	p0 =	sne.s32 s13, $0x9240;
	s13 =	sadd.s32 $0x3C0, s13;
	_ =	swait.ge [sflag:s20], $0x2800  }
0x81: {  	[sflag:s20] =	ssyncset.done $0x0  }
0x82: {  	[sflag:s20] =	ssyncadd.s32 $0xFFFFD800  }
0x83: {  	_ =	swait.ge [sflag:s21], $0x50  }
0x84: {  	[sflag:s21] =	ssyncset.done $0x0  }
0x85: {  	[sflag:s21] =	ssyncadd.s32 $0xFFFFFFB0  }
0x86: {  	[spmem:s2] =	stream.indirect.scatter.add.f32 [tilespmem:s6], [sflag:$0x7], $0x80, s14, s15, $0xb8;
	[tilespmem:$0x1E100] =	vst v63  }
0x87: {  	_ =	swait.ge [sflag:s12], $0x2800  }
0x88: {  	s23 =	sshrl.u32 s8, $0x3;
	[sflag:s12] =	ssyncset.done $0x0  }
0x89: {  	s23 =	sadd.s32 s5, s23;
	s11 =	sshra.s32 s11, $0x2;
	[sflag:s12] =	ssyncadd.s32 $0xFFFFD800  }
0x8a: {  	[tilespmem:s14], [sflag:$0x4] =	stream.linear.gather [hbm4b:s23+s3], $0x50, $0x38;
	[tilespmem:$0x1E100] =	vst v63  }
0x8b: {  	s23 =	sadd.s32 $0xF0, s11  }
0x8c: {  	[tilespmem:s6], [sflag:$0x1] =	stream.indirect.gather [hbm4b:s4+s15], $0x80, s23, s15, $0xb8;
	[tilespmem:$0x1E100] =	vst v63  }
0x8d: {  	_ =	swait.ge [sflag:s22], $0x2800  }
0x8e: {  	[sflag:s22] =	ssyncset.done $0x0  }
0x8f: {  	[sflag:s22] =	ssyncadd.s32 $0xFFFFD800  }
0x90: {  	_ =	swait.ge [sflag:s30], $0x50  }
0x91: {  	[sflag:s30] =	ssyncset.done $0x0  }
0x92: {  	[sflag:s30] =	ssyncadd.s32 $0xFFFFFFB0  }
0x93: {  	[spmem:s2] =	stream.indirect.scatter.add.f32 [tilespmem:s17], [sflag:$0x7], $0x80, s16, s15, $0xb8;
	[tilespmem:$0x1E100] =	vst v63  }
0x94: {  	_ =	swait.ge [sflag:s12], $0x2800  }
0x95: {  	[sflag:s12] =	ssyncset.done $0x0  }
0x96: {  	[sflag:s12] =	ssyncadd.s32 $0xFFFFD800  }
0x97: {  	[tilespmem:s16], [sflag:$0x5] =	stream.linear.gather [hbm4b:s10+s3], $0x50, $0x38;
	[tilespmem:$0x1E100] =	vst v63  }
0x98: {  	s23 =	sadd.s32 $0x140, s11  }
0x99: {  	[tilespmem:s17], [sflag:$0x2] =	stream.indirect.gather [hbm4b:s4+s15], $0x80, s23, s15, $0xb8;
	[tilespmem:$0x1E100] =	vst v63  }
0x9a: {  	_ =	swait.ge [sflag:s31], $0x2800  }
0x9b: {  	[sflag:s31] =	ssyncset.done $0x0  }
0x9c: {  	[sflag:s31] =	ssyncadd.s32 $0xFFFFD800  }
0x9d: {  	_ =	swait.ge [sflag:s1], $0x50  }
0x9e: {  	[sflag:s1] =	ssyncset.done $0x0  }
0x9f: {  	[sflag:s1] =	ssyncadd.s32 $0xFFFFFFB0  }
0xa0: {  	[spmem:s2] =	stream.indirect.scatter.add.f32 [tilespmem:s19], [sflag:$0x7], $0x80, s18, s15, $0xb8;
	[tilespmem:$0x1E100] =	vst v63  }
.Ltmp0:
0xa1: {  	_ =	swait.ge [sflag:s12], $0x2800;
	(pc) =	sbr.rel @p0 .LBB2_2-.Ltmp0, $4  }
0xa2: {  	[sflag:s12] =	ssyncset.done $0x0  }
0xa3: {  	s8 =	sadd.s32 $0xF0, s8;
	[sflag:s12] =	ssyncadd.s32 $0xFFFFD800  }
0xa4: {  	[tilespmem:s18], [sflag:$0x6] =	stream.linear.gather [hbm4b:s9+s3], $0x50, $0x38;
	[tilespmem:$0x1E100] =	vst v63  }
0xa5: {  	s11 =	sadd.s32 $0x190, s11;
	s10 =	sadd.s32 $0x1E, s10;
	s9 =	sadd.s32 $0x1E, s9  }
0xa6: {  	[tilespmem:s19], [sflag:$0x3] =	stream.indirect.gather [hbm4b:s4+s15], $0x80, s11, s15, $0xb8;
	[tilespmem:$0x1E100] =	vst v63  }
0xa7: {  	_ =	swait.ge [sflag:s20], $0x2800  }
0xa8: {  	[sflag:s20] =	ssyncset.done $0x0  }
0xa9: {  	[sflag:s20] =	ssyncadd.s32 $0xFFFFD800  }
0xaa: {  	_ =	swait.ge [sflag:s21], $0x50  }
0xab: {  	[sflag:s21] =	ssyncset.done $0x0  }
0xac: {  	[sflag:s21] =	ssyncadd.s32 $0xFFFFFFB0  }
0xad: {  	[spmem:s2] =	stream.indirect.scatter.add.f32 [tilespmem:s6], [sflag:$0x7], $0x80, s14, s15, $0xb8;
	[tilespmem:$0x1E100] =	vst v63  }
0xae: {  	_ =	swait.ge [sflag:s12], $0x2800  }
0xaf: {  	[sflag:s12] =	ssyncset.done $0x0  }
0xb0: {  	s8 =	rddreg [dreg:$0x16];
	[sflag:s12] =	ssyncadd.s32 $0xFFFFD800  }
0xb1: {  	[tilespmem:s14], [sflag:$0x4] =	stream.linear.gather [hbm4b:s8+s3], $0x50, $0x38;
	[tilespmem:$0x1E100] =	vst v63  }
0xb2: {  	s9 =	simm.s32 $0x2670  }
0xb3: {  	[tilespmem:s6], [sflag:$0x1] =	stream.indirect.gather [hbm4b:s4+s15], $0x80, s9, s15, $0xb8;
	[tilespmem:$0x1E100] =	vst v63  }
0xb4: {  	_ =	swait.ge [sflag:s22], $0x2800  }
0xb5: {  	[sflag:s22] =	ssyncset.done $0x0  }
0xb6: {  	[sflag:s22] =	ssyncadd.s32 $0xFFFFD800  }
0xb7: {  	_ =	swait.ge [sflag:s30], $0x50  }
0xb8: {  	[sflag:s30] =	ssyncset.done $0x0  }
0xb9: {  	[sflag:s30] =	ssyncadd.s32 $0xFFFFFFB0  }
0xba: {  	[spmem:s2] =	stream.indirect.scatter.add.f32 [tilespmem:s17], [sflag:$0x7], $0x80, s16, s15, $0xb8;
	[tilespmem:$0x1E100] =	vst v63  }
0xbb: {  	_ =	swait.ge [sflag:s12], $0x2800  }
0xbc: {  	[sflag:s12] =	ssyncset.done $0x0  }
0xbd: {  	s10 =	rddreg [dreg:$0x17];
	[sflag:s12] =	ssyncadd.s32 $0xFFFFD800  }
0xbe: {  	[tilespmem:s16], [sflag:$0x5] =	stream.linear.gather [hbm4b:s10+s3], $0x50, $0x38;
	[tilespmem:$0x1E100] =	vst v63  }
0xbf: {  	s11 =	simm.s32 $0x26C0  }
0xc0: {  	[tilespmem:s17], [sflag:$0x2] =	stream.indirect.gather [hbm4b:s4+s15], $0x80, s11, s15, $0xb8;
	[tilespmem:$0x1E100] =	vst v63  }
0xc1: {  	_ =	swait.ge [sflag:s31], $0x2800  }
0xc2: {  	[sflag:s31] =	ssyncset.done $0x0  }
0xc3: {  	[sflag:s31] =	ssyncadd.s32 $0xFFFFD800  }
0xc4: {  	_ =	swait.ge [sflag:s1], $0x50  }
0xc5: {  	[sflag:s1] =	ssyncset.done $0x0  }
0xc6: {  	[sflag:s1] =	ssyncadd.s32 $0xFFFFFFB0  }
0xc7: {  	[spmem:s2] =	stream.indirect.scatter.add.f32 [tilespmem:s19], [sflag:$0x7], $0x80, s18, s15, $0xb8;
	[tilespmem:$0x1E100] =	vst v63  }
0xc8: {  	_ =	swait.ge [sflag:s12], $0x2800  }
0xc9: {  	[sflag:s12] =	ssyncset.done $0x0  }
0xca: {  	[sflag:s12] =	ssyncadd.s32 $0xFFFFD800  }
0xcb: {  	_ =	swait.ge [sflag:s20], $0x2800  }
0xcc: {  	[sflag:s20] =	ssyncset.done $0x0  }
0xcd: {  	[sflag:s20] =	ssyncadd.s32 $0xFFFFD800  }
0xce: {  	_ =	swait.ge [sflag:s21], $0x50  }
0xcf: {  	[sflag:s21] =	ssyncset.done $0x0  }
0xd0: {  	[sflag:s21] =	ssyncadd.s32 $0xFFFFFFB0  }
0xd1: {  	[spmem:s2] =	stream.indirect.scatter.add.f32 [tilespmem:s6], [sflag:$0x7], $0x80, s14, s15, $0xb8;
	[tilespmem:$0x1E100] =	vst v63  }
0xd2: {  	_ =	swait.ge [sflag:s12], $0x2800  }
0xd3: {  	[sflag:s12] =	ssyncset.done $0x0  }
0xd4: {  	[sflag:s12] =	ssyncadd.s32 $0xFFFFD800  }
0xd5: {  	_ =	swait.ge [sflag:s22], $0x2800  }
0xd6: {  	[sflag:s22] =	ssyncset.done $0x0  }
0xd7: {  	[sflag:s22] =	ssyncadd.s32 $0xFFFFD800  }
0xd8: {  	_ =	swait.ge [sflag:s30], $0x50  }
0xd9: {  	[sflag:s30] =	ssyncset.done $0x0  }
0xda: {  	[sflag:s30] =	ssyncadd.s32 $0xFFFFFFB0  }
0xdb: {  	[spmem:s2] =	stream.indirect.scatter.add.f32 [tilespmem:s17], [sflag:$0x7], $0x80, s16, s15, $0xb8;
	[tilespmem:$0x1E100] =	vst v63  }
0xdc: {  	_ =	swait.ge [sflag:s12], $0x2800  }
0xdd: {  	[sflag:s12] =	ssyncset.done $0x0  }
0xde: {  	[sflag:s12] =	ssyncadd.s32 $0xFFFFD800  }
0xdf: {  	[bflag:$0x0] =	sbarrier.arrive $0xFFFF  }
0xe0: {  	[tilespmem:s6], [sflag:$0x7] =	stream.linear.gather [spmem:s29], $0x2800, $0x38;
	[tilespmem:$0x1E100] =	vst v63  }
0xe1: {  	_ =	swait.ge [sflag:s12], $0x2800  }
0xe2: {  	[sflag:s12] =	ssyncset.done $0x0  }
0xe3: {  	s13 =	rddreg [dreg:$0x6];
	[sflag:s12] =	ssyncadd.s32 $0xFFFFD800  }
0xe4: {  	[hbm4b:s13+s3] =	stream.linear.scatter [tilespmem:s6], [sflag:$0x7], $0x2800, $0x38;
	[tilespmem:$0x1E100] =	vst v63  }
0xe5: {  	_ =	swait.ge [sflag:s12], $0x2800  }
0xe6: {  	[sflag:s12] =	ssyncset.done $0x0  }
0xe7: {  	s11 =	smov.u32 s24;
	[sflag:s12] =	ssyncadd.s32 $0xFFFFD800  }
0xe8: {  	[tilespmem:s6], [sflag:$0x7] =	stream.linear.gather [spmem:s11], $0x2800, $0x38;
	[tilespmem:$0x1E100] =	vst v63  }
0xe9: {  	_ =	swait.ge [sflag:s12], $0x2800  }
0xea: {  	[sflag:s12] =	ssyncset.done $0x0  }
0xeb: {  	s23 =	rddreg [dreg:$0x7];
	[sflag:s12] =	ssyncadd.s32 $0xFFFFD800  }
0xec: {  	[hbm4b:s23+s3] =	stream.linear.scatter [tilespmem:s6], [sflag:$0x7], $0x2800, $0x38;
	[tilespmem:$0x1E100] =	vst v63  }
0xed: {  	_ =	swait.ge [sflag:s12], $0x2800  }
0xee: {  	[sflag:s12] =	ssyncset.done $0x0  }
0xef: {  	[sflag:s12] =	ssyncadd.s32 $0xFFFFD800  }
0xf0: {  	[tilespmem:s6], [sflag:$0x7] =	stream.linear.gather [spmem:s25], $0x2800, $0x38;
	[tilespmem:$0x1E100] =	vst v63  }
0xf1: {  	_ =	swait.ge [sflag:s12], $0x2800  }
0xf2: {  	[sflag:s12] =	ssyncset.done $0x0  }
0xf3: {  	s24 =	smov.u32 s29;
	s29 =	rddreg [dreg:$0x8];
	[sflag:s12] =	ssyncadd.s32 $0xFFFFD800  }
0xf4: {  	[hbm4b:s29+s3] =	stream.linear.scatter [tilespmem:s6], [sflag:$0x7], $0x2800, $0x38;
	[tilespmem:$0x1E100] =	vst v63  }
0xf5: {  	_ =	swait.ge [sflag:s12], $0x2800  }
0xf6: {  	[sflag:s12] =	ssyncset.done $0x0  }
0xf7: {  	[sflag:s12] =	ssyncadd.s32 $0xFFFFD800  }
0xf8: {  	[tilespmem:s6], [sflag:$0x7] =	stream.linear.gather [spmem:s26], $0x2800, $0x38;
	[tilespmem:$0x1E100] =	vst v63  }
0xf9: {  	_ =	swait.ge [sflag:s12], $0x2800  }
0xfa: {  	[sflag:s12] =	ssyncset.done $0x0  }
0xfb: {  	s9 =	rddreg [dreg:$0x9];
	[sflag:s12] =	ssyncadd.s32 $0xFFFFD800  }
0xfc: {  	[hbm4b:s9+s3] =	stream.linear.scatter [tilespmem:s6], [sflag:$0x7], $0x2800, $0x38;
	[tilespmem:$0x1E100] =	vst v63  }
0xfd: {  	_ =	swait.ge [sflag:s12], $0x2800  }
0xfe: {  	[sflag:s12] =	ssyncset.done $0x0  }
0xff: {  	[sflag:s12] =	ssyncadd.s32 $0xFFFFD800  }
0x100: {  	[tilespmem:s6], [sflag:$0x7] =	stream.linear.gather [spmem:s28], $0x2800, $0x38;
	[tilespmem:$0x1E100] =	vst v63  }
0x101: {  	_ =	swait.ge [sflag:s12], $0x2800  }
0x102: {  	[sflag:s12] =	ssyncset.done $0x0  }
0x103: {  	s10 =	rddreg [dreg:$0xa];
	[sflag:s12] =	ssyncadd.s32 $0xFFFFD800  }
0x104: {  	[hbm4b:s10+s3] =	stream.linear.scatter [tilespmem:s6], [sflag:$0x7], $0x2800, $0x38;
	[tilespmem:$0x1E100] =	vst v63  }
0x105: {  	_ =	swait.ge [sflag:s12], $0x2800  }
0x106: {  	[sflag:s12] =	ssyncset.done $0x0  }
0x107: {  	[sflag:s12] =	ssyncadd.s32 $0xFFFFD800  }
0x108: {  	[tilespmem:s6], [sflag:$0x7] =	stream.linear.gather [spmem:s7], $0x2800, $0x38;
	[tilespmem:$0x1E100] =	vst v63  }
0x109: {  	_ =	swait.ge [sflag:s12], $0x2800  }
0x10a: {  	[sflag:s12] =	ssyncset.done $0x0  }
0x10b: {  	s13 =	smov.u32 s25;
	s25 =	rddreg [dreg:$0xb];
	[sflag:s12] =	ssyncadd.s32 $0xFFFFD800  }
0x10c: {  	[hbm4b:s25+s3] =	stream.linear.scatter [tilespmem:s6], [sflag:$0x7], $0x2800, $0x38;
	[tilespmem:$0x1E100] =	vst v63  }
0x10d: {  	_ =	swait.ge [sflag:s12], $0x2800  }
0x10e: {  	[sflag:s12] =	ssyncset.done $0x0  }
0x10f: {  	s10 =	smov.u32 s7;
	s7 =	rddreg [dreg:$0x12];
	[sflag:s12] =	ssyncadd.s32 $0xFFFFD800  }
0x110: {  	[tilespmem:s6], [sflag:$0x7] =	stream.linear.gather [spmem:s7], $0x2800, $0x38;
	[tilespmem:$0x1E100] =	vst v63  }
0x111: {  	_ =	swait.ge [sflag:s12], $0x2800  }
0x112: {  	[sflag:s12] =	ssyncset.done $0x0  }
0x113: {  	s23 =	smov.u32 s26;
	s26 =	rddreg [dreg:$0xc];
	[sflag:s12] =	ssyncadd.s32 $0xFFFFD800  }
0x114: {  	[hbm4b:s26+s3] =	stream.linear.scatter [tilespmem:s6], [sflag:$0x7], $0x2800, $0x38;
	[tilespmem:$0x1E100] =	vst v63  }
0x115: {  	_ =	swait.ge [sflag:s12], $0x2800  }
0x116: {  	[sflag:s12] =	ssyncset.done $0x0  }
0x117: {  	s25 =	rddreg [dreg:$0x13];
	[sflag:s12] =	ssyncadd.s32 $0xFFFFD800  }
0x118: {  	[tilespmem:s6], [sflag:$0x7] =	stream.linear.gather [spmem:s25], $0x2800, $0x38;
	[tilespmem:$0x1E100] =	vst v63  }
0x119: {  	_ =	swait.ge [sflag:s12], $0x2800  }
0x11a: {  	[sflag:s12] =	ssyncset.done $0x0  }
0x11b: {  	s9 =	smov.u32 s28;
	s28 =	rddreg [dreg:$0xd];
	[sflag:s12] =	ssyncadd.s32 $0xFFFFD800  }
0x11c: {  	[hbm4b:s28+s3] =	stream.linear.scatter [tilespmem:s6], [sflag:$0x7], $0x2800, $0x38;
	[tilespmem:$0x1E100] =	vst v63  }
0x11d: {  	_ =	swait.ge [sflag:s12], $0x2800  }
0x11e: {  	s0 =	sadd.s32 $0x1, s0;
	s29 =	rddreg [dreg:$0xe]  }
0x11f: {  	p0 =	sne.s32 s0, s29  }
.Ltmp1:
0x120: {  	_ = 	snop;
	(pc) =	sbr.rel @p0 .LBB2_1-.Ltmp1, $3  }
0x121: {  	_ =	sdelay $0x1  }
0x122: {  	[sflag:s12] =	ssyncset.done $0x0  }
0x123: {  	[sflag:s12] =	ssyncadd.s32 $0xFFFFD800  }
0x124: {  	_ =	sfence.sel $0x180000  }
0x125: {  	[bflag:$0x0] =	sbarrier.arrive $0xFFFF  }
0x126: {  	_ =	strace $0x90000050  }
0x127: {  	s0 =	stileid.u32;
	[bflag:$0x2] =	sbarrier.arrive $0xFFFF  }
0x128: {  	p0 =	sne.s32 s0, $0x0;
	s0 =	rddreg [dreg:$0x2]  }
0x129: {  	s0 =	sadd.s32 @!p0 $0x100000, s0  }
0x12a: {  	[sflag:s0] =	ssyncadd.tile.s32 @!p0 $0x1;
	_ =	shalt  }
.Lfunc_end2:
_tile_overlayer_lowered:
.L_overlay_start_2:
0x12b: {  	(tag) =	ssettag $0x2  }
0x12c: {  	s0 =	rddreg [dreg:$0x0];
	s2 =	stileid.u32  }
0x12d: {  	s1 =	rddreg [dreg:$0x1];
	p0 =	sne.s32 s2, $0x0  }
0x12e: {  	s3 =	rddreg [dreg:$0x2];
	[bflag:$0x3] =	sbarrier.arrive $0xFFFF;
	s2 =	simm.s32 @!p0 $0x1C07  }
0x12f: {  	[timem:s3], [sflag:s2] =	dma.local @!p0 [hbm:s0], s1  }
0x130: {  	s0 =	simm.s32 @!p0 $0x7  }
0x131: {  	_ =	swait.ge @!p0 [sflag:s0], s1  }
0x132: {  	s1 =	ssub.s32 @!p0 $0x0, s1;
	[sflag:s0] =	ssyncset.done @!p0 $0x0  }
0x133: {  	[sflag:s0] =	ssyncadd.s32 @!p0 s1  }
0x134: {  	[bflag:$0x3] =	sbarrier.arrive $0xFFFF  }
0x135: {  	_ =	shalt  }

// kernel: sc_agg.5.cloned.1.call-start
scs
__scs_entry_jumppad:
0x0: {  	(pc) =	sbr.rel $0x88, $3  }
0x1: {  	(tag) =	ssettag $0x0;
	lr =	simm.s32 $0x1  }
0x2: {  	[smem:$0x3F8C] =	sst lr;
	_ =	strace $0xD0000000  }
0x3: {  	_ = 	snop  }
0x4: {  	_ = 	snop  }
0x5: {  	_ = 	snop  }
0x6: {  	_ = 	snop  }
0x7: {  	_ = 	snop  }
__scs_overlays_trampoline_lowered:
0x8: {  	[smem:$0x3F9B] =	sst s0  }
0x9: {  	[smem:$0x3F9C] =	sst s1  }
0xa: {  	[smem:$0x3F9D] =	sst s2  }
0xb: {  	[smem:$0x3F9E] =	sst s3  }
0xc: {  	[smem:$0x3F9F] =	sst s4  }
0xd: {  	[smem:$0x3FA0] =	sst s5  }
0xe: {  	[smem:$0x3FA1] =	sst s6  }
0xf: {  	[smem:$0x3FA2] =	sst s7  }
0x10: {  	[smem:$0x3FA3] =	sst s8  }
0x11: {  	[smem:$0x3FA4] =	sst s9;
	s0 =	simm.s32 @!p0 $0x0  }
0x12: {  	s1 =	sld [smem:$0x3F8A];
	s0 =	simm.s32 @p0 $0x1  }
0x13: {  	[smem:$0x3FA5] =	sst s0;
	s0 =	simm.s32 @!p1 $0x0  }
0x14: {  	s2 =	sld [smem:$0x3F89];
	s0 =	simm.s32 @p1 $0x1  }
0x15: {  	[smem:$0x3FA6] =	sst s0;
	s0 =	simm.s32 @!p2 $0x0  }
0x16: {  	s3 =	sld [smem:$0x3FDB];
	s0 =	simm.s32 @p2 $0x1  }
0x17: {  	s4 =	simm.s32 $0x1BF5;
	[smem:$0x3FA8] =	sst s0  }
0x18: {  	s0 =	sld [smem:$0x3F8B];
	_ =	swait.ge [sflag:s4], $0x0  }
0x19: {  	s7 =	sld [smem:$0x3F8C]  }
0x1a: {  	s8 =	sadd.s32 $0xFFFFE003, lr  }
0x1b: {  	s9 =	sadd.s32 $0xFFFFFEF7, lr;
	s5 =	simm.s32 $0xFFFFFFFF;
	p2 =	slt.u32 s8, $0xFFFFF086  }
0x1c: {  	p1 =	slt.u32 s9, $0xF7A;
	s5 =	simm.s32 @!p2 $0x0  }
0x1d: {  	s5 =	simm.s32 @p1 $0x1;
	p0 =	seq.s32 s7, s2  }
0x1e: {  	s7 =	smul.u32 @!p0 $0xF7A, s2;
	p2 =	seq.s32 @!p0 s5, $0x0  }
0x1f: {  	s9 =	smul.u32 $0xF7A, s1;
	s8 =	simm.s32 @!p0 $0x1BF5;
	p2 =	por !p2, p0  }
0x20: {  	[sflag:s8] =	ssyncset.s32 @!p0 $0xFFFFF086;
	s6 =	sadd.s32 @!p0 s3, s7;
	s7 =	simm.s32 @!p0 $0x108  }
0x21: {  	s3 =	sadd.s32 s3, s9;
	s6 =	sadd.s32 @!p0 $0x88, s6;
	s7 =	simm.s32 @p2 $0x1082  }
0x22: {  	[simem:s7], [sflag:s8] =	dma.local @!p0 [hbm:s6], $0xF7A  }
0x23: {  	s9 =	sor.u32 $0xD0000000, s2;
	s6 =	simm.s32 $0x108;
	_ =	swait.ge @!p0 [sflag:s8], $0x0  }
0x24: {  	s3 =	sadd.s32 $0x88, s3;
	s6 =	simm.s32 @!p1 $0x1082;
	[sflag:s4] =	ssyncset.s32 $0xFFFFF086  }
0x25: {  	[simem:s6], [sflag:s4] =	dma.local [hbm:s3], $0xF7A  }
0x26: {  	[smem:$0x3F8C] =	sst s1;
	(tag) =	ssettag s2;
	_ =	strace s9  }
0x27: {  	s1 =	sld [smem:$0x3F9C]  }
0x28: {  	s2 =	sld [smem:$0x3F9D]  }
0x29: {  	s4 =	sld [smem:$0x3F9F]  }
0x2a: {  	p0 =	seq.s32 s5, $0x0;
	s5 =	sld [smem:$0x3FA0]  }
0x2b: {  	s6 =	sld [smem:$0x3FA1]  }
0x2c: {  	s7 =	sld [smem:$0x3FA2]  }
0x2d: {  	s3 =	simm.s32 $0x108;
	s8 =	sld [smem:$0x3FA3]  }
0x2e: {  	s3 =	simm.s32 @!p0 $0x1082;
	s9 =	sld [smem:$0x3FA4]  }
0x2f: {  	lr =	sadd.s32 s0, s3;
	s0 =	sld [smem:$0x3F9B]  }
0x30: {  	s3 =	sld [smem:$0x3F9E]  }
0x31: {  	[smem:$0x3FA7] =	sst s10  }
0x32: {  	s10 =	sld [smem:$0x3FA5];
	_ =	sdelay $0x3  }
0x33: {  	p0 =	seq.s32 s10, $0x1;
	s10 =	sld [smem:$0x3FA7];
	_ =	sdelay $0x3  }
0x34: {  	[smem:$0x3FA7] =	sst s10  }
0x35: {  	s10 =	sld [smem:$0x3FA6];
	_ =	sdelay $0x3  }
0x36: {  	p1 =	seq.s32 s10, $0x1;
	s10 =	sld [smem:$0x3FA7];
	_ =	sdelay $0x3  }
0x37: {  	[smem:$0x3FA7] =	sst s10  }
0x38: {  	s10 =	sld [smem:$0x3FA8]  }
0x39: {  	_ = 	snop;
	(pc) =	sbr.ind lr, $3  }
0x3a: {  	_ = 	snop  }
0x3b: {  	_ = 	snop  }
0x3c: {  	p2 =	seq.s32 s10, $0x1;
	s10 =	sld [smem:$0x3FA7]  }
0x3d: {  	_ =	shalt  }
0x3e: {  	_ =	shalt  }
0x3f: {  	_ =	shalt  }
0x40: {  	_ =	shalt  }
0x41: {  	_ =	shalt  }
0x42: {  	_ =	shalt  }
0x43: {  	_ =	shalt  }
0x44: {  	_ =	shalt  }
0x45: {  	_ =	shalt  }
0x46: {  	_ =	shalt  }
0x47: {  	_ =	shalt  }
0x48: {  	_ =	shalt  }
0x49: {  	_ =	shalt  }
0x4a: {  	_ =	shalt  }
0x4b: {  	_ =	shalt  }
0x4c: {  	_ =	shalt  }
0x4d: {  	_ =	shalt  }
0x4e: {  	_ =	shalt  }
0x4f: {  	_ =	shalt  }
0x50: {  	_ =	shalt  }
0x51: {  	_ =	shalt  }
0x52: {  	_ =	shalt  }
0x53: {  	_ =	shalt  }
0x54: {  	_ =	shalt  }
0x55: {  	_ =	shalt  }
0x56: {  	_ =	shalt  }
0x57: {  	_ =	shalt  }
0x58: {  	_ =	shalt  }
0x59: {  	_ =	shalt  }
0x5a: {  	_ =	shalt  }
0x5b: {  	_ =	shalt  }
0x5c: {  	_ =	shalt  }
0x5d: {  	_ =	shalt  }
0x5e: {  	_ =	shalt  }
0x5f: {  	_ =	shalt  }
0x60: {  	_ =	shalt  }
0x61: {  	_ =	shalt  }
0x62: {  	_ =	shalt  }
0x63: {  	_ =	shalt  }
0x64: {  	_ =	shalt  }
0x65: {  	_ =	shalt  }
0x66: {  	_ =	shalt  }
0x67: {  	_ =	shalt  }
0x68: {  	_ =	shalt  }
0x69: {  	_ =	shalt  }
0x6a: {  	_ =	shalt  }
0x6b: {  	_ =	shalt  }
0x6c: {  	_ =	shalt  }
0x6d: {  	_ =	shalt  }
0x6e: {  	_ =	shalt  }
0x6f: {  	_ =	shalt  }
0x70: {  	_ =	shalt  }
0x71: {  	_ =	shalt  }
0x72: {  	_ =	shalt  }
0x73: {  	_ =	shalt  }
0x74: {  	_ =	shalt  }
0x75: {  	_ =	shalt  }
0x76: {  	_ =	shalt  }
0x77: {  	_ =	shalt  }
0x78: {  	_ =	shalt  }
0x79: {  	_ =	shalt  }
0x7a: {  	_ =	shalt  }
0x7b: {  	_ =	shalt  }
0x7c: {  	_ =	shalt  }
0x7d: {  	_ =	shalt  }
0x7e: {  	_ =	shalt  }
0x7f: {  	_ =	shalt  }
0x80: {  	_ =	shalt  }
0x81: {  	_ =	shalt  }
0x82: {  	_ =	shalt  }
0x83: {  	_ =	shalt  }
0x84: {  	_ =	shalt  }
0x85: {  	_ =	shalt  }
0x86: {  	_ =	shalt  }
0x87: {  	_ =	shalt  }
.Lfunc_end0:
.L_simem_size_0:
called_computation.1_lowered:
.L_overlay_start_0:
0x88: {  	s2 =	sld [smem:$0x3FD9]  }
0x89: {  	s3 =	sld [smem:$0x3FFE];
	_ =	sdelay $0x1  }
0x8a: {  	s1 =	srdreg.scid  }
0x8b: {  	s0 =	sand.u32 $0x1, s1  }
0x8c: {  	s17 =	sshll.u32 s0, $0xA;
	s2 =	sadd.s32 s3, s2  }
0x8d: {  	s2 =	sadd.s32 s2, s17  }
0x8e: {  	[smem:$0x3FB3] =	sst s2  }
0x8f: {  	_ = 	snop  }
0x90: {  	s2 =	sld [smem:$0x3FC9];
	(tm) =	ssettm $0x1  }
0x91: {  	s18 =	sld [smem:$0x3FFB];
	_ =	sdelay $0x3  }
0x92: {  	_ =	strace s18  }
0x93: {  	s3 =	sld [smem:$0x3FFC];
	_ =	sdelay $0x3  }
0x94: {  	_ =	strace s3  }
0x95: {  	s3 =	sld [smem:$0x3FFD];
	_ =	sdelay $0x3  }
0x96: {  	_ =	strace s3  }
0x97: {  	_ =	strace $0x8FFFFFFF  }
0x98: {  	s19 =	sld [smem:$0x3FDB];
	_ =	sdelay $0x1  }
0x99: {  	s4 =	simm.s32 $_scs_section_size  }
0x9a: {  	s5 =	simm.s32 $_size__tile_overlayer_lowered;
	s6 =	simm.s32 $_tile_overlayer_lowered  }
0x9b: {  	s22 =	simm.s32 $0x1BFF;
	s21 =	sshll.u32 s6, $0x1;
	s3 =	sadd.s32 s4, s19  }
0x9c: {  	s7 =	simm.s32 $0x0;
	s20 =	sshll.u32 s5, $0x1;
	s5 =	sadd.s32 s21, s3  }
0x9d: {  	[timem:s7], [sflag:s22] =	dma.local [hbm:s5], s20  }
0x9e: {  	_ =	swait.ge [sflag:s22], s20  }
0x9f: {  	s4 =	ssub.s32 $0x0, s20;
	[sflag:s22] =	ssyncset.done $0x0  }
0xa0: {  	[sflag:s22] =	ssyncadd.s32 s4;
	_ =	sdelay $0x1  }
0xa1: {  	s23 =	simm.s32 $0x1B8B  }
0xa2: {  	_ =	swait.ge [sflag:s23], $0x1  }
0xa3: {  	[sflag:s23] =	ssyncset.done $0x0  }
0xa4: {  	s25 =	simm.s32 $0x1B8E;
	s24 =	sld [smem:$0x3FFE];
	[sflag:s23] =	ssyncadd.s32 $0xFFFFFFFF  }
0xa5: {  	s26 =	simm.s32 $execute0_lowered;
	[smem:$0x3FD2] =	sst s25  }
0xa6: {  	s5 =	sshll.u32 s26, $0x1;
	_ =	strace $0x80000046;
	[dreg:$0x1] =	wrdreg $0xFFFFFFFF  }
0xa7: {  	s28 =	simm.s32 $_size_execute0_lowered;
	s3 =	sadd.s32 s3, s5;
	[dreg:$0x0] =	wrdreg $0x0  }
0xa8: {  	s5 =	sshll.u32 s28, $0x1;
	[dreg:$0x2] =	wrdreg s3  }
0xa9: {  	[dreg:$0x3] =	wrdreg s5  }
0xaa: {  	[dreg:$0x4] =	wrdreg $0xC0  }
0xab: {  	_ =	task [dreg:s7], $0x5FFFF  }
0xac: {  	[dreg:$0x1] =	wrdreg $0xFFFFFFFF  }
0xad: {  	[dreg:$0x0] =	wrdreg $0x60  }
0xae: {  	[dreg:$0x2] =	wrdreg s2  }
0xaf: {  	[dreg:$0x3] =	wrdreg s24  }
0xb0: {  	[dreg:$0x4] =	wrdreg $0xA1000  }
0xb1: {  	[dreg:$0x5] =	wrdreg $0xA  }
0xb2: {  	_ =	task.clear_ibuf [dreg:s7], $0x6FFFF;
	_ =	strace $0x90000046  }
0xb3: {  	s29 =	simm.s32 $0xA;
	_ =	strace $0x80000048  }
0xb4: {  	_ =	swait.ge [sflag:s29], $0x1  }
0xb5: {  	[sflag:s29] =	ssyncadd.s32 $0xFFFFFFFF  }
0xb6: {  	_ =	strace $0x90000048  }
0xb7: {  	_ =	sfence  }
0xb8: {  	s30 =	sld [smem:$0x0];
	_ =	sdelay $0x2  }
0xb9: {  	s31 =	sshll.u32 s1, $0xD;
	s1 =	sshrl.u32 s1, $0x2  }
0xba: {  	s3 =	sand.u32 $0x4000, s31;
	s1 =	sadd.s32 s1, s30  }
0xbb: {  	s0 =	sor.u32 s3, s0;
	s1 =	sshll.u32 s1, $0x11  }
0xbc: {  	s0 =	sor.u32 s1, s0  }
0xbd: {  	s0 =	sadd.s32 $0x8F2B, s0  }
0xbe: {  	[sflag:s0] =	ssyncadd.remote.s32 $0x1  }
0xbf: {  	_ =	sfence.sel $0xFFFF  }
0xc0: {  	[dreg:$0x0] =	wrdreg $0xFFFFFFFF;
	(pc) =	sbr.abs _section_cstart, $3  }
0xc1: {  	[dreg:$0x1] =	wrdreg $0xFFFFFFFF  }
0xc2: {  	_ =	task.clear_ibuf [dreg:s7], $0x2FFFF;
	_ =	strace $0x9FFFFFFF  }
0xc3: {  	(tm) =	ssettm $0x7FFFFFFF  }
tec
execute0_lowered:
.L_overlay_start_1:
0x0: {  	(tag) =	ssettag $0x1  }
0x1: {  	s1 =	rddreg [dreg:$0x0]  }
0x2: {  	s0 =	srdreg.scid;
	s6 =	rddreg [dreg:$0x1]  }
0x3: {  	s12 =	stileid.u32;
	s3 =	rddreg [dreg:$0x2];
	s4 =	simm.s32 $0x0  }
0x4: {  	s30 =	simm.s32 $0x5;
	s31 =	simm.s32 $0x3;
	s7 =	smul.u32 $0x280, s12  }
0x5: {  	s0 =	sand.u32 $0x1, s0;
	s2 =	sshll.u32 s12, $0x1;
	s10 =	smul.u32 $0x50000, s12  }
0x6: {  	[smem:$0x7FF] =	sst s4;
	s5 =	sadd.s32 $0x4000, s6;
	s28 =	smul.u32 $0x4E20, s12  }
0x7: {  	s11 =	sadd.s32 $0x17C00, s6;
	s2 =	sor.u32 s0, s2;
	s8 =	smul.u32 $0x2800, s0  }
0x8: {  	_ =	strace $0x80000047;
	s25 =	ssub.s32 $0x2, s0;
	s0 =	smul.u32 $0x2710, s0  }
0x9: {  	[dreg:$0x4] =	wrdreg s11;
	s2 =	smul.u32 $0x2710, s2;
	s10 =	sshrl.u32 s10, $0x2  }
0xa: {  	s26 =	sshrl.u32 s25, $0x1;
	s7 =	sadd.s32 s7, s8;
	s24 =	sadd.s32 s10, s3  }
0xb: {  	s8 =	ssub.s32 s25, s26;
	s0 =	sadd.s32 s0, s28;
	s2 =	sshrl.u32 s2, $0x3  }
0xc: {  	s7 =	sshll.u32 s7, $0x4;
	s11 =	sadd.s32 $0x2800, s24;
	s13 =	sadd.s32 $0x5000, s24  }
0xd: {  	s23 =	sadd.s32 $0x7800, s24;
	s19 =	sadd.s32 $0x190, s0;
	s8 =	smax.u32 s8, $0x1  }
0xe: {  	s20 =	sadd.s32 $0x140, s0;
	s0 =	sadd.s32 $0xF0, s0;
	[dreg:$0xf] =	wrdreg s8  }
0xf: {  	s14 =	sadd.s32 $0xA000, s24;
	s25 =	sadd.s32 $0x11800, s24;
	[dreg:$0x12] =	wrdreg s0  }
0x10: {  	s9 =	sadd.s32 s2, s6;
	s12 =	sadd.s32 s5, s2;
	[dreg:$0x14] =	wrdreg s25  }
0x11: {  	s6 =	sadd.s32 s7, s6;
	s9 =	sadd.s32 $0xDE00, s9;
	[dreg:$0x6] =	wrdreg s12  }
0x12: {  	s10 =	sadd.s32 $0xC800, s24;
	s29 =	sadd.s32 $0x18200, s6;
	[dreg:$0x5] =	wrdreg s9  }
0x13: {  	s2 =	sshrl.u32 s19, $0x3;
	s7 =	sadd.s32 $0x18700, s6;
	[dreg:$0x7] =	wrdreg s29  }
0x14: {  	s21 =	sshrl.u32 s20, $0x3;
	s15 =	sadd.s32 $0x19100, s6;
	[dreg:$0x8] =	wrdreg s7  }
0x15: {  	s19 =	simm.s32 $0x7900;
	s16 =	sadd.s32 $0x19600, s6;
	[dreg:$0xa] =	wrdreg s15  }
0x16: {  	s20 =	simm.s32 $0x1;
	s17 =	sadd.s32 $0x19B00, s6;
	[dreg:$0xb] =	wrdreg s16  }
0x17: {  	s0 =	simm.s32 $0x0;
	s18 =	sadd.s32 $0x1A000, s6;
	[dreg:$0xc] =	wrdreg s17  }
0x18: {  	s2 =	sadd.s32 s2, s5;
	s22 =	sadd.s32 $0xA, s12;
	[dreg:$0xd] =	wrdreg s18  }
0x19: {  	s26 =	sadd.s32 $0x14, s12;
	s28 =	sadd.s32 $0x4CE, s12;
	[dreg:$0x10] =	wrdreg s2  }
0x1a: {  	s9 =	smov.u32 s14;
	s14 =	sadd.s32 $0x18C00, s6;
	[dreg:$0x15] =	wrdreg s22  }
0x1b: {  	s6 =	sadd.s32 $0x1A500, s6;
	s2 =	sadd.s32 s21, s5;
	[dreg:$0x16] =	wrdreg s26  }
0x1c: {  	s7 =	sadd.s32 $0xF000, s24;
	[dreg:$0x17] =	wrdreg s28;
	s29 =	sadd.s32 $0x4D8, s12  }
0x1d: {  	s12 =	simm.s32 $0x7;
	s15 =	simm.s32 $0x50;
	[dreg:$0x9] =	wrdreg s14  }
0x1e: {  	s16 =	simm.s32 $0x2800;
	s17 =	simm.s32 $0x5100;
	[dreg:$0xe] =	wrdreg s6  }
0x1f: {  	s18 =	simm.s32 $0x2880;
	s21 =	simm.s32 $0x4;
	[dreg:$0x11] =	wrdreg s2  }
0x20: {  	s22 =	simm.s32 $0x2;
	[dreg:$0x18] =	wrdreg s29;
	s6 =	simm.s32 $0x2900  }
0x21: {  	s14 =	simm.s32 $0x2780;
	s2 =	simm.s32 $0x6;
	[dreg:$0x13] =	wrdreg s7  }
.LBB2_1:
0x22: {  	s8 =	rddreg [dreg:$0x4]  }
0x23: {  	[tilespmem:s6], [sflag:$0x7] =	stream.linear.gather [hbm4b:s8+s4], $0x2800, $0x38;
	[tilespmem:$0x1E100] =	vst v63  }
0x24: {  	_ =	swait.ge [sflag:s12], $0x2800  }
0x25: {  	[sflag:s12] =	ssyncset.done $0x0  }
0x26: {  	[sflag:s12] =	ssyncadd.s32 $0xFFFFD800  }
0x27: {  	[spmem:s24] =	stream.linear.scatter [tilespmem:s6], [sflag:$0x7], $0x2800, $0x38;
	[tilespmem:$0x1E100] =	vst v63  }
0x28: {  	_ =	swait.ge [sflag:s12], $0x2800  }
0x29: {  	[sflag:s12] =	ssyncset.done $0x0  }
0x2a: {  	[sflag:s12] =	ssyncadd.s32 $0xFFFFD800  }
0x2b: {  	[spmem:s11] =	stream.linear.scatter [tilespmem:s6], [sflag:$0x7], $0x2800, $0x38;
	[tilespmem:$0x1E100] =	vst v63  }
0x2c: {  	_ =	swait.ge [sflag:s12], $0x2800  }
0x2d: {  	[sflag:s12] =	ssyncset.done $0x0  }
0x2e: {  	[sflag:s12] =	ssyncadd.s32 $0xFFFFD800  }
0x2f: {  	[spmem:s13] =	stream.linear.scatter [tilespmem:s6], [sflag:$0x7], $0x2800, $0x38;
	[tilespmem:$0x1E100] =	vst v63  }
0x30: {  	_ =	swait.ge [sflag:s12], $0x2800  }
0x31: {  	[sflag:s12] =	ssyncset.done $0x0  }
0x32: {  	[sflag:s12] =	ssyncadd.s32 $0xFFFFD800  }
0x33: {  	[spmem:s23] =	stream.linear.scatter [tilespmem:s6], [sflag:$0x7], $0x2800, $0x38;
	[tilespmem:$0x1E100] =	vst v63  }
0x34: {  	_ =	swait.ge [sflag:s12], $0x2800  }
0x35: {  	[sflag:s12] =	ssyncset.done $0x0  }
0x36: {  	[sflag:s12] =	ssyncadd.s32 $0xFFFFD800  }
0x37: {  	[spmem:s9] =	stream.linear.scatter [tilespmem:s6], [sflag:$0x7], $0x2800, $0x38;
	[tilespmem:$0x1E100] =	vst v63  }
0x38: {  	_ =	swait.ge [sflag:s12], $0x2800  }
0x39: {  	[sflag:s12] =	ssyncset.done $0x0  }
0x3a: {  	[sflag:s12] =	ssyncadd.s32 $0xFFFFD800  }
0x3b: {  	[spmem:s10] =	stream.linear.scatter [tilespmem:s6], [sflag:$0x7], $0x2800, $0x38;
	[tilespmem:$0x1E100] =	vst v63  }
0x3c: {  	_ =	swait.ge [sflag:s12], $0x2800  }
0x3d: {  	[sflag:s12] =	ssyncset.done $0x0  }
0x3e: {  	s8 =	smov.u32 s7;
	[sflag:s12] =	ssyncadd.s32 $0xFFFFD800  }
0x3f: {  	[spmem:s8] =	stream.linear.scatter [tilespmem:s6], [sflag:$0x7], $0x2800, $0x38;
	[tilespmem:$0x1E100] =	vst v63  }
0x40: {  	_ =	swait.ge [sflag:s12], $0x2800  }
0x41: {  	s29 =	smov.u32 s24;
	[sflag:s12] =	ssyncset.done $0x0  }
0x42: {  	s24 =	smov.u32 s11;
	s11 =	smov.u32 s25;
	[sflag:s12] =	ssyncadd.s32 $0xFFFFD800  }
0x43: {  	[spmem:s11] =	stream.linear.scatter [tilespmem:s6], [sflag:$0x7], $0x2800, $0x38;
	[tilespmem:$0x1E100] =	vst v63  }
0x44: {  	_ =	swait.ge [sflag:s12], $0x2800  }
0x45: {  	[sflag:s12] =	ssyncset.done $0x0  }
0x46: {  	s28 =	smov.u32 s9;
	s9 =	rddreg [dreg:$0x5];
	[sflag:s12] =	ssyncadd.s32 $0xFFFFD800  }
0x47: {  	[tilespmem:s4], [sflag:$0x7] =	stream.linear.gather [hbm4b:s9+s4], $0x2710, $0x38;
	[tilespmem:$0x1E100] =	vst v63  }
0x48: {  	_ =	swait.ge [sflag:s12], $0x2710  }
0x49: {  	[sflag:s12] =	ssyncset.done $0x0  }
0x4a: {  	[sflag:s12] =	ssyncadd.s32 $0xFFFFD8F0  }
0x4b: {  	[bflag:$0x0] =	sbarrier.arrive $0xFFFF  }
0x4c: {  	s7 =	smov.u32 s10;
	s10 =	rddreg [dreg:$0x6]  }
0x4d: {  	[tilespmem:s14], [sflag:$0x4] =	stream.linear.gather [hbm4b:s10+s4], $0x50, $0x38;
	[tilespmem:$0x1E100] =	vst v63  }
0x4e: {  	_ = 	snop  }
0x4f: {  	[tilespmem:s6], [sflag:$0x1] =	stream.indirect.gather [hbm4b:s1+s15], $0x80, s4, s15, $0xb8;
	[tilespmem:$0x1E100] =	vst v63  }
0x50: {  	s11 =	rddreg [dreg:$0x15]  }
0x51: {  	[tilespmem:s16], [sflag:$0x5] =	stream.linear.gather [hbm4b:s11+s4], $0x50, $0x38;
	[tilespmem:$0x1E100] =	vst v63  }
0x52: {  	_ = 	snop  }
0x53: {  	[tilespmem:s17], [sflag:$0x2] =	stream.indirect.gather [hbm4b:s1+s15], $0x80, s15, s15, $0xb8;
	[tilespmem:$0x1E100] =	vst v63  }
0x54: {  	s25 =	smov.u32 s13;
	s13 =	rddreg [dreg:$0x16]  }
0x55: {  	[tilespmem:s18], [sflag:$0x6] =	stream.linear.gather [hbm4b:s13+s4], $0x50, $0x38;
	[tilespmem:$0x1E100] =	vst v63  }
0x56: {  	s26 =	smov.u32 s23;
	s23 =	simm.s32 $0xA0  }
0x57: {  	[tilespmem:s19], [sflag:$0x3] =	stream.indirect.gather [hbm4b:s1+s15], $0x80, s23, s15, $0xb8;
	[tilespmem:$0x1E100] =	vst v63  }
0x58: {  	_ =	swait.ge [sflag:s20], $0x2800  }
0x59: {  	[sflag:s20] =	ssyncset.done $0x0  }
0x5a: {  	[sflag:s20] =	ssyncadd.s32 $0xFFFFD800  }
0x5b: {  	_ =	swait.ge [sflag:s21], $0x50  }
0x5c: {  	[sflag:s21] =	ssyncset.done $0x0  }
0x5d: {  	[sflag:s21] =	ssyncadd.s32 $0xFFFFFFB0  }
0x5e: {  	[spmem:s3] =	stream.indirect.scatter.add.f32 [tilespmem:s6], [sflag:$0x7], $0x80, s14, s15, $0xb8;
	[tilespmem:$0x1E100] =	vst v63  }
0x5f: {  	_ =	swait.ge [sflag:s12], $0x2800  }
0x60: {  	s11 =	rddreg [dreg:$0x12]  }
0x61: {  	[sflag:s12] =	ssyncset.done $0x0;
	s9 =	sshrl.u32 s11, $0x3  }
0x62: {  	[sflag:s12] =	ssyncadd.s32 $0xFFFFD800;
	s8 =	sadd.s32 s5, s9  }
0x63: {  	[tilespmem:s14], [sflag:$0x4] =	stream.linear.gather [hbm4b:s8+s4], $0x50, $0x38;
	[tilespmem:$0x1E100] =	vst v63  }
0x64: {  	s10 =	simm.s32 $0xF0  }
0x65: {  	[tilespmem:s6], [sflag:$0x1] =	stream.indirect.gather [hbm4b:s1+s15], $0x80, s10, s15, $0xb8;
	[tilespmem:$0x1E100] =	vst v63  }
0x66: {  	_ =	swait.ge [sflag:s22], $0x2800  }
0x67: {  	[sflag:s22] =	ssyncset.done $0x0  }
0x68: {  	[sflag:s22] =	ssyncadd.s32 $0xFFFFD800  }
0x69: {  	_ =	swait.ge [sflag:s30], $0x50  }
0x6a: {  	[sflag:s30] =	ssyncset.done $0x0  }
0x6b: {  	[sflag:s30] =	ssyncadd.s32 $0xFFFFFFB0  }
0x6c: {  	[spmem:s3] =	stream.indirect.scatter.add.f32 [tilespmem:s17], [sflag:$0x7], $0x80, s16, s15, $0xb8;
	[tilespmem:$0x1E100] =	vst v63  }
0x6d: {  	_ =	swait.ge [sflag:s12], $0x2800  }
0x6e: {  	[sflag:s12] =	ssyncset.done $0x0  }
0x6f: {  	s10 =	rddreg [dreg:$0x11];
	[sflag:s12] =	ssyncadd.s32 $0xFFFFD800  }
0x70: {  	[tilespmem:s16], [sflag:$0x5] =	stream.linear.gather [hbm4b:s10+s4], $0x50, $0x38;
	[tilespmem:$0x1E100] =	vst v63  }
0x71: {  	s13 =	simm.s32 $0x140  }
0x72: {  	[tilespmem:s17], [sflag:$0x2] =	stream.indirect.gather [hbm4b:s1+s15], $0x80, s13, s15, $0xb8;
	[tilespmem:$0x1E100] =	vst v63  }
0x73: {  	_ =	swait.ge [sflag:s31], $0x2800  }
0x74: {  	[sflag:s31] =	ssyncset.done $0x0  }
0x75: {  	[sflag:s31] =	ssyncadd.s32 $0xFFFFD800  }
0x76: {  	_ =	swait.ge [sflag:s2], $0x50  }
0x77: {  	[sflag:s2] =	ssyncset.done $0x0  }
0x78: {  	[sflag:s2] =	ssyncadd.s32 $0xFFFFFFB0  }
0x79: {  	[spmem:s3] =	stream.indirect.scatter.add.f32 [tilespmem:s19], [sflag:$0x7], $0x80, s18, s15, $0xb8;
	[tilespmem:$0x1E100] =	vst v63  }
0x7a: {  	s8 =	sadd.s32 $0xF0, s11;
	s11 =	simm.s32 $0x190;
	_ =	swait.ge [sflag:s12], $0x2800  }
0x7b: {  	s10 =	sadd.s32 $0x1E, s10;
	[sflag:s12] =	ssyncset.done $0x0;
	s23 =	rddreg [dreg:$0x10]  }
0x7c: {  	s13 =	simm.s32 $0x3C0;
	[sflag:s12] =	ssyncadd.s32 $0xFFFFD800;
	s9 =	sadd.s32 $0x1E, s23  }
0x7d: {  	[tilespmem:s18], [sflag:$0x6] =	stream.linear.gather [hbm4b:s23+s4], $0x50, $0x38;
	[tilespmem:$0x1E100] =	vst v63  }
.LBB2_2:
0x7e: {  	[tilespmem:s19], [sflag:$0x3] =	stream.indirect.gather [hbm4b:s1+s15], $0x80, s11, s15, $0xb8;
	[tilespmem:$0x1E100] =	vst v63  }
0x7f: {  	s11 =	smov.u32 s13  }
0x80: {  	p0 =	sne.s32 s13, $0x9240;
	s13 =	sadd.s32 $0x3C0, s13;
	_ =	swait.ge [sflag:s20], $0x2800  }
0x81: {  	[sflag:s20] =	ssyncset.done $0x0  }
0x82: {  	[sflag:s20] =	ssyncadd.s32 $0xFFFFD800  }
0x83: {  	_ =	swait.ge [sflag:s21], $0x50  }
0x84: {  	[sflag:s21] =	ssyncset.done $0x0  }
0x85: {  	[sflag:s21] =	ssyncadd.s32 $0xFFFFFFB0  }
0x86: {  	[spmem:s3] =	stream.indirect.scatter.add.f32 [tilespmem:s6], [sflag:$0x7], $0x80, s14, s15, $0xb8;
	[tilespmem:$0x1E100] =	vst v63  }
0x87: {  	_ =	swait.ge [sflag:s12], $0x2800  }
0x88: {  	s23 =	sshrl.u32 s8, $0x3;
	[sflag:s12] =	ssyncset.done $0x0  }
0x89: {  	s23 =	sadd.s32 s5, s23;
	s11 =	sshra.s32 s11, $0x2;
	[sflag:s12] =	ssyncadd.s32 $0xFFFFD800  }
0x8a: {  	[tilespmem:s14], [sflag:$0x4] =	stream.linear.gather [hbm4b:s23+s4], $0x50, $0x38;
	[tilespmem:$0x1E100] =	vst v63  }
0x8b: {  	s23 =	sadd.s32 $0xF0, s11  }
0x8c: {  	[tilespmem:s6], [sflag:$0x1] =	stream.indirect.gather [hbm4b:s1+s15], $0x80, s23, s15, $0xb8;
	[tilespmem:$0x1E100] =	vst v63  }
0x8d: {  	_ =	swait.ge [sflag:s22], $0x2800  }
0x8e: {  	[sflag:s22] =	ssyncset.done $0x0  }
0x8f: {  	[sflag:s22] =	ssyncadd.s32 $0xFFFFD800  }
0x90: {  	_ =	swait.ge [sflag:s30], $0x50  }
0x91: {  	[sflag:s30] =	ssyncset.done $0x0  }
0x92: {  	[sflag:s30] =	ssyncadd.s32 $0xFFFFFFB0  }
0x93: {  	[spmem:s3] =	stream.indirect.scatter.add.f32 [tilespmem:s17], [sflag:$0x7], $0x80, s16, s15, $0xb8;
	[tilespmem:$0x1E100] =	vst v63  }
0x94: {  	_ =	swait.ge [sflag:s12], $0x2800  }
0x95: {  	[sflag:s12] =	ssyncset.done $0x0  }
0x96: {  	[sflag:s12] =	ssyncadd.s32 $0xFFFFD800  }
0x97: {  	[tilespmem:s16], [sflag:$0x5] =	stream.linear.gather [hbm4b:s10+s4], $0x50, $0x38;
	[tilespmem:$0x1E100] =	vst v63  }
0x98: {  	s23 =	sadd.s32 $0x140, s11  }
0x99: {  	[tilespmem:s17], [sflag:$0x2] =	stream.indirect.gather [hbm4b:s1+s15], $0x80, s23, s15, $0xb8;
	[tilespmem:$0x1E100] =	vst v63  }
0x9a: {  	_ =	swait.ge [sflag:s31], $0x2800  }
0x9b: {  	[sflag:s31] =	ssyncset.done $0x0  }
0x9c: {  	[sflag:s31] =	ssyncadd.s32 $0xFFFFD800  }
0x9d: {  	_ =	swait.ge [sflag:s2], $0x50  }
0x9e: {  	[sflag:s2] =	ssyncset.done $0x0  }
0x9f: {  	[sflag:s2] =	ssyncadd.s32 $0xFFFFFFB0  }
0xa0: {  	[spmem:s3] =	stream.indirect.scatter.add.f32 [tilespmem:s19], [sflag:$0x7], $0x80, s18, s15, $0xb8;
	[tilespmem:$0x1E100] =	vst v63  }
.Ltmp0:
0xa1: {  	_ =	swait.ge [sflag:s12], $0x2800;
	(pc) =	sbr.rel @p0 .LBB2_2-.Ltmp0, $4  }
0xa2: {  	[sflag:s12] =	ssyncset.done $0x0  }
0xa3: {  	s8 =	sadd.s32 $0xF0, s8;
	[sflag:s12] =	ssyncadd.s32 $0xFFFFD800  }
0xa4: {  	[tilespmem:s18], [sflag:$0x6] =	stream.linear.gather [hbm4b:s9+s4], $0x50, $0x38;
	[tilespmem:$0x1E100] =	vst v63  }
0xa5: {  	s11 =	sadd.s32 $0x190, s11;
	s10 =	sadd.s32 $0x1E, s10;
	s9 =	sadd.s32 $0x1E, s9  }
0xa6: {  	[tilespmem:s19], [sflag:$0x3] =	stream.indirect.gather [hbm4b:s1+s15], $0x80, s11, s15, $0xb8;
	[tilespmem:$0x1E100] =	vst v63  }
0xa7: {  	_ =	swait.ge [sflag:s20], $0x2800  }
0xa8: {  	[sflag:s20] =	ssyncset.done $0x0  }
0xa9: {  	[sflag:s20] =	ssyncadd.s32 $0xFFFFD800  }
0xaa: {  	_ =	swait.ge [sflag:s21], $0x50  }
0xab: {  	[sflag:s21] =	ssyncset.done $0x0  }
0xac: {  	[sflag:s21] =	ssyncadd.s32 $0xFFFFFFB0  }
0xad: {  	[spmem:s3] =	stream.indirect.scatter.add.f32 [tilespmem:s6], [sflag:$0x7], $0x80, s14, s15, $0xb8;
	[tilespmem:$0x1E100] =	vst v63  }
0xae: {  	_ =	swait.ge [sflag:s12], $0x2800  }
0xaf: {  	[sflag:s12] =	ssyncset.done $0x0  }
0xb0: {  	s8 =	rddreg [dreg:$0x17];
	[sflag:s12] =	ssyncadd.s32 $0xFFFFD800  }
0xb1: {  	[tilespmem:s14], [sflag:$0x4] =	stream.linear.gather [hbm4b:s8+s4], $0x50, $0x38;
	[tilespmem:$0x1E100] =	vst v63  }
0xb2: {  	s9 =	simm.s32 $0x2670  }
0xb3: {  	[tilespmem:s6], [sflag:$0x1] =	stream.indirect.gather [hbm4b:s1+s15], $0x80, s9, s15, $0xb8;
	[tilespmem:$0x1E100] =	vst v63  }
0xb4: {  	_ =	swait.ge [sflag:s22], $0x2800  }
0xb5: {  	[sflag:s22] =	ssyncset.done $0x0  }
0xb6: {  	[sflag:s22] =	ssyncadd.s32 $0xFFFFD800  }
0xb7: {  	_ =	swait.ge [sflag:s30], $0x50  }
0xb8: {  	[sflag:s30] =	ssyncset.done $0x0  }
0xb9: {  	[sflag:s30] =	ssyncadd.s32 $0xFFFFFFB0  }
0xba: {  	[spmem:s3] =	stream.indirect.scatter.add.f32 [tilespmem:s17], [sflag:$0x7], $0x80, s16, s15, $0xb8;
	[tilespmem:$0x1E100] =	vst v63  }
0xbb: {  	_ =	swait.ge [sflag:s12], $0x2800  }
0xbc: {  	[sflag:s12] =	ssyncset.done $0x0  }
0xbd: {  	s10 =	rddreg [dreg:$0x18];
	[sflag:s12] =	ssyncadd.s32 $0xFFFFD800  }
0xbe: {  	[tilespmem:s16], [sflag:$0x5] =	stream.linear.gather [hbm4b:s10+s4], $0x50, $0x38;
	[tilespmem:$0x1E100] =	vst v63  }
0xbf: {  	s11 =	simm.s32 $0x26C0  }
0xc0: {  	[tilespmem:s17], [sflag:$0x2] =	stream.indirect.gather [hbm4b:s1+s15], $0x80, s11, s15, $0xb8;
	[tilespmem:$0x1E100] =	vst v63  }
0xc1: {  	_ =	swait.ge [sflag:s31], $0x2800  }
0xc2: {  	[sflag:s31] =	ssyncset.done $0x0  }
0xc3: {  	[sflag:s31] =	ssyncadd.s32 $0xFFFFD800  }
0xc4: {  	_ =	swait.ge [sflag:s2], $0x50  }
0xc5: {  	[sflag:s2] =	ssyncset.done $0x0  }
0xc6: {  	[sflag:s2] =	ssyncadd.s32 $0xFFFFFFB0  }
0xc7: {  	[spmem:s3] =	stream.indirect.scatter.add.f32 [tilespmem:s19], [sflag:$0x7], $0x80, s18, s15, $0xb8;
	[tilespmem:$0x1E100] =	vst v63  }
0xc8: {  	_ =	swait.ge [sflag:s12], $0x2800  }
0xc9: {  	[sflag:s12] =	ssyncset.done $0x0  }
0xca: {  	[sflag:s12] =	ssyncadd.s32 $0xFFFFD800  }
0xcb: {  	_ =	swait.ge [sflag:s20], $0x2800  }
0xcc: {  	[sflag:s20] =	ssyncset.done $0x0  }
0xcd: {  	[sflag:s20] =	ssyncadd.s32 $0xFFFFD800  }
0xce: {  	_ =	swait.ge [sflag:s21], $0x50  }
0xcf: {  	[sflag:s21] =	ssyncset.done $0x0  }
0xd0: {  	[sflag:s21] =	ssyncadd.s32 $0xFFFFFFB0  }
0xd1: {  	[spmem:s3] =	stream.indirect.scatter.add.f32 [tilespmem:s6], [sflag:$0x7], $0x80, s14, s15, $0xb8;
	[tilespmem:$0x1E100] =	vst v63  }
0xd2: {  	_ =	swait.ge [sflag:s12], $0x2800  }
0xd3: {  	[sflag:s12] =	ssyncset.done $0x0  }
0xd4: {  	[sflag:s12] =	ssyncadd.s32 $0xFFFFD800  }
0xd5: {  	_ =	swait.ge [sflag:s22], $0x2800  }
0xd6: {  	[sflag:s22] =	ssyncset.done $0x0  }
0xd7: {  	[sflag:s22] =	ssyncadd.s32 $0xFFFFD800  }
0xd8: {  	_ =	swait.ge [sflag:s30], $0x50  }
0xd9: {  	[sflag:s30] =	ssyncset.done $0x0  }
0xda: {  	[sflag:s30] =	ssyncadd.s32 $0xFFFFFFB0  }
0xdb: {  	[spmem:s3] =	stream.indirect.scatter.add.f32 [tilespmem:s17], [sflag:$0x7], $0x80, s16, s15, $0xb8;
	[tilespmem:$0x1E100] =	vst v63  }
0xdc: {  	_ =	swait.ge [sflag:s12], $0x2800  }
0xdd: {  	[sflag:s12] =	ssyncset.done $0x0  }
0xde: {  	[sflag:s12] =	ssyncadd.s32 $0xFFFFD800  }
0xdf: {  	[bflag:$0x0] =	sbarrier.arrive $0xFFFF  }
0xe0: {  	[tilespmem:s6], [sflag:$0x7] =	stream.linear.gather [spmem:s29], $0x2800, $0x38;
	[tilespmem:$0x1E100] =	vst v63  }
0xe1: {  	_ =	swait.ge [sflag:s12], $0x2800  }
0xe2: {  	[sflag:s12] =	ssyncset.done $0x0  }
0xe3: {  	s13 =	rddreg [dreg:$0x7];
	[sflag:s12] =	ssyncadd.s32 $0xFFFFD800  }
0xe4: {  	[hbm4b:s13+s4] =	stream.linear.scatter [tilespmem:s6], [sflag:$0x7], $0x2800, $0x38;
	[tilespmem:$0x1E100] =	vst v63  }
0xe5: {  	_ =	swait.ge [sflag:s12], $0x2800  }
0xe6: {  	[sflag:s12] =	ssyncset.done $0x0  }
0xe7: {  	s11 =	smov.u32 s24;
	[sflag:s12] =	ssyncadd.s32 $0xFFFFD800  }
0xe8: {  	[tilespmem:s6], [sflag:$0x7] =	stream.linear.gather [spmem:s11], $0x2800, $0x38;
	[tilespmem:$0x1E100] =	vst v63  }
0xe9: {  	_ =	swait.ge [sflag:s12], $0x2800  }
0xea: {  	[sflag:s12] =	ssyncset.done $0x0  }
0xeb: {  	s23 =	rddreg [dreg:$0x8];
	[sflag:s12] =	ssyncadd.s32 $0xFFFFD800  }
0xec: {  	[hbm4b:s23+s4] =	stream.linear.scatter [tilespmem:s6], [sflag:$0x7], $0x2800, $0x38;
	[tilespmem:$0x1E100] =	vst v63  }
0xed: {  	_ =	swait.ge [sflag:s12], $0x2800  }
0xee: {  	[sflag:s12] =	ssyncset.done $0x0  }
0xef: {  	[sflag:s12] =	ssyncadd.s32 $0xFFFFD800  }
0xf0: {  	[tilespmem:s6], [sflag:$0x7] =	stream.linear.gather [spmem:s25], $0x2800, $0x38;
	[tilespmem:$0x1E100] =	vst v63  }
0xf1: {  	_ =	swait.ge [sflag:s12], $0x2800  }
0xf2: {  	[sflag:s12] =	ssyncset.done $0x0  }
0xf3: {  	s24 =	smov.u32 s29;
	s29 =	rddreg [dreg:$0x9];
	[sflag:s12] =	ssyncadd.s32 $0xFFFFD800  }
0xf4: {  	[hbm4b:s29+s4] =	stream.linear.scatter [tilespmem:s6], [sflag:$0x7], $0x2800, $0x38;
	[tilespmem:$0x1E100] =	vst v63  }
0xf5: {  	_ =	swait.ge [sflag:s12], $0x2800  }
0xf6: {  	[sflag:s12] =	ssyncset.done $0x0  }
0xf7: {  	[sflag:s12] =	ssyncadd.s32 $0xFFFFD800  }
0xf8: {  	[tilespmem:s6], [sflag:$0x7] =	stream.linear.gather [spmem:s26], $0x2800, $0x38;
	[tilespmem:$0x1E100] =	vst v63  }
0xf9: {  	_ =	swait.ge [sflag:s12], $0x2800  }
0xfa: {  	[sflag:s12] =	ssyncset.done $0x0  }
0xfb: {  	s9 =	rddreg [dreg:$0xa];
	[sflag:s12] =	ssyncadd.s32 $0xFFFFD800  }
0xfc: {  	[hbm4b:s9+s4] =	stream.linear.scatter [tilespmem:s6], [sflag:$0x7], $0x2800, $0x38;
	[tilespmem:$0x1E100] =	vst v63  }
0xfd: {  	_ =	swait.ge [sflag:s12], $0x2800  }
0xfe: {  	[sflag:s12] =	ssyncset.done $0x0  }
0xff: {  	[sflag:s12] =	ssyncadd.s32 $0xFFFFD800  }
0x100: {  	[tilespmem:s6], [sflag:$0x7] =	stream.linear.gather [spmem:s28], $0x2800, $0x38;
	[tilespmem:$0x1E100] =	vst v63  }
0x101: {  	_ =	swait.ge [sflag:s12], $0x2800  }
0x102: {  	[sflag:s12] =	ssyncset.done $0x0  }
0x103: {  	s10 =	rddreg [dreg:$0xb];
	[sflag:s12] =	ssyncadd.s32 $0xFFFFD800  }
0x104: {  	[hbm4b:s10+s4] =	stream.linear.scatter [tilespmem:s6], [sflag:$0x7], $0x2800, $0x38;
	[tilespmem:$0x1E100] =	vst v63  }
0x105: {  	_ =	swait.ge [sflag:s12], $0x2800  }
0x106: {  	[sflag:s12] =	ssyncset.done $0x0  }
0x107: {  	[sflag:s12] =	ssyncadd.s32 $0xFFFFD800  }
0x108: {  	[tilespmem:s6], [sflag:$0x7] =	stream.linear.gather [spmem:s7], $0x2800, $0x38;
	[tilespmem:$0x1E100] =	vst v63  }
0x109: {  	_ =	swait.ge [sflag:s12], $0x2800  }
0x10a: {  	[sflag:s12] =	ssyncset.done $0x0  }
0x10b: {  	s13 =	smov.u32 s25;
	s25 =	rddreg [dreg:$0xc];
	[sflag:s12] =	ssyncadd.s32 $0xFFFFD800  }
0x10c: {  	[hbm4b:s25+s4] =	stream.linear.scatter [tilespmem:s6], [sflag:$0x7], $0x2800, $0x38;
	[tilespmem:$0x1E100] =	vst v63  }
0x10d: {  	_ =	swait.ge [sflag:s12], $0x2800  }
0x10e: {  	[sflag:s12] =	ssyncset.done $0x0  }
0x10f: {  	s10 =	smov.u32 s7;
	s7 =	rddreg [dreg:$0x13];
	[sflag:s12] =	ssyncadd.s32 $0xFFFFD800  }
0x110: {  	[tilespmem:s6], [sflag:$0x7] =	stream.linear.gather [spmem:s7], $0x2800, $0x38;
	[tilespmem:$0x1E100] =	vst v63  }
0x111: {  	_ =	swait.ge [sflag:s12], $0x2800  }
0x112: {  	[sflag:s12] =	ssyncset.done $0x0  }
0x113: {  	s23 =	smov.u32 s26;
	s26 =	rddreg [dreg:$0xd];
	[sflag:s12] =	ssyncadd.s32 $0xFFFFD800  }
0x114: {  	[hbm4b:s26+s4] =	stream.linear.scatter [tilespmem:s6], [sflag:$0x7], $0x2800, $0x38;
	[tilespmem:$0x1E100] =	vst v63  }
0x115: {  	_ =	swait.ge [sflag:s12], $0x2800  }
0x116: {  	[sflag:s12] =	ssyncset.done $0x0  }
0x117: {  	s25 =	rddreg [dreg:$0x14];
	[sflag:s12] =	ssyncadd.s32 $0xFFFFD800  }
0x118: {  	[tilespmem:s6], [sflag:$0x7] =	stream.linear.gather [spmem:s25], $0x2800, $0x38;
	[tilespmem:$0x1E100] =	vst v63  }
0x119: {  	_ =	swait.ge [sflag:s12], $0x2800  }
0x11a: {  	[sflag:s12] =	ssyncset.done $0x0  }
0x11b: {  	s9 =	smov.u32 s28;
	s28 =	rddreg [dreg:$0xe];
	[sflag:s12] =	ssyncadd.s32 $0xFFFFD800  }
0x11c: {  	[hbm4b:s28+s4] =	stream.linear.scatter [tilespmem:s6], [sflag:$0x7], $0x2800, $0x38;
	[tilespmem:$0x1E100] =	vst v63  }
0x11d: {  	_ =	swait.ge [sflag:s12], $0x2800  }
0x11e: {  	s0 =	sadd.s32 $0x1, s0;
	s29 =	rddreg [dreg:$0xf]  }
0x11f: {  	p0 =	sne.s32 s0, s29  }
.Ltmp1:
0x120: {  	_ = 	snop;
	(pc) =	sbr.rel @p0 .LBB2_1-.Ltmp1, $3  }
0x121: {  	_ =	sdelay $0x1  }
0x122: {  	[sflag:s12] =	ssyncset.done $0x0  }
0x123: {  	[sflag:s12] =	ssyncadd.s32 $0xFFFFD800  }
0x124: {  	_ =	sfence.sel $0x180000  }
0x125: {  	[bflag:$0x0] =	sbarrier.arrive $0xFFFF  }
0x126: {  	_ =	strace $0x90000047  }
0x127: {  	s0 =	stileid.u32;
	[bflag:$0x2] =	sbarrier.arrive $0xFFFF  }
0x128: {  	p0 =	sne.s32 s0, $0x0;
	s0 =	rddreg [dreg:$0x3]  }
0x129: {  	s0 =	sadd.s32 @!p0 $0x100000, s0  }
0x12a: {  	[sflag:s0] =	ssyncadd.tile.s32 @!p0 $0x1;
	_ =	shalt  }
.Lfunc_end2:
_tile_overlayer_lowered:
.L_overlay_start_2:
0x12b: {  	(tag) =	ssettag $0x2  }
0x12c: {  	s0 =	rddreg [dreg:$0x0];
	s2 =	stileid.u32  }
0x12d: {  	s1 =	rddreg [dreg:$0x1];
	p0 =	sne.s32 s2, $0x0  }
0x12e: {  	s3 =	rddreg [dreg:$0x2];
	[bflag:$0x3] =	sbarrier.arrive $0xFFFF;
	s2 =	simm.s32 @!p0 $0x1C07  }
0x12f: {  	[timem:s3], [sflag:s2] =	dma.local @!p0 [hbm:s0], s1  }
0x130: {  	s0 =	simm.s32 @!p0 $0x7  }
0x131: {  	_ =	swait.ge @!p0 [sflag:s0], s1  }
0x132: {  	s1 =	ssub.s32 @!p0 $0x0, s1;
	[sflag:s0] =	ssyncset.done @!p0 $0x0  }
0x133: {  	[sflag:s0] =	ssyncadd.s32 @!p0 s1  }
0x134: {  	[bflag:$0x3] =	sbarrier.arrive $0xFFFF  }
0x135: {  	_ =	shalt  }

// kernel: sc_agg.8.cloned.1.call-start
scs
__scs_entry_jumppad:
0x0: {  	(pc) =	sbr.rel $0x88, $3  }
0x1: {  	(tag) =	ssettag $0x0;
	lr =	simm.s32 $0x1  }
0x2: {  	[smem:$0x3F8C] =	sst lr;
	_ =	strace $0xD0000000  }
0x3: {  	_ = 	snop  }
0x4: {  	_ = 	snop  }
0x5: {  	_ = 	snop  }
0x6: {  	_ = 	snop  }
0x7: {  	_ = 	snop  }
__scs_overlays_trampoline_lowered:
0x8: {  	[smem:$0x3F9B] =	sst s0  }
0x9: {  	[smem:$0x3F9C] =	sst s1  }
0xa: {  	[smem:$0x3F9D] =	sst s2  }
0xb: {  	[smem:$0x3F9E] =	sst s3  }
0xc: {  	[smem:$0x3F9F] =	sst s4  }
0xd: {  	[smem:$0x3FA0] =	sst s5  }
0xe: {  	[smem:$0x3FA1] =	sst s6  }
0xf: {  	[smem:$0x3FA2] =	sst s7  }
0x10: {  	[smem:$0x3FA3] =	sst s8  }
0x11: {  	[smem:$0x3FA4] =	sst s9;
	s0 =	simm.s32 @!p0 $0x0  }
0x12: {  	s1 =	sld [smem:$0x3F8A];
	s0 =	simm.s32 @p0 $0x1  }
0x13: {  	[smem:$0x3FA5] =	sst s0;
	s0 =	simm.s32 @!p1 $0x0  }
0x14: {  	s2 =	sld [smem:$0x3F89];
	s0 =	simm.s32 @p1 $0x1  }
0x15: {  	[smem:$0x3FA6] =	sst s0;
	s0 =	simm.s32 @!p2 $0x0  }
0x16: {  	s3 =	sld [smem:$0x3FDB];
	s0 =	simm.s32 @p2 $0x1  }
0x17: {  	s4 =	simm.s32 $0x1BF5;
	[smem:$0x3FA8] =	sst s0  }
0x18: {  	s0 =	sld [smem:$0x3F8B];
	_ =	swait.ge [sflag:s4], $0x0  }
0x19: {  	s7 =	sld [smem:$0x3F8C]  }
0x1a: {  	s8 =	sadd.s32 $0xFFFFE003, lr  }
0x1b: {  	s9 =	sadd.s32 $0xFFFFFEF7, lr;
	s5 =	simm.s32 $0xFFFFFFFF;
	p2 =	slt.u32 s8, $0xFFFFF086  }
0x1c: {  	p1 =	slt.u32 s9, $0xF7A;
	s5 =	simm.s32 @!p2 $0x0  }
0x1d: {  	s5 =	simm.s32 @p1 $0x1;
	p0 =	seq.s32 s7, s2  }
0x1e: {  	s7 =	smul.u32 @!p0 $0xF7A, s2;
	p2 =	seq.s32 @!p0 s5, $0x0  }
0x1f: {  	s9 =	smul.u32 $0xF7A, s1;
	s8 =	simm.s32 @!p0 $0x1BF5;
	p2 =	por !p2, p0  }
0x20: {  	[sflag:s8] =	ssyncset.s32 @!p0 $0xFFFFF086;
	s6 =	sadd.s32 @!p0 s3, s7;
	s7 =	simm.s32 @!p0 $0x108  }
0x21: {  	s3 =	sadd.s32 s3, s9;
	s6 =	sadd.s32 @!p0 $0x88, s6;
	s7 =	simm.s32 @p2 $0x1082  }
0x22: {  	[simem:s7], [sflag:s8] =	dma.local @!p0 [hbm:s6], $0xF7A  }
0x23: {  	s9 =	sor.u32 $0xD0000000, s2;
	s6 =	simm.s32 $0x108;
	_ =	swait.ge @!p0 [sflag:s8], $0x0  }
0x24: {  	s3 =	sadd.s32 $0x88, s3;
	s6 =	simm.s32 @!p1 $0x1082;
	[sflag:s4] =	ssyncset.s32 $0xFFFFF086  }
0x25: {  	[simem:s6], [sflag:s4] =	dma.local [hbm:s3], $0xF7A  }
0x26: {  	[smem:$0x3F8C] =	sst s1;
	(tag) =	ssettag s2;
	_ =	strace s9  }
0x27: {  	s1 =	sld [smem:$0x3F9C]  }
0x28: {  	s2 =	sld [smem:$0x3F9D]  }
0x29: {  	s4 =	sld [smem:$0x3F9F]  }
0x2a: {  	p0 =	seq.s32 s5, $0x0;
	s5 =	sld [smem:$0x3FA0]  }
0x2b: {  	s6 =	sld [smem:$0x3FA1]  }
0x2c: {  	s7 =	sld [smem:$0x3FA2]  }
0x2d: {  	s3 =	simm.s32 $0x108;
	s8 =	sld [smem:$0x3FA3]  }
0x2e: {  	s3 =	simm.s32 @!p0 $0x1082;
	s9 =	sld [smem:$0x3FA4]  }
0x2f: {  	lr =	sadd.s32 s0, s3;
	s0 =	sld [smem:$0x3F9B]  }
0x30: {  	s3 =	sld [smem:$0x3F9E]  }
0x31: {  	[smem:$0x3FA7] =	sst s10  }
0x32: {  	s10 =	sld [smem:$0x3FA5];
	_ =	sdelay $0x3  }
0x33: {  	p0 =	seq.s32 s10, $0x1;
	s10 =	sld [smem:$0x3FA7];
	_ =	sdelay $0x3  }
0x34: {  	[smem:$0x3FA7] =	sst s10  }
0x35: {  	s10 =	sld [smem:$0x3FA6];
	_ =	sdelay $0x3  }
0x36: {  	p1 =	seq.s32 s10, $0x1;
	s10 =	sld [smem:$0x3FA7];
	_ =	sdelay $0x3  }
0x37: {  	[smem:$0x3FA7] =	sst s10  }
0x38: {  	s10 =	sld [smem:$0x3FA8]  }
0x39: {  	_ = 	snop;
	(pc) =	sbr.ind lr, $3  }
0x3a: {  	_ = 	snop  }
0x3b: {  	_ = 	snop  }
0x3c: {  	p2 =	seq.s32 s10, $0x1;
	s10 =	sld [smem:$0x3FA7]  }
0x3d: {  	_ =	shalt  }
0x3e: {  	_ =	shalt  }
0x3f: {  	_ =	shalt  }
0x40: {  	_ =	shalt  }
0x41: {  	_ =	shalt  }
0x42: {  	_ =	shalt  }
0x43: {  	_ =	shalt  }
0x44: {  	_ =	shalt  }
0x45: {  	_ =	shalt  }
0x46: {  	_ =	shalt  }
0x47: {  	_ =	shalt  }
0x48: {  	_ =	shalt  }
0x49: {  	_ =	shalt  }
0x4a: {  	_ =	shalt  }
0x4b: {  	_ =	shalt  }
0x4c: {  	_ =	shalt  }
0x4d: {  	_ =	shalt  }
0x4e: {  	_ =	shalt  }
0x4f: {  	_ =	shalt  }
0x50: {  	_ =	shalt  }
0x51: {  	_ =	shalt  }
0x52: {  	_ =	shalt  }
0x53: {  	_ =	shalt  }
0x54: {  	_ =	shalt  }
0x55: {  	_ =	shalt  }
0x56: {  	_ =	shalt  }
0x57: {  	_ =	shalt  }
0x58: {  	_ =	shalt  }
0x59: {  	_ =	shalt  }
0x5a: {  	_ =	shalt  }
0x5b: {  	_ =	shalt  }
0x5c: {  	_ =	shalt  }
0x5d: {  	_ =	shalt  }
0x5e: {  	_ =	shalt  }
0x5f: {  	_ =	shalt  }
0x60: {  	_ =	shalt  }
0x61: {  	_ =	shalt  }
0x62: {  	_ =	shalt  }
0x63: {  	_ =	shalt  }
0x64: {  	_ =	shalt  }
0x65: {  	_ =	shalt  }
0x66: {  	_ =	shalt  }
0x67: {  	_ =	shalt  }
0x68: {  	_ =	shalt  }
0x69: {  	_ =	shalt  }
0x6a: {  	_ =	shalt  }
0x6b: {  	_ =	shalt  }
0x6c: {  	_ =	shalt  }
0x6d: {  	_ =	shalt  }
0x6e: {  	_ =	shalt  }
0x6f: {  	_ =	shalt  }
0x70: {  	_ =	shalt  }
0x71: {  	_ =	shalt  }
0x72: {  	_ =	shalt  }
0x73: {  	_ =	shalt  }
0x74: {  	_ =	shalt  }
0x75: {  	_ =	shalt  }
0x76: {  	_ =	shalt  }
0x77: {  	_ =	shalt  }
0x78: {  	_ =	shalt  }
0x79: {  	_ =	shalt  }
0x7a: {  	_ =	shalt  }
0x7b: {  	_ =	shalt  }
0x7c: {  	_ =	shalt  }
0x7d: {  	_ =	shalt  }
0x7e: {  	_ =	shalt  }
0x7f: {  	_ =	shalt  }
0x80: {  	_ =	shalt  }
0x81: {  	_ =	shalt  }
0x82: {  	_ =	shalt  }
0x83: {  	_ =	shalt  }
0x84: {  	_ =	shalt  }
0x85: {  	_ =	shalt  }
0x86: {  	_ =	shalt  }
0x87: {  	_ =	shalt  }
.Lfunc_end0:
.L_simem_size_0:
called_computation.2_lowered:
.L_overlay_start_0:
0x88: {  	s2 =	sld [smem:$0x3FD9]  }
0x89: {  	s3 =	sld [smem:$0x3FFE];
	_ =	sdelay $0x1  }
0x8a: {  	s1 =	srdreg.scid  }
0x8b: {  	s0 =	sand.u32 $0x1, s1  }
0x8c: {  	s16 =	sshll.u32 s0, $0xA;
	s2 =	sadd.s32 s3, s2  }
0x8d: {  	s2 =	sadd.s32 s2, s16  }
0x8e: {  	[smem:$0x3FB3] =	sst s2  }
0x8f: {  	_ = 	snop  }
0x90: {  	(tm) =	ssettm $0x1  }
0x91: {  	s17 =	sld [smem:$0x3FFB];
	_ =	sdelay $0x3  }
0x92: {  	_ =	strace s17  }
0x93: {  	s2 =	sld [smem:$0x3FFC];
	_ =	sdelay $0x3  }
0x94: {  	_ =	strace s2  }
0x95: {  	s2 =	sld [smem:$0x3FFD];
	_ =	sdelay $0x3  }
0x96: {  	_ =	strace s2  }
0x97: {  	_ =	strace $0x8FFFFFFF  }
0x98: {  	s18 =	sld [smem:$0x3FDB];
	_ =	sdelay $0x1  }
0x99: {  	s19 =	simm.s32 $_scs_section_size  }
0x9a: {  	s4 =	simm.s32 $_size__tile_overlayer_lowered;
	s5 =	simm.s32 $_tile_overlayer_lowered  }
0x9b: {  	s22 =	simm.s32 $0x1BFF;
	s21 =	sshll.u32 s5, $0x1;
	s2 =	sadd.s32 s19, s18  }
0x9c: {  	s6 =	simm.s32 $0x0;
	s20 =	sshll.u32 s4, $0x1;
	s4 =	sadd.s32 s21, s2  }
0x9d: {  	[timem:s6], [sflag:s22] =	dma.local [hbm:s4], s20  }
0x9e: {  	_ =	swait.ge [sflag:s22], s20  }
0x9f: {  	s3 =	ssub.s32 $0x0, s20;
	[sflag:s22] =	ssyncset.done $0x0  }
0xa0: {  	[sflag:s22] =	ssyncadd.s32 s3;
	_ =	sdelay $0x1  }
0xa1: {  	s23 =	simm.s32 $0x1B8B  }
0xa2: {  	_ =	swait.ge [sflag:s23], $0x1  }
0xa3: {  	[sflag:s23] =	ssyncset.done $0x0  }
0xa4: {  	s25 =	simm.s32 $0x1B8E;
	s24 =	sld [smem:$0x3FFE];
	[sflag:s23] =	ssyncadd.s32 $0xFFFFFFFF  }
0xa5: {  	s26 =	simm.s32 $execute0_lowered;
	[smem:$0x3FD2] =	sst s25  }
0xa6: {  	s4 =	sshll.u32 s26, $0x1;
	_ =	strace $0x8000004C;
	[dreg:$0x1] =	wrdreg $0xFFFFFFFF  }
0xa7: {  	s28 =	simm.s32 $_size_execute0_lowered;
	s2 =	sadd.s32 s2, s4;
	[dreg:$0x0] =	wrdreg $0x0  }
0xa8: {  	s4 =	sshll.u32 s28, $0x1;
	[dreg:$0x2] =	wrdreg s2  }
0xa9: {  	[dreg:$0x3] =	wrdreg s4  }
0xaa: {  	[dreg:$0x4] =	wrdreg $0xC0  }
0xab: {  	_ =	task [dreg:s6], $0x5FFFF  }
0xac: {  	[dreg:$0x1] =	wrdreg $0xFFFFFFFF  }
0xad: {  	[dreg:$0x0] =	wrdreg $0x60  }
0xae: {  	[dreg:$0x2] =	wrdreg s24  }
0xaf: {  	[dreg:$0x3] =	wrdreg $0xA1000  }
0xb0: {  	[dreg:$0x4] =	wrdreg $0x9  }
0xb1: {  	_ =	task.clear_ibuf [dreg:s6], $0x5FFFF;
	_ =	strace $0x9000004C  }
0xb2: {  	s29 =	simm.s32 $0x9;
	_ =	strace $0x8000004E  }
0xb3: {  	_ =	swait.ge [sflag:s29], $0x1  }
0xb4: {  	[sflag:s29] =	ssyncadd.s32 $0xFFFFFFFF  }
0xb5: {  	_ =	strace $0x9000004E  }
0xb6: {  	_ =	sfence  }
0xb7: {  	s30 =	sld [smem:$0x0];
	_ =	sdelay $0x2  }
0xb8: {  	s31 =	sshll.u32 s1, $0xD;
	s1 =	sshrl.u32 s1, $0x2  }
0xb9: {  	s3 =	sand.u32 $0x4000, s31;
	s1 =	sadd.s32 s1, s30  }
0xba: {  	s0 =	sor.u32 s3, s0;
	s1 =	sshll.u32 s1, $0x11  }
0xbb: {  	s0 =	sor.u32 s1, s0  }
0xbc: {  	s0 =	sadd.s32 $0x8F2B, s0  }
0xbd: {  	[sflag:s0] =	ssyncadd.remote.s32 $0x1  }
0xbe: {  	_ =	sfence.sel $0xFFFF  }
0xbf: {  	[dreg:$0x0] =	wrdreg $0xFFFFFFFF;
	(pc) =	sbr.abs _section_cstart, $3  }
0xc0: {  	[dreg:$0x1] =	wrdreg $0xFFFFFFFF  }
0xc1: {  	_ =	task.clear_ibuf [dreg:s6], $0x2FFFF;
	_ =	strace $0x9FFFFFFF  }
0xc2: {  	(tm) =	ssettm $0x7FFFFFFF  }
0xc3: {  	_ =	shalt  }
tec
execute0_lowered:
.L_overlay_start_1:
0x0: {  	(tag) =	ssettag $0x1  }
0x1: {  	s0 =	srdreg.scid  }
0x2: {  	s12 =	stileid.u32;
	s1 =	rddreg [dreg:$0x0]  }
0x3: {  	s2 =	rddreg [dreg:$0x1];
	s30 =	simm.s32 $0x5;
	s6 =	smul.u32 $0x280, s12  }
0x4: {  	s31 =	simm.s32 $0x3;
	s0 =	sand.u32 $0x1, s0;
	s10 =	smul.u32 $0x50000, s12  }
0x5: {  	s3 =	sshll.u32 s12, $0x1;
	s5 =	sadd.s32 $0x4000, s1;
	s26 =	smul.u32 $0x4E20, s12  }
0x6: {  	s11 =	sadd.s32 $0x17C00, s1;
	s4 =	sor.u32 s0, s3;
	s7 =	smul.u32 $0x2800, s0  }
0x7: {  	s3 =	simm.s32 $0x0;
	s23 =	ssub.s32 $0x2, s0;
	s0 =	smul.u32 $0x2710, s0  }
0x8: {  	s4 =	smul.u32 $0x2710, s4;
	[smem:$0x7FF] =	sst s3;
	s24 =	sshrl.u32 s10, $0x2  }
0x9: {  	s25 =	sshrl.u32 s23, $0x1;
	_ =	strace $0x8000004D;
	[dreg:$0x3] =	wrdreg s11  }
0xa: {  	s6 =	sadd.s32 s6, s7;
	s24 =	sadd.s32 s24, s2;
	s0 =	sadd.s32 s0, s26  }
0xb: {  	s8 =	sshrl.u32 s4, $0x3;
	s4 =	sadd.s32 $0x18200, s1;
	s6 =	sshll.u32 s6, $0x4  }
0xc: {  	s11 =	sadd.s32 $0x2800, s24;
	s13 =	sadd.s32 $0x5000, s24;
	s18 =	sadd.s32 $0x190, s0  }
0xd: {  	s20 =	sadd.s32 $0x140, s0;
	s0 =	sadd.s32 $0xF0, s0;
	s9 =	sadd.s32 s8, s1  }
0xe: {  	s1 =	sadd.s32 s6, s1;
	s12 =	sadd.s32 s5, s8;
	[dreg:$0x11] =	wrdreg s0  }
0xf: {  	s6 =	ssub.s32 s23, s25;
	s25 =	sadd.s32 $0x11800, s24;
	[dreg:$0x5] =	wrdreg s12  }
0x10: {  	s14 =	sadd.s32 $0xA000, s24;
	s9 =	sadd.s32 $0xDE00, s9;
	[dreg:$0x13] =	wrdreg s25  }
0x11: {  	s10 =	sadd.s32 $0xC800, s24;
	s28 =	sadd.s32 $0x3F400, s1;
	[dreg:$0x4] =	wrdreg s9  }
0x12: {  	s23 =	sadd.s32 $0x7800, s24;
	s29 =	sadd.s32 $0x3F900, s1;
	[dreg:$0x6] =	wrdreg s28  }
0x13: {  	s19 =	sshrl.u32 s18, $0x3;
	s7 =	sadd.s32 $0x3FE00, s1;
	[dreg:$0x7] =	wrdreg s29  }
0x14: {  	s21 =	sshrl.u32 s20, $0x3;
	s15 =	sadd.s32 $0x40800, s1;
	[dreg:$0x8] =	wrdreg s7  }
0x15: {  	s18 =	simm.s32 $0x2880;
	s16 =	sadd.s32 $0x40D00, s1;
	[dreg:$0xa] =	wrdreg s15  }
0x16: {  	s20 =	simm.s32 $0x1;
	s17 =	sadd.s32 $0x41200, s1;
	[dreg:$0xb] =	wrdreg s16  }
0x17: {  	s0 =	simm.s32 $0x0;
	s6 =	smax.u32 s6, $0x1;
	[dreg:$0xc] =	wrdreg s17  }
0x18: {  	s22 =	sadd.s32 $0xA, s12;
	s26 =	sadd.s32 $0x14, s12;
	[dreg:$0xe] =	wrdreg s6  }
0x19: {  	s9 =	smov.u32 s14;
	s14 =	sadd.s32 $0x40300, s1;
	[dreg:$0x14] =	wrdreg s22  }
0x1a: {  	s1 =	sadd.s32 $0x41700, s1;
	s7 =	sadd.s32 $0xF000, s24;
	[dreg:$0x15] =	wrdreg s26  }
0x1b: {  	s28 =	sadd.s32 $0x4CE, s12;
	s29 =	sadd.s32 $0x4D8, s12;
	[dreg:$0x9] =	wrdreg s14  }
0x1c: {  	s6 =	simm.s32 $0x2900;
	s12 =	simm.s32 $0x7;
	[dreg:$0xd] =	wrdreg s1  }
0x1d: {  	s15 =	simm.s32 $0x50;
	s16 =	simm.s32 $0x2800;
	[dreg:$0x16] =	wrdreg s28  }
0x1e: {  	s17 =	simm.s32 $0x5100;
	s22 =	simm.s32 $0x2;
	[dreg:$0x17] =	wrdreg s29  }
0x1f: {  	s1 =	sadd.s32 s19, s5;
	s14 =	simm.s32 $0x2780;
	[dreg:$0x12] =	wrdreg s7  }
0x20: {  	s19 =	simm.s32 $0x7900;
	[dreg:$0xf] =	wrdreg s1;
	s1 =	sadd.s32 s21, s5  }
0x21: {  	s21 =	simm.s32 $0x4;
	[dreg:$0x10] =	wrdreg s1;
	s1 =	simm.s32 $0x6  }
.LBB2_1:
0x22: {  	s8 =	rddreg [dreg:$0x3]  }
0x23: {  	[tilespmem:s6], [sflag:$0x7] =	stream.linear.gather [hbm4b:s8+s3], $0x2800, $0x38;
	[tilespmem:$0x1E100] =	vst v63  }
0x24: {  	_ =	swait.ge [sflag:s12], $0x2800  }
0x25: {  	[sflag:s12] =	ssyncset.done $0x0  }
0x26: {  	[sflag:s12] =	ssyncadd.s32 $0xFFFFD800  }
0x27: {  	[spmem:s24] =	stream.linear.scatter [tilespmem:s6], [sflag:$0x7], $0x2800, $0x38;
	[tilespmem:$0x1E100] =	vst v63  }
0x28: {  	_ =	swait.ge [sflag:s12], $0x2800  }
0x29: {  	[sflag:s12] =	ssyncset.done $0x0  }
0x2a: {  	[sflag:s12] =	ssyncadd.s32 $0xFFFFD800  }
0x2b: {  	[spmem:s11] =	stream.linear.scatter [tilespmem:s6], [sflag:$0x7], $0x2800, $0x38;
	[tilespmem:$0x1E100] =	vst v63  }
0x2c: {  	_ =	swait.ge [sflag:s12], $0x2800  }
0x2d: {  	[sflag:s12] =	ssyncset.done $0x0  }
0x2e: {  	[sflag:s12] =	ssyncadd.s32 $0xFFFFD800  }
0x2f: {  	[spmem:s13] =	stream.linear.scatter [tilespmem:s6], [sflag:$0x7], $0x2800, $0x38;
	[tilespmem:$0x1E100] =	vst v63  }
0x30: {  	_ =	swait.ge [sflag:s12], $0x2800  }
0x31: {  	[sflag:s12] =	ssyncset.done $0x0  }
0x32: {  	[sflag:s12] =	ssyncadd.s32 $0xFFFFD800  }
0x33: {  	[spmem:s23] =	stream.linear.scatter [tilespmem:s6], [sflag:$0x7], $0x2800, $0x38;
	[tilespmem:$0x1E100] =	vst v63  }
0x34: {  	_ =	swait.ge [sflag:s12], $0x2800  }
0x35: {  	[sflag:s12] =	ssyncset.done $0x0  }
0x36: {  	[sflag:s12] =	ssyncadd.s32 $0xFFFFD800  }
0x37: {  	[spmem:s9] =	stream.linear.scatter [tilespmem:s6], [sflag:$0x7], $0x2800, $0x38;
	[tilespmem:$0x1E100] =	vst v63  }
0x38: {  	_ =	swait.ge [sflag:s12], $0x2800  }
0x39: {  	[sflag:s12] =	ssyncset.done $0x0  }
0x3a: {  	[sflag:s12] =	ssyncadd.s32 $0xFFFFD800  }
0x3b: {  	[spmem:s10] =	stream.linear.scatter [tilespmem:s6], [sflag:$0x7], $0x2800, $0x38;
	[tilespmem:$0x1E100] =	vst v63  }
0x3c: {  	_ =	swait.ge [sflag:s12], $0x2800  }
0x3d: {  	[sflag:s12] =	ssyncset.done $0x0  }
0x3e: {  	s8 =	smov.u32 s7;
	[sflag:s12] =	ssyncadd.s32 $0xFFFFD800  }
0x3f: {  	[spmem:s8] =	stream.linear.scatter [tilespmem:s6], [sflag:$0x7], $0x2800, $0x38;
	[tilespmem:$0x1E100] =	vst v63  }
0x40: {  	_ =	swait.ge [sflag:s12], $0x2800  }
0x41: {  	s29 =	smov.u32 s24;
	[sflag:s12] =	ssyncset.done $0x0  }
0x42: {  	s24 =	smov.u32 s11;
	s11 =	smov.u32 s25;
	[sflag:s12] =	ssyncadd.s32 $0xFFFFD800  }
0x43: {  	[spmem:s11] =	stream.linear.scatter [tilespmem:s6], [sflag:$0x7], $0x2800, $0x38;
	[tilespmem:$0x1E100] =	vst v63  }
0x44: {  	_ =	swait.ge [sflag:s12], $0x2800  }
0x45: {  	[sflag:s12] =	ssyncset.done $0x0  }
0x46: {  	s28 =	smov.u32 s9;
	s9 =	rddreg [dreg:$0x4];
	[sflag:s12] =	ssyncadd.s32 $0xFFFFD800  }
0x47: {  	[tilespmem:s3], [sflag:$0x7] =	stream.linear.gather [hbm4b:s9+s3], $0x2710, $0x38;
	[tilespmem:$0x1E100] =	vst v63  }
0x48: {  	_ =	swait.ge [sflag:s12], $0x2710  }
0x49: {  	[sflag:s12] =	ssyncset.done $0x0  }
0x4a: {  	[sflag:s12] =	ssyncadd.s32 $0xFFFFD8F0  }
0x4b: {  	[bflag:$0x0] =	sbarrier.arrive $0xFFFF  }
0x4c: {  	s7 =	smov.u32 s10;
	s10 =	rddreg [dreg:$0x5]  }
0x4d: {  	[tilespmem:s14], [sflag:$0x4] =	stream.linear.gather [hbm4b:s10+s3], $0x50, $0x38;
	[tilespmem:$0x1E100] =	vst v63  }
0x4e: {  	_ = 	snop  }
0x4f: {  	[tilespmem:s6], [sflag:$0x1] =	stream.indirect.gather [hbm4b:s4+s15], $0x80, s3, s15, $0xb8;
	[tilespmem:$0x1E100] =	vst v63  }
0x50: {  	s11 =	rddreg [dreg:$0x14]  }
0x51: {  	[tilespmem:s16], [sflag:$0x5] =	stream.linear.gather [hbm4b:s11+s3], $0x50, $0x38;
	[tilespmem:$0x1E100] =	vst v63  }
0x52: {  	_ = 	snop  }
0x53: {  	[tilespmem:s17], [sflag:$0x2] =	stream.indirect.gather [hbm4b:s4+s15], $0x80, s15, s15, $0xb8;
	[tilespmem:$0x1E100] =	vst v63  }
0x54: {  	s25 =	smov.u32 s13;
	s13 =	rddreg [dreg:$0x15]  }
0x55: {  	[tilespmem:s18], [sflag:$0x6] =	stream.linear.gather [hbm4b:s13+s3], $0x50, $0x38;
	[tilespmem:$0x1E100] =	vst v63  }
0x56: {  	s26 =	smov.u32 s23;
	s23 =	simm.s32 $0xA0  }
0x57: {  	[tilespmem:s19], [sflag:$0x3] =	stream.indirect.gather [hbm4b:s4+s15], $0x80, s23, s15, $0xb8;
	[tilespmem:$0x1E100] =	vst v63  }
0x58: {  	_ =	swait.ge [sflag:s20], $0x2800  }
0x59: {  	[sflag:s20] =	ssyncset.done $0x0  }
0x5a: {  	[sflag:s20] =	ssyncadd.s32 $0xFFFFD800  }
0x5b: {  	_ =	swait.ge [sflag:s21], $0x50  }
0x5c: {  	[sflag:s21] =	ssyncset.done $0x0  }
0x5d: {  	[sflag:s21] =	ssyncadd.s32 $0xFFFFFFB0  }
0x5e: {  	[spmem:s2] =	stream.indirect.scatter.add.f32 [tilespmem:s6], [sflag:$0x7], $0x80, s14, s15, $0xb8;
	[tilespmem:$0x1E100] =	vst v63  }
0x5f: {  	_ =	swait.ge [sflag:s12], $0x2800  }
0x60: {  	s11 =	rddreg [dreg:$0x11]  }
0x61: {  	[sflag:s12] =	ssyncset.done $0x0;
	s9 =	sshrl.u32 s11, $0x3  }
0x62: {  	[sflag:s12] =	ssyncadd.s32 $0xFFFFD800;
	s8 =	sadd.s32 s5, s9  }
0x63: {  	[tilespmem:s14], [sflag:$0x4] =	stream.linear.gather [hbm4b:s8+s3], $0x50, $0x38;
	[tilespmem:$0x1E100] =	vst v63  }
0x64: {  	s10 =	simm.s32 $0xF0  }
0x65: {  	[tilespmem:s6], [sflag:$0x1] =	stream.indirect.gather [hbm4b:s4+s15], $0x80, s10, s15, $0xb8;
	[tilespmem:$0x1E100] =	vst v63  }
0x66: {  	_ =	swait.ge [sflag:s22], $0x2800  }
0x67: {  	[sflag:s22] =	ssyncset.done $0x0  }
0x68: {  	[sflag:s22] =	ssyncadd.s32 $0xFFFFD800  }
0x69: {  	_ =	swait.ge [sflag:s30], $0x50  }
0x6a: {  	[sflag:s30] =	ssyncset.done $0x0  }
0x6b: {  	[sflag:s30] =	ssyncadd.s32 $0xFFFFFFB0  }
0x6c: {  	[spmem:s2] =	stream.indirect.scatter.add.f32 [tilespmem:s17], [sflag:$0x7], $0x80, s16, s15, $0xb8;
	[tilespmem:$0x1E100] =	vst v63  }
0x6d: {  	_ =	swait.ge [sflag:s12], $0x2800  }
0x6e: {  	[sflag:s12] =	ssyncset.done $0x0  }
0x6f: {  	s10 =	rddreg [dreg:$0x10];
	[sflag:s12] =	ssyncadd.s32 $0xFFFFD800  }
0x70: {  	[tilespmem:s16], [sflag:$0x5] =	stream.linear.gather [hbm4b:s10+s3], $0x50, $0x38;
	[tilespmem:$0x1E100] =	vst v63  }
0x71: {  	s13 =	simm.s32 $0x140  }
0x72: {  	[tilespmem:s17], [sflag:$0x2] =	stream.indirect.gather [hbm4b:s4+s15], $0x80, s13, s15, $0xb8;
	[tilespmem:$0x1E100] =	vst v63  }
0x73: {  	_ =	swait.ge [sflag:s31], $0x2800  }
0x74: {  	[sflag:s31] =	ssyncset.done $0x0  }
0x75: {  	[sflag:s31] =	ssyncadd.s32 $0xFFFFD800  }
0x76: {  	_ =	swait.ge [sflag:s1], $0x50  }
0x77: {  	[sflag:s1] =	ssyncset.done $0x0  }
0x78: {  	[sflag:s1] =	ssyncadd.s32 $0xFFFFFFB0  }
0x79: {  	[spmem:s2] =	stream.indirect.scatter.add.f32 [tilespmem:s19], [sflag:$0x7], $0x80, s18, s15, $0xb8;
	[tilespmem:$0x1E100] =	vst v63  }
0x7a: {  	s8 =	sadd.s32 $0xF0, s11;
	s11 =	simm.s32 $0x190;
	_ =	swait.ge [sflag:s12], $0x2800  }
0x7b: {  	s10 =	sadd.s32 $0x1E, s10;
	[sflag:s12] =	ssyncset.done $0x0;
	s23 =	rddreg [dreg:$0xf]  }
0x7c: {  	s13 =	simm.s32 $0x3C0;
	[sflag:s12] =	ssyncadd.s32 $0xFFFFD800;
	s9 =	sadd.s32 $0x1E, s23  }
0x7d: {  	[tilespmem:s18], [sflag:$0x6] =	stream.linear.gather [hbm4b:s23+s3], $0x50, $0x38;
	[tilespmem:$0x1E100] =	vst v63  }
.LBB2_2:
0x7e: {  	[tilespmem:s19], [sflag:$0x3] =	stream.indirect.gather [hbm4b:s4+s15], $0x80, s11, s15, $0xb8;
	[tilespmem:$0x1E100] =	vst v63  }
0x7f: {  	s11 =	smov.u32 s13  }
0x80: {  	p0 =	sne.s32 s13, $0x9240;
	s13 =	sadd.s32 $0x3C0, s13;
	_ =	swait.ge [sflag:s20], $0x2800  }
0x81: {  	[sflag:s20] =	ssyncset.done $0x0  }
0x82: {  	[sflag:s20] =	ssyncadd.s32 $0xFFFFD800  }
0x83: {  	_ =	swait.ge [sflag:s21], $0x50  }
0x84: {  	[sflag:s21] =	ssyncset.done $0x0  }
0x85: {  	[sflag:s21] =	ssyncadd.s32 $0xFFFFFFB0  }
0x86: {  	[spmem:s2] =	stream.indirect.scatter.add.f32 [tilespmem:s6], [sflag:$0x7], $0x80, s14, s15, $0xb8;
	[tilespmem:$0x1E100] =	vst v63  }
0x87: {  	_ =	swait.ge [sflag:s12], $0x2800  }
0x88: {  	s23 =	sshrl.u32 s8, $0x3;
	[sflag:s12] =	ssyncset.done $0x0  }
0x89: {  	s23 =	sadd.s32 s5, s23;
	s11 =	sshra.s32 s11, $0x2;
	[sflag:s12] =	ssyncadd.s32 $0xFFFFD800  }
0x8a: {  	[tilespmem:s14], [sflag:$0x4] =	stream.linear.gather [hbm4b:s23+s3], $0x50, $0x38;
	[tilespmem:$0x1E100] =	vst v63  }
0x8b: {  	s23 =	sadd.s32 $0xF0, s11  }
0x8c: {  	[tilespmem:s6], [sflag:$0x1] =	stream.indirect.gather [hbm4b:s4+s15], $0x80, s23, s15, $0xb8;
	[tilespmem:$0x1E100] =	vst v63  }
0x8d: {  	_ =	swait.ge [sflag:s22], $0x2800  }
0x8e: {  	[sflag:s22] =	ssyncset.done $0x0  }
0x8f: {  	[sflag:s22] =	ssyncadd.s32 $0xFFFFD800  }
0x90: {  	_ =	swait.ge [sflag:s30], $0x50  }
0x91: {  	[sflag:s30] =	ssyncset.done $0x0  }
0x92: {  	[sflag:s30] =	ssyncadd.s32 $0xFFFFFFB0  }
0x93: {  	[spmem:s2] =	stream.indirect.scatter.add.f32 [tilespmem:s17], [sflag:$0x7], $0x80, s16, s15, $0xb8;
	[tilespmem:$0x1E100] =	vst v63  }
0x94: {  	_ =	swait.ge [sflag:s12], $0x2800  }
0x95: {  	[sflag:s12] =	ssyncset.done $0x0  }
0x96: {  	[sflag:s12] =	ssyncadd.s32 $0xFFFFD800  }
0x97: {  	[tilespmem:s16], [sflag:$0x5] =	stream.linear.gather [hbm4b:s10+s3], $0x50, $0x38;
	[tilespmem:$0x1E100] =	vst v63  }
0x98: {  	s23 =	sadd.s32 $0x140, s11  }
0x99: {  	[tilespmem:s17], [sflag:$0x2] =	stream.indirect.gather [hbm4b:s4+s15], $0x80, s23, s15, $0xb8;
	[tilespmem:$0x1E100] =	vst v63  }
0x9a: {  	_ =	swait.ge [sflag:s31], $0x2800  }
0x9b: {  	[sflag:s31] =	ssyncset.done $0x0  }
0x9c: {  	[sflag:s31] =	ssyncadd.s32 $0xFFFFD800  }
0x9d: {  	_ =	swait.ge [sflag:s1], $0x50  }
0x9e: {  	[sflag:s1] =	ssyncset.done $0x0  }
0x9f: {  	[sflag:s1] =	ssyncadd.s32 $0xFFFFFFB0  }
0xa0: {  	[spmem:s2] =	stream.indirect.scatter.add.f32 [tilespmem:s19], [sflag:$0x7], $0x80, s18, s15, $0xb8;
	[tilespmem:$0x1E100] =	vst v63  }
.Ltmp0:
0xa1: {  	_ =	swait.ge [sflag:s12], $0x2800;
	(pc) =	sbr.rel @p0 .LBB2_2-.Ltmp0, $4  }
0xa2: {  	[sflag:s12] =	ssyncset.done $0x0  }
0xa3: {  	s8 =	sadd.s32 $0xF0, s8;
	[sflag:s12] =	ssyncadd.s32 $0xFFFFD800  }
0xa4: {  	[tilespmem:s18], [sflag:$0x6] =	stream.linear.gather [hbm4b:s9+s3], $0x50, $0x38;
	[tilespmem:$0x1E100] =	vst v63  }
0xa5: {  	s11 =	sadd.s32 $0x190, s11;
	s10 =	sadd.s32 $0x1E, s10;
	s9 =	sadd.s32 $0x1E, s9  }
0xa6: {  	[tilespmem:s19], [sflag:$0x3] =	stream.indirect.gather [hbm4b:s4+s15], $0x80, s11, s15, $0xb8;
	[tilespmem:$0x1E100] =	vst v63  }
0xa7: {  	_ =	swait.ge [sflag:s20], $0x2800  }
0xa8: {  	[sflag:s20] =	ssyncset.done $0x0  }
0xa9: {  	[sflag:s20] =	ssyncadd.s32 $0xFFFFD800  }
0xaa: {  	_ =	swait.ge [sflag:s21], $0x50  }
0xab: {  	[sflag:s21] =	ssyncset.done $0x0  }
0xac: {  	[sflag:s21] =	ssyncadd.s32 $0xFFFFFFB0  }
0xad: {  	[spmem:s2] =	stream.indirect.scatter.add.f32 [tilespmem:s6], [sflag:$0x7], $0x80, s14, s15, $0xb8;
	[tilespmem:$0x1E100] =	vst v63  }
0xae: {  	_ =	swait.ge [sflag:s12], $0x2800  }
0xaf: {  	[sflag:s12] =	ssyncset.done $0x0  }
0xb0: {  	s8 =	rddreg [dreg:$0x16];
	[sflag:s12] =	ssyncadd.s32 $0xFFFFD800  }
0xb1: {  	[tilespmem:s14], [sflag:$0x4] =	stream.linear.gather [hbm4b:s8+s3], $0x50, $0x38;
	[tilespmem:$0x1E100] =	vst v63  }
0xb2: {  	s9 =	simm.s32 $0x2670  }
0xb3: {  	[tilespmem:s6], [sflag:$0x1] =	stream.indirect.gather [hbm4b:s4+s15], $0x80, s9, s15, $0xb8;
	[tilespmem:$0x1E100] =	vst v63  }
0xb4: {  	_ =	swait.ge [sflag:s22], $0x2800  }
0xb5: {  	[sflag:s22] =	ssyncset.done $0x0  }
0xb6: {  	[sflag:s22] =	ssyncadd.s32 $0xFFFFD800  }
0xb7: {  	_ =	swait.ge [sflag:s30], $0x50  }
0xb8: {  	[sflag:s30] =	ssyncset.done $0x0  }
0xb9: {  	[sflag:s30] =	ssyncadd.s32 $0xFFFFFFB0  }
0xba: {  	[spmem:s2] =	stream.indirect.scatter.add.f32 [tilespmem:s17], [sflag:$0x7], $0x80, s16, s15, $0xb8;
	[tilespmem:$0x1E100] =	vst v63  }
0xbb: {  	_ =	swait.ge [sflag:s12], $0x2800  }
0xbc: {  	[sflag:s12] =	ssyncset.done $0x0  }
0xbd: {  	s10 =	rddreg [dreg:$0x17];
	[sflag:s12] =	ssyncadd.s32 $0xFFFFD800  }
0xbe: {  	[tilespmem:s16], [sflag:$0x5] =	stream.linear.gather [hbm4b:s10+s3], $0x50, $0x38;
	[tilespmem:$0x1E100] =	vst v63  }
0xbf: {  	s11 =	simm.s32 $0x26C0  }
0xc0: {  	[tilespmem:s17], [sflag:$0x2] =	stream.indirect.gather [hbm4b:s4+s15], $0x80, s11, s15, $0xb8;
	[tilespmem:$0x1E100] =	vst v63  }
0xc1: {  	_ =	swait.ge [sflag:s31], $0x2800  }
0xc2: {  	[sflag:s31] =	ssyncset.done $0x0  }
0xc3: {  	[sflag:s31] =	ssyncadd.s32 $0xFFFFD800  }
0xc4: {  	_ =	swait.ge [sflag:s1], $0x50  }
0xc5: {  	[sflag:s1] =	ssyncset.done $0x0  }
0xc6: {  	[sflag:s1] =	ssyncadd.s32 $0xFFFFFFB0  }
0xc7: {  	[spmem:s2] =	stream.indirect.scatter.add.f32 [tilespmem:s19], [sflag:$0x7], $0x80, s18, s15, $0xb8;
	[tilespmem:$0x1E100] =	vst v63  }
0xc8: {  	_ =	swait.ge [sflag:s12], $0x2800  }
0xc9: {  	[sflag:s12] =	ssyncset.done $0x0  }
0xca: {  	[sflag:s12] =	ssyncadd.s32 $0xFFFFD800  }
0xcb: {  	_ =	swait.ge [sflag:s20], $0x2800  }
0xcc: {  	[sflag:s20] =	ssyncset.done $0x0  }
0xcd: {  	[sflag:s20] =	ssyncadd.s32 $0xFFFFD800  }
0xce: {  	_ =	swait.ge [sflag:s21], $0x50  }
0xcf: {  	[sflag:s21] =	ssyncset.done $0x0  }
0xd0: {  	[sflag:s21] =	ssyncadd.s32 $0xFFFFFFB0  }
0xd1: {  	[spmem:s2] =	stream.indirect.scatter.add.f32 [tilespmem:s6], [sflag:$0x7], $0x80, s14, s15, $0xb8;
	[tilespmem:$0x1E100] =	vst v63  }
0xd2: {  	_ =	swait.ge [sflag:s12], $0x2800  }
0xd3: {  	[sflag:s12] =	ssyncset.done $0x0  }
0xd4: {  	[sflag:s12] =	ssyncadd.s32 $0xFFFFD800  }
0xd5: {  	_ =	swait.ge [sflag:s22], $0x2800  }
0xd6: {  	[sflag:s22] =	ssyncset.done $0x0  }
0xd7: {  	[sflag:s22] =	ssyncadd.s32 $0xFFFFD800  }
0xd8: {  	_ =	swait.ge [sflag:s30], $0x50  }
0xd9: {  	[sflag:s30] =	ssyncset.done $0x0  }
0xda: {  	[sflag:s30] =	ssyncadd.s32 $0xFFFFFFB0  }
0xdb: {  	[spmem:s2] =	stream.indirect.scatter.add.f32 [tilespmem:s17], [sflag:$0x7], $0x80, s16, s15, $0xb8;
	[tilespmem:$0x1E100] =	vst v63  }
0xdc: {  	_ =	swait.ge [sflag:s12], $0x2800  }
0xdd: {  	[sflag:s12] =	ssyncset.done $0x0  }
0xde: {  	[sflag:s12] =	ssyncadd.s32 $0xFFFFD800  }
0xdf: {  	[bflag:$0x0] =	sbarrier.arrive $0xFFFF  }
0xe0: {  	[tilespmem:s6], [sflag:$0x7] =	stream.linear.gather [spmem:s29], $0x2800, $0x38;
	[tilespmem:$0x1E100] =	vst v63  }
0xe1: {  	_ =	swait.ge [sflag:s12], $0x2800  }
0xe2: {  	[sflag:s12] =	ssyncset.done $0x0  }
0xe3: {  	s13 =	rddreg [dreg:$0x6];
	[sflag:s12] =	ssyncadd.s32 $0xFFFFD800  }
0xe4: {  	[hbm4b:s13+s3] =	stream.linear.scatter [tilespmem:s6], [sflag:$0x7], $0x2800, $0x38;
	[tilespmem:$0x1E100] =	vst v63  }
0xe5: {  	_ =	swait.ge [sflag:s12], $0x2800  }
0xe6: {  	[sflag:s12] =	ssyncset.done $0x0  }
0xe7: {  	s11 =	smov.u32 s24;
	[sflag:s12] =	ssyncadd.s32 $0xFFFFD800  }
0xe8: {  	[tilespmem:s6], [sflag:$0x7] =	stream.linear.gather [spmem:s11], $0x2800, $0x38;
	[tilespmem:$0x1E100] =	vst v63  }
0xe9: {  	_ =	swait.ge [sflag:s12], $0x2800  }
0xea: {  	[sflag:s12] =	ssyncset.done $0x0  }
0xeb: {  	s23 =	rddreg [dreg:$0x7];
	[sflag:s12] =	ssyncadd.s32 $0xFFFFD800  }
0xec: {  	[hbm4b:s23+s3] =	stream.linear.scatter [tilespmem:s6], [sflag:$0x7], $0x2800, $0x38;
	[tilespmem:$0x1E100] =	vst v63  }
0xed: {  	_ =	swait.ge [sflag:s12], $0x2800  }
0xee: {  	[sflag:s12] =	ssyncset.done $0x0  }
0xef: {  	[sflag:s12] =	ssyncadd.s32 $0xFFFFD800  }
0xf0: {  	[tilespmem:s6], [sflag:$0x7] =	stream.linear.gather [spmem:s25], $0x2800, $0x38;
	[tilespmem:$0x1E100] =	vst v63  }
0xf1: {  	_ =	swait.ge [sflag:s12], $0x2800  }
0xf2: {  	[sflag:s12] =	ssyncset.done $0x0  }
0xf3: {  	s24 =	smov.u32 s29;
	s29 =	rddreg [dreg:$0x8];
	[sflag:s12] =	ssyncadd.s32 $0xFFFFD800  }
0xf4: {  	[hbm4b:s29+s3] =	stream.linear.scatter [tilespmem:s6], [sflag:$0x7], $0x2800, $0x38;
	[tilespmem:$0x1E100] =	vst v63  }
0xf5: {  	_ =	swait.ge [sflag:s12], $0x2800  }
0xf6: {  	[sflag:s12] =	ssyncset.done $0x0  }
0xf7: {  	[sflag:s12] =	ssyncadd.s32 $0xFFFFD800  }
0xf8: {  	[tilespmem:s6], [sflag:$0x7] =	stream.linear.gather [spmem:s26], $0x2800, $0x38;
	[tilespmem:$0x1E100] =	vst v63  }
0xf9: {  	_ =	swait.ge [sflag:s12], $0x2800  }
0xfa: {  	[sflag:s12] =	ssyncset.done $0x0  }
0xfb: {  	s9 =	rddreg [dreg:$0x9];
	[sflag:s12] =	ssyncadd.s32 $0xFFFFD800  }
0xfc: {  	[hbm4b:s9+s3] =	stream.linear.scatter [tilespmem:s6], [sflag:$0x7], $0x2800, $0x38;
	[tilespmem:$0x1E100] =	vst v63  }
0xfd: {  	_ =	swait.ge [sflag:s12], $0x2800  }
0xfe: {  	[sflag:s12] =	ssyncset.done $0x0  }
0xff: {  	[sflag:s12] =	ssyncadd.s32 $0xFFFFD800  }
0x100: {  	[tilespmem:s6], [sflag:$0x7] =	stream.linear.gather [spmem:s28], $0x2800, $0x38;
	[tilespmem:$0x1E100] =	vst v63  }
0x101: {  	_ =	swait.ge [sflag:s12], $0x2800  }
0x102: {  	[sflag:s12] =	ssyncset.done $0x0  }
0x103: {  	s10 =	rddreg [dreg:$0xa];
	[sflag:s12] =	ssyncadd.s32 $0xFFFFD800  }
0x104: {  	[hbm4b:s10+s3] =	stream.linear.scatter [tilespmem:s6], [sflag:$0x7], $0x2800, $0x38;
	[tilespmem:$0x1E100] =	vst v63  }
0x105: {  	_ =	swait.ge [sflag:s12], $0x2800  }
0x106: {  	[sflag:s12] =	ssyncset.done $0x0  }
0x107: {  	[sflag:s12] =	ssyncadd.s32 $0xFFFFD800  }
0x108: {  	[tilespmem:s6], [sflag:$0x7] =	stream.linear.gather [spmem:s7], $0x2800, $0x38;
	[tilespmem:$0x1E100] =	vst v63  }
0x109: {  	_ =	swait.ge [sflag:s12], $0x2800  }
0x10a: {  	[sflag:s12] =	ssyncset.done $0x0  }
0x10b: {  	s13 =	smov.u32 s25;
	s25 =	rddreg [dreg:$0xb];
	[sflag:s12] =	ssyncadd.s32 $0xFFFFD800  }
0x10c: {  	[hbm4b:s25+s3] =	stream.linear.scatter [tilespmem:s6], [sflag:$0x7], $0x2800, $0x38;
	[tilespmem:$0x1E100] =	vst v63  }
0x10d: {  	_ =	swait.ge [sflag:s12], $0x2800  }
0x10e: {  	[sflag:s12] =	ssyncset.done $0x0  }
0x10f: {  	s10 =	smov.u32 s7;
	s7 =	rddreg [dreg:$0x12];
	[sflag:s12] =	ssyncadd.s32 $0xFFFFD800  }
0x110: {  	[tilespmem:s6], [sflag:$0x7] =	stream.linear.gather [spmem:s7], $0x2800, $0x38;
	[tilespmem:$0x1E100] =	vst v63  }
0x111: {  	_ =	swait.ge [sflag:s12], $0x2800  }
0x112: {  	[sflag:s12] =	ssyncset.done $0x0  }
0x113: {  	s23 =	smov.u32 s26;
	s26 =	rddreg [dreg:$0xc];
	[sflag:s12] =	ssyncadd.s32 $0xFFFFD800  }
0x114: {  	[hbm4b:s26+s3] =	stream.linear.scatter [tilespmem:s6], [sflag:$0x7], $0x2800, $0x38;
	[tilespmem:$0x1E100] =	vst v63  }
0x115: {  	_ =	swait.ge [sflag:s12], $0x2800  }
0x116: {  	[sflag:s12] =	ssyncset.done $0x0  }
0x117: {  	s25 =	rddreg [dreg:$0x13];
	[sflag:s12] =	ssyncadd.s32 $0xFFFFD800  }
0x118: {  	[tilespmem:s6], [sflag:$0x7] =	stream.linear.gather [spmem:s25], $0x2800, $0x38;
	[tilespmem:$0x1E100] =	vst v63  }
0x119: {  	_ =	swait.ge [sflag:s12], $0x2800  }
0x11a: {  	[sflag:s12] =	ssyncset.done $0x0  }
0x11b: {  	s9 =	smov.u32 s28;
	s28 =	rddreg [dreg:$0xd];
	[sflag:s12] =	ssyncadd.s32 $0xFFFFD800  }
0x11c: {  	[hbm4b:s28+s3] =	stream.linear.scatter [tilespmem:s6], [sflag:$0x7], $0x2800, $0x38;
	[tilespmem:$0x1E100] =	vst v63  }
0x11d: {  	_ =	swait.ge [sflag:s12], $0x2800  }
0x11e: {  	s0 =	sadd.s32 $0x1, s0;
	s29 =	rddreg [dreg:$0xe]  }
0x11f: {  	p0 =	sne.s32 s0, s29  }
.Ltmp1:
0x120: {  	_ = 	snop;
	(pc) =	sbr.rel @p0 .LBB2_1-.Ltmp1, $3  }
0x121: {  	_ =	sdelay $0x1  }
0x122: {  	[sflag:s12] =	ssyncset.done $0x0  }
0x123: {  	[sflag:s12] =	ssyncadd.s32 $0xFFFFD800  }
0x124: {  	_ =	sfence.sel $0x180000  }
0x125: {  	[bflag:$0x0] =	sbarrier.arrive $0xFFFF  }
0x126: {  	_ =	strace $0x9000004D  }
0x127: {  	s0 =	stileid.u32;
	[bflag:$0x2] =	sbarrier.arrive $0xFFFF  }
0x128: {  	p0 =	sne.s32 s0, $0x0;
	s0 =	rddreg [dreg:$0x2]  }
0x129: {  	s0 =	sadd.s32 @!p0 $0x100000, s0  }
0x12a: {  	[sflag:s0] =	ssyncadd.tile.s32 @!p0 $0x1;
	_ =	shalt  }
.Lfunc_end2:
_tile_overlayer_lowered:
.L_overlay_start_2:
0x12b: {  	(tag) =	ssettag $0x2  }
0x12c: {  	s0 =	rddreg [dreg:$0x0];
	s2 =	stileid.u32  }
0x12d: {  	s1 =	rddreg [dreg:$0x1];
	p0 =	sne.s32 s2, $0x0  }
0x12e: {  	s3 =	rddreg [dreg:$0x2];
	[bflag:$0x3] =	sbarrier.arrive $0xFFFF;
	s2 =	simm.s32 @!p0 $0x1C07  }
0x12f: {  	[timem:s3], [sflag:s2] =	dma.local @!p0 [hbm:s0], s1  }
0x130: {  	s0 =	simm.s32 @!p0 $0x7  }
0x131: {  	_ =	swait.ge @!p0 [sflag:s0], s1  }
0x132: {  	s1 =	ssub.s32 @!p0 $0x0, s1;
	[sflag:s0] =	ssyncset.done @!p0 $0x0  }
0x133: {  	[sflag:s0] =	ssyncadd.s32 @!p0 s1  }
0x134: {  	[bflag:$0x3] =	sbarrier.arrive $0xFFFF  }
0x135: {  	_ =	shalt  }

// kernel: sc_degree.3.cloned.1.call-start
scs
__scs_entry_jumppad:
0x0: {  	(pc) =	sbr.rel $0x88, $3  }
0x1: {  	(tag) =	ssettag $0x0;
	lr =	simm.s32 $0x1  }
0x2: {  	[smem:$0x3F8C] =	sst lr;
	_ =	strace $0xD0000000  }
0x3: {  	_ = 	snop  }
0x4: {  	_ = 	snop  }
0x5: {  	_ = 	snop  }
0x6: {  	_ = 	snop  }
0x7: {  	_ = 	snop  }
__scs_overlays_trampoline_lowered:
0x8: {  	[smem:$0x3F9B] =	sst s0  }
0x9: {  	[smem:$0x3F9C] =	sst s1  }
0xa: {  	[smem:$0x3F9D] =	sst s2  }
0xb: {  	[smem:$0x3F9E] =	sst s3  }
0xc: {  	[smem:$0x3F9F] =	sst s4  }
0xd: {  	[smem:$0x3FA0] =	sst s5  }
0xe: {  	[smem:$0x3FA1] =	sst s6  }
0xf: {  	[smem:$0x3FA2] =	sst s7  }
0x10: {  	[smem:$0x3FA3] =	sst s8  }
0x11: {  	[smem:$0x3FA4] =	sst s9;
	s0 =	simm.s32 @!p0 $0x0  }
0x12: {  	s1 =	sld [smem:$0x3F8A];
	s0 =	simm.s32 @p0 $0x1  }
0x13: {  	[smem:$0x3FA5] =	sst s0;
	s0 =	simm.s32 @!p1 $0x0  }
0x14: {  	s2 =	sld [smem:$0x3F89];
	s0 =	simm.s32 @p1 $0x1  }
0x15: {  	[smem:$0x3FA6] =	sst s0;
	s0 =	simm.s32 @!p2 $0x0  }
0x16: {  	s3 =	sld [smem:$0x3FDB];
	s0 =	simm.s32 @p2 $0x1  }
0x17: {  	s4 =	simm.s32 $0x1BF5;
	[smem:$0x3FA8] =	sst s0  }
0x18: {  	s0 =	sld [smem:$0x3F8B];
	_ =	swait.ge [sflag:s4], $0x0  }
0x19: {  	s7 =	sld [smem:$0x3F8C]  }
0x1a: {  	s8 =	sadd.s32 $0xFFFFE003, lr  }
0x1b: {  	s9 =	sadd.s32 $0xFFFFFEF7, lr;
	s5 =	simm.s32 $0xFFFFFFFF;
	p2 =	slt.u32 s8, $0xFFFFF086  }
0x1c: {  	p1 =	slt.u32 s9, $0xF7A;
	s5 =	simm.s32 @!p2 $0x0  }
0x1d: {  	s5 =	simm.s32 @p1 $0x1;
	p0 =	seq.s32 s7, s2  }
0x1e: {  	s7 =	smul.u32 @!p0 $0xF7A, s2;
	p2 =	seq.s32 @!p0 s5, $0x0  }
0x1f: {  	s9 =	smul.u32 $0xF7A, s1;
	s8 =	simm.s32 @!p0 $0x1BF5;
	p2 =	por !p2, p0  }
0x20: {  	[sflag:s8] =	ssyncset.s32 @!p0 $0xFFFFF086;
	s6 =	sadd.s32 @!p0 s3, s7;
	s7 =	simm.s32 @!p0 $0x108  }
0x21: {  	s3 =	sadd.s32 s3, s9;
	s6 =	sadd.s32 @!p0 $0x88, s6;
	s7 =	simm.s32 @p2 $0x1082  }
0x22: {  	[simem:s7], [sflag:s8] =	dma.local @!p0 [hbm:s6], $0xF7A  }
0x23: {  	s9 =	sor.u32 $0xD0000000, s2;
	s6 =	simm.s32 $0x108;
	_ =	swait.ge @!p0 [sflag:s8], $0x0  }
0x24: {  	s3 =	sadd.s32 $0x88, s3;
	s6 =	simm.s32 @!p1 $0x1082;
	[sflag:s4] =	ssyncset.s32 $0xFFFFF086  }
0x25: {  	[simem:s6], [sflag:s4] =	dma.local [hbm:s3], $0xF7A  }
0x26: {  	[smem:$0x3F8C] =	sst s1;
	(tag) =	ssettag s2;
	_ =	strace s9  }
0x27: {  	s1 =	sld [smem:$0x3F9C]  }
0x28: {  	s2 =	sld [smem:$0x3F9D]  }
0x29: {  	s4 =	sld [smem:$0x3F9F]  }
0x2a: {  	p0 =	seq.s32 s5, $0x0;
	s5 =	sld [smem:$0x3FA0]  }
0x2b: {  	s6 =	sld [smem:$0x3FA1]  }
0x2c: {  	s7 =	sld [smem:$0x3FA2]  }
0x2d: {  	s3 =	simm.s32 $0x108;
	s8 =	sld [smem:$0x3FA3]  }
0x2e: {  	s3 =	simm.s32 @!p0 $0x1082;
	s9 =	sld [smem:$0x3FA4]  }
0x2f: {  	lr =	sadd.s32 s0, s3;
	s0 =	sld [smem:$0x3F9B]  }
0x30: {  	s3 =	sld [smem:$0x3F9E]  }
0x31: {  	[smem:$0x3FA7] =	sst s10  }
0x32: {  	s10 =	sld [smem:$0x3FA5];
	_ =	sdelay $0x3  }
0x33: {  	p0 =	seq.s32 s10, $0x1;
	s10 =	sld [smem:$0x3FA7];
	_ =	sdelay $0x3  }
0x34: {  	[smem:$0x3FA7] =	sst s10  }
0x35: {  	s10 =	sld [smem:$0x3FA6];
	_ =	sdelay $0x3  }
0x36: {  	p1 =	seq.s32 s10, $0x1;
	s10 =	sld [smem:$0x3FA7];
	_ =	sdelay $0x3  }
0x37: {  	[smem:$0x3FA7] =	sst s10  }
0x38: {  	s10 =	sld [smem:$0x3FA8]  }
0x39: {  	_ = 	snop;
	(pc) =	sbr.ind lr, $3  }
0x3a: {  	_ = 	snop  }
0x3b: {  	_ = 	snop  }
0x3c: {  	p2 =	seq.s32 s10, $0x1;
	s10 =	sld [smem:$0x3FA7]  }
0x3d: {  	_ =	shalt  }
0x3e: {  	_ =	shalt  }
0x3f: {  	_ =	shalt  }
0x40: {  	_ =	shalt  }
0x41: {  	_ =	shalt  }
0x42: {  	_ =	shalt  }
0x43: {  	_ =	shalt  }
0x44: {  	_ =	shalt  }
0x45: {  	_ =	shalt  }
0x46: {  	_ =	shalt  }
0x47: {  	_ =	shalt  }
0x48: {  	_ =	shalt  }
0x49: {  	_ =	shalt  }
0x4a: {  	_ =	shalt  }
0x4b: {  	_ =	shalt  }
0x4c: {  	_ =	shalt  }
0x4d: {  	_ =	shalt  }
0x4e: {  	_ =	shalt  }
0x4f: {  	_ =	shalt  }
0x50: {  	_ =	shalt  }
0x51: {  	_ =	shalt  }
0x52: {  	_ =	shalt  }
0x53: {  	_ =	shalt  }
0x54: {  	_ =	shalt  }
0x55: {  	_ =	shalt  }
0x56: {  	_ =	shalt  }
0x57: {  	_ =	shalt  }
0x58: {  	_ =	shalt  }
0x59: {  	_ =	shalt  }
0x5a: {  	_ =	shalt  }
0x5b: {  	_ =	shalt  }
0x5c: {  	_ =	shalt  }
0x5d: {  	_ =	shalt  }
0x5e: {  	_ =	shalt  }
0x5f: {  	_ =	shalt  }
0x60: {  	_ =	shalt  }
0x61: {  	_ =	shalt  }
0x62: {  	_ =	shalt  }
0x63: {  	_ =	shalt  }
0x64: {  	_ =	shalt  }
0x65: {  	_ =	shalt  }
0x66: {  	_ =	shalt  }
0x67: {  	_ =	shalt  }
0x68: {  	_ =	shalt  }
0x69: {  	_ =	shalt  }
0x6a: {  	_ =	shalt  }
0x6b: {  	_ =	shalt  }
0x6c: {  	_ =	shalt  }
0x6d: {  	_ =	shalt  }
0x6e: {  	_ =	shalt  }
0x6f: {  	_ =	shalt  }
0x70: {  	_ =	shalt  }
0x71: {  	_ =	shalt  }
0x72: {  	_ =	shalt  }
0x73: {  	_ =	shalt  }
0x74: {  	_ =	shalt  }
0x75: {  	_ =	shalt  }
0x76: {  	_ =	shalt  }
0x77: {  	_ =	shalt  }
0x78: {  	_ =	shalt  }
0x79: {  	_ =	shalt  }
0x7a: {  	_ =	shalt  }
0x7b: {  	_ =	shalt  }
0x7c: {  	_ =	shalt  }
0x7d: {  	_ =	shalt  }
0x7e: {  	_ =	shalt  }
0x7f: {  	_ =	shalt  }
0x80: {  	_ =	shalt  }
0x81: {  	_ =	shalt  }
0x82: {  	_ =	shalt  }
0x83: {  	_ =	shalt  }
0x84: {  	_ =	shalt  }
0x85: {  	_ =	shalt  }
0x86: {  	_ =	shalt  }
0x87: {  	_ =	shalt  }
.Lfunc_end0:
.L_simem_size_0:
called_computation_lowered:
.L_overlay_start_0:
0x88: {  	s2 =	sld [smem:$0x3FD9]  }
0x89: {  	s3 =	sld [smem:$0x3FFE];
	_ =	sdelay $0x1  }
0x8a: {  	s1 =	srdreg.scid  }
0x8b: {  	s0 =	sand.u32 $0x1, s1  }
0x8c: {  	s17 =	sshll.u32 s0, $0xA;
	s2 =	sadd.s32 s3, s2  }
0x8d: {  	s2 =	sadd.s32 s2, s17  }
0x8e: {  	[smem:$0x3FB3] =	sst s2  }
0x8f: {  	_ = 	snop  }
0x90: {  	(tm) =	ssettm $0x1  }
0x91: {  	s18 =	sld [smem:$0x3FFB];
	_ =	sdelay $0x3  }
0x92: {  	_ =	strace s18  }
0x93: {  	s2 =	sld [smem:$0x3FFC];
	_ =	sdelay $0x3  }
0x94: {  	_ =	strace s2  }
0x95: {  	s2 =	sld [smem:$0x3FFD];
	_ =	sdelay $0x3  }
0x96: {  	_ =	strace s2  }
0x97: {  	_ =	strace $0x8FFFFFFF  }
0x98: {  	s19 =	sld [smem:$0x3FDB];
	_ =	sdelay $0x1  }
0x99: {  	s20 =	simm.s32 $_scs_section_size  }
0x9a: {  	s4 =	simm.s32 $_size__tile_overlayer_lowered;
	s5 =	simm.s32 $_tile_overlayer_lowered  }
0x9b: {  	s6 =	simm.s32 $0x1BFF;
	s21 =	sshll.u32 s5, $0x1;
	s3 =	sadd.s32 s20, s19  }
0x9c: {  	s22 =	simm.s32 $0x0;
	s4 =	sshll.u32 s4, $0x1;
	s5 =	sadd.s32 s21, s3  }
0x9d: {  	[timem:s22], [sflag:s6] =	dma.local [hbm:s5], s4  }
0x9e: {  	_ =	swait.ge [sflag:s6], s4  }
0x9f: {  	s4 =	ssub.s32 $0x0, s4;
	[sflag:s6] =	ssyncset.done $0x0  }
0xa0: {  	[sflag:s6] =	ssyncadd.s32 s4;
	_ =	sdelay $0x1  }
0xa1: {  	s23 =	simm.s32 $0x1B8B  }
0xa2: {  	_ =	swait.ge [sflag:s23], $0x1  }
0xa3: {  	[sflag:s23] =	ssyncset.done $0x0  }
0xa4: {  	[sflag:s23] =	ssyncadd.s32 $0xFFFFFFFF  }
0xa5: {  	s4 =	sld [smem:$0x0]  }
0xa6: {  	s5 =	sand.u32 $0xFFFFFFFE, s1  }
0xa7: {  	p0 =	sne.s32 s1, s5  }
0xa8: {  	s5 =	sshll.u32 @p0 s5, $0xE  }
0xa9: {  	s5 =	sadd.s32 @p0 $0x11B8D, s5;
	s6 =	sshll.u32 @p0 s4, $0x11  }
0xaa: {  	s5 =	sor.u32 @p0 s6, s5  }
0xab: {  	[sflag:s5] =	ssyncadd.remote.s32 @p0 $0x1;
	_ =	sdelay $0x1  }
0xac: {  	s5 =	simm.s32 @p0 $0x1B8D  }
0xad: {  	_ =	swait.eq @p0 [sflag:s5], $0x1  }
0xae: {  	[sflag:s5] =	ssyncadd.s32 @p0 $0xFFFFFFFF  }
0xaf: {  	s6 =	sshll.u32 @!p0 s1, $0xE  }
0xb0: {  	s6 =	sor.u32 @!p0 $0x4000, s6;
	s5 =	simm.s32 @!p0 $0x1B8D  }
0xb1: {  	s4 =	sshll.u32 @!p0 s4, $0x11;
	s6 =	sadd.s32 @!p0 $0x11B8D, s6;
	_ =	swait.eq @!p0 [sflag:s5], $0x1  }
0xb2: {  	s4 =	sor.u32 @!p0 s4, s6;
	[sflag:s5] =	ssyncadd.s32 @!p0 $0xFFFFFFFF  }
0xb3: {  	s25 =	simm.s32 $0x1B8E;
	s24 =	sld [smem:$0x3FFE];
	[sflag:s4] =	ssyncadd.remote.s32 @!p0 $0x1  }
0xb4: {  	s26 =	simm.s32 $execute0_lowered;
	[smem:$0x3FD2] =	sst s25  }
0xb5: {  	s5 =	sshll.u32 s26, $0x1;
	_ =	strace $0x80000049;
	[dreg:$0x1] =	wrdreg $0xFFFFFFFF  }
0xb6: {  	s28 =	simm.s32 $_size_execute0_lowered;
	s3 =	sadd.s32 s3, s5;
	[dreg:$0x0] =	wrdreg $0x0  }
0xb7: {  	s5 =	sshll.u32 s28, $0x1;
	[dreg:$0x2] =	wrdreg s3  }
0xb8: {  	[dreg:$0x3] =	wrdreg s5  }
0xb9: {  	[dreg:$0x4] =	wrdreg $0xC0  }
0xba: {  	_ =	task [dreg:s22], $0x5FFFF  }
0xbb: {  	[dreg:$0x1] =	wrdreg $0xFFFFFFFF  }
0xbc: {  	[dreg:$0x0] =	wrdreg $0x60  }
0xbd: {  	[dreg:$0x2] =	wrdreg s24  }
0xbe: {  	[dreg:$0x3] =	wrdreg $0x51000  }
0xbf: {  	[dreg:$0x4] =	wrdreg $0x9  }
0xc0: {  	_ =	task.clear_ibuf [dreg:s22], $0x5FFFF;
	_ =	strace $0x90000049  }
0xc1: {  	s29 =	simm.s32 $0x9;
	_ =	strace $0x8000004B  }
0xc2: {  	_ =	swait.ge [sflag:s29], $0x1  }
0xc3: {  	[sflag:s29] =	ssyncadd.s32 $0xFFFFFFFF  }
0xc4: {  	_ =	strace $0x9000004B  }
0xc5: {  	_ =	sfence  }
0xc6: {  	s30 =	sld [smem:$0x0];
	_ =	sdelay $0x2  }
0xc7: {  	s31 =	sshll.u32 s1, $0xD;
	s1 =	sshrl.u32 s1, $0x2  }
0xc8: {  	s4 =	sand.u32 $0x4000, s31;
	s1 =	sadd.s32 s1, s30  }
0xc9: {  	s0 =	sor.u32 s4, s0;
	s1 =	sshll.u32 s1, $0x11  }
0xca: {  	s0 =	sor.u32 s1, s0  }
0xcb: {  	s0 =	sadd.s32 $0x8F2B, s0  }
0xcc: {  	[sflag:s0] =	ssyncadd.remote.s32 $0x1  }
0xcd: {  	_ =	sfence.sel $0xFFFF  }
0xce: {  	[dreg:$0x0] =	wrdreg $0xFFFFFFFF;
	(pc) =	sbr.abs _section_cstart, $3  }
0xcf: {  	[dreg:$0x1] =	wrdreg $0xFFFFFFFF  }
0xd0: {  	_ =	task.clear_ibuf [dreg:s22], $0x2FFFF;
	_ =	strace $0x9FFFFFFF  }
0xd1: {  	(tm) =	ssettm $0x7FFFFFFF  }
tec
execute0_lowered:
.L_overlay_start_1:
0x0: {  	(tag) =	ssettag $0x1  }
0x1: {  	s0 =	rddreg [dreg:$0x0]  }
0x2: {  	s2 =	rddreg [dreg:$0x1]  }
0x3: {  	s1 =	srdreg.scid;
	s13 =	stileid.u32;
	s3 =	simm.s32 $0x0  }
0x4: {  	s28 =	simm.s32 $0x2900;
	s29 =	simm.s32 $0x3;
	s30 =	simm.s32 $0x100  }
0x5: {  	s31 =	simm.s32 $0x80;
	s1 =	sand.u32 $0x1, s1;
	s5 =	smul.u32 $0x280, s13  }
0x6: {  	[smem:$0x7FF] =	sst s3;
	s4 =	sadd.s32 $0x4000, s0;
	s7 =	sadd.s32 $0x17C00, s0  }
0x7: {  	s17 =	sadd.s32 $0x68200, s0;
	s18 =	smul.u32 $0x50000, s13;
	s20 =	sshll.u32 s13, $0x1  }
0x8: {  	s21 =	smul.u32 $0x4E20, s13;
	_ =	strace $0x8000004A;
	[dreg:$0x3] =	wrdreg s7  }
0x9: {  	s6 =	smul.u32 $0x2800, s1;
	[dreg:$0x4] =	wrdreg s17;
	s19 =	ssub.s32 $0x2, s1  }
0xa: {  	s7 =	sor.u32 s1, s20;
	s1 =	smul.u32 $0x2710, s1;
	s8 =	sshrl.u32 s19, $0x1  }
0xb: {  	s14 =	smul.u32 $0x2710, s7;
	s5 =	sadd.s32 s5, s6;
	s6 =	sshrl.u32 s18, $0x2  }
0xc: {  	s1 =	sadd.s32 s1, s21;
	s5 =	sshll.u32 s5, $0x4;
	s7 =	sadd.s32 s6, s2  }
0xd: {  	s14 =	sshrl.u32 s14, $0x3;
	s6 =	sadd.s32 $0x50, s1;
	s0 =	sadd.s32 s5, s0  }
0xe: {  	s5 =	ssub.s32 s19, s8;
	s8 =	sadd.s32 $0x2800, s7;
	s9 =	sadd.s32 $0x5000, s7  }
0xf: {  	s10 =	sadd.s32 $0x7800, s7;
	s11 =	sadd.s32 $0xA000, s7;
	s12 =	sadd.s32 $0xC800, s7  }
0x10: {  	s13 =	sadd.s32 $0xF000, s7;
	s14 =	sadd.s32 s4, s14;
	s26 =	sshrl.u32 s6, $0x3  }
0x11: {  	s6 =	simm.s32 $0x0;
	[dreg:$0x5] =	wrdreg s14;
	s22 =	sadd.s32 $0x68800, s0  }
0x12: {  	s23 =	sadd.s32 $0x68D00, s0;
	s24 =	sadd.s32 $0x69200, s0;
	[dreg:$0x6] =	wrdreg s22  }
0x13: {  	s25 =	sadd.s32 $0x69700, s0;
	s19 =	sadd.s32 $0x69C00, s0;
	[dreg:$0x7] =	wrdreg s23  }
0x14: {  	s20 =	sadd.s32 $0x6A100, s0;
	s21 =	sadd.s32 $0x6A600, s0;
	[dreg:$0x8] =	wrdreg s24  }
0x15: {  	[dreg:$0x9] =	wrdreg s25;
	s22 =	sadd.s32 $0x6AB00, s0;
	s23 =	smax.u32 s5, $0x1  }
0x16: {  	s24 =	sadd.s32 $0xA0, s1;
	s25 =	sadd.s32 s26, s4;
	s26 =	sadd.s32 $0x11800, s7  }
0x17: {  	s0 =	simm.s32 $0x1;
	s1 =	simm.s32 $0x50;
	s5 =	simm.s32 $0x2  }
.LBB2_1:
0x18: {  	s14 =	rddreg [dreg:$0x3]  }
0x19: {  	[tilespmem:s28], [sflag:$0x3] =	stream.linear.gather [hbm4b:s14+s3], $0x2800, $0x38;
	[tilespmem:$0x19100] =	vst v63  }
0x1a: {  	_ =	swait.ge [sflag:s29], $0x2800  }
0x1b: {  	[sflag:s29] =	ssyncset.done $0x0  }
0x1c: {  	[sflag:s29] =	ssyncadd.s32 $0xFFFFD800  }
0x1d: {  	[spmem:s7] =	stream.linear.scatter [tilespmem:s28], [sflag:$0x3], $0x2800, $0x38;
	[tilespmem:$0x19100] =	vst v63  }
0x1e: {  	_ =	swait.ge [sflag:s29], $0x2800  }
0x1f: {  	[sflag:s29] =	ssyncset.done $0x0  }
0x20: {  	[sflag:s29] =	ssyncadd.s32 $0xFFFFD800  }
0x21: {  	[spmem:s8] =	stream.linear.scatter [tilespmem:s28], [sflag:$0x3], $0x2800, $0x38;
	[tilespmem:$0x19100] =	vst v63  }
0x22: {  	_ =	swait.ge [sflag:s29], $0x2800  }
0x23: {  	[sflag:s29] =	ssyncset.done $0x0  }
0x24: {  	[sflag:s29] =	ssyncadd.s32 $0xFFFFD800  }
0x25: {  	[spmem:s9] =	stream.linear.scatter [tilespmem:s28], [sflag:$0x3], $0x2800, $0x38;
	[tilespmem:$0x19100] =	vst v63  }
0x26: {  	_ =	swait.ge [sflag:s29], $0x2800  }
0x27: {  	[sflag:s29] =	ssyncset.done $0x0  }
0x28: {  	[sflag:s29] =	ssyncadd.s32 $0xFFFFD800  }
0x29: {  	[spmem:s10] =	stream.linear.scatter [tilespmem:s28], [sflag:$0x3], $0x2800, $0x38;
	[tilespmem:$0x19100] =	vst v63  }
0x2a: {  	_ =	swait.ge [sflag:s29], $0x2800  }
0x2b: {  	[sflag:s29] =	ssyncset.done $0x0  }
0x2c: {  	[sflag:s29] =	ssyncadd.s32 $0xFFFFD800  }
0x2d: {  	[spmem:s11] =	stream.linear.scatter [tilespmem:s28], [sflag:$0x3], $0x2800, $0x38;
	[tilespmem:$0x19100] =	vst v63  }
0x2e: {  	_ =	swait.ge [sflag:s29], $0x2800  }
0x2f: {  	[sflag:s29] =	ssyncset.done $0x0  }
0x30: {  	[sflag:s29] =	ssyncadd.s32 $0xFFFFD800  }
0x31: {  	[spmem:s12] =	stream.linear.scatter [tilespmem:s28], [sflag:$0x3], $0x2800, $0x38;
	[tilespmem:$0x19100] =	vst v63  }
0x32: {  	_ =	swait.ge [sflag:s29], $0x2800  }
0x33: {  	[sflag:s29] =	ssyncset.done $0x0  }
0x34: {  	[sflag:s29] =	ssyncadd.s32 $0xFFFFD800  }
0x35: {  	[spmem:s13] =	stream.linear.scatter [tilespmem:s28], [sflag:$0x3], $0x2800, $0x38;
	[tilespmem:$0x19100] =	vst v63  }
0x36: {  	_ =	swait.ge [sflag:s29], $0x2800  }
0x37: {  	[sflag:s29] =	ssyncset.done $0x0  }
0x38: {  	[sflag:s29] =	ssyncadd.s32 $0xFFFFD800  }
0x39: {  	[spmem:s26] =	stream.linear.scatter [tilespmem:s28], [sflag:$0x3], $0x2800, $0x38;
	[tilespmem:$0x19100] =	vst v63  }
0x3a: {  	_ =	swait.ge [sflag:s29], $0x2800  }
0x3b: {  	[sflag:s29] =	ssyncset.done $0x0  }
0x3c: {  	s15 =	rddreg [dreg:$0x4];
	[sflag:s29] =	ssyncadd.s32 $0xFFFFD800  }
0x3d: {  	[tilespmem:s30], [sflag:$0x3] =	stream.linear.gather [hbm4b:s15+s3], $0x2800, $0x38;
	[tilespmem:$0x19100] =	vst v63  }
0x3e: {  	_ =	swait.ge [sflag:s29], $0x2800  }
0x3f: {  	[sflag:s29] =	ssyncset.done $0x0  }
0x40: {  	[sflag:s29] =	ssyncadd.s32 $0xFFFFD800  }
0x41: {  	[bflag:$0x0] =	sbarrier.arrive $0xFFFF  }
0x42: {  	s16 =	rddreg [dreg:$0x5]  }
0x43: {  	[tilespmem:s3], [sflag:$0x1] =	stream.linear.gather [hbm4b:s16+s3], $0x50, $0x38;
	[tilespmem:$0x19100] =	vst v63  }
0x44: {  	s17 =	sadd.s32 $0x0, s25  }
0x45: {  	[tilespmem:s31], [sflag:$0x2] =	stream.linear.gather [hbm4b:s17+s3], $0x50, $0x38;
	[tilespmem:$0x19100] =	vst v63  }
0x46: {  	_ =	swait.ge [sflag:s0], $0x50  }
0x47: {  	[sflag:s0] =	ssyncset.done $0x0  }
0x48: {  	[sflag:s0] =	ssyncadd.s32 $0xFFFFFFB0  }
0x49: {  	[spmem:s2] =	stream.indirect.scatter.add.f32 [tilespmem:s30], [sflag:$0x3], $0x80, s3, s1, $0xb8;
	[tilespmem:$0x19100] =	vst v63  }
0x4a: {  	_ =	swait.ge [sflag:s29], $0x2800  }
0x4b: {  	s18 =	sshrl.u32 s24, $0x3;
	[sflag:s29] =	ssyncset.done $0x0  }
0x4c: {  	s14 =	sadd.s32 s4, s18;
	[sflag:s29] =	ssyncadd.s32 $0xFFFFD800  }
0x4d: {  	[tilespmem:s3], [sflag:$0x1] =	stream.linear.gather [hbm4b:s14+s3], $0x50, $0x38;
	[tilespmem:$0x19100] =	vst v63  }
0x4e: {  	_ =	swait.ge [sflag:s5], $0x50  }
0x4f: {  	[sflag:s5] =	ssyncset.done $0x0  }
0x50: {  	[sflag:s5] =	ssyncadd.s32 $0xFFFFFFB0  }
0x51: {  	[spmem:s2] =	stream.indirect.scatter.add.f32 [tilespmem:s30], [sflag:$0x3], $0x80, s31, s1, $0xb8;
	[tilespmem:$0x19100] =	vst v63  }
0x52: {  	s15 =	simm.s32 $0x14;
	_ =	swait.ge [sflag:s29], $0x2800  }
0x53: {  	s16 =	simm.s32 $0x28;
	s14 =	sadd.s32 $0xA0, s24;
	[sflag:s29] =	ssyncset.done $0x0  }
.LBB2_2:
0x54: {  	s17 =	sadd.s32 s15, s25  }
0x55: {  	[sflag:s29] =	ssyncadd.s32 $0xFFFFD800;
	s15 =	smov.u32 s16;
	s18 =	sadd.s32 $0x14, s16  }
0x56: {  	[tilespmem:s31], [sflag:$0x2] =	stream.linear.gather [hbm4b:s17+s3], $0x50, $0x38;
	[tilespmem:$0x19100] =	vst v63  }
0x57: {  	p0 =	sne.s32 s16, $0x4C4;
	_ =	swait.ge [sflag:s0], $0x50  }
0x58: {  	[sflag:s0] =	ssyncset.done $0x0  }
0x59: {  	[sflag:s0] =	ssyncadd.s32 $0xFFFFFFB0  }
0x5a: {  	[spmem:s2] =	stream.indirect.scatter.add.f32 [tilespmem:s30], [sflag:$0x3], $0x80, s3, s1, $0xb8;
	[tilespmem:$0x19100] =	vst v63  }
0x5b: {  	_ =	swait.ge [sflag:s29], $0x2800  }
0x5c: {  	s16 =	sshrl.u32 s14, $0x3;
	[sflag:s29] =	ssyncset.done $0x0  }
0x5d: {  	s16 =	sadd.s32 s4, s16;
	[sflag:s29] =	ssyncadd.s32 $0xFFFFD800  }
0x5e: {  	[tilespmem:s3], [sflag:$0x1] =	stream.linear.gather [hbm4b:s16+s3], $0x50, $0x38;
	[tilespmem:$0x19100] =	vst v63  }
0x5f: {  	_ =	swait.ge [sflag:s5], $0x50  }
.Ltmp0:
0x60: {  	[sflag:s5] =	ssyncset.done $0x0;
	(pc) =	sbr.rel @p0 .LBB2_2-.Ltmp0, $4  }
0x61: {  	[sflag:s5] =	ssyncadd.s32 $0xFFFFFFB0  }
0x62: {  	[spmem:s2] =	stream.indirect.scatter.add.f32 [tilespmem:s30], [sflag:$0x3], $0x80, s31, s1, $0xb8;
	[tilespmem:$0x19100] =	vst v63  }
0x63: {  	_ =	swait.ge [sflag:s29], $0x2800  }
0x64: {  	s14 =	sadd.s32 $0xA0, s14;
	s16 =	smov.u32 s18;
	[sflag:s29] =	ssyncset.done $0x0  }
0x65: {  	s15 =	sadd.s32 s15, s25;
	[sflag:s29] =	ssyncadd.s32 $0xFFFFD800  }
0x66: {  	[tilespmem:s31], [sflag:$0x2] =	stream.linear.gather [hbm4b:s15+s3], $0x50, $0x38;
	[tilespmem:$0x19100] =	vst v63  }
0x67: {  	_ =	swait.ge [sflag:s0], $0x50  }
0x68: {  	[sflag:s0] =	ssyncset.done $0x0  }
0x69: {  	[sflag:s0] =	ssyncadd.s32 $0xFFFFFFB0  }
0x6a: {  	[spmem:s2] =	stream.indirect.scatter.add.f32 [tilespmem:s30], [sflag:$0x3], $0x80, s3, s1, $0xb8;
	[tilespmem:$0x19100] =	vst v63  }
0x6b: {  	_ =	swait.ge [sflag:s29], $0x2800  }
0x6c: {  	s14 =	sshrl.u32 s14, $0x3;
	[sflag:s29] =	ssyncset.done $0x0  }
0x6d: {  	s14 =	sadd.s32 s4, s14;
	[sflag:s29] =	ssyncadd.s32 $0xFFFFD800  }
0x6e: {  	[tilespmem:s3], [sflag:$0x1] =	stream.linear.gather [hbm4b:s14+s3], $0x50, $0x38;
	[tilespmem:$0x19100] =	vst v63  }
0x6f: {  	_ =	swait.ge [sflag:s5], $0x50  }
0x70: {  	[sflag:s5] =	ssyncset.done $0x0  }
0x71: {  	[sflag:s5] =	ssyncadd.s32 $0xFFFFFFB0  }
0x72: {  	[spmem:s2] =	stream.indirect.scatter.add.f32 [tilespmem:s30], [sflag:$0x3], $0x80, s31, s1, $0xb8;
	[tilespmem:$0x19100] =	vst v63  }
0x73: {  	_ =	swait.ge [sflag:s29], $0x2800  }
0x74: {  	[sflag:s29] =	ssyncset.done $0x0  }
0x75: {  	[sflag:s29] =	ssyncadd.s32 $0xFFFFD800  }
0x76: {  	_ =	swait.ge [sflag:s0], $0x50  }
0x77: {  	[sflag:s0] =	ssyncset.done $0x0  }
0x78: {  	[sflag:s0] =	ssyncadd.s32 $0xFFFFFFB0  }
0x79: {  	[spmem:s2] =	stream.indirect.scatter.add.f32 [tilespmem:s30], [sflag:$0x3], $0x80, s3, s1, $0xb8;
	[tilespmem:$0x19100] =	vst v63  }
0x7a: {  	_ =	swait.ge [sflag:s29], $0x2800  }
0x7b: {  	[sflag:s29] =	ssyncset.done $0x0  }
0x7c: {  	[sflag:s29] =	ssyncadd.s32 $0xFFFFD800  }
0x7d: {  	[bflag:$0x0] =	sbarrier.arrive $0xFFFF  }
0x7e: {  	[tilespmem:s28], [sflag:$0x3] =	stream.linear.gather [spmem:s7], $0x2800, $0x38;
	[tilespmem:$0x19100] =	vst v63  }
0x7f: {  	_ =	swait.ge [sflag:s29], $0x2800  }
0x80: {  	[sflag:s29] =	ssyncset.done $0x0  }
0x81: {  	s15 =	rddreg [dreg:$0x6];
	[sflag:s29] =	ssyncadd.s32 $0xFFFFD800  }
0x82: {  	[hbm4b:s15+s3] =	stream.linear.scatter [tilespmem:s28], [sflag:$0x3], $0x2800, $0x38;
	[tilespmem:$0x19100] =	vst v63  }
0x83: {  	_ =	swait.ge [sflag:s29], $0x2800  }
0x84: {  	[sflag:s29] =	ssyncset.done $0x0  }
0x85: {  	[sflag:s29] =	ssyncadd.s32 $0xFFFFD800  }
0x86: {  	[tilespmem:s28], [sflag:$0x3] =	stream.linear.gather [spmem:s8], $0x2800, $0x38;
	[tilespmem:$0x19100] =	vst v63  }
0x87: {  	_ =	swait.ge [sflag:s29], $0x2800  }
0x88: {  	[sflag:s29] =	ssyncset.done $0x0  }
0x89: {  	s16 =	rddreg [dreg:$0x7];
	[sflag:s29] =	ssyncadd.s32 $0xFFFFD800  }
0x8a: {  	[hbm4b:s16+s3] =	stream.linear.scatter [tilespmem:s28], [sflag:$0x3], $0x2800, $0x38;
	[tilespmem:$0x19100] =	vst v63  }
0x8b: {  	_ =	swait.ge [sflag:s29], $0x2800  }
0x8c: {  	[sflag:s29] =	ssyncset.done $0x0  }
0x8d: {  	[sflag:s29] =	ssyncadd.s32 $0xFFFFD800  }
0x8e: {  	[tilespmem:s28], [sflag:$0x3] =	stream.linear.gather [spmem:s9], $0x2800, $0x38;
	[tilespmem:$0x19100] =	vst v63  }
0x8f: {  	_ =	swait.ge [sflag:s29], $0x2800  }
0x90: {  	[sflag:s29] =	ssyncset.done $0x0  }
0x91: {  	s17 =	rddreg [dreg:$0x8];
	[sflag:s29] =	ssyncadd.s32 $0xFFFFD800  }
0x92: {  	[hbm4b:s17+s3] =	stream.linear.scatter [tilespmem:s28], [sflag:$0x3], $0x2800, $0x38;
	[tilespmem:$0x19100] =	vst v63  }
0x93: {  	_ =	swait.ge [sflag:s29], $0x2800  }
0x94: {  	[sflag:s29] =	ssyncset.done $0x0  }
0x95: {  	[sflag:s29] =	ssyncadd.s32 $0xFFFFD800  }
0x96: {  	[tilespmem:s28], [sflag:$0x3] =	stream.linear.gather [spmem:s10], $0x2800, $0x38;
	[tilespmem:$0x19100] =	vst v63  }
0x97: {  	_ =	swait.ge [sflag:s29], $0x2800  }
0x98: {  	[sflag:s29] =	ssyncset.done $0x0  }
0x99: {  	s18 =	rddreg [dreg:$0x9];
	[sflag:s29] =	ssyncadd.s32 $0xFFFFD800  }
0x9a: {  	[hbm4b:s18+s3] =	stream.linear.scatter [tilespmem:s28], [sflag:$0x3], $0x2800, $0x38;
	[tilespmem:$0x19100] =	vst v63  }
0x9b: {  	_ =	swait.ge [sflag:s29], $0x2800  }
0x9c: {  	[sflag:s29] =	ssyncset.done $0x0  }
0x9d: {  	[sflag:s29] =	ssyncadd.s32 $0xFFFFD800  }
0x9e: {  	[tilespmem:s28], [sflag:$0x3] =	stream.linear.gather [spmem:s11], $0x2800, $0x38;
	[tilespmem:$0x19100] =	vst v63  }
0x9f: {  	_ =	swait.ge [sflag:s29], $0x2800  }
0xa0: {  	[sflag:s29] =	ssyncset.done $0x0  }
0xa1: {  	[sflag:s29] =	ssyncadd.s32 $0xFFFFD800  }
0xa2: {  	[hbm4b:s19+s3] =	stream.linear.scatter [tilespmem:s28], [sflag:$0x3], $0x2800, $0x38;
	[tilespmem:$0x19100] =	vst v63  }
0xa3: {  	_ =	swait.ge [sflag:s29], $0x2800  }
0xa4: {  	[sflag:s29] =	ssyncset.done $0x0  }
0xa5: {  	[sflag:s29] =	ssyncadd.s32 $0xFFFFD800  }
0xa6: {  	[tilespmem:s28], [sflag:$0x3] =	stream.linear.gather [spmem:s12], $0x2800, $0x38;
	[tilespmem:$0x19100] =	vst v63  }
0xa7: {  	_ =	swait.ge [sflag:s29], $0x2800  }
0xa8: {  	[sflag:s29] =	ssyncset.done $0x0  }
0xa9: {  	[sflag:s29] =	ssyncadd.s32 $0xFFFFD800  }
0xaa: {  	[hbm4b:s20+s3] =	stream.linear.scatter [tilespmem:s28], [sflag:$0x3], $0x2800, $0x38;
	[tilespmem:$0x19100] =	vst v63  }
0xab: {  	_ =	swait.ge [sflag:s29], $0x2800  }
0xac: {  	[sflag:s29] =	ssyncset.done $0x0  }
0xad: {  	[sflag:s29] =	ssyncadd.s32 $0xFFFFD800  }
0xae: {  	[tilespmem:s28], [sflag:$0x3] =	stream.linear.gather [spmem:s13], $0x2800, $0x38;
	[tilespmem:$0x19100] =	vst v63  }
0xaf: {  	_ =	swait.ge [sflag:s29], $0x2800  }
0xb0: {  	[sflag:s29] =	ssyncset.done $0x0  }
0xb1: {  	[sflag:s29] =	ssyncadd.s32 $0xFFFFD800  }
0xb2: {  	[hbm4b:s21+s3] =	stream.linear.scatter [tilespmem:s28], [sflag:$0x3], $0x2800, $0x38;
	[tilespmem:$0x19100] =	vst v63  }
0xb3: {  	_ =	swait.ge [sflag:s29], $0x2800  }
0xb4: {  	[sflag:s29] =	ssyncset.done $0x0  }
0xb5: {  	[sflag:s29] =	ssyncadd.s32 $0xFFFFD800  }
0xb6: {  	[tilespmem:s28], [sflag:$0x3] =	stream.linear.gather [spmem:s26], $0x2800, $0x38;
	[tilespmem:$0x19100] =	vst v63  }
0xb7: {  	s6 =	sadd.s32 $0x1, s6;
	_ =	swait.ge [sflag:s29], $0x2800  }
0xb8: {  	p0 =	sne.s32 s6, s23;
	[sflag:s29] =	ssyncset.done $0x0  }
.Ltmp1:
0xb9: {  	[sflag:s29] =	ssyncadd.s32 $0xFFFFD800;
	(pc) =	sbr.rel @p0 .LBB2_1-.Ltmp1, $4  }
0xba: {  	[hbm4b:s22+s3] =	stream.linear.scatter [tilespmem:s28], [sflag:$0x3], $0x2800, $0x38;
	[tilespmem:$0x19100] =	vst v63  }
0xbb: {  	_ =	swait.ge [sflag:s29], $0x2800  }
0xbc: {  	[sflag:s29] =	ssyncset.done $0x0  }
0xbd: {  	[sflag:s29] =	ssyncadd.s32 $0xFFFFD800  }
0xbe: {  	_ =	sfence.sel $0x180000  }
0xbf: {  	[bflag:$0x0] =	sbarrier.arrive $0xFFFF  }
0xc0: {  	_ =	strace $0x9000004A  }
0xc1: {  	s0 =	stileid.u32;
	[bflag:$0x2] =	sbarrier.arrive $0xFFFF  }
0xc2: {  	p0 =	sne.s32 s0, $0x0;
	s0 =	rddreg [dreg:$0x2]  }
0xc3: {  	s0 =	sadd.s32 @!p0 $0x100000, s0  }
0xc4: {  	[sflag:s0] =	ssyncadd.tile.s32 @!p0 $0x1;
	_ =	shalt  }
.Lfunc_end2:
_tile_overlayer_lowered:
.L_overlay_start_2:
0xc5: {  	(tag) =	ssettag $0x2  }
0xc6: {  	s0 =	rddreg [dreg:$0x0];
	s2 =	stileid.u32  }
0xc7: {  	s1 =	rddreg [dreg:$0x1];
	p0 =	sne.s32 s2, $0x0  }
0xc8: {  	s3 =	rddreg [dreg:$0x2];
	[bflag:$0x3] =	sbarrier.arrive $0xFFFF;
	s2 =	simm.s32 @!p0 $0x1C03  }
0xc9: {  	[timem:s3], [sflag:s2] =	dma.local @!p0 [hbm:s0], s1  }
0xca: {  	s0 =	simm.s32 @!p0 $0x3  }
0xcb: {  	_ =	swait.ge @!p0 [sflag:s0], s1  }
0xcc: {  	s1 =	ssub.s32 @!p0 $0x0, s1;
	[sflag:s0] =	ssyncset.done @!p0 $0x0  }
0xcd: {  	[sflag:s0] =	ssyncadd.s32 @!p0 s1  }
0xce: {  	[bflag:$0x3] =	sbarrier.arrive $0xFFFF  }
0xcf: {  	_ =	shalt  }

</sc_bundles>
